<compile_context>
chip_gen: v7x
topology: tpu7x:2x2x1
jax: 0.10.2.dev20260603
libtpu: 0.0.44.dev20260713+nightly
codegen_flags: <defaults>
</compile_context>

<pallas_src>
import functools

import jax
import jax.numpy as jnp
import numpy as np
from jax import lax
from jax.experimental import pallas as pl
from jax.experimental.pallas import tpu as pltpu
from jax.experimental.pallas import tpu_sc as plsc

_K = 1024
_D = 256
_T = 1024
_NB = 8
_N = _NB * _T
_BETA = 0.25
_TBL = 8208


def _tc_body(x_ref, e_ref, io_ref, idx_ref, misc_ref, et_ref,
             e2_ref, esq_ref, loss_ref):
    b = pl.program_id(0)
    xb = x_ref[0]

    @pl.when(b == 0)
    def _():
        e = e_ref[...]
        e2_ref[...] = e + e
        esq_ref[...] = jnp.sum(e * e, axis=1, keepdims=True)
        r = jax.lax.broadcasted_iota(jnp.int32, (_D, _D), 0)
        c = jax.lax.broadcasted_iota(jnp.int32, (_D, _D), 1)
        eye = jnp.where(r == c, 1.0, 0.0).astype(jnp.float32)
        et_ref[...] = jax.lax.dot_general(
            eye, e, (((1,), (1,)), ((), ())),
            precision=jax.lax.Precision.HIGHEST,
            preferred_element_type=jnp.float32)

    zsq = jnp.sum(xb * xb, axis=0, keepdims=True)
    mm2 = jax.lax.dot_general(
        e2_ref[...], xb, (((1,), (0,)), ((), ())),
        precision=jax.lax.Precision.DEFAULT,
        preferred_element_type=jnp.float32)
    d = (zsq + esq_ref[...]) - mm2

    vmin = jnp.min(d, axis=0, keepdims=True)
    iof = io_ref[...]
    am = jnp.where(d == vmin, iof, jnp.float32(2.0))
    idxf = jnp.min(am, axis=0, keepdims=True)
    idx_ref[0] = (jax.lax.bitcast_convert_type(idxf, jnp.int32)
                  - jnp.int32(0x3F800000))

    ls = jnp.sum(vmin)

    @pl.when(b == 0)
    def _():
        loss_ref[0, 0] = ls

    @pl.when(b > 0)
    def _():
        loss_ref[0, 0] = loss_ref[0, 0] + ls

    @pl.when(b == _NB - 1)
    def _():
        misc_ref[...] = jnp.full(
            (1, 128), loss_ref[0, 0] * ((1.0 + _BETA) / (_N * _D)),
            jnp.float32)


def _sc_body(embT_hbm, idx_hbm, tbl_hbm, zq_hbm, ps_hbm,
             et_v, idx_v, ov_v, hist_v, tbl_v, sh_v, psum_v, shared,
             osem0, osem1):
    cc = lax.axis_index("c")
    ss = lax.axis_index("s")
    wid = ss * 2 + cc
    osems = (osem0, osem1)

    pltpu.sync_copy(embT_hbm.at[pl.ds(8 * wid, 8)], et_v)
    pltpu.sync_copy(idx_hbm, idx_v)

    @plsc.parallel_loop(0, _K // 16, unroll=4)
    def _zero(i):
        hist_v[pl.ds(16 * i, 16)] = jnp.zeros((16,), jnp.int32)

    lo = cc * (_K // 2)
    one = jnp.full((16,), 1, jnp.int32)

    out_d = [None, None]

    for b in range(_NB):
        cur = b % 2
        if b >= 2:
            out_d[cur].wait()

        def _hist(m, _, b=b):
            i16 = idx_v[b, pl.ds(64 * ss + 16 * m, 16)]
            msk = (i16 >= lo) & (i16 < lo + (_K // 2))
            plsc.addupdate_scatter(hist_v, [i16], one, mask=msk)
            return _
        lax.fori_loop(0, 4, _hist, None)

        rows = [jnp.full((16,), j, jnp.int32) for j in range(8)]

        @plsc.parallel_loop(0, _T // 16, unroll=2)
        def _gat(t, b=b, cur=cur, rows=rows):
            i16 = idx_v[b, pl.ds(16 * t, 16)]
            for j in range(8):
                ov_v[cur, j, pl.ds(16 * t, 16)] = plsc.load_gather(
                    et_v, [rows[j], i16])

        out_d[cur] = pltpu.async_copy(
            ov_v.at[cur], zq_hbm.at[b, pl.ds(8 * wid, 8)], osems[cur])

    out_d[0].wait()
    out_d[1].wait()

    pltpu.sync_copy(hist_v, shared.at[ss])
    plsc.subcore_barrier()

    @pl.when(ss == 0)
    def _():
        pltpu.sync_copy(tbl_hbm, tbl_v)
        for r in range(16):
            pltpu.sync_copy(shared.at[r, pl.ds(lo, _K // 2)], sh_v.at[r])

        def _ent(m, acc):
            tot = sh_v[0, pl.ds(16 * m, 16)]
            for r in range(1, 16):
                tot = tot + sh_v[r, pl.ds(16 * m, 16)]
            return acc + plsc.load_gather(tbl_v, [tot])
        acc = lax.fori_loop(0, (_K // 2) // 16, _ent,
                            jnp.zeros((16,), jnp.float32))
        s = jnp.sum(acc)
        psum_v[...] = jnp.exp(jnp.zeros((16,), jnp.float32) + s)
        pltpu.sync_copy(psum_v, ps_hbm.at[cc])


def kernel(x, embedding):
    xr = jnp.reshape(x, (_NB, _D, _T))
    iof = jax.lax.bitcast_convert_type(
        jnp.arange(_K, dtype=jnp.int32) + jnp.int32(0x3F800000),
        jnp.float32)[:, None]

    idx, misc, embT = pl.pallas_call(
        _tc_body,
        grid=(_NB,),
        in_specs=[pl.BlockSpec((1, _D, _T), lambda i: (i, 0, 0)),
                  pl.BlockSpec((_K, _D), lambda i: (0, 0)),
                  pl.BlockSpec((_K, 1), lambda i: (0, 0))],
        out_specs=[pl.BlockSpec((1, 1, _T), lambda i: (i, 0, 0)),
                   pl.BlockSpec((1, 128), lambda i: (0, 0)),
                   pl.BlockSpec((_D, _K), lambda i: (0, 0))],
        out_shape=[jax.ShapeDtypeStruct((_NB, 1, _T), jnp.int32),
                   jax.ShapeDtypeStruct((1, 128), jnp.float32),
                   jax.ShapeDtypeStruct((_D, _K), jnp.float32)],
        scratch_shapes=[pltpu.VMEM((_K, _D), jnp.float32),
                        pltpu.VMEM((_K, 1), jnp.float32),
                        pltpu.SMEM((1, 1), jnp.float32)],
    )(xr, embedding, iof)

    cnt = np.arange(_TBL, dtype=np.float32) * np.float32(1.0 / _N)
    tbl = jnp.asarray(-(cnt * np.log(cnt + np.float32(1e-10))),
                      dtype=jnp.float32)

    mesh = plsc.VectorSubcoreMesh(core_axis_name="c", subcore_axis_name="s")
    sc = functools.partial(
        pl.kernel, mesh=mesh,
        compiler_params=pltpu.CompilerParams(needs_layout_passes=False),
        out_type=[jax.ShapeDtypeStruct((_NB, _D, _T), jnp.float32),
                  jax.ShapeDtypeStruct((2, 16), jnp.float32)],
        scratch_types=[pltpu.VMEM((8, _T), jnp.float32),
                       pltpu.VMEM((_NB, _T), jnp.int32),
                       pltpu.VMEM((2, 8, _T), jnp.float32),
                       pltpu.VMEM((_K,), jnp.int32),
                       pltpu.VMEM((_TBL,), jnp.float32),
                       pltpu.VMEM((16, _K // 2), jnp.int32),
                       pltpu.VMEM((16,), jnp.float32),
                       pltpu.VMEM_SHARED((16, _K), jnp.int32),
                       pltpu.SemaphoreType.DMA,
                       pltpu.SemaphoreType.DMA],
    )(_sc_body)
    zq, ps = sc(embT, jnp.reshape(idx, (_NB, _T)), tbl)

    z_q = jnp.reshape(zq, (_NB, _D, 32, 32))
    return (misc[0, 0], z_q, ps[0, 0] * ps[1, 0])

# --- scband reference (transcript-rebuilt; emitter-appended) ---
"""Pipeline reference for scband-vector-quantizer-49684181680900 (READ-ONLY COPY).

The authoritative reference and input builder live on the scoring server;
editing this copy changes nothing except your own understanding.
"""

import jax, jax.numpy as jnp
import numpy as np

K = 1024
EMBEDDING_DIM = 256
BETA = 0.25

def setup_inputs(seed: int = 0) -> dict:
    key = jax.random.key(seed)
    k1, k2 = jax.random.split(key)
    x = jax.random.normal(k1, (8, EMBEDDING_DIM, 32, 32), dtype=jnp.float32)
    embedding = jax.random.uniform(k2, (K, EMBEDDING_DIM), dtype=jnp.float32,
                                   minval=-1.0 / K, maxval=1.0 / K)
    return {"x": x, "embedding": embedding}

def reference(x, embedding):
    # z = x.permute(0, 2, 3, 1)
    z = jnp.transpose(x, (0, 2, 3, 1))
    z_flat = z.reshape(-1, EMBEDDING_DIM)
    distance = (jnp.sum(z_flat ** 2, axis=1, keepdims=True)
                + jnp.sum(embedding ** 2, axis=1)
                - 2.0 * jnp.matmul(z_flat, embedding.T))
    min_idx = jnp.argmin(distance, axis=1)
    n = z_flat.shape[0]
    min_encoding = jnp.zeros((n, K), dtype=z_flat.dtype).at[jnp.arange(n), min_idx].set(1.0)
    z_q = jnp.matmul(min_encoding, embedding).reshape(z.shape)
    sg = jax.lax.stop_gradient
    embedding_loss = jnp.mean((sg(z_q) - z) ** 2) + BETA * jnp.mean((z_q - sg(z)) ** 2)
    z_q = z + sg(z_q - z)
    e_mean = jnp.mean(min_encoding, axis=0)
    perplexity = jnp.exp(-jnp.sum(e_mean * jnp.log(e_mean + 1e-10)))
    z_q = jnp.transpose(z_q, (0, 3, 1, 2))
    return (embedding_loss, z_q, perplexity)

if __name__ == "__main__":
    import jax
    _d = setup_inputs()
    print(jax.jit(kernel)(*tuple(_d.values())))

</pallas_src>

<mosaic_0001>
#map = affine_map<(d0, d1) -> (0, 0)>
#map1 = affine_map<(d0, d1) -> (0)>
#map2 = affine_map<(d0, d1) -> (0, 0, 0)>
module attributes {stable_mosaic.version = 14 : i64} {
  func.func @_sc_body(%arg0: i32, %arg1: i32, %arg2: memref<256x1024xf32, #tpu.memory_space<hbm>>, %arg3: memref<8x1024xi32, #tpu.memory_space<hbm>>, %arg4: memref<8208xf32, #tpu.memory_space<hbm>>, %arg5: memref<8x256x1024xf32, #tpu.memory_space<hbm>>, %arg6: memref<2x16xf32, #tpu.memory_space<hbm>>, %arg7: memref<8x1024xf32, #tpu.memory_space<vmem>>, %arg8: memref<8x1024xi32, #tpu.memory_space<vmem>>, %arg9: memref<2x8x1024xf32, #tpu.memory_space<vmem>>, %arg10: memref<1024xi32, #tpu.memory_space<vmem>>, %arg11: memref<8208xf32, #tpu.memory_space<vmem>>, %arg12: memref<16x512xi32, #tpu.memory_space<vmem>>, %arg13: memref<16xf32, #tpu.memory_space<vmem>>, %arg14: memref<16x1024xi32, #tpu.memory_space<vmem_shared>>, %arg15: memref<!tpu.dma_semaphore, #tpu.memory_space<semaphore_mem>>, %arg16: memref<!tpu.dma_semaphore, #tpu.memory_space<semaphore_mem>>) attributes {dimension_semantics = [#tpu.dimension_semantics<core_parallel>, #tpu.dimension_semantics<subcore_parallel>], iteration_bounds = array<i64: 2, 16>, scalar_prefetch = 0 : i64, scratch_operands = 10 : i64, tpu.core_type = #tpu.core_type<sc_vector_subcore>, window_params = [{transform_indices = #map}, {transform_indices = #map}, {transform_indices = #map1}, {transform_indices = #map2}, {transform_indices = #map}]} {
    %mul3A = arith.constant 2 : i32
    %mul3A_0 = arith.muli %arg1, %mul3A : i32
    %add3A = arith.addi %mul3A_0, %arg0 : i32
    %mul3A_1 = arith.constant 8 : i32
    %mul3A_2 = arith.muli %mul3A_1, %add3A : i32
    "tpu.region"() ({
      %run_scoped3A = tpu.sem_alloc : memref<!tpu.dma_semaphore, #tpu.memory_space<semaphore_mem>>
      %dma_start3A_471 = arith.constant 0 : i32
      %dma_start3A_472 = tpu.memref_slice %arg2[%mul3A_2, %dma_start3A_471] : memref<256x1024xf32, #tpu.memory_space<hbm>> -> memref<8x1024xf32, #tpu.memory_space<hbm>>
      %dma_start3A_473 = arith.constant 0 : i32
      %dma_start3A_474 = tpu.memref_slice %arg2[%mul3A_2, %dma_start3A_473] : memref<256x1024xf32, #tpu.memory_space<hbm>> -> memref<8x1024xf32, #tpu.memory_space<hbm>>
      tpu.enqueue_dma source(%dma_start3A_474 : memref<8x1024xf32, #tpu.memory_space<hbm>>) target(%arg7 : memref<8x1024xf32, #tpu.memory_space<vmem>>) target_semaphore(%run_scoped3A : memref<!tpu.dma_semaphore, #tpu.memory_space<semaphore_mem>>)
      %dma_wait3A_475 = arith.constant 0 : i32
      %dma_wait3A_476 = tpu.memref_slice %arg2[%mul3A_2, %dma_wait3A_475] : memref<256x1024xf32, #tpu.memory_space<hbm>> -> memref<8x1024xf32, #tpu.memory_space<hbm>>
      %dma_wait3A_477 = arith.constant 0 : i32
      %dma_wait3A_478 = tpu.memref_slice %arg2[%mul3A_2, %dma_wait3A_477] : memref<256x1024xf32, #tpu.memory_space<hbm>> -> memref<8x1024xf32, #tpu.memory_space<hbm>>
      tpu.wait_dma2 semaphore(%run_scoped3A : memref<!tpu.dma_semaphore, #tpu.memory_space<semaphore_mem>>) src(%dma_wait3A_478 : memref<8x1024xf32, #tpu.memory_space<hbm>>) dst(%arg7 : memref<8x1024xf32, #tpu.memory_space<vmem>>)
      tpu.yield
    }) : () -> ()
    "tpu.region"() ({
      %run_scoped3A = tpu.sem_alloc : memref<!tpu.dma_semaphore, #tpu.memory_space<semaphore_mem>>
      tpu.enqueue_dma source(%arg3 : memref<8x1024xi32, #tpu.memory_space<hbm>>) target(%arg8 : memref<8x1024xi32, #tpu.memory_space<vmem>>) target_semaphore(%run_scoped3A : memref<!tpu.dma_semaphore, #tpu.memory_space<semaphore_mem>>)
      tpu.wait_dma2 semaphore(%run_scoped3A : memref<!tpu.dma_semaphore, #tpu.memory_space<semaphore_mem>>) src(%arg3 : memref<8x1024xi32, #tpu.memory_space<hbm>>) dst(%arg8 : memref<8x1024xi32, #tpu.memory_space<vmem>>)
      tpu.yield
    }) : () -> ()
    %parallel_loop3A = arith.constant 0 : i32
    %parallel_loop3A_3 = arith.constant 64 : i32
    %parallel_loop3A_4 = arith.constant 1 : i32
    scf.for %parallel_loop3A_471 = %parallel_loop3A to %parallel_loop3A_3 step %parallel_loop3A_4  : i32 {
      %parallel_loop3A_472 = arith.constant 0 : i32
      %parallel_loop3A_473 = vector.broadcast %parallel_loop3A_472 : i32 to vector<16xi32>
      %parallel_loop3A_474 = arith.constant 16 : i32
      %parallel_loop3A_475 = arith.muli %parallel_loop3A_474, %parallel_loop3A_471 : i32
      %parallel_loop3A_476 = arith.index_cast %parallel_loop3A_475 : i32 to index
      %parallel_loop3A_477 = tpu.vector_load %arg10[%parallel_loop3A_476] {strides = array<i32>} : memref<1024xi32, #tpu.memory_space<vmem>>, vector<16xi32>,
      tpu.vector_store %arg10[%parallel_loop3A_476], %parallel_loop3A_473 {strides = array<i32>} : memref<1024xi32, #tpu.memory_space<vmem>>, vector<16xi32>,
    } {sc.loop_unroll_factor = 4 : i64, sc.parallel_access}
    %mul3A_5 = arith.constant 512 : i32
    %mul3A_6 = arith.muli %arg0, %mul3A_5 : i32
    %broadcast_in_dim3A = arith.constant 1 : i32
    %broadcast_in_dim3A_7 = vector.broadcast %broadcast_in_dim3A : i32 to vector<16xi32>
    %scan3A = arith.constant 0 : i32
    %scan3A_8 = arith.constant 4 : i32
    %scan3A_9 = arith.addi %scan3A, %scan3A_8 : i32
    %scan3A_10 = arith.constant 1 : i32
    scf.for %scan3A_471 = %scan3A to %scan3A_9 step %scan3A_10  : i32 {
      %mul3A_472 = arith.constant 64 : i32
      %mul3A_473 = arith.muli %mul3A_472, %arg1 : i32
      %mul3A_474 = arith.constant 16 : i32
      %mul3A_475 = arith.muli %mul3A_474, %scan3A_471 : i32
      %add3A_476 = arith.addi %mul3A_473, %mul3A_475 : i32
      %get3A = arith.constant 0 : i32
      %get3A_477 = arith.index_cast %get3A : i32 to index
      %get3A_478 = arith.index_cast %add3A_476 : i32 to index
      %get3A_479 = tpu.vector_load %arg8[%get3A_477, %get3A_478] {strides = array<i32>} : memref<8x1024xi32, #tpu.memory_space<vmem>>, vector<16xi32>,
      %ge3A = vector.broadcast %mul3A_6 : i32 to vector<16xi32>
      %ge3A_480 = arith.cmpi sge, %get3A_479, %ge3A : vector<16xi32>
      %add3A_481 = arith.constant 512 : i32
      %add3A_482 = arith.addi %mul3A_6, %add3A_481 : i32
      %lt3A = vector.broadcast %add3A_482 : i32 to vector<16xi32>
      %lt3A_483 = arith.cmpi slt, %get3A_479, %lt3A : vector<16xi32>
      %and3A = arith.andi %ge3A_480, %lt3A_483 : vector<16xi1>
      tpu.vector_store_idx %arg10[%get3A_479], %broadcast_in_dim3A_7 masked %and3A {add = true} : memref<1024xi32, #tpu.memory_space<vmem>>[vector<16xi32>], vector<16xi32>, vector<16xi1>
    }
    %scan3A_11 = arith.constant 4 : i32
    %broadcast_in_dim3A_12 = arith.constant 0 : i32
    %broadcast_in_dim3A_13 = vector.broadcast %broadcast_in_dim3A_12 : i32 to vector<16xi32>
    %broadcast_in_dim3A_14 = arith.constant 1 : i32
    %broadcast_in_dim3A_15 = vector.broadcast %broadcast_in_dim3A_14 : i32 to vector<16xi32>
    %broadcast_in_dim3A_16 = arith.constant 2 : i32
    %broadcast_in_dim3A_17 = vector.broadcast %broadcast_in_dim3A_16 : i32 to vector<16xi32>
    %broadcast_in_dim3A_18 = arith.constant 3 : i32
    %broadcast_in_dim3A_19 = vector.broadcast %broadcast_in_dim3A_18 : i32 to vector<16xi32>
    %broadcast_in_dim3A_20 = arith.constant 4 : i32
    %broadcast_in_dim3A_21 = vector.broadcast %broadcast_in_dim3A_20 : i32 to vector<16xi32>
    %broadcast_in_dim3A_22 = arith.constant 5 : i32
    %broadcast_in_dim3A_23 = vector.broadcast %broadcast_in_dim3A_22 : i32 to vector<16xi32>
    %broadcast_in_dim3A_24 = arith.constant 6 : i32
    %broadcast_in_dim3A_25 = vector.broadcast %broadcast_in_dim3A_24 : i32 to vector<16xi32>
    %broadcast_in_dim3A_26 = arith.constant 7 : i32
    %broadcast_in_dim3A_27 = vector.broadcast %broadcast_in_dim3A_26 : i32 to vector<16xi32>
    %parallel_loop3A_28 = arith.constant 0 : i32
    %parallel_loop3A_29 = arith.constant 64 : i32
    %parallel_loop3A_30 = arith.constant 1 : i32
    scf.for %parallel_loop3A_471 = %parallel_loop3A_28 to %parallel_loop3A_29 step %parallel_loop3A_30  : i32 {
      %parallel_loop3A_472 = arith.constant 16 : i32
      %parallel_loop3A_473 = arith.muli %parallel_loop3A_472, %parallel_loop3A_471 : i32
      %parallel_loop3A_474 = arith.constant 0 : i32
      %parallel_loop3A_475 = arith.index_cast %parallel_loop3A_474 : i32 to index
      %parallel_loop3A_476 = arith.index_cast %parallel_loop3A_473 : i32 to index
      %parallel_loop3A_477 = tpu.vector_load %arg8[%parallel_loop3A_475, %parallel_loop3A_476] {strides = array<i32>} : memref<8x1024xi32, #tpu.memory_space<vmem>>, vector<16xi32>,
      %parallel_loop3A_478 = tpu.vector_load_idx %arg7[%broadcast_in_dim3A_13, %parallel_loop3A_477] : memref<8x1024xf32, #tpu.memory_space<vmem>>[vector<16xi32>, vector<16xi32>], vector<16xf32>,
      %parallel_loop3A_479 = arith.constant 16 : i32
      %parallel_loop3A_480 = arith.muli %parallel_loop3A_479, %parallel_loop3A_471 : i32
      %parallel_loop3A_481 = arith.constant 0 : i32
      %parallel_loop3A_482 = arith.constant 0 : i32
      %parallel_loop3A_483 = arith.index_cast %parallel_loop3A_481 : i32 to index
      %parallel_loop3A_484 = arith.index_cast %parallel_loop3A_482 : i32 to index
      %parallel_loop3A_485 = arith.index_cast %parallel_loop3A_480 : i32 to index
      %parallel_loop3A_486 = tpu.vector_load %arg9[%parallel_loop3A_483, %parallel_loop3A_484, %parallel_loop3A_485] {strides = array<i32>} : memref<2x8x1024xf32, #tpu.memory_space<vmem>>, vector<16xf32>,
      tpu.vector_store %arg9[%parallel_loop3A_483, %parallel_loop3A_484, %parallel_loop3A_485], %parallel_loop3A_478 {strides = array<i32>} : memref<2x8x1024xf32, #tpu.memory_space<vmem>>, vector<16xf32>,
      %parallel_loop3A_487 = tpu.vector_load_idx %arg7[%broadcast_in_dim3A_15, %parallel_loop3A_477] : memref<8x1024xf32, #tpu.memory_space<vmem>>[vector<16xi32>, vector<16xi32>], vector<16xf32>,
      %parallel_loop3A_488 = arith.constant 16 : i32
      %parallel_loop3A_489 = arith.muli %parallel_loop3A_488, %parallel_loop3A_471 : i32
      %parallel_loop3A_490 = arith.constant 0 : i32
      %parallel_loop3A_491 = arith.constant 1 : i32
      %parallel_loop3A_492 = arith.index_cast %parallel_loop3A_490 : i32 to index
      %parallel_loop3A_493 = arith.index_cast %parallel_loop3A_491 : i32 to index
      %parallel_loop3A_494 = arith.index_cast %parallel_loop3A_489 : i32 to index
      %parallel_loop3A_495 = tpu.vector_load %arg9[%parallel_loop3A_492, %parallel_loop3A_493, %parallel_loop3A_494] {strides = array<i32>} : memref<2x8x1024xf32, #tpu.memory_space<vmem>>, vector<16xf32>,
      tpu.vector_store %arg9[%parallel_loop3A_492, %parallel_loop3A_493, %parallel_loop3A_494], %parallel_loop3A_487 {strides = array<i32>} : memref<2x8x1024xf32, #tpu.memory_space<vmem>>, vector<16xf32>,
      %parallel_loop3A_496 = tpu.vector_load_idx %arg7[%broadcast_in_dim3A_17, %parallel_loop3A_477] : memref<8x1024xf32, #tpu.memory_space<vmem>>[vector<16xi32>, vector<16xi32>], vector<16xf32>,
      %parallel_loop3A_497 = arith.constant 16 : i32
      %parallel_loop3A_498 = arith.muli %parallel_loop3A_497, %parallel_loop3A_471 : i32
      %parallel_loop3A_499 = arith.constant 0 : i32
      %parallel_loop3A_500 = arith.constant 2 : i32
      %parallel_loop3A_501 = arith.index_cast %parallel_loop3A_499 : i32 to index
      %parallel_loop3A_502 = arith.index_cast %parallel_loop3A_500 : i32 to index
      %parallel_loop3A_503 = arith.index_cast %parallel_loop3A_498 : i32 to index
      %parallel_loop3A_504 = tpu.vector_load %arg9[%parallel_loop3A_501, %parallel_loop3A_502, %parallel_loop3A_503] {strides = array<i32>} : memref<2x8x1024xf32, #tpu.memory_space<vmem>>, vector<16xf32>,
      tpu.vector_store %arg9[%parallel_loop3A_501, %parallel_loop3A_502, %parallel_loop3A_503], %parallel_loop3A_496 {strides = array<i32>} : memref<2x8x1024xf32, #tpu.memory_space<vmem>>, vector<16xf32>,
      %parallel_loop3A_505 = tpu.vector_load_idx %arg7[%broadcast_in_dim3A_19, %parallel_loop3A_477] : memref<8x1024xf32, #tpu.memory_space<vmem>>[vector<16xi32>, vector<16xi32>], vector<16xf32>,
      %parallel_loop3A_506 = arith.constant 16 : i32
      %parallel_loop3A_507 = arith.muli %parallel_loop3A_506, %parallel_loop3A_471 : i32
      %parallel_loop3A_508 = arith.constant 0 : i32
      %parallel_loop3A_509 = arith.constant 3 : i32
      %parallel_loop3A_510 = arith.index_cast %parallel_loop3A_508 : i32 to index
      %parallel_loop3A_511 = arith.index_cast %parallel_loop3A_509 : i32 to index
      %parallel_loop3A_512 = arith.index_cast %parallel_loop3A_507 : i32 to index
      %parallel_loop3A_513 = tpu.vector_load %arg9[%parallel_loop3A_510, %parallel_loop3A_511, %parallel_loop3A_512] {strides = array<i32>} : memref<2x8x1024xf32, #tpu.memory_space<vmem>>, vector<16xf32>,
      tpu.vector_store %arg9[%parallel_loop3A_510, %parallel_loop3A_511, %parallel_loop3A_512], %parallel_loop3A_505 {strides = array<i32>} : memref<2x8x1024xf32, #tpu.memory_space<vmem>>, vector<16xf32>,
      %parallel_loop3A_514 = tpu.vector_load_idx %arg7[%broadcast_in_dim3A_21, %parallel_loop3A_477] : memref<8x1024xf32, #tpu.memory_space<vmem>>[vector<16xi32>, vector<16xi32>], vector<16xf32>,
      %parallel_loop3A_515 = arith.constant 16 : i32
      %parallel_loop3A_516 = arith.muli %parallel_loop3A_515, %parallel_loop3A_471 : i32
      %parallel_loop3A_517 = arith.constant 0 : i32
      %parallel_loop3A_518 = arith.constant 4 : i32
      %parallel_loop3A_519 = arith.index_cast %parallel_loop3A_517 : i32 to index
      %parallel_loop3A_520 = arith.index_cast %parallel_loop3A_518 : i32 to index
      %parallel_loop3A_521 = arith.index_cast %parallel_loop3A_516 : i32 to index
      %parallel_loop3A_522 = tpu.vector_load %arg9[%parallel_loop3A_519, %parallel_loop3A_520, %parallel_loop3A_521] {strides = array<i32>} : memref<2x8x1024xf32, #tpu.memory_space<vmem>>, vector<16xf32>,
      tpu.vector_store %arg9[%parallel_loop3A_519, %parallel_loop3A_520, %parallel_loop3A_521], %parallel_loop3A_514 {strides = array<i32>} : memref<2x8x1024xf32, #tpu.memory_space<vmem>>, vector<16xf32>,
      %parallel_loop3A_523 = tpu.vector_load_idx %arg7[%broadcast_in_dim3A_23, %parallel_loop3A_477] : memref<8x1024xf32, #tpu.memory_space<vmem>>[vector<16xi32>, vector<16xi32>], vector<16xf32>,
      %parallel_loop3A_524 = arith.constant 16 : i32
      %parallel_loop3A_525 = arith.muli %parallel_loop3A_524, %parallel_loop3A_471 : i32
      %parallel_loop3A_526 = arith.constant 0 : i32
      %parallel_loop3A_527 = arith.constant 5 : i32
      %parallel_loop3A_528 = arith.index_cast %parallel_loop3A_526 : i32 to index
      %parallel_loop3A_529 = arith.index_cast %parallel_loop3A_527 : i32 to index
      %parallel_loop3A_530 = arith.index_cast %parallel_loop3A_525 : i32 to index
      %parallel_loop3A_531 = tpu.vector_load %arg9[%parallel_loop3A_528, %parallel_loop3A_529, %parallel_loop3A_530] {strides = array<i32>} : memref<2x8x1024xf32, #tpu.memory_space<vmem>>, vector<16xf32>,
      tpu.vector_store %arg9[%parallel_loop3A_528, %parallel_loop3A_529, %parallel_loop3A_530], %parallel_loop3A_523 {strides = array<i32>} : memref<2x8x1024xf32, #tpu.memory_space<vmem>>, vector<16xf32>,
      %parallel_loop3A_532 = tpu.vector_load_idx %arg7[%broadcast_in_dim3A_25, %parallel_loop3A_477] : memref<8x1024xf32, #tpu.memory_space<vmem>>[vector<16xi32>, vector<16xi32>], vector<16xf32>,
      %parallel_loop3A_533 = arith.constant 16 : i32
      %parallel_loop3A_534 = arith.muli %parallel_loop3A_533, %parallel_loop3A_471 : i32
      %parallel_loop3A_535 = arith.constant 0 : i32
      %parallel_loop3A_536 = arith.constant 6 : i32
      %parallel_loop3A_537 = arith.index_cast %parallel_loop3A_535 : i32 to index
      %parallel_loop3A_538 = arith.index_cast %parallel_loop3A_536 : i32 to index
      %parallel_loop3A_539 = arith.index_cast %parallel_loop3A_534 : i32 to index
      %parallel_loop3A_540 = tpu.vector_load %arg9[%parallel_loop3A_537, %parallel_loop3A_538, %parallel_loop3A_539] {strides = array<i32>} : memref<2x8x1024xf32, #tpu.memory_space<vmem>>, vector<16xf32>,
      tpu.vector_store %arg9[%parallel_loop3A_537, %parallel_loop3A_538, %parallel_loop3A_539], %parallel_loop3A_532 {strides = array<i32>} : memref<2x8x1024xf32, #tpu.memory_space<vmem>>, vector<16xf32>,
      %parallel_loop3A_541 = tpu.vector_load_idx %arg7[%broadcast_in_dim3A_27, %parallel_loop3A_477] : memref<8x1024xf32, #tpu.memory_space<vmem>>[vector<16xi32>, vector<16xi32>], vector<16xf32>,
      %parallel_loop3A_542 = arith.constant 16 : i32
      %parallel_loop3A_543 = arith.muli %parallel_loop3A_542, %parallel_loop3A_471 : i32
      %parallel_loop3A_544 = arith.constant 0 : i32
      %parallel_loop3A_545 = arith.constant 7 : i32
      %parallel_loop3A_546 = arith.index_cast %parallel_loop3A_544 : i32 to index
      %parallel_loop3A_547 = arith.index_cast %parallel_loop3A_545 : i32 to index
      %parallel_loop3A_548 = arith.index_cast %parallel_loop3A_543 : i32 to index
      %parallel_loop3A_549 = tpu.vector_load %arg9[%parallel_loop3A_546, %parallel_loop3A_547, %parallel_loop3A_548] {strides = array<i32>} : memref<2x8x1024xf32, #tpu.memory_space<vmem>>, vector<16xf32>,
      tpu.vector_store %arg9[%parallel_loop3A_546, %parallel_loop3A_547, %parallel_loop3A_548], %parallel_loop3A_541 {strides = array<i32>} : memref<2x8x1024xf32, #tpu.memory_space<vmem>>, vector<16xf32>,
    } {sc.loop_unroll_factor = 2 : i64, sc.parallel_access}
    %mul3A_31 = arith.constant 8 : i32
    %mul3A_32 = arith.muli %mul3A_31, %add3A : i32
    %dma_start3A = arith.constant 0 : i32
    %dma_start3A_33 = arith.constant 0 : i32
    %dma_start3A_34 = arith.constant 0 : i32
    %dma_start3A_35 = arith.constant 0 : i32
    %dma_start3A_36 = tpu.memref_slice %arg9[%dma_start3A, %dma_start3A_34, %dma_start3A_35] : memref<2x8x1024xf32, #tpu.memory_space<vmem>> -> memref<1x8x1024xf32, #tpu.memory_space<vmem>>
    %dma_start3A_37 = tpu.memref_squeeze %dma_start3A_36 : memref<1x8x1024xf32, #tpu.memory_space<vmem>> -> memref<8x1024xf32, #tpu.memory_space<vmem>>
    %dma_start3A_38 = arith.constant 0 : i32
    %dma_start3A_39 = tpu.memref_slice %arg5[%dma_start3A_33, %mul3A_32, %dma_start3A_38] : memref<8x256x1024xf32, #tpu.memory_space<hbm>> -> memref<1x8x1024xf32, #tpu.memory_space<hbm>>
    %dma_start3A_40 = tpu.memref_squeeze %dma_start3A_39 : memref<1x8x1024xf32, #tpu.memory_space<hbm>> -> memref<8x1024xf32, #tpu.memory_space<hbm>>
    %dma_start3A_41 = arith.constant 0 : i32
    %dma_start3A_42 = tpu.memref_slice %arg5[%dma_start3A_33, %mul3A_32, %dma_start3A_41] : memref<8x256x1024xf32, #tpu.memory_space<hbm>> -> memref<1x8x1024xf32, #tpu.memory_space<hbm>>
    %dma_start3A_43 = tpu.memref_squeeze %dma_start3A_42 : memref<1x8x1024xf32, #tpu.memory_space<hbm>> -> memref<8x1024xf32, #tpu.memory_space<hbm>>
    %dma_start3A_44 = arith.constant 0 : i32
    %dma_start3A_45 = arith.constant 0 : i32
    %dma_start3A_46 = tpu.memref_slice %arg9[%dma_start3A, %dma_start3A_44, %dma_start3A_45] : memref<2x8x1024xf32, #tpu.memory_space<vmem>> -> memref<1x8x1024xf32, #tpu.memory_space<vmem>>
    %dma_start3A_47 = tpu.memref_squeeze %dma_start3A_46 : memref<1x8x1024xf32, #tpu.memory_space<vmem>> -> memref<8x1024xf32, #tpu.memory_space<vmem>>
    tpu.enqueue_dma source(%dma_start3A_47 : memref<8x1024xf32, #tpu.memory_space<vmem>>) target(%dma_start3A_43 : memref<8x1024xf32, #tpu.memory_space<hbm>>) target_semaphore(%arg15 : memref<!tpu.dma_semaphore, #tpu.memory_space<semaphore_mem>>)
    %scan3A_48 = arith.constant 0 : i32
    %scan3A_49 = arith.constant 4 : i32
    %scan3A_50 = arith.addi %scan3A_48, %scan3A_49 : i32
    %scan3A_51 = arith.constant 1 : i32
    scf.for %scan3A_471 = %scan3A_48 to %scan3A_50 step %scan3A_51  : i32 {
      %mul3A_472 = arith.constant 64 : i32
      %mul3A_473 = arith.muli %mul3A_472, %arg1 : i32
      %mul3A_474 = arith.constant 16 : i32
      %mul3A_475 = arith.muli %mul3A_474, %scan3A_471 : i32
      %add3A_476 = arith.addi %mul3A_473, %mul3A_475 : i32
      %get3A = arith.constant 1 : i32
      %get3A_477 = arith.index_cast %get3A : i32 to index
      %get3A_478 = arith.index_cast %add3A_476 : i32 to index
      %get3A_479 = tpu.vector_load %arg8[%get3A_477, %get3A_478] {strides = array<i32>} : memref<8x1024xi32, #tpu.memory_space<vmem>>, vector<16xi32>,
      %ge3A = vector.broadcast %mul3A_6 : i32 to vector<16xi32>
      %ge3A_480 = arith.cmpi sge, %get3A_479, %ge3A : vector<16xi32>
      %add3A_481 = arith.constant 512 : i32
      %add3A_482 = arith.addi %mul3A_6, %add3A_481 : i32
      %lt3A = vector.broadcast %add3A_482 : i32 to vector<16xi32>
      %lt3A_483 = arith.cmpi slt, %get3A_479, %lt3A : vector<16xi32>
      %and3A = arith.andi %ge3A_480, %lt3A_483 : vector<16xi1>
      tpu.vector_store_idx %arg10[%get3A_479], %broadcast_in_dim3A_7 masked %and3A {add = true} : memref<1024xi32, #tpu.memory_space<vmem>>[vector<16xi32>], vector<16xi32>, vector<16xi1>
    }
    %scan3A_52 = arith.constant 4 : i32
    %broadcast_in_dim3A_53 = arith.constant 0 : i32
    %broadcast_in_dim3A_54 = vector.broadcast %broadcast_in_dim3A_53 : i32 to vector<16xi32>
    %broadcast_in_dim3A_55 = arith.constant 1 : i32
    %broadcast_in_dim3A_56 = vector.broadcast %broadcast_in_dim3A_55 : i32 to vector<16xi32>
    %broadcast_in_dim3A_57 = arith.constant 2 : i32
    %broadcast_in_dim3A_58 = vector.broadcast %broadcast_in_dim3A_57 : i32 to vector<16xi32>
    %broadcast_in_dim3A_59 = arith.constant 3 : i32
    %broadcast_in_dim3A_60 = vector.broadcast %broadcast_in_dim3A_59 : i32 to vector<16xi32>
    %broadcast_in_dim3A_61 = arith.constant 4 : i32
    %broadcast_in_dim3A_62 = vector.broadcast %broadcast_in_dim3A_61 : i32 to vector<16xi32>
    %broadcast_in_dim3A_63 = arith.constant 5 : i32
    %broadcast_in_dim3A_64 = vector.broadcast %broadcast_in_dim3A_63 : i32 to vector<16xi32>
    %broadcast_in_dim3A_65 = arith.constant 6 : i32
    %broadcast_in_dim3A_66 = vector.broadcast %broadcast_in_dim3A_65 : i32 to vector<16xi32>
    %broadcast_in_dim3A_67 = arith.constant 7 : i32
    %broadcast_in_dim3A_68 = vector.broadcast %broadcast_in_dim3A_67 : i32 to vector<16xi32>
    %parallel_loop3A_69 = arith.constant 0 : i32
    %parallel_loop3A_70 = arith.constant 64 : i32
    %parallel_loop3A_71 = arith.constant 1 : i32
    scf.for %parallel_loop3A_471 = %parallel_loop3A_69 to %parallel_loop3A_70 step %parallel_loop3A_71  : i32 {
      %parallel_loop3A_472 = arith.constant 16 : i32
      %parallel_loop3A_473 = arith.muli %parallel_loop3A_472, %parallel_loop3A_471 : i32
      %parallel_loop3A_474 = arith.constant 1 : i32
      %parallel_loop3A_475 = arith.index_cast %parallel_loop3A_474 : i32 to index
      %parallel_loop3A_476 = arith.index_cast %parallel_loop3A_473 : i32 to index
      %parallel_loop3A_477 = tpu.vector_load %arg8[%parallel_loop3A_475, %parallel_loop3A_476] {strides = array<i32>} : memref<8x1024xi32, #tpu.memory_space<vmem>>, vector<16xi32>,
      %parallel_loop3A_478 = tpu.vector_load_idx %arg7[%broadcast_in_dim3A_54, %parallel_loop3A_477] : memref<8x1024xf32, #tpu.memory_space<vmem>>[vector<16xi32>, vector<16xi32>], vector<16xf32>,
      %parallel_loop3A_479 = arith.constant 16 : i32
      %parallel_loop3A_480 = arith.muli %parallel_loop3A_479, %parallel_loop3A_471 : i32
      %parallel_loop3A_481 = arith.constant 1 : i32
      %parallel_loop3A_482 = arith.constant 0 : i32
      %parallel_loop3A_483 = arith.index_cast %parallel_loop3A_481 : i32 to index
      %parallel_loop3A_484 = arith.index_cast %parallel_loop3A_482 : i32 to index
      %parallel_loop3A_485 = arith.index_cast %parallel_loop3A_480 : i32 to index
      %parallel_loop3A_486 = tpu.vector_load %arg9[%parallel_loop3A_483, %parallel_loop3A_484, %parallel_loop3A_485] {strides = array<i32>} : memref<2x8x1024xf32, #tpu.memory_space<vmem>>, vector<16xf32>,
      tpu.vector_store %arg9[%parallel_loop3A_483, %parallel_loop3A_484, %parallel_loop3A_485], %parallel_loop3A_478 {strides = array<i32>} : memref<2x8x1024xf32, #tpu.memory_space<vmem>>, vector<16xf32>,
      %parallel_loop3A_487 = tpu.vector_load_idx %arg7[%broadcast_in_dim3A_56, %parallel_loop3A_477] : memref<8x1024xf32, #tpu.memory_space<vmem>>[vector<16xi32>, vector<16xi32>], vector<16xf32>,
      %parallel_loop3A_488 = arith.constant 16 : i32
      %parallel_loop3A_489 = arith.muli %parallel_loop3A_488, %parallel_loop3A_471 : i32
      %parallel_loop3A_490 = arith.constant 1 : i32
      %parallel_loop3A_491 = arith.constant 1 : i32
      %parallel_loop3A_492 = arith.index_cast %parallel_loop3A_490 : i32 to index
      %parallel_loop3A_493 = arith.index_cast %parallel_loop3A_491 : i32 to index
      %parallel_loop3A_494 = arith.index_cast %parallel_loop3A_489 : i32 to index
      %parallel_loop3A_495 = tpu.vector_load %arg9[%parallel_loop3A_492, %parallel_loop3A_493, %parallel_loop3A_494] {strides = array<i32>} : memref<2x8x1024xf32, #tpu.memory_space<vmem>>, vector<16xf32>,
      tpu.vector_store %arg9[%parallel_loop3A_492, %parallel_loop3A_493, %parallel_loop3A_494], %parallel_loop3A_487 {strides = array<i32>} : memref<2x8x1024xf32, #tpu.memory_space<vmem>>, vector<16xf32>,
      %parallel_loop3A_496 = tpu.vector_load_idx %arg7[%broadcast_in_dim3A_58, %parallel_loop3A_477] : memref<8x1024xf32, #tpu.memory_space<vmem>>[vector<16xi32>, vector<16xi32>], vector<16xf32>,
      %parallel_loop3A_497 = arith.constant 16 : i32
      %parallel_loop3A_498 = arith.muli %parallel_loop3A_497, %parallel_loop3A_471 : i32
      %parallel_loop3A_499 = arith.constant 1 : i32
      %parallel_loop3A_500 = arith.constant 2 : i32
      %parallel_loop3A_501 = arith.index_cast %parallel_loop3A_499 : i32 to index
      %parallel_loop3A_502 = arith.index_cast %parallel_loop3A_500 : i32 to index
      %parallel_loop3A_503 = arith.index_cast %parallel_loop3A_498 : i32 to index
      %parallel_loop3A_504 = tpu.vector_load %arg9[%parallel_loop3A_501, %parallel_loop3A_502, %parallel_loop3A_503] {strides = array<i32>} : memref<2x8x1024xf32, #tpu.memory_space<vmem>>, vector<16xf32>,
      tpu.vector_store %arg9[%parallel_loop3A_501, %parallel_loop3A_502, %parallel_loop3A_503], %parallel_loop3A_496 {strides = array<i32>} : memref<2x8x1024xf32, #tpu.memory_space<vmem>>, vector<16xf32>,
      %parallel_loop3A_505 = tpu.vector_load_idx %arg7[%broadcast_in_dim3A_60, %parallel_loop3A_477] : memref<8x1024xf32, #tpu.memory_space<vmem>>[vector<16xi32>, vector<16xi32>], vector<16xf32>,
      %parallel_loop3A_506 = arith.constant 16 : i32
      %parallel_loop3A_507 = arith.muli %parallel_loop3A_506, %parallel_loop3A_471 : i32
      %parallel_loop3A_508 = arith.constant 1 : i32
      %parallel_loop3A_509 = arith.constant 3 : i32
      %parallel_loop3A_510 = arith.index_cast %parallel_loop3A_508 : i32 to index
      %parallel_loop3A_511 = arith.index_cast %parallel_loop3A_509 : i32 to index
      %parallel_loop3A_512 = arith.index_cast %parallel_loop3A_507 : i32 to index
      %parallel_loop3A_513 = tpu.vector_load %arg9[%parallel_loop3A_510, %parallel_loop3A_511, %parallel_loop3A_512] {strides = array<i32>} : memref<2x8x1024xf32, #tpu.memory_space<vmem>>, vector<16xf32>,
      tpu.vector_store %arg9[%parallel_loop3A_510, %parallel_loop3A_511, %parallel_loop3A_512], %parallel_loop3A_505 {strides = array<i32>} : memref<2x8x1024xf32, #tpu.memory_space<vmem>>, vector<16xf32>,
      %parallel_loop3A_514 = tpu.vector_load_idx %arg7[%broadcast_in_dim3A_62, %parallel_loop3A_477] : memref<8x1024xf32, #tpu.memory_space<vmem>>[vector<16xi32>, vector<16xi32>], vector<16xf32>,
      %parallel_loop3A_515 = arith.constant 16 : i32
      %parallel_loop3A_516 = arith.muli %parallel_loop3A_515, %parallel_loop3A_471 : i32
      %parallel_loop3A_517 = arith.constant 1 : i32
      %parallel_loop3A_518 = arith.constant 4 : i32
      %parallel_loop3A_519 = arith.index_cast %parallel_loop3A_517 : i32 to index
      %parallel_loop3A_520 = arith.index_cast %parallel_loop3A_518 : i32 to index
      %parallel_loop3A_521 = arith.index_cast %parallel_loop3A_516 : i32 to index
      %parallel_loop3A_522 = tpu.vector_load %arg9[%parallel_loop3A_519, %parallel_loop3A_520, %parallel_loop3A_521] {strides = array<i32>} : memref<2x8x1024xf32, #tpu.memory_space<vmem>>, vector<16xf32>,
      tpu.vector_store %arg9[%parallel_loop3A_519, %parallel_loop3A_520, %parallel_loop3A_521], %parallel_loop3A_514 {strides = array<i32>} : memref<2x8x1024xf32, #tpu.memory_space<vmem>>, vector<16xf32>,
      %parallel_loop3A_523 = tpu.vector_load_idx %arg7[%broadcast_in_dim3A_64, %parallel_loop3A_477] : memref<8x1024xf32, #tpu.memory_space<vmem>>[vector<16xi32>, vector<16xi32>], vector<16xf32>,
      %parallel_loop3A_524 = arith.constant 16 : i32
      %parallel_loop3A_525 = arith.muli %parallel_loop3A_524, %parallel_loop3A_471 : i32
      %parallel_loop3A_526 = arith.constant 1 : i32
      %parallel_loop3A_527 = arith.constant 5 : i32
      %parallel_loop3A_528 = arith.index_cast %parallel_loop3A_526 : i32 to index
      %parallel_loop3A_529 = arith.index_cast %parallel_loop3A_527 : i32 to index
      %parallel_loop3A_530 = arith.index_cast %parallel_loop3A_525 : i32 to index
      %parallel_loop3A_531 = tpu.vector_load %arg9[%parallel_loop3A_528, %parallel_loop3A_529, %parallel_loop3A_530] {strides = array<i32>} : memref<2x8x1024xf32, #tpu.memory_space<vmem>>, vector<16xf32>,
      tpu.vector_store %arg9[%parallel_loop3A_528, %parallel_loop3A_529, %parallel_loop3A_530], %parallel_loop3A_523 {strides = array<i32>} : memref<2x8x1024xf32, #tpu.memory_space<vmem>>, vector<16xf32>,
      %parallel_loop3A_532 = tpu.vector_load_idx %arg7[%broadcast_in_dim3A_66, %parallel_loop3A_477] : memref<8x1024xf32, #tpu.memory_space<vmem>>[vector<16xi32>, vector<16xi32>], vector<16xf32>,
      %parallel_loop3A_533 = arith.constant 16 : i32
      %parallel_loop3A_534 = arith.muli %parallel_loop3A_533, %parallel_loop3A_471 : i32
      %parallel_loop3A_535 = arith.constant 1 : i32
      %parallel_loop3A_536 = arith.constant 6 : i32
      %parallel_loop3A_537 = arith.index_cast %parallel_loop3A_535 : i32 to index
      %parallel_loop3A_538 = arith.index_cast %parallel_loop3A_536 : i32 to index
      %parallel_loop3A_539 = arith.index_cast %parallel_loop3A_534 : i32 to index
      %parallel_loop3A_540 = tpu.vector_load %arg9[%parallel_loop3A_537, %parallel_loop3A_538, %parallel_loop3A_539] {strides = array<i32>} : memref<2x8x1024xf32, #tpu.memory_space<vmem>>, vector<16xf32>,
      tpu.vector_store %arg9[%parallel_loop3A_537, %parallel_loop3A_538, %parallel_loop3A_539], %parallel_loop3A_532 {strides = array<i32>} : memref<2x8x1024xf32, #tpu.memory_space<vmem>>, vector<16xf32>,
      %parallel_loop3A_541 = tpu.vector_load_idx %arg7[%broadcast_in_dim3A_68, %parallel_loop3A_477] : memref<8x1024xf32, #tpu.memory_space<vmem>>[vector<16xi32>, vector<16xi32>], vector<16xf32>,
      %parallel_loop3A_542 = arith.constant 16 : i32
      %parallel_loop3A_543 = arith.muli %parallel_loop3A_542, %parallel_loop3A_471 : i32
      %parallel_loop3A_544 = arith.constant 1 : i32
      %parallel_loop3A_545 = arith.constant 7 : i32
      %parallel_loop3A_546 = arith.index_cast %parallel_loop3A_544 : i32 to index
      %parallel_loop3A_547 = arith.index_cast %parallel_loop3A_545 : i32 to index
      %parallel_loop3A_548 = arith.index_cast %parallel_loop3A_543 : i32 to index
      %parallel_loop3A_549 = tpu.vector_load %arg9[%parallel_loop3A_546, %parallel_loop3A_547, %parallel_loop3A_548] {strides = array<i32>} : memref<2x8x1024xf32, #tpu.memory_space<vmem>>, vector<16xf32>,
      tpu.vector_store %arg9[%parallel_loop3A_546, %parallel_loop3A_547, %parallel_loop3A_548], %parallel_loop3A_541 {strides = array<i32>} : memref<2x8x1024xf32, #tpu.memory_space<vmem>>, vector<16xf32>,
    } {sc.loop_unroll_factor = 2 : i64, sc.parallel_access}
    %mul3A_72 = arith.constant 8 : i32
    %mul3A_73 = arith.muli %mul3A_72, %add3A : i32
    %dma_start3A_74 = arith.constant 1 : i32
    %dma_start3A_75 = arith.constant 1 : i32
    %dma_start3A_76 = arith.constant 0 : i32
    %dma_start3A_77 = arith.constant 0 : i32
    %dma_start3A_78 = tpu.memref_slice %arg9[%dma_start3A_74, %dma_start3A_76, %dma_start3A_77] : memref<2x8x1024xf32, #tpu.memory_space<vmem>> -> memref<1x8x1024xf32, #tpu.memory_space<vmem>>
    %dma_start3A_79 = tpu.memref_squeeze %dma_start3A_78 : memref<1x8x1024xf32, #tpu.memory_space<vmem>> -> memref<8x1024xf32, #tpu.memory_space<vmem>>
    %dma_start3A_80 = arith.constant 0 : i32
    %dma_start3A_81 = tpu.memref_slice %arg5[%dma_start3A_75, %mul3A_73, %dma_start3A_80] : memref<8x256x1024xf32, #tpu.memory_space<hbm>> -> memref<1x8x1024xf32, #tpu.memory_space<hbm>>
    %dma_start3A_82 = tpu.memref_squeeze %dma_start3A_81 : memref<1x8x1024xf32, #tpu.memory_space<hbm>> -> memref<8x1024xf32, #tpu.memory_space<hbm>>
    %dma_start3A_83 = arith.constant 0 : i32
    %dma_start3A_84 = tpu.memref_slice %arg5[%dma_start3A_75, %mul3A_73, %dma_start3A_83] : memref<8x256x1024xf32, #tpu.memory_space<hbm>> -> memref<1x8x1024xf32, #tpu.memory_space<hbm>>
    %dma_start3A_85 = tpu.memref_squeeze %dma_start3A_84 : memref<1x8x1024xf32, #tpu.memory_space<hbm>> -> memref<8x1024xf32, #tpu.memory_space<hbm>>
    %dma_start3A_86 = arith.constant 0 : i32
    %dma_start3A_87 = arith.constant 0 : i32
    %dma_start3A_88 = tpu.memref_slice %arg9[%dma_start3A_74, %dma_start3A_86, %dma_start3A_87] : memref<2x8x1024xf32, #tpu.memory_space<vmem>> -> memref<1x8x1024xf32, #tpu.memory_space<vmem>>
    %dma_start3A_89 = tpu.memref_squeeze %dma_start3A_88 : memref<1x8x1024xf32, #tpu.memory_space<vmem>> -> memref<8x1024xf32, #tpu.memory_space<vmem>>
    tpu.enqueue_dma source(%dma_start3A_89 : memref<8x1024xf32, #tpu.memory_space<vmem>>) target(%dma_start3A_85 : memref<8x1024xf32, #tpu.memory_space<hbm>>) target_semaphore(%arg16 : memref<!tpu.dma_semaphore, #tpu.memory_space<semaphore_mem>>)
    %dma_wait3A = arith.constant 0 : i32
    %dma_wait3A_90 = arith.constant 0 : i32
    %dma_wait3A_91 = arith.constant 0 : i32
    %dma_wait3A_92 = arith.constant 0 : i32
    %dma_wait3A_93 = tpu.memref_slice %arg9[%dma_wait3A, %dma_wait3A_91, %dma_wait3A_92] : memref<2x8x1024xf32, #tpu.memory_space<vmem>> -> memref<1x8x1024xf32, #tpu.memory_space<vmem>>
    %dma_wait3A_94 = tpu.memref_squeeze %dma_wait3A_93 : memref<1x8x1024xf32, #tpu.memory_space<vmem>> -> memref<8x1024xf32, #tpu.memory_space<vmem>>
    %dma_wait3A_95 = arith.constant 0 : i32
    %dma_wait3A_96 = tpu.memref_slice %arg5[%dma_wait3A_90, %mul3A_32, %dma_wait3A_95] : memref<8x256x1024xf32, #tpu.memory_space<hbm>> -> memref<1x8x1024xf32, #tpu.memory_space<hbm>>
    %dma_wait3A_97 = tpu.memref_squeeze %dma_wait3A_96 : memref<1x8x1024xf32, #tpu.memory_space<hbm>> -> memref<8x1024xf32, #tpu.memory_space<hbm>>
    %dma_wait3A_98 = arith.constant 0 : i32
    %dma_wait3A_99 = tpu.memref_slice %arg5[%dma_wait3A_90, %mul3A_32, %dma_wait3A_98] : memref<8x256x1024xf32, #tpu.memory_space<hbm>> -> memref<1x8x1024xf32, #tpu.memory_space<hbm>>
    %dma_wait3A_100 = tpu.memref_squeeze %dma_wait3A_99 : memref<1x8x1024xf32, #tpu.memory_space<hbm>> -> memref<8x1024xf32, #tpu.memory_space<hbm>>
    %dma_wait3A_101 = arith.constant 0 : i32
    %dma_wait3A_102 = arith.constant 0 : i32
    %dma_wait3A_103 = tpu.memref_slice %arg9[%dma_wait3A, %dma_wait3A_101, %dma_wait3A_102] : memref<2x8x1024xf32, #tpu.memory_space<vmem>> -> memref<1x8x1024xf32, #tpu.memory_space<vmem>>
    %dma_wait3A_104 = tpu.memref_squeeze %dma_wait3A_103 : memref<1x8x1024xf32, #tpu.memory_space<vmem>> -> memref<8x1024xf32, #tpu.memory_space<vmem>>
    tpu.wait_dma2 semaphore(%arg15 : memref<!tpu.dma_semaphore, #tpu.memory_space<semaphore_mem>>) src(%dma_wait3A_104 : memref<8x1024xf32, #tpu.memory_space<vmem>>) dst(%dma_wait3A_100 : memref<8x1024xf32, #tpu.memory_space<hbm>>)
    %scan3A_105 = arith.constant 0 : i32
    %scan3A_106 = arith.constant 4 : i32
    %scan3A_107 = arith.addi %scan3A_105, %scan3A_106 : i32
    %scan3A_108 = arith.constant 1 : i32
    scf.for %scan3A_471 = %scan3A_105 to %scan3A_107 step %scan3A_108  : i32 {
      %mul3A_472 = arith.constant 64 : i32
      %mul3A_473 = arith.muli %mul3A_472, %arg1 : i32
      %mul3A_474 = arith.constant 16 : i32
      %mul3A_475 = arith.muli %mul3A_474, %scan3A_471 : i32
      %add3A_476 = arith.addi %mul3A_473, %mul3A_475 : i32
      %get3A = arith.constant 2 : i32
      %get3A_477 = arith.index_cast %get3A : i32 to index
      %get3A_478 = arith.index_cast %add3A_476 : i32 to index
      %get3A_479 = tpu.vector_load %arg8[%get3A_477, %get3A_478] {strides = array<i32>} : memref<8x1024xi32, #tpu.memory_space<vmem>>, vector<16xi32>,
      %ge3A = vector.broadcast %mul3A_6 : i32 to vector<16xi32>
      %ge3A_480 = arith.cmpi sge, %get3A_479, %ge3A : vector<16xi32>
      %add3A_481 = arith.constant 512 : i32
      %add3A_482 = arith.addi %mul3A_6, %add3A_481 : i32
      %lt3A = vector.broadcast %add3A_482 : i32 to vector<16xi32>
      %lt3A_483 = arith.cmpi slt, %get3A_479, %lt3A : vector<16xi32>
      %and3A = arith.andi %ge3A_480, %lt3A_483 : vector<16xi1>
      tpu.vector_store_idx %arg10[%get3A_479], %broadcast_in_dim3A_7 masked %and3A {add = true} : memref<1024xi32, #tpu.memory_space<vmem>>[vector<16xi32>], vector<16xi32>, vector<16xi1>
    }
    %scan3A_109 = arith.constant 4 : i32
    %broadcast_in_dim3A_110 = arith.constant 0 : i32
    %broadcast_in_dim3A_111 = vector.broadcast %broadcast_in_dim3A_110 : i32 to vector<16xi32>
    %broadcast_in_dim3A_112 = arith.constant 1 : i32
    %broadcast_in_dim3A_113 = vector.broadcast %broadcast_in_dim3A_112 : i32 to vector<16xi32>
    %broadcast_in_dim3A_114 = arith.constant 2 : i32
    %broadcast_in_dim3A_115 = vector.broadcast %broadcast_in_dim3A_114 : i32 to vector<16xi32>
    %broadcast_in_dim3A_116 = arith.constant 3 : i32
    %broadcast_in_dim3A_117 = vector.broadcast %broadcast_in_dim3A_116 : i32 to vector<16xi32>
    %broadcast_in_dim3A_118 = arith.constant 4 : i32
    %broadcast_in_dim3A_119 = vector.broadcast %broadcast_in_dim3A_118 : i32 to vector<16xi32>
    %broadcast_in_dim3A_120 = arith.constant 5 : i32
    %broadcast_in_dim3A_121 = vector.broadcast %broadcast_in_dim3A_120 : i32 to vector<16xi32>
    %broadcast_in_dim3A_122 = arith.constant 6 : i32
    %broadcast_in_dim3A_123 = vector.broadcast %broadcast_in_dim3A_122 : i32 to vector<16xi32>
    %broadcast_in_dim3A_124 = arith.constant 7 : i32
    %broadcast_in_dim3A_125 = vector.broadcast %broadcast_in_dim3A_124 : i32 to vector<16xi32>
    %parallel_loop3A_126 = arith.constant 0 : i32
    %parallel_loop3A_127 = arith.constant 64 : i32
    %parallel_loop3A_128 = arith.constant 1 : i32
    scf.for %parallel_loop3A_471 = %parallel_loop3A_126 to %parallel_loop3A_127 step %parallel_loop3A_128  : i32 {
      %parallel_loop3A_472 = arith.constant 16 : i32
      %parallel_loop3A_473 = arith.muli %parallel_loop3A_472, %parallel_loop3A_471 : i32
      %parallel_loop3A_474 = arith.constant 2 : i32
      %parallel_loop3A_475 = arith.index_cast %parallel_loop3A_474 : i32 to index
      %parallel_loop3A_476 = arith.index_cast %parallel_loop3A_473 : i32 to index
      %parallel_loop3A_477 = tpu.vector_load %arg8[%parallel_loop3A_475, %parallel_loop3A_476] {strides = array<i32>} : memref<8x1024xi32, #tpu.memory_space<vmem>>, vector<16xi32>,
      %parallel_loop3A_478 = tpu.vector_load_idx %arg7[%broadcast_in_dim3A_111, %parallel_loop3A_477] : memref<8x1024xf32, #tpu.memory_space<vmem>>[vector<16xi32>, vector<16xi32>], vector<16xf32>,
      %parallel_loop3A_479 = arith.constant 16 : i32
      %parallel_loop3A_480 = arith.muli %parallel_loop3A_479, %parallel_loop3A_471 : i32
      %parallel_loop3A_481 = arith.constant 0 : i32
      %parallel_loop3A_482 = arith.constant 0 : i32
      %parallel_loop3A_483 = arith.index_cast %parallel_loop3A_481 : i32 to index
      %parallel_loop3A_484 = arith.index_cast %parallel_loop3A_482 : i32 to index
      %parallel_loop3A_485 = arith.index_cast %parallel_loop3A_480 : i32 to index
      %parallel_loop3A_486 = tpu.vector_load %arg9[%parallel_loop3A_483, %parallel_loop3A_484, %parallel_loop3A_485] {strides = array<i32>} : memref<2x8x1024xf32, #tpu.memory_space<vmem>>, vector<16xf32>,
      tpu.vector_store %arg9[%parallel_loop3A_483, %parallel_loop3A_484, %parallel_loop3A_485], %parallel_loop3A_478 {strides = array<i32>} : memref<2x8x1024xf32, #tpu.memory_space<vmem>>, vector<16xf32>,
      %parallel_loop3A_487 = tpu.vector_load_idx %arg7[%broadcast_in_dim3A_113, %parallel_loop3A_477] : memref<8x1024xf32, #tpu.memory_space<vmem>>[vector<16xi32>, vector<16xi32>], vector<16xf32>,
      %parallel_loop3A_488 = arith.constant 16 : i32
      %parallel_loop3A_489 = arith.muli %parallel_loop3A_488, %parallel_loop3A_471 : i32
      %parallel_loop3A_490 = arith.constant 0 : i32
      %parallel_loop3A_491 = arith.constant 1 : i32
      %parallel_loop3A_492 = arith.index_cast %parallel_loop3A_490 : i32 to index
      %parallel_loop3A_493 = arith.index_cast %parallel_loop3A_491 : i32 to index
      %parallel_loop3A_494 = arith.index_cast %parallel_loop3A_489 : i32 to index
      %parallel_loop3A_495 = tpu.vector_load %arg9[%parallel_loop3A_492, %parallel_loop3A_493, %parallel_loop3A_494] {strides = array<i32>} : memref<2x8x1024xf32, #tpu.memory_space<vmem>>, vector<16xf32>,
      tpu.vector_store %arg9[%parallel_loop3A_492, %parallel_loop3A_493, %parallel_loop3A_494], %parallel_loop3A_487 {strides = array<i32>} : memref<2x8x1024xf32, #tpu.memory_space<vmem>>, vector<16xf32>,
      %parallel_loop3A_496 = tpu.vector_load_idx %arg7[%broadcast_in_dim3A_115, %parallel_loop3A_477] : memref<8x1024xf32, #tpu.memory_space<vmem>>[vector<16xi32>, vector<16xi32>], vector<16xf32>,
      %parallel_loop3A_497 = arith.constant 16 : i32
      %parallel_loop3A_498 = arith.muli %parallel_loop3A_497, %parallel_loop3A_471 : i32
      %parallel_loop3A_499 = arith.constant 0 : i32
      %parallel_loop3A_500 = arith.constant 2 : i32
      %parallel_loop3A_501 = arith.index_cast %parallel_loop3A_499 : i32 to index
      %parallel_loop3A_502 = arith.index_cast %parallel_loop3A_500 : i32 to index
      %parallel_loop3A_503 = arith.index_cast %parallel_loop3A_498 : i32 to index
      %parallel_loop3A_504 = tpu.vector_load %arg9[%parallel_loop3A_501, %parallel_loop3A_502, %parallel_loop3A_503] {strides = array<i32>} : memref<2x8x1024xf32, #tpu.memory_space<vmem>>, vector<16xf32>,
      tpu.vector_store %arg9[%parallel_loop3A_501, %parallel_loop3A_502, %parallel_loop3A_503], %parallel_loop3A_496 {strides = array<i32>} : memref<2x8x1024xf32, #tpu.memory_space<vmem>>, vector<16xf32>,
      %parallel_loop3A_505 = tpu.vector_load_idx %arg7[%broadcast_in_dim3A_117, %parallel_loop3A_477] : memref<8x1024xf32, #tpu.memory_space<vmem>>[vector<16xi32>, vector<16xi32>], vector<16xf32>,
      %parallel_loop3A_506 = arith.constant 16 : i32
      %parallel_loop3A_507 = arith.muli %parallel_loop3A_506, %parallel_loop3A_471 : i32
      %parallel_loop3A_508 = arith.constant 0 : i32
      %parallel_loop3A_509 = arith.constant 3 : i32
      %parallel_loop3A_510 = arith.index_cast %parallel_loop3A_508 : i32 to index
      %parallel_loop3A_511 = arith.index_cast %parallel_loop3A_509 : i32 to index
      %parallel_loop3A_512 = arith.index_cast %parallel_loop3A_507 : i32 to index
      %parallel_loop3A_513 = tpu.vector_load %arg9[%parallel_loop3A_510, %parallel_loop3A_511, %parallel_loop3A_512] {strides = array<i32>} : memref<2x8x1024xf32, #tpu.memory_space<vmem>>, vector<16xf32>,
      tpu.vector_store %arg9[%parallel_loop3A_510, %parallel_loop3A_511, %parallel_loop3A_512], %parallel_loop3A_505 {strides = array<i32>} : memref<2x8x1024xf32, #tpu.memory_space<vmem>>, vector<16xf32>,
      %parallel_loop3A_514 = tpu.vector_load_idx %arg7[%broadcast_in_dim3A_119, %parallel_loop3A_477] : memref<8x1024xf32, #tpu.memory_space<vmem>>[vector<16xi32>, vector<16xi32>], vector<16xf32>,
      %parallel_loop3A_515 = arith.constant 16 : i32
      %parallel_loop3A_516 = arith.muli %parallel_loop3A_515, %parallel_loop3A_471 : i32
      %parallel_loop3A_517 = arith.constant 0 : i32
      %parallel_loop3A_518 = arith.constant 4 : i32
      %parallel_loop3A_519 = arith.index_cast %parallel_loop3A_517 : i32 to index
      %parallel_loop3A_520 = arith.index_cast %parallel_loop3A_518 : i32 to index
      %parallel_loop3A_521 = arith.index_cast %parallel_loop3A_516 : i32 to index
      %parallel_loop3A_522 = tpu.vector_load %arg9[%parallel_loop3A_519, %parallel_loop3A_520, %parallel_loop3A_521] {strides = array<i32>} : memref<2x8x1024xf32, #tpu.memory_space<vmem>>, vector<16xf32>,
      tpu.vector_store %arg9[%parallel_loop3A_519, %parallel_loop3A_520, %parallel_loop3A_521], %parallel_loop3A_514 {strides = array<i32>} : memref<2x8x1024xf32, #tpu.memory_space<vmem>>, vector<16xf32>,
      %parallel_loop3A_523 = tpu.vector_load_idx %arg7[%broadcast_in_dim3A_121, %parallel_loop3A_477] : memref<8x1024xf32, #tpu.memory_space<vmem>>[vector<16xi32>, vector<16xi32>], vector<16xf32>,
      %parallel_loop3A_524 = arith.constant 16 : i32
      %parallel_loop3A_525 = arith.muli %parallel_loop3A_524, %parallel_loop3A_471 : i32
      %parallel_loop3A_526 = arith.constant 0 : i32
      %parallel_loop3A_527 = arith.constant 5 : i32
      %parallel_loop3A_528 = arith.index_cast %parallel_loop3A_526 : i32 to index
      %parallel_loop3A_529 = arith.index_cast %parallel_loop3A_527 : i32 to index
      %parallel_loop3A_530 = arith.index_cast %parallel_loop3A_525 : i32 to index
      %parallel_loop3A_531 = tpu.vector_load %arg9[%parallel_loop3A_528, %parallel_loop3A_529, %parallel_loop3A_530] {strides = array<i32>} : memref<2x8x1024xf32, #tpu.memory_space<vmem>>, vector<16xf32>,
      tpu.vector_store %arg9[%parallel_loop3A_528, %parallel_loop3A_529, %parallel_loop3A_530], %parallel_loop3A_523 {strides = array<i32>} : memref<2x8x1024xf32, #tpu.memory_space<vmem>>, vector<16xf32>,
      %parallel_loop3A_532 = tpu.vector_load_idx %arg7[%broadcast_in_dim3A_123, %parallel_loop3A_477] : memref<8x1024xf32, #tpu.memory_space<vmem>>[vector<16xi32>, vector<16xi32>], vector<16xf32>,
      %parallel_loop3A_533 = arith.constant 16 : i32
      %parallel_loop3A_534 = arith.muli %parallel_loop3A_533, %parallel_loop3A_471 : i32
      %parallel_loop3A_535 = arith.constant 0 : i32
      %parallel_loop3A_536 = arith.constant 6 : i32
      %parallel_loop3A_537 = arith.index_cast %parallel_loop3A_535 : i32 to index
      %parallel_loop3A_538 = arith.index_cast %parallel_loop3A_536 : i32 to index
      %parallel_loop3A_539 = arith.index_cast %parallel_loop3A_534 : i32 to index
      %parallel_loop3A_540 = tpu.vector_load %arg9[%parallel_loop3A_537, %parallel_loop3A_538, %parallel_loop3A_539] {strides = array<i32>} : memref<2x8x1024xf32, #tpu.memory_space<vmem>>, vector<16xf32>,
      tpu.vector_store %arg9[%parallel_loop3A_537, %parallel_loop3A_538, %parallel_loop3A_539], %parallel_loop3A_532 {strides = array<i32>} : memref<2x8x1024xf32, #tpu.memory_space<vmem>>, vector<16xf32>,
      %parallel_loop3A_541 = tpu.vector_load_idx %arg7[%broadcast_in_dim3A_125, %parallel_loop3A_477] : memref<8x1024xf32, #tpu.memory_space<vmem>>[vector<16xi32>, vector<16xi32>], vector<16xf32>,
      %parallel_loop3A_542 = arith.constant 16 : i32
      %parallel_loop3A_543 = arith.muli %parallel_loop3A_542, %parallel_loop3A_471 : i32
      %parallel_loop3A_544 = arith.constant 0 : i32
      %parallel_loop3A_545 = arith.constant 7 : i32
      %parallel_loop3A_546 = arith.index_cast %parallel_loop3A_544 : i32 to index
      %parallel_loop3A_547 = arith.index_cast %parallel_loop3A_545 : i32 to index
      %parallel_loop3A_548 = arith.index_cast %parallel_loop3A_543 : i32 to index
      %parallel_loop3A_549 = tpu.vector_load %arg9[%parallel_loop3A_546, %parallel_loop3A_547, %parallel_loop3A_548] {strides = array<i32>} : memref<2x8x1024xf32, #tpu.memory_space<vmem>>, vector<16xf32>,
      tpu.vector_store %arg9[%parallel_loop3A_546, %parallel_loop3A_547, %parallel_loop3A_548], %parallel_loop3A_541 {strides = array<i32>} : memref<2x8x1024xf32, #tpu.memory_space<vmem>>, vector<16xf32>,
    } {sc.loop_unroll_factor = 2 : i64, sc.parallel_access}
    %mul3A_129 = arith.constant 8 : i32
    %mul3A_130 = arith.muli %mul3A_129, %add3A : i32
    %dma_start3A_131 = arith.constant 0 : i32
    %dma_start3A_132 = arith.constant 2 : i32
    %dma_start3A_133 = arith.constant 0 : i32
    %dma_start3A_134 = arith.constant 0 : i32
    %dma_start3A_135 = tpu.memref_slice %arg9[%dma_start3A_131, %dma_start3A_133, %dma_start3A_134] : memref<2x8x1024xf32, #tpu.memory_space<vmem>> -> memref<1x8x1024xf32, #tpu.memory_space<vmem>>
    %dma_start3A_136 = tpu.memref_squeeze %dma_start3A_135 : memref<1x8x1024xf32, #tpu.memory_space<vmem>> -> memref<8x1024xf32, #tpu.memory_space<vmem>>
    %dma_start3A_137 = arith.constant 0 : i32
    %dma_start3A_138 = tpu.memref_slice %arg5[%dma_start3A_132, %mul3A_130, %dma_start3A_137] : memref<8x256x1024xf32, #tpu.memory_space<hbm>> -> memref<1x8x1024xf32, #tpu.memory_space<hbm>>
    %dma_start3A_139 = tpu.memref_squeeze %dma_start3A_138 : memref<1x8x1024xf32, #tpu.memory_space<hbm>> -> memref<8x1024xf32, #tpu.memory_space<hbm>>
    %dma_start3A_140 = arith.constant 0 : i32
    %dma_start3A_141 = tpu.memref_slice %arg5[%dma_start3A_132, %mul3A_130, %dma_start3A_140] : memref<8x256x1024xf32, #tpu.memory_space<hbm>> -> memref<1x8x1024xf32, #tpu.memory_space<hbm>>
    %dma_start3A_142 = tpu.memref_squeeze %dma_start3A_141 : memref<1x8x1024xf32, #tpu.memory_space<hbm>> -> memref<8x1024xf32, #tpu.memory_space<hbm>>
    %dma_start3A_143 = arith.constant 0 : i32
    %dma_start3A_144 = arith.constant 0 : i32
    %dma_start3A_145 = tpu.memref_slice %arg9[%dma_start3A_131, %dma_start3A_143, %dma_start3A_144] : memref<2x8x1024xf32, #tpu.memory_space<vmem>> -> memref<1x8x1024xf32, #tpu.memory_space<vmem>>
    %dma_start3A_146 = tpu.memref_squeeze %dma_start3A_145 : memref<1x8x1024xf32, #tpu.memory_space<vmem>> -> memref<8x1024xf32, #tpu.memory_space<vmem>>
    tpu.enqueue_dma source(%dma_start3A_146 : memref<8x1024xf32, #tpu.memory_space<vmem>>) target(%dma_start3A_142 : memref<8x1024xf32, #tpu.memory_space<hbm>>) target_semaphore(%arg15 : memref<!tpu.dma_semaphore, #tpu.memory_space<semaphore_mem>>)
    %dma_wait3A_147 = arith.constant 1 : i32
    %dma_wait3A_148 = arith.constant 1 : i32
    %dma_wait3A_149 = arith.constant 0 : i32
    %dma_wait3A_150 = arith.constant 0 : i32
    %dma_wait3A_151 = tpu.memref_slice %arg9[%dma_wait3A_147, %dma_wait3A_149, %dma_wait3A_150] : memref<2x8x1024xf32, #tpu.memory_space<vmem>> -> memref<1x8x1024xf32, #tpu.memory_space<vmem>>
    %dma_wait3A_152 = tpu.memref_squeeze %dma_wait3A_151 : memref<1x8x1024xf32, #tpu.memory_space<vmem>> -> memref<8x1024xf32, #tpu.memory_space<vmem>>
    %dma_wait3A_153 = arith.constant 0 : i32
    %dma_wait3A_154 = tpu.memref_slice %arg5[%dma_wait3A_148, %mul3A_73, %dma_wait3A_153] : memref<8x256x1024xf32, #tpu.memory_space<hbm>> -> memref<1x8x1024xf32, #tpu.memory_space<hbm>>
    %dma_wait3A_155 = tpu.memref_squeeze %dma_wait3A_154 : memref<1x8x1024xf32, #tpu.memory_space<hbm>> -> memref<8x1024xf32, #tpu.memory_space<hbm>>
    %dma_wait3A_156 = arith.constant 0 : i32
    %dma_wait3A_157 = tpu.memref_slice %arg5[%dma_wait3A_148, %mul3A_73, %dma_wait3A_156] : memref<8x256x1024xf32, #tpu.memory_space<hbm>> -> memref<1x8x1024xf32, #tpu.memory_space<hbm>>
    %dma_wait3A_158 = tpu.memref_squeeze %dma_wait3A_157 : memref<1x8x1024xf32, #tpu.memory_space<hbm>> -> memref<8x1024xf32, #tpu.memory_space<hbm>>
    %dma_wait3A_159 = arith.constant 0 : i32
    %dma_wait3A_160 = arith.constant 0 : i32
    %dma_wait3A_161 = tpu.memref_slice %arg9[%dma_wait3A_147, %dma_wait3A_159, %dma_wait3A_160] : memref<2x8x1024xf32, #tpu.memory_space<vmem>> -> memref<1x8x1024xf32, #tpu.memory_space<vmem>>
    %dma_wait3A_162 = tpu.memref_squeeze %dma_wait3A_161 : memref<1x8x1024xf32, #tpu.memory_space<vmem>> -> memref<8x1024xf32, #tpu.memory_space<vmem>>
    tpu.wait_dma2 semaphore(%arg16 : memref<!tpu.dma_semaphore, #tpu.memory_space<semaphore_mem>>) src(%dma_wait3A_162 : memref<8x1024xf32, #tpu.memory_space<vmem>>) dst(%dma_wait3A_158 : memref<8x1024xf32, #tpu.memory_space<hbm>>)
    %scan3A_163 = arith.constant 0 : i32
    %scan3A_164 = arith.constant 4 : i32
    %scan3A_165 = arith.addi %scan3A_163, %scan3A_164 : i32
    %scan3A_166 = arith.constant 1 : i32
    scf.for %scan3A_471 = %scan3A_163 to %scan3A_165 step %scan3A_166  : i32 {
      %mul3A_472 = arith.constant 64 : i32
      %mul3A_473 = arith.muli %mul3A_472, %arg1 : i32
      %mul3A_474 = arith.constant 16 : i32
      %mul3A_475 = arith.muli %mul3A_474, %scan3A_471 : i32
      %add3A_476 = arith.addi %mul3A_473, %mul3A_475 : i32
      %get3A = arith.constant 3 : i32
      %get3A_477 = arith.index_cast %get3A : i32 to index
      %get3A_478 = arith.index_cast %add3A_476 : i32 to index
      %get3A_479 = tpu.vector_load %arg8[%get3A_477, %get3A_478] {strides = array<i32>} : memref<8x1024xi32, #tpu.memory_space<vmem>>, vector<16xi32>,
      %ge3A = vector.broadcast %mul3A_6 : i32 to vector<16xi32>
      %ge3A_480 = arith.cmpi sge, %get3A_479, %ge3A : vector<16xi32>
      %add3A_481 = arith.constant 512 : i32
      %add3A_482 = arith.addi %mul3A_6, %add3A_481 : i32
      %lt3A = vector.broadcast %add3A_482 : i32 to vector<16xi32>
      %lt3A_483 = arith.cmpi slt, %get3A_479, %lt3A : vector<16xi32>
      %and3A = arith.andi %ge3A_480, %lt3A_483 : vector<16xi1>
      tpu.vector_store_idx %arg10[%get3A_479], %broadcast_in_dim3A_7 masked %and3A {add = true} : memref<1024xi32, #tpu.memory_space<vmem>>[vector<16xi32>], vector<16xi32>, vector<16xi1>
    }
    %scan3A_167 = arith.constant 4 : i32
    %broadcast_in_dim3A_168 = arith.constant 0 : i32
    %broadcast_in_dim3A_169 = vector.broadcast %broadcast_in_dim3A_168 : i32 to vector<16xi32>
    %broadcast_in_dim3A_170 = arith.constant 1 : i32
    %broadcast_in_dim3A_171 = vector.broadcast %broadcast_in_dim3A_170 : i32 to vector<16xi32>
    %broadcast_in_dim3A_172 = arith.constant 2 : i32
    %broadcast_in_dim3A_173 = vector.broadcast %broadcast_in_dim3A_172 : i32 to vector<16xi32>
    %broadcast_in_dim3A_174 = arith.constant 3 : i32
    %broadcast_in_dim3A_175 = vector.broadcast %broadcast_in_dim3A_174 : i32 to vector<16xi32>
    %broadcast_in_dim3A_176 = arith.constant 4 : i32
    %broadcast_in_dim3A_177 = vector.broadcast %broadcast_in_dim3A_176 : i32 to vector<16xi32>
    %broadcast_in_dim3A_178 = arith.constant 5 : i32
    %broadcast_in_dim3A_179 = vector.broadcast %broadcast_in_dim3A_178 : i32 to vector<16xi32>
    %broadcast_in_dim3A_180 = arith.constant 6 : i32
    %broadcast_in_dim3A_181 = vector.broadcast %broadcast_in_dim3A_180 : i32 to vector<16xi32>
    %broadcast_in_dim3A_182 = arith.constant 7 : i32
    %broadcast_in_dim3A_183 = vector.broadcast %broadcast_in_dim3A_182 : i32 to vector<16xi32>
    %parallel_loop3A_184 = arith.constant 0 : i32
    %parallel_loop3A_185 = arith.constant 64 : i32
    %parallel_loop3A_186 = arith.constant 1 : i32
    scf.for %parallel_loop3A_471 = %parallel_loop3A_184 to %parallel_loop3A_185 step %parallel_loop3A_186  : i32 {
      %parallel_loop3A_472 = arith.constant 16 : i32
      %parallel_loop3A_473 = arith.muli %parallel_loop3A_472, %parallel_loop3A_471 : i32
      %parallel_loop3A_474 = arith.constant 3 : i32
      %parallel_loop3A_475 = arith.index_cast %parallel_loop3A_474 : i32 to index
      %parallel_loop3A_476 = arith.index_cast %parallel_loop3A_473 : i32 to index
      %parallel_loop3A_477 = tpu.vector_load %arg8[%parallel_loop3A_475, %parallel_loop3A_476] {strides = array<i32>} : memref<8x1024xi32, #tpu.memory_space<vmem>>, vector<16xi32>,
      %parallel_loop3A_478 = tpu.vector_load_idx %arg7[%broadcast_in_dim3A_169, %parallel_loop3A_477] : memref<8x1024xf32, #tpu.memory_space<vmem>>[vector<16xi32>, vector<16xi32>], vector<16xf32>,
      %parallel_loop3A_479 = arith.constant 16 : i32
      %parallel_loop3A_480 = arith.muli %parallel_loop3A_479, %parallel_loop3A_471 : i32
      %parallel_loop3A_481 = arith.constant 1 : i32
      %parallel_loop3A_482 = arith.constant 0 : i32
      %parallel_loop3A_483 = arith.index_cast %parallel_loop3A_481 : i32 to index
      %parallel_loop3A_484 = arith.index_cast %parallel_loop3A_482 : i32 to index
      %parallel_loop3A_485 = arith.index_cast %parallel_loop3A_480 : i32 to index
      %parallel_loop3A_486 = tpu.vector_load %arg9[%parallel_loop3A_483, %parallel_loop3A_484, %parallel_loop3A_485] {strides = array<i32>} : memref<2x8x1024xf32, #tpu.memory_space<vmem>>, vector<16xf32>,
      tpu.vector_store %arg9[%parallel_loop3A_483, %parallel_loop3A_484, %parallel_loop3A_485], %parallel_loop3A_478 {strides = array<i32>} : memref<2x8x1024xf32, #tpu.memory_space<vmem>>, vector<16xf32>,
      %parallel_loop3A_487 = tpu.vector_load_idx %arg7[%broadcast_in_dim3A_171, %parallel_loop3A_477] : memref<8x1024xf32, #tpu.memory_space<vmem>>[vector<16xi32>, vector<16xi32>], vector<16xf32>,
      %parallel_loop3A_488 = arith.constant 16 : i32
      %parallel_loop3A_489 = arith.muli %parallel_loop3A_488, %parallel_loop3A_471 : i32
      %parallel_loop3A_490 = arith.constant 1 : i32
      %parallel_loop3A_491 = arith.constant 1 : i32
      %parallel_loop3A_492 = arith.index_cast %parallel_loop3A_490 : i32 to index
      %parallel_loop3A_493 = arith.index_cast %parallel_loop3A_491 : i32 to index
      %parallel_loop3A_494 = arith.index_cast %parallel_loop3A_489 : i32 to index
      %parallel_loop3A_495 = tpu.vector_load %arg9[%parallel_loop3A_492, %parallel_loop3A_493, %parallel_loop3A_494] {strides = array<i32>} : memref<2x8x1024xf32, #tpu.memory_space<vmem>>, vector<16xf32>,
      tpu.vector_store %arg9[%parallel_loop3A_492, %parallel_loop3A_493, %parallel_loop3A_494], %parallel_loop3A_487 {strides = array<i32>} : memref<2x8x1024xf32, #tpu.memory_space<vmem>>, vector<16xf32>,
      %parallel_loop3A_496 = tpu.vector_load_idx %arg7[%broadcast_in_dim3A_173, %parallel_loop3A_477] : memref<8x1024xf32, #tpu.memory_space<vmem>>[vector<16xi32>, vector<16xi32>], vector<16xf32>,
      %parallel_loop3A_497 = arith.constant 16 : i32
      %parallel_loop3A_498 = arith.muli %parallel_loop3A_497, %parallel_loop3A_471 : i32
      %parallel_loop3A_499 = arith.constant 1 : i32
      %parallel_loop3A_500 = arith.constant 2 : i32
      %parallel_loop3A_501 = arith.index_cast %parallel_loop3A_499 : i32 to index
      %parallel_loop3A_502 = arith.index_cast %parallel_loop3A_500 : i32 to index
      %parallel_loop3A_503 = arith.index_cast %parallel_loop3A_498 : i32 to index
      %parallel_loop3A_504 = tpu.vector_load %arg9[%parallel_loop3A_501, %parallel_loop3A_502, %parallel_loop3A_503] {strides = array<i32>} : memref<2x8x1024xf32, #tpu.memory_space<vmem>>, vector<16xf32>,
      tpu.vector_store %arg9[%parallel_loop3A_501, %parallel_loop3A_502, %parallel_loop3A_503], %parallel_loop3A_496 {strides = array<i32>} : memref<2x8x1024xf32, #tpu.memory_space<vmem>>, vector<16xf32>,
      %parallel_loop3A_505 = tpu.vector_load_idx %arg7[%broadcast_in_dim3A_175, %parallel_loop3A_477] : memref<8x1024xf32, #tpu.memory_space<vmem>>[vector<16xi32>, vector<16xi32>], vector<16xf32>,
      %parallel_loop3A_506 = arith.constant 16 : i32
      %parallel_loop3A_507 = arith.muli %parallel_loop3A_506, %parallel_loop3A_471 : i32
      %parallel_loop3A_508 = arith.constant 1 : i32
      %parallel_loop3A_509 = arith.constant 3 : i32
      %parallel_loop3A_510 = arith.index_cast %parallel_loop3A_508 : i32 to index
      %parallel_loop3A_511 = arith.index_cast %parallel_loop3A_509 : i32 to index
      %parallel_loop3A_512 = arith.index_cast %parallel_loop3A_507 : i32 to index
      %parallel_loop3A_513 = tpu.vector_load %arg9[%parallel_loop3A_510, %parallel_loop3A_511, %parallel_loop3A_512] {strides = array<i32>} : memref<2x8x1024xf32, #tpu.memory_space<vmem>>, vector<16xf32>,
      tpu.vector_store %arg9[%parallel_loop3A_510, %parallel_loop3A_511, %parallel_loop3A_512], %parallel_loop3A_505 {strides = array<i32>} : memref<2x8x1024xf32, #tpu.memory_space<vmem>>, vector<16xf32>,
      %parallel_loop3A_514 = tpu.vector_load_idx %arg7[%broadcast_in_dim3A_177, %parallel_loop3A_477] : memref<8x1024xf32, #tpu.memory_space<vmem>>[vector<16xi32>, vector<16xi32>], vector<16xf32>,
      %parallel_loop3A_515 = arith.constant 16 : i32
      %parallel_loop3A_516 = arith.muli %parallel_loop3A_515, %parallel_loop3A_471 : i32
      %parallel_loop3A_517 = arith.constant 1 : i32
      %parallel_loop3A_518 = arith.constant 4 : i32
      %parallel_loop3A_519 = arith.index_cast %parallel_loop3A_517 : i32 to index
      %parallel_loop3A_520 = arith.index_cast %parallel_loop3A_518 : i32 to index
      %parallel_loop3A_521 = arith.index_cast %parallel_loop3A_516 : i32 to index
      %parallel_loop3A_522 = tpu.vector_load %arg9[%parallel_loop3A_519, %parallel_loop3A_520, %parallel_loop3A_521] {strides = array<i32>} : memref<2x8x1024xf32, #tpu.memory_space<vmem>>, vector<16xf32>,
      tpu.vector_store %arg9[%parallel_loop3A_519, %parallel_loop3A_520, %parallel_loop3A_521], %parallel_loop3A_514 {strides = array<i32>} : memref<2x8x1024xf32, #tpu.memory_space<vmem>>, vector<16xf32>,
      %parallel_loop3A_523 = tpu.vector_load_idx %arg7[%broadcast_in_dim3A_179, %parallel_loop3A_477] : memref<8x1024xf32, #tpu.memory_space<vmem>>[vector<16xi32>, vector<16xi32>], vector<16xf32>,
      %parallel_loop3A_524 = arith.constant 16 : i32
      %parallel_loop3A_525 = arith.muli %parallel_loop3A_524, %parallel_loop3A_471 : i32
      %parallel_loop3A_526 = arith.constant 1 : i32
      %parallel_loop3A_527 = arith.constant 5 : i32
      %parallel_loop3A_528 = arith.index_cast %parallel_loop3A_526 : i32 to index
      %parallel_loop3A_529 = arith.index_cast %parallel_loop3A_527 : i32 to index
      %parallel_loop3A_530 = arith.index_cast %parallel_loop3A_525 : i32 to index
      %parallel_loop3A_531 = tpu.vector_load %arg9[%parallel_loop3A_528, %parallel_loop3A_529, %parallel_loop3A_530] {strides = array<i32>} : memref<2x8x1024xf32, #tpu.memory_space<vmem>>, vector<16xf32>,
      tpu.vector_store %arg9[%parallel_loop3A_528, %parallel_loop3A_529, %parallel_loop3A_530], %parallel_loop3A_523 {strides = array<i32>} : memref<2x8x1024xf32, #tpu.memory_space<vmem>>, vector<16xf32>,
      %parallel_loop3A_532 = tpu.vector_load_idx %arg7[%broadcast_in_dim3A_181, %parallel_loop3A_477] : memref<8x1024xf32, #tpu.memory_space<vmem>>[vector<16xi32>, vector<16xi32>], vector<16xf32>,
      %parallel_loop3A_533 = arith.constant 16 : i32
      %parallel_loop3A_534 = arith.muli %parallel_loop3A_533, %parallel_loop3A_471 : i32
      %parallel_loop3A_535 = arith.constant 1 : i32
      %parallel_loop3A_536 = arith.constant 6 : i32
      %parallel_loop3A_537 = arith.index_cast %parallel_loop3A_535 : i32 to index
      %parallel_loop3A_538 = arith.index_cast %parallel_loop3A_536 : i32 to index
      %parallel_loop3A_539 = arith.index_cast %parallel_loop3A_534 : i32 to index
      %parallel_loop3A_540 = tpu.vector_load %arg9[%parallel_loop3A_537, %parallel_loop3A_538, %parallel_loop3A_539] {strides = array<i32>} : memref<2x8x1024xf32, #tpu.memory_space<vmem>>, vector<16xf32>,
      tpu.vector_store %arg9[%parallel_loop3A_537, %parallel_loop3A_538, %parallel_loop3A_539], %parallel_loop3A_532 {strides = array<i32>} : memref<2x8x1024xf32, #tpu.memory_space<vmem>>, vector<16xf32>,
      %parallel_loop3A_541 = tpu.vector_load_idx %arg7[%broadcast_in_dim3A_183, %parallel_loop3A_477] : memref<8x1024xf32, #tpu.memory_space<vmem>>[vector<16xi32>, vector<16xi32>], vector<16xf32>,
      %parallel_loop3A_542 = arith.constant 16 : i32
      %parallel_loop3A_543 = arith.muli %parallel_loop3A_542, %parallel_loop3A_471 : i32
      %parallel_loop3A_544 = arith.constant 1 : i32
      %parallel_loop3A_545 = arith.constant 7 : i32
      %parallel_loop3A_546 = arith.index_cast %parallel_loop3A_544 : i32 to index
      %parallel_loop3A_547 = arith.index_cast %parallel_loop3A_545 : i32 to index
      %parallel_loop3A_548 = arith.index_cast %parallel_loop3A_543 : i32 to index
      %parallel_loop3A_549 = tpu.vector_load %arg9[%parallel_loop3A_546, %parallel_loop3A_547, %parallel_loop3A_548] {strides = array<i32>} : memref<2x8x1024xf32, #tpu.memory_space<vmem>>, vector<16xf32>,
      tpu.vector_store %arg9[%parallel_loop3A_546, %parallel_loop3A_547, %parallel_loop3A_548], %parallel_loop3A_541 {strides = array<i32>} : memref<2x8x1024xf32, #tpu.memory_space<vmem>>, vector<16xf32>,
    } {sc.loop_unroll_factor = 2 : i64, sc.parallel_access}
    %mul3A_187 = arith.constant 8 : i32
    %mul3A_188 = arith.muli %mul3A_187, %add3A : i32
    %dma_start3A_189 = arith.constant 1 : i32
    %dma_start3A_190 = arith.constant 3 : i32
    %dma_start3A_191 = arith.constant 0 : i32
    %dma_start3A_192 = arith.constant 0 : i32
    %dma_start3A_193 = tpu.memref_slice %arg9[%dma_start3A_189, %dma_start3A_191, %dma_start3A_192] : memref<2x8x1024xf32, #tpu.memory_space<vmem>> -> memref<1x8x1024xf32, #tpu.memory_space<vmem>>
    %dma_start3A_194 = tpu.memref_squeeze %dma_start3A_193 : memref<1x8x1024xf32, #tpu.memory_space<vmem>> -> memref<8x1024xf32, #tpu.memory_space<vmem>>
    %dma_start3A_195 = arith.constant 0 : i32
    %dma_start3A_196 = tpu.memref_slice %arg5[%dma_start3A_190, %mul3A_188, %dma_start3A_195] : memref<8x256x1024xf32, #tpu.memory_space<hbm>> -> memref<1x8x1024xf32, #tpu.memory_space<hbm>>
    %dma_start3A_197 = tpu.memref_squeeze %dma_start3A_196 : memref<1x8x1024xf32, #tpu.memory_space<hbm>> -> memref<8x1024xf32, #tpu.memory_space<hbm>>
    %dma_start3A_198 = arith.constant 0 : i32
    %dma_start3A_199 = tpu.memref_slice %arg5[%dma_start3A_190, %mul3A_188, %dma_start3A_198] : memref<8x256x1024xf32, #tpu.memory_space<hbm>> -> memref<1x8x1024xf32, #tpu.memory_space<hbm>>
    %dma_start3A_200 = tpu.memref_squeeze %dma_start3A_199 : memref<1x8x1024xf32, #tpu.memory_space<hbm>> -> memref<8x1024xf32, #tpu.memory_space<hbm>>
    %dma_start3A_201 = arith.constant 0 : i32
    %dma_start3A_202 = arith.constant 0 : i32
    %dma_start3A_203 = tpu.memref_slice %arg9[%dma_start3A_189, %dma_start3A_201, %dma_start3A_202] : memref<2x8x1024xf32, #tpu.memory_space<vmem>> -> memref<1x8x1024xf32, #tpu.memory_space<vmem>>
    %dma_start3A_204 = tpu.memref_squeeze %dma_start3A_203 : memref<1x8x1024xf32, #tpu.memory_space<vmem>> -> memref<8x1024xf32, #tpu.memory_space<vmem>>
    tpu.enqueue_dma source(%dma_start3A_204 : memref<8x1024xf32, #tpu.memory_space<vmem>>) target(%dma_start3A_200 : memref<8x1024xf32, #tpu.memory_space<hbm>>) target_semaphore(%arg16 : memref<!tpu.dma_semaphore, #tpu.memory_space<semaphore_mem>>)
    %dma_wait3A_205 = arith.constant 0 : i32
    %dma_wait3A_206 = arith.constant 2 : i32
    %dma_wait3A_207 = arith.constant 0 : i32
    %dma_wait3A_208 = arith.constant 0 : i32
    %dma_wait3A_209 = tpu.memref_slice %arg9[%dma_wait3A_205, %dma_wait3A_207, %dma_wait3A_208] : memref<2x8x1024xf32, #tpu.memory_space<vmem>> -> memref<1x8x1024xf32, #tpu.memory_space<vmem>>
    %dma_wait3A_210 = tpu.memref_squeeze %dma_wait3A_209 : memref<1x8x1024xf32, #tpu.memory_space<vmem>> -> memref<8x1024xf32, #tpu.memory_space<vmem>>
    %dma_wait3A_211 = arith.constant 0 : i32
    %dma_wait3A_212 = tpu.memref_slice %arg5[%dma_wait3A_206, %mul3A_130, %dma_wait3A_211] : memref<8x256x1024xf32, #tpu.memory_space<hbm>> -> memref<1x8x1024xf32, #tpu.memory_space<hbm>>
    %dma_wait3A_213 = tpu.memref_squeeze %dma_wait3A_212 : memref<1x8x1024xf32, #tpu.memory_space<hbm>> -> memref<8x1024xf32, #tpu.memory_space<hbm>>
    %dma_wait3A_214 = arith.constant 0 : i32
    %dma_wait3A_215 = tpu.memref_slice %arg5[%dma_wait3A_206, %mul3A_130, %dma_wait3A_214] : memref<8x256x1024xf32, #tpu.memory_space<hbm>> -> memref<1x8x1024xf32, #tpu.memory_space<hbm>>
    %dma_wait3A_216 = tpu.memref_squeeze %dma_wait3A_215 : memref<1x8x1024xf32, #tpu.memory_space<hbm>> -> memref<8x1024xf32, #tpu.memory_space<hbm>>
    %dma_wait3A_217 = arith.constant 0 : i32
    %dma_wait3A_218 = arith.constant 0 : i32
    %dma_wait3A_219 = tpu.memref_slice %arg9[%dma_wait3A_205, %dma_wait3A_217, %dma_wait3A_218] : memref<2x8x1024xf32, #tpu.memory_space<vmem>> -> memref<1x8x1024xf32, #tpu.memory_space<vmem>>
    %dma_wait3A_220 = tpu.memref_squeeze %dma_wait3A_219 : memref<1x8x1024xf32, #tpu.memory_space<vmem>> -> memref<8x1024xf32, #tpu.memory_space<vmem>>
    tpu.wait_dma2 semaphore(%arg15 : memref<!tpu.dma_semaphore, #tpu.memory_space<semaphore_mem>>) src(%dma_wait3A_220 : memref<8x1024xf32, #tpu.memory_space<vmem>>) dst(%dma_wait3A_216 : memref<8x1024xf32, #tpu.memory_space<hbm>>)
    %scan3A_221 = arith.constant 0 : i32
    %scan3A_222 = arith.constant 4 : i32
    %scan3A_223 = arith.addi %scan3A_221, %scan3A_222 : i32
    %scan3A_224 = arith.constant 1 : i32
    scf.for %scan3A_471 = %scan3A_221 to %scan3A_223 step %scan3A_224  : i32 {
      %mul3A_472 = arith.constant 64 : i32
      %mul3A_473 = arith.muli %mul3A_472, %arg1 : i32
      %mul3A_474 = arith.constant 16 : i32
      %mul3A_475 = arith.muli %mul3A_474, %scan3A_471 : i32
      %add3A_476 = arith.addi %mul3A_473, %mul3A_475 : i32
      %get3A = arith.constant 4 : i32
      %get3A_477 = arith.index_cast %get3A : i32 to index
      %get3A_478 = arith.index_cast %add3A_476 : i32 to index
      %get3A_479 = tpu.vector_load %arg8[%get3A_477, %get3A_478] {strides = array<i32>} : memref<8x1024xi32, #tpu.memory_space<vmem>>, vector<16xi32>,
      %ge3A = vector.broadcast %mul3A_6 : i32 to vector<16xi32>
      %ge3A_480 = arith.cmpi sge, %get3A_479, %ge3A : vector<16xi32>
      %add3A_481 = arith.constant 512 : i32
      %add3A_482 = arith.addi %mul3A_6, %add3A_481 : i32
      %lt3A = vector.broadcast %add3A_482 : i32 to vector<16xi32>
      %lt3A_483 = arith.cmpi slt, %get3A_479, %lt3A : vector<16xi32>
      %and3A = arith.andi %ge3A_480, %lt3A_483 : vector<16xi1>
      tpu.vector_store_idx %arg10[%get3A_479], %broadcast_in_dim3A_7 masked %and3A {add = true} : memref<1024xi32, #tpu.memory_space<vmem>>[vector<16xi32>], vector<16xi32>, vector<16xi1>
    }
    %scan3A_225 = arith.constant 4 : i32
    %broadcast_in_dim3A_226 = arith.constant 0 : i32
    %broadcast_in_dim3A_227 = vector.broadcast %broadcast_in_dim3A_226 : i32 to vector<16xi32>
    %broadcast_in_dim3A_228 = arith.constant 1 : i32
    %broadcast_in_dim3A_229 = vector.broadcast %broadcast_in_dim3A_228 : i32 to vector<16xi32>
    %broadcast_in_dim3A_230 = arith.constant 2 : i32
    %broadcast_in_dim3A_231 = vector.broadcast %broadcast_in_dim3A_230 : i32 to vector<16xi32>
    %broadcast_in_dim3A_232 = arith.constant 3 : i32
    %broadcast_in_dim3A_233 = vector.broadcast %broadcast_in_dim3A_232 : i32 to vector<16xi32>
    %broadcast_in_dim3A_234 = arith.constant 4 : i32
    %broadcast_in_dim3A_235 = vector.broadcast %broadcast_in_dim3A_234 : i32 to vector<16xi32>
    %broadcast_in_dim3A_236 = arith.constant 5 : i32
    %broadcast_in_dim3A_237 = vector.broadcast %broadcast_in_dim3A_236 : i32 to vector<16xi32>
    %broadcast_in_dim3A_238 = arith.constant 6 : i32
    %broadcast_in_dim3A_239 = vector.broadcast %broadcast_in_dim3A_238 : i32 to vector<16xi32>
    %broadcast_in_dim3A_240 = arith.constant 7 : i32
    %broadcast_in_dim3A_241 = vector.broadcast %broadcast_in_dim3A_240 : i32 to vector<16xi32>
    %parallel_loop3A_242 = arith.constant 0 : i32
    %parallel_loop3A_243 = arith.constant 64 : i32
    %parallel_loop3A_244 = arith.constant 1 : i32
    scf.for %parallel_loop3A_471 = %parallel_loop3A_242 to %parallel_loop3A_243 step %parallel_loop3A_244  : i32 {
      %parallel_loop3A_472 = arith.constant 16 : i32
      %parallel_loop3A_473 = arith.muli %parallel_loop3A_472, %parallel_loop3A_471 : i32
      %parallel_loop3A_474 = arith.constant 4 : i32
      %parallel_loop3A_475 = arith.index_cast %parallel_loop3A_474 : i32 to index
      %parallel_loop3A_476 = arith.index_cast %parallel_loop3A_473 : i32 to index
      %parallel_loop3A_477 = tpu.vector_load %arg8[%parallel_loop3A_475, %parallel_loop3A_476] {strides = array<i32>} : memref<8x1024xi32, #tpu.memory_space<vmem>>, vector<16xi32>,
      %parallel_loop3A_478 = tpu.vector_load_idx %arg7[%broadcast_in_dim3A_227, %parallel_loop3A_477] : memref<8x1024xf32, #tpu.memory_space<vmem>>[vector<16xi32>, vector<16xi32>], vector<16xf32>,
      %parallel_loop3A_479 = arith.constant 16 : i32
      %parallel_loop3A_480 = arith.muli %parallel_loop3A_479, %parallel_loop3A_471 : i32
      %parallel_loop3A_481 = arith.constant 0 : i32
      %parallel_loop3A_482 = arith.constant 0 : i32
      %parallel_loop3A_483 = arith.index_cast %parallel_loop3A_481 : i32 to index
      %parallel_loop3A_484 = arith.index_cast %parallel_loop3A_482 : i32 to index
      %parallel_loop3A_485 = arith.index_cast %parallel_loop3A_480 : i32 to index
      %parallel_loop3A_486 = tpu.vector_load %arg9[%parallel_loop3A_483, %parallel_loop3A_484, %parallel_loop3A_485] {strides = array<i32>} : memref<2x8x1024xf32, #tpu.memory_space<vmem>>, vector<16xf32>,
      tpu.vector_store %arg9[%parallel_loop3A_483, %parallel_loop3A_484, %parallel_loop3A_485], %parallel_loop3A_478 {strides = array<i32>} : memref<2x8x1024xf32, #tpu.memory_space<vmem>>, vector<16xf32>,
      %parallel_loop3A_487 = tpu.vector_load_idx %arg7[%broadcast_in_dim3A_229, %parallel_loop3A_477] : memref<8x1024xf32, #tpu.memory_space<vmem>>[vector<16xi32>, vector<16xi32>], vector<16xf32>,
      %parallel_loop3A_488 = arith.constant 16 : i32
      %parallel_loop3A_489 = arith.muli %parallel_loop3A_488, %parallel_loop3A_471 : i32
      %parallel_loop3A_490 = arith.constant 0 : i32
      %parallel_loop3A_491 = arith.constant 1 : i32
      %parallel_loop3A_492 = arith.index_cast %parallel_loop3A_490 : i32 to index
      %parallel_loop3A_493 = arith.index_cast %parallel_loop3A_491 : i32 to index
      %parallel_loop3A_494 = arith.index_cast %parallel_loop3A_489 : i32 to index
      %parallel_loop3A_495 = tpu.vector_load %arg9[%parallel_loop3A_492, %parallel_loop3A_493, %parallel_loop3A_494] {strides = array<i32>} : memref<2x8x1024xf32, #tpu.memory_space<vmem>>, vector<16xf32>,
      tpu.vector_store %arg9[%parallel_loop3A_492, %parallel_loop3A_493, %parallel_loop3A_494], %parallel_loop3A_487 {strides = array<i32>} : memref<2x8x1024xf32, #tpu.memory_space<vmem>>, vector<16xf32>,
      %parallel_loop3A_496 = tpu.vector_load_idx %arg7[%broadcast_in_dim3A_231, %parallel_loop3A_477] : memref<8x1024xf32, #tpu.memory_space<vmem>>[vector<16xi32>, vector<16xi32>], vector<16xf32>,
      %parallel_loop3A_497 = arith.constant 16 : i32
      %parallel_loop3A_498 = arith.muli %parallel_loop3A_497, %parallel_loop3A_471 : i32
      %parallel_loop3A_499 = arith.constant 0 : i32
      %parallel_loop3A_500 = arith.constant 2 : i32
      %parallel_loop3A_501 = arith.index_cast %parallel_loop3A_499 : i32 to index
      %parallel_loop3A_502 = arith.index_cast %parallel_loop3A_500 : i32 to index
      %parallel_loop3A_503 = arith.index_cast %parallel_loop3A_498 : i32 to index
      %parallel_loop3A_504 = tpu.vector_load %arg9[%parallel_loop3A_501, %parallel_loop3A_502, %parallel_loop3A_503] {strides = array<i32>} : memref<2x8x1024xf32, #tpu.memory_space<vmem>>, vector<16xf32>,
      tpu.vector_store %arg9[%parallel_loop3A_501, %parallel_loop3A_502, %parallel_loop3A_503], %parallel_loop3A_496 {strides = array<i32>} : memref<2x8x1024xf32, #tpu.memory_space<vmem>>, vector<16xf32>,
      %parallel_loop3A_505 = tpu.vector_load_idx %arg7[%broadcast_in_dim3A_233, %parallel_loop3A_477] : memref<8x1024xf32, #tpu.memory_space<vmem>>[vector<16xi32>, vector<16xi32>], vector<16xf32>,
      %parallel_loop3A_506 = arith.constant 16 : i32
      %parallel_loop3A_507 = arith.muli %parallel_loop3A_506, %parallel_loop3A_471 : i32
      %parallel_loop3A_508 = arith.constant 0 : i32
      %parallel_loop3A_509 = arith.constant 3 : i32
      %parallel_loop3A_510 = arith.index_cast %parallel_loop3A_508 : i32 to index
      %parallel_loop3A_511 = arith.index_cast %parallel_loop3A_509 : i32 to index
      %parallel_loop3A_512 = arith.index_cast %parallel_loop3A_507 : i32 to index
      %parallel_loop3A_513 = tpu.vector_load %arg9[%parallel_loop3A_510, %parallel_loop3A_511, %parallel_loop3A_512] {strides = array<i32>} : memref<2x8x1024xf32, #tpu.memory_space<vmem>>, vector<16xf32>,
      tpu.vector_store %arg9[%parallel_loop3A_510, %parallel_loop3A_511, %parallel_loop3A_512], %parallel_loop3A_505 {strides = array<i32>} : memref<2x8x1024xf32, #tpu.memory_space<vmem>>, vector<16xf32>,
      %parallel_loop3A_514 = tpu.vector_load_idx %arg7[%broadcast_in_dim3A_235, %parallel_loop3A_477] : memref<8x1024xf32, #tpu.memory_space<vmem>>[vector<16xi32>, vector<16xi32>], vector<16xf32>,
      %parallel_loop3A_515 = arith.constant 16 : i32
      %parallel_loop3A_516 = arith.muli %parallel_loop3A_515, %parallel_loop3A_471 : i32
      %parallel_loop3A_517 = arith.constant 0 : i32
      %parallel_loop3A_518 = arith.constant 4 : i32
      %parallel_loop3A_519 = arith.index_cast %parallel_loop3A_517 : i32 to index
      %parallel_loop3A_520 = arith.index_cast %parallel_loop3A_518 : i32 to index
      %parallel_loop3A_521 = arith.index_cast %parallel_loop3A_516 : i32 to index
      %parallel_loop3A_522 = tpu.vector_load %arg9[%parallel_loop3A_519, %parallel_loop3A_520, %parallel_loop3A_521] {strides = array<i32>} : memref<2x8x1024xf32, #tpu.memory_space<vmem>>, vector<16xf32>,
      tpu.vector_store %arg9[%parallel_loop3A_519, %parallel_loop3A_520, %parallel_loop3A_521], %parallel_loop3A_514 {strides = array<i32>} : memref<2x8x1024xf32, #tpu.memory_space<vmem>>, vector<16xf32>,
      %parallel_loop3A_523 = tpu.vector_load_idx %arg7[%broadcast_in_dim3A_237, %parallel_loop3A_477] : memref<8x1024xf32, #tpu.memory_space<vmem>>[vector<16xi32>, vector<16xi32>], vector<16xf32>,
      %parallel_loop3A_524 = arith.constant 16 : i32
      %parallel_loop3A_525 = arith.muli %parallel_loop3A_524, %parallel_loop3A_471 : i32
      %parallel_loop3A_526 = arith.constant 0 : i32
      %parallel_loop3A_527 = arith.constant 5 : i32
      %parallel_loop3A_528 = arith.index_cast %parallel_loop3A_526 : i32 to index
      %parallel_loop3A_529 = arith.index_cast %parallel_loop3A_527 : i32 to index
      %parallel_loop3A_530 = arith.index_cast %parallel_loop3A_525 : i32 to index
      %parallel_loop3A_531 = tpu.vector_load %arg9[%parallel_loop3A_528, %parallel_loop3A_529, %parallel_loop3A_530] {strides = array<i32>} : memref<2x8x1024xf32, #tpu.memory_space<vmem>>, vector<16xf32>,
      tpu.vector_store %arg9[%parallel_loop3A_528, %parallel_loop3A_529, %parallel_loop3A_530], %parallel_loop3A_523 {strides = array<i32>} : memref<2x8x1024xf32, #tpu.memory_space<vmem>>, vector<16xf32>,
      %parallel_loop3A_532 = tpu.vector_load_idx %arg7[%broadcast_in_dim3A_239, %parallel_loop3A_477] : memref<8x1024xf32, #tpu.memory_space<vmem>>[vector<16xi32>, vector<16xi32>], vector<16xf32>,
      %parallel_loop3A_533 = arith.constant 16 : i32
      %parallel_loop3A_534 = arith.muli %parallel_loop3A_533, %parallel_loop3A_471 : i32
      %parallel_loop3A_535 = arith.constant 0 : i32
      %parallel_loop3A_536 = arith.constant 6 : i32
      %parallel_loop3A_537 = arith.index_cast %parallel_loop3A_535 : i32 to index
      %parallel_loop3A_538 = arith.index_cast %parallel_loop3A_536 : i32 to index
      %parallel_loop3A_539 = arith.index_cast %parallel_loop3A_534 : i32 to index
      %parallel_loop3A_540 = tpu.vector_load %arg9[%parallel_loop3A_537, %parallel_loop3A_538, %parallel_loop3A_539] {strides = array<i32>} : memref<2x8x1024xf32, #tpu.memory_space<vmem>>, vector<16xf32>,
      tpu.vector_store %arg9[%parallel_loop3A_537, %parallel_loop3A_538, %parallel_loop3A_539], %parallel_loop3A_532 {strides = array<i32>} : memref<2x8x1024xf32, #tpu.memory_space<vmem>>, vector<16xf32>,
      %parallel_loop3A_541 = tpu.vector_load_idx %arg7[%broadcast_in_dim3A_241, %parallel_loop3A_477] : memref<8x1024xf32, #tpu.memory_space<vmem>>[vector<16xi32>, vector<16xi32>], vector<16xf32>,
      %parallel_loop3A_542 = arith.constant 16 : i32
      %parallel_loop3A_543 = arith.muli %parallel_loop3A_542, %parallel_loop3A_471 : i32
      %parallel_loop3A_544 = arith.constant 0 : i32
      %parallel_loop3A_545 = arith.constant 7 : i32
      %parallel_loop3A_546 = arith.index_cast %parallel_loop3A_544 : i32 to index
      %parallel_loop3A_547 = arith.index_cast %parallel_loop3A_545 : i32 to index
      %parallel_loop3A_548 = arith.index_cast %parallel_loop3A_543 : i32 to index
      %parallel_loop3A_549 = tpu.vector_load %arg9[%parallel_loop3A_546, %parallel_loop3A_547, %parallel_loop3A_548] {strides = array<i32>} : memref<2x8x1024xf32, #tpu.memory_space<vmem>>, vector<16xf32>,
      tpu.vector_store %arg9[%parallel_loop3A_546, %parallel_loop3A_547, %parallel_loop3A_548], %parallel_loop3A_541 {strides = array<i32>} : memref<2x8x1024xf32, #tpu.memory_space<vmem>>, vector<16xf32>,
    } {sc.loop_unroll_factor = 2 : i64, sc.parallel_access}
    %mul3A_245 = arith.constant 8 : i32
    %mul3A_246 = arith.muli %mul3A_245, %add3A : i32
    %dma_start3A_247 = arith.constant 0 : i32
    %dma_start3A_248 = arith.constant 4 : i32
    %dma_start3A_249 = arith.constant 0 : i32
    %dma_start3A_250 = arith.constant 0 : i32
    %dma_start3A_251 = tpu.memref_slice %arg9[%dma_start3A_247, %dma_start3A_249, %dma_start3A_250] : memref<2x8x1024xf32, #tpu.memory_space<vmem>> -> memref<1x8x1024xf32, #tpu.memory_space<vmem>>
    %dma_start3A_252 = tpu.memref_squeeze %dma_start3A_251 : memref<1x8x1024xf32, #tpu.memory_space<vmem>> -> memref<8x1024xf32, #tpu.memory_space<vmem>>
    %dma_start3A_253 = arith.constant 0 : i32
    %dma_start3A_254 = tpu.memref_slice %arg5[%dma_start3A_248, %mul3A_246, %dma_start3A_253] : memref<8x256x1024xf32, #tpu.memory_space<hbm>> -> memref<1x8x1024xf32, #tpu.memory_space<hbm>>
    %dma_start3A_255 = tpu.memref_squeeze %dma_start3A_254 : memref<1x8x1024xf32, #tpu.memory_space<hbm>> -> memref<8x1024xf32, #tpu.memory_space<hbm>>
    %dma_start3A_256 = arith.constant 0 : i32
    %dma_start3A_257 = tpu.memref_slice %arg5[%dma_start3A_248, %mul3A_246, %dma_start3A_256] : memref<8x256x1024xf32, #tpu.memory_space<hbm>> -> memref<1x8x1024xf32, #tpu.memory_space<hbm>>
    %dma_start3A_258 = tpu.memref_squeeze %dma_start3A_257 : memref<1x8x1024xf32, #tpu.memory_space<hbm>> -> memref<8x1024xf32, #tpu.memory_space<hbm>>
    %dma_start3A_259 = arith.constant 0 : i32
    %dma_start3A_260 = arith.constant 0 : i32
    %dma_start3A_261 = tpu.memref_slice %arg9[%dma_start3A_247, %dma_start3A_259, %dma_start3A_260] : memref<2x8x1024xf32, #tpu.memory_space<vmem>> -> memref<1x8x1024xf32, #tpu.memory_space<vmem>>
    %dma_start3A_262 = tpu.memref_squeeze %dma_start3A_261 : memref<1x8x1024xf32, #tpu.memory_space<vmem>> -> memref<8x1024xf32, #tpu.memory_space<vmem>>
    tpu.enqueue_dma source(%dma_start3A_262 : memref<8x1024xf32, #tpu.memory_space<vmem>>) target(%dma_start3A_258 : memref<8x1024xf32, #tpu.memory_space<hbm>>) target_semaphore(%arg15 : memref<!tpu.dma_semaphore, #tpu.memory_space<semaphore_mem>>)
    %dma_wait3A_263 = arith.constant 1 : i32
    %dma_wait3A_264 = arith.constant 3 : i32
    %dma_wait3A_265 = arith.constant 0 : i32
    %dma_wait3A_266 = arith.constant 0 : i32
    %dma_wait3A_267 = tpu.memref_slice %arg9[%dma_wait3A_263, %dma_wait3A_265, %dma_wait3A_266] : memref<2x8x1024xf32, #tpu.memory_space<vmem>> -> memref<1x8x1024xf32, #tpu.memory_space<vmem>>
    %dma_wait3A_268 = tpu.memref_squeeze %dma_wait3A_267 : memref<1x8x1024xf32, #tpu.memory_space<vmem>> -> memref<8x1024xf32, #tpu.memory_space<vmem>>
    %dma_wait3A_269 = arith.constant 0 : i32
    %dma_wait3A_270 = tpu.memref_slice %arg5[%dma_wait3A_264, %mul3A_188, %dma_wait3A_269] : memref<8x256x1024xf32, #tpu.memory_space<hbm>> -> memref<1x8x1024xf32, #tpu.memory_space<hbm>>
    %dma_wait3A_271 = tpu.memref_squeeze %dma_wait3A_270 : memref<1x8x1024xf32, #tpu.memory_space<hbm>> -> memref<8x1024xf32, #tpu.memory_space<hbm>>
    %dma_wait3A_272 = arith.constant 0 : i32
    %dma_wait3A_273 = tpu.memref_slice %arg5[%dma_wait3A_264, %mul3A_188, %dma_wait3A_272] : memref<8x256x1024xf32, #tpu.memory_space<hbm>> -> memref<1x8x1024xf32, #tpu.memory_space<hbm>>
    %dma_wait3A_274 = tpu.memref_squeeze %dma_wait3A_273 : memref<1x8x1024xf32, #tpu.memory_space<hbm>> -> memref<8x1024xf32, #tpu.memory_space<hbm>>
    %dma_wait3A_275 = arith.constant 0 : i32
    %dma_wait3A_276 = arith.constant 0 : i32
    %dma_wait3A_277 = tpu.memref_slice %arg9[%dma_wait3A_263, %dma_wait3A_275, %dma_wait3A_276] : memref<2x8x1024xf32, #tpu.memory_space<vmem>> -> memref<1x8x1024xf32, #tpu.memory_space<vmem>>
    %dma_wait3A_278 = tpu.memref_squeeze %dma_wait3A_277 : memref<1x8x1024xf32, #tpu.memory_space<vmem>> -> memref<8x1024xf32, #tpu.memory_space<vmem>>
    tpu.wait_dma2 semaphore(%arg16 : memref<!tpu.dma_semaphore, #tpu.memory_space<semaphore_mem>>) src(%dma_wait3A_278 : memref<8x1024xf32, #tpu.memory_space<vmem>>) dst(%dma_wait3A_274 : memref<8x1024xf32, #tpu.memory_space<hbm>>)
    %scan3A_279 = arith.constant 0 : i32
    %scan3A_280 = arith.constant 4 : i32
    %scan3A_281 = arith.addi %scan3A_279, %scan3A_280 : i32
    %scan3A_282 = arith.constant 1 : i32
    scf.for %scan3A_471 = %scan3A_279 to %scan3A_281 step %scan3A_282  : i32 {
      %mul3A_472 = arith.constant 64 : i32
      %mul3A_473 = arith.muli %mul3A_472, %arg1 : i32
      %mul3A_474 = arith.constant 16 : i32
      %mul3A_475 = arith.muli %mul3A_474, %scan3A_471 : i32
      %add3A_476 = arith.addi %mul3A_473, %mul3A_475 : i32
      %get3A = arith.constant 5 : i32
      %get3A_477 = arith.index_cast %get3A : i32 to index
      %get3A_478 = arith.index_cast %add3A_476 : i32 to index
      %get3A_479 = tpu.vector_load %arg8[%get3A_477, %get3A_478] {strides = array<i32>} : memref<8x1024xi32, #tpu.memory_space<vmem>>, vector<16xi32>,
      %ge3A = vector.broadcast %mul3A_6 : i32 to vector<16xi32>
      %ge3A_480 = arith.cmpi sge, %get3A_479, %ge3A : vector<16xi32>
      %add3A_481 = arith.constant 512 : i32
      %add3A_482 = arith.addi %mul3A_6, %add3A_481 : i32
      %lt3A = vector.broadcast %add3A_482 : i32 to vector<16xi32>
      %lt3A_483 = arith.cmpi slt, %get3A_479, %lt3A : vector<16xi32>
      %and3A = arith.andi %ge3A_480, %lt3A_483 : vector<16xi1>
      tpu.vector_store_idx %arg10[%get3A_479], %broadcast_in_dim3A_7 masked %and3A {add = true} : memref<1024xi32, #tpu.memory_space<vmem>>[vector<16xi32>], vector<16xi32>, vector<16xi1>
    }
    %scan3A_283 = arith.constant 4 : i32
    %broadcast_in_dim3A_284 = arith.constant 0 : i32
    %broadcast_in_dim3A_285 = vector.broadcast %broadcast_in_dim3A_284 : i32 to vector<16xi32>
    %broadcast_in_dim3A_286 = arith.constant 1 : i32
    %broadcast_in_dim3A_287 = vector.broadcast %broadcast_in_dim3A_286 : i32 to vector<16xi32>
    %broadcast_in_dim3A_288 = arith.constant 2 : i32
    %broadcast_in_dim3A_289 = vector.broadcast %broadcast_in_dim3A_288 : i32 to vector<16xi32>
    %broadcast_in_dim3A_290 = arith.constant 3 : i32
    %broadcast_in_dim3A_291 = vector.broadcast %broadcast_in_dim3A_290 : i32 to vector<16xi32>
    %broadcast_in_dim3A_292 = arith.constant 4 : i32
    %broadcast_in_dim3A_293 = vector.broadcast %broadcast_in_dim3A_292 : i32 to vector<16xi32>
    %broadcast_in_dim3A_294 = arith.constant 5 : i32
    %broadcast_in_dim3A_295 = vector.broadcast %broadcast_in_dim3A_294 : i32 to vector<16xi32>
    %broadcast_in_dim3A_296 = arith.constant 6 : i32
    %broadcast_in_dim3A_297 = vector.broadcast %broadcast_in_dim3A_296 : i32 to vector<16xi32>
    %broadcast_in_dim3A_298 = arith.constant 7 : i32
    %broadcast_in_dim3A_299 = vector.broadcast %broadcast_in_dim3A_298 : i32 to vector<16xi32>
    %parallel_loop3A_300 = arith.constant 0 : i32
    %parallel_loop3A_301 = arith.constant 64 : i32
    %parallel_loop3A_302 = arith.constant 1 : i32
    scf.for %parallel_loop3A_471 = %parallel_loop3A_300 to %parallel_loop3A_301 step %parallel_loop3A_302  : i32 {
      %parallel_loop3A_472 = arith.constant 16 : i32
      %parallel_loop3A_473 = arith.muli %parallel_loop3A_472, %parallel_loop3A_471 : i32
      %parallel_loop3A_474 = arith.constant 5 : i32
      %parallel_loop3A_475 = arith.index_cast %parallel_loop3A_474 : i32 to index
      %parallel_loop3A_476 = arith.index_cast %parallel_loop3A_473 : i32 to index
      %parallel_loop3A_477 = tpu.vector_load %arg8[%parallel_loop3A_475, %parallel_loop3A_476] {strides = array<i32>} : memref<8x1024xi32, #tpu.memory_space<vmem>>, vector<16xi32>,
      %parallel_loop3A_478 = tpu.vector_load_idx %arg7[%broadcast_in_dim3A_285, %parallel_loop3A_477] : memref<8x1024xf32, #tpu.memory_space<vmem>>[vector<16xi32>, vector<16xi32>], vector<16xf32>,
      %parallel_loop3A_479 = arith.constant 16 : i32
      %parallel_loop3A_480 = arith.muli %parallel_loop3A_479, %parallel_loop3A_471 : i32
      %parallel_loop3A_481 = arith.constant 1 : i32
      %parallel_loop3A_482 = arith.constant 0 : i32
      %parallel_loop3A_483 = arith.index_cast %parallel_loop3A_481 : i32 to index
      %parallel_loop3A_484 = arith.index_cast %parallel_loop3A_482 : i32 to index
      %parallel_loop3A_485 = arith.index_cast %parallel_loop3A_480 : i32 to index
      %parallel_loop3A_486 = tpu.vector_load %arg9[%parallel_loop3A_483, %parallel_loop3A_484, %parallel_loop3A_485] {strides = array<i32>} : memref<2x8x1024xf32, #tpu.memory_space<vmem>>, vector<16xf32>,
      tpu.vector_store %arg9[%parallel_loop3A_483, %parallel_loop3A_484, %parallel_loop3A_485], %parallel_loop3A_478 {strides = array<i32>} : memref<2x8x1024xf32, #tpu.memory_space<vmem>>, vector<16xf32>,
      %parallel_loop3A_487 = tpu.vector_load_idx %arg7[%broadcast_in_dim3A_287, %parallel_loop3A_477] : memref<8x1024xf32, #tpu.memory_space<vmem>>[vector<16xi32>, vector<16xi32>], vector<16xf32>,
      %parallel_loop3A_488 = arith.constant 16 : i32
      %parallel_loop3A_489 = arith.muli %parallel_loop3A_488, %parallel_loop3A_471 : i32
      %parallel_loop3A_490 = arith.constant 1 : i32
      %parallel_loop3A_491 = arith.constant 1 : i32
      %parallel_loop3A_492 = arith.index_cast %parallel_loop3A_490 : i32 to index
      %parallel_loop3A_493 = arith.index_cast %parallel_loop3A_491 : i32 to index
      %parallel_loop3A_494 = arith.index_cast %parallel_loop3A_489 : i32 to index
      %parallel_loop3A_495 = tpu.vector_load %arg9[%parallel_loop3A_492, %parallel_loop3A_493, %parallel_loop3A_494] {strides = array<i32>} : memref<2x8x1024xf32, #tpu.memory_space<vmem>>, vector<16xf32>,
      tpu.vector_store %arg9[%parallel_loop3A_492, %parallel_loop3A_493, %parallel_loop3A_494], %parallel_loop3A_487 {strides = array<i32>} : memref<2x8x1024xf32, #tpu.memory_space<vmem>>, vector<16xf32>,
      %parallel_loop3A_496 = tpu.vector_load_idx %arg7[%broadcast_in_dim3A_289, %parallel_loop3A_477] : memref<8x1024xf32, #tpu.memory_space<vmem>>[vector<16xi32>, vector<16xi32>], vector<16xf32>,
      %parallel_loop3A_497 = arith.constant 16 : i32
      %parallel_loop3A_498 = arith.muli %parallel_loop3A_497, %parallel_loop3A_471 : i32
      %parallel_loop3A_499 = arith.constant 1 : i32
      %parallel_loop3A_500 = arith.constant 2 : i32
      %parallel_loop3A_501 = arith.index_cast %parallel_loop3A_499 : i32 to index
      %parallel_loop3A_502 = arith.index_cast %parallel_loop3A_500 : i32 to index
      %parallel_loop3A_503 = arith.index_cast %parallel_loop3A_498 : i32 to index
      %parallel_loop3A_504 = tpu.vector_load %arg9[%parallel_loop3A_501, %parallel_loop3A_502, %parallel_loop3A_503] {strides = array<i32>} : memref<2x8x1024xf32, #tpu.memory_space<vmem>>, vector<16xf32>,
      tpu.vector_store %arg9[%parallel_loop3A_501, %parallel_loop3A_502, %parallel_loop3A_503], %parallel_loop3A_496 {strides = array<i32>} : memref<2x8x1024xf32, #tpu.memory_space<vmem>>, vector<16xf32>,
      %parallel_loop3A_505 = tpu.vector_load_idx %arg7[%broadcast_in_dim3A_291, %parallel_loop3A_477] : memref<8x1024xf32, #tpu.memory_space<vmem>>[vector<16xi32>, vector<16xi32>], vector<16xf32>,
      %parallel_loop3A_506 = arith.constant 16 : i32
      %parallel_loop3A_507 = arith.muli %parallel_loop3A_506, %parallel_loop3A_471 : i32
      %parallel_loop3A_508 = arith.constant 1 : i32
      %parallel_loop3A_509 = arith.constant 3 : i32
      %parallel_loop3A_510 = arith.index_cast %parallel_loop3A_508 : i32 to index
      %parallel_loop3A_511 = arith.index_cast %parallel_loop3A_509 : i32 to index
      %parallel_loop3A_512 = arith.index_cast %parallel_loop3A_507 : i32 to index
      %parallel_loop3A_513 = tpu.vector_load %arg9[%parallel_loop3A_510, %parallel_loop3A_511, %parallel_loop3A_512] {strides = array<i32>} : memref<2x8x1024xf32, #tpu.memory_space<vmem>>, vector<16xf32>,
      tpu.vector_store %arg9[%parallel_loop3A_510, %parallel_loop3A_511, %parallel_loop3A_512], %parallel_loop3A_505 {strides = array<i32>} : memref<2x8x1024xf32, #tpu.memory_space<vmem>>, vector<16xf32>,
      %parallel_loop3A_514 = tpu.vector_load_idx %arg7[%broadcast_in_dim3A_293, %parallel_loop3A_477] : memref<8x1024xf32, #tpu.memory_space<vmem>>[vector<16xi32>, vector<16xi32>], vector<16xf32>,
      %parallel_loop3A_515 = arith.constant 16 : i32
      %parallel_loop3A_516 = arith.muli %parallel_loop3A_515, %parallel_loop3A_471 : i32
      %parallel_loop3A_517 = arith.constant 1 : i32
      %parallel_loop3A_518 = arith.constant 4 : i32
      %parallel_loop3A_519 = arith.index_cast %parallel_loop3A_517 : i32 to index
      %parallel_loop3A_520 = arith.index_cast %parallel_loop3A_518 : i32 to index
      %parallel_loop3A_521 = arith.index_cast %parallel_loop3A_516 : i32 to index
      %parallel_loop3A_522 = tpu.vector_load %arg9[%parallel_loop3A_519, %parallel_loop3A_520, %parallel_loop3A_521] {strides = array<i32>} : memref<2x8x1024xf32, #tpu.memory_space<vmem>>, vector<16xf32>,
      tpu.vector_store %arg9[%parallel_loop3A_519, %parallel_loop3A_520, %parallel_loop3A_521], %parallel_loop3A_514 {strides = array<i32>} : memref<2x8x1024xf32, #tpu.memory_space<vmem>>, vector<16xf32>,
      %parallel_loop3A_523 = tpu.vector_load_idx %arg7[%broadcast_in_dim3A_295, %parallel_loop3A_477] : memref<8x1024xf32, #tpu.memory_space<vmem>>[vector<16xi32>, vector<16xi32>], vector<16xf32>,
      %parallel_loop3A_524 = arith.constant 16 : i32
      %parallel_loop3A_525 = arith.muli %parallel_loop3A_524, %parallel_loop3A_471 : i32
      %parallel_loop3A_526 = arith.constant 1 : i32
      %parallel_loop3A_527 = arith.constant 5 : i32
      %parallel_loop3A_528 = arith.index_cast %parallel_loop3A_526 : i32 to index
      %parallel_loop3A_529 = arith.index_cast %parallel_loop3A_527 : i32 to index
      %parallel_loop3A_530 = arith.index_cast %parallel_loop3A_525 : i32 to index
      %parallel_loop3A_531 = tpu.vector_load %arg9[%parallel_loop3A_528, %parallel_loop3A_529, %parallel_loop3A_530] {strides = array<i32>} : memref<2x8x1024xf32, #tpu.memory_space<vmem>>, vector<16xf32>,
      tpu.vector_store %arg9[%parallel_loop3A_528, %parallel_loop3A_529, %parallel_loop3A_530], %parallel_loop3A_523 {strides = array<i32>} : memref<2x8x1024xf32, #tpu.memory_space<vmem>>, vector<16xf32>,
      %parallel_loop3A_532 = tpu.vector_load_idx %arg7[%broadcast_in_dim3A_297, %parallel_loop3A_477] : memref<8x1024xf32, #tpu.memory_space<vmem>>[vector<16xi32>, vector<16xi32>], vector<16xf32>,
      %parallel_loop3A_533 = arith.constant 16 : i32
      %parallel_loop3A_534 = arith.muli %parallel_loop3A_533, %parallel_loop3A_471 : i32
      %parallel_loop3A_535 = arith.constant 1 : i32
      %parallel_loop3A_536 = arith.constant 6 : i32
      %parallel_loop3A_537 = arith.index_cast %parallel_loop3A_535 : i32 to index
      %parallel_loop3A_538 = arith.index_cast %parallel_loop3A_536 : i32 to index
      %parallel_loop3A_539 = arith.index_cast %parallel_loop3A_534 : i32 to index
      %parallel_loop3A_540 = tpu.vector_load %arg9[%parallel_loop3A_537, %parallel_loop3A_538, %parallel_loop3A_539] {strides = array<i32>} : memref<2x8x1024xf32, #tpu.memory_space<vmem>>, vector<16xf32>,
      tpu.vector_store %arg9[%parallel_loop3A_537, %parallel_loop3A_538, %parallel_loop3A_539], %parallel_loop3A_532 {strides = array<i32>} : memref<2x8x1024xf32, #tpu.memory_space<vmem>>, vector<16xf32>,
      %parallel_loop3A_541 = tpu.vector_load_idx %arg7[%broadcast_in_dim3A_299, %parallel_loop3A_477] : memref<8x1024xf32, #tpu.memory_space<vmem>>[vector<16xi32>, vector<16xi32>], vector<16xf32>,
      %parallel_loop3A_542 = arith.constant 16 : i32
      %parallel_loop3A_543 = arith.muli %parallel_loop3A_542, %parallel_loop3A_471 : i32
      %parallel_loop3A_544 = arith.constant 1 : i32
      %parallel_loop3A_545 = arith.constant 7 : i32
      %parallel_loop3A_546 = arith.index_cast %parallel_loop3A_544 : i32 to index
      %parallel_loop3A_547 = arith.index_cast %parallel_loop3A_545 : i32 to index
      %parallel_loop3A_548 = arith.index_cast %parallel_loop3A_543 : i32 to index
      %parallel_loop3A_549 = tpu.vector_load %arg9[%parallel_loop3A_546, %parallel_loop3A_547, %parallel_loop3A_548] {strides = array<i32>} : memref<2x8x1024xf32, #tpu.memory_space<vmem>>, vector<16xf32>,
      tpu.vector_store %arg9[%parallel_loop3A_546, %parallel_loop3A_547, %parallel_loop3A_548], %parallel_loop3A_541 {strides = array<i32>} : memref<2x8x1024xf32, #tpu.memory_space<vmem>>, vector<16xf32>,
    } {sc.loop_unroll_factor = 2 : i64, sc.parallel_access}
    %mul3A_303 = arith.constant 8 : i32
    %mul3A_304 = arith.muli %mul3A_303, %add3A : i32
    %dma_start3A_305 = arith.constant 1 : i32
    %dma_start3A_306 = arith.constant 5 : i32
    %dma_start3A_307 = arith.constant 0 : i32
    %dma_start3A_308 = arith.constant 0 : i32
    %dma_start3A_309 = tpu.memref_slice %arg9[%dma_start3A_305, %dma_start3A_307, %dma_start3A_308] : memref<2x8x1024xf32, #tpu.memory_space<vmem>> -> memref<1x8x1024xf32, #tpu.memory_space<vmem>>
    %dma_start3A_310 = tpu.memref_squeeze %dma_start3A_309 : memref<1x8x1024xf32, #tpu.memory_space<vmem>> -> memref<8x1024xf32, #tpu.memory_space<vmem>>
    %dma_start3A_311 = arith.constant 0 : i32
    %dma_start3A_312 = tpu.memref_slice %arg5[%dma_start3A_306, %mul3A_304, %dma_start3A_311] : memref<8x256x1024xf32, #tpu.memory_space<hbm>> -> memref<1x8x1024xf32, #tpu.memory_space<hbm>>
    %dma_start3A_313 = tpu.memref_squeeze %dma_start3A_312 : memref<1x8x1024xf32, #tpu.memory_space<hbm>> -> memref<8x1024xf32, #tpu.memory_space<hbm>>
    %dma_start3A_314 = arith.constant 0 : i32
    %dma_start3A_315 = tpu.memref_slice %arg5[%dma_start3A_306, %mul3A_304, %dma_start3A_314] : memref<8x256x1024xf32, #tpu.memory_space<hbm>> -> memref<1x8x1024xf32, #tpu.memory_space<hbm>>
    %dma_start3A_316 = tpu.memref_squeeze %dma_start3A_315 : memref<1x8x1024xf32, #tpu.memory_space<hbm>> -> memref<8x1024xf32, #tpu.memory_space<hbm>>
    %dma_start3A_317 = arith.constant 0 : i32
    %dma_start3A_318 = arith.constant 0 : i32
    %dma_start3A_319 = tpu.memref_slice %arg9[%dma_start3A_305, %dma_start3A_317, %dma_start3A_318] : memref<2x8x1024xf32, #tpu.memory_space<vmem>> -> memref<1x8x1024xf32, #tpu.memory_space<vmem>>
    %dma_start3A_320 = tpu.memref_squeeze %dma_start3A_319 : memref<1x8x1024xf32, #tpu.memory_space<vmem>> -> memref<8x1024xf32, #tpu.memory_space<vmem>>
    tpu.enqueue_dma source(%dma_start3A_320 : memref<8x1024xf32, #tpu.memory_space<vmem>>) target(%dma_start3A_316 : memref<8x1024xf32, #tpu.memory_space<hbm>>) target_semaphore(%arg16 : memref<!tpu.dma_semaphore, #tpu.memory_space<semaphore_mem>>)
    %dma_wait3A_321 = arith.constant 0 : i32
    %dma_wait3A_322 = arith.constant 4 : i32
    %dma_wait3A_323 = arith.constant 0 : i32
    %dma_wait3A_324 = arith.constant 0 : i32
    %dma_wait3A_325 = tpu.memref_slice %arg9[%dma_wait3A_321, %dma_wait3A_323, %dma_wait3A_324] : memref<2x8x1024xf32, #tpu.memory_space<vmem>> -> memref<1x8x1024xf32, #tpu.memory_space<vmem>>
    %dma_wait3A_326 = tpu.memref_squeeze %dma_wait3A_325 : memref<1x8x1024xf32, #tpu.memory_space<vmem>> -> memref<8x1024xf32, #tpu.memory_space<vmem>>
    %dma_wait3A_327 = arith.constant 0 : i32
    %dma_wait3A_328 = tpu.memref_slice %arg5[%dma_wait3A_322, %mul3A_246, %dma_wait3A_327] : memref<8x256x1024xf32, #tpu.memory_space<hbm>> -> memref<1x8x1024xf32, #tpu.memory_space<hbm>>
    %dma_wait3A_329 = tpu.memref_squeeze %dma_wait3A_328 : memref<1x8x1024xf32, #tpu.memory_space<hbm>> -> memref<8x1024xf32, #tpu.memory_space<hbm>>
    %dma_wait3A_330 = arith.constant 0 : i32
    %dma_wait3A_331 = tpu.memref_slice %arg5[%dma_wait3A_322, %mul3A_246, %dma_wait3A_330] : memref<8x256x1024xf32, #tpu.memory_space<hbm>> -> memref<1x8x1024xf32, #tpu.memory_space<hbm>>
    %dma_wait3A_332 = tpu.memref_squeeze %dma_wait3A_331 : memref<1x8x1024xf32, #tpu.memory_space<hbm>> -> memref<8x1024xf32, #tpu.memory_space<hbm>>
    %dma_wait3A_333 = arith.constant 0 : i32
    %dma_wait3A_334 = arith.constant 0 : i32
    %dma_wait3A_335 = tpu.memref_slice %arg9[%dma_wait3A_321, %dma_wait3A_333, %dma_wait3A_334] : memref<2x8x1024xf32, #tpu.memory_space<vmem>> -> memref<1x8x1024xf32, #tpu.memory_space<vmem>>
    %dma_wait3A_336 = tpu.memref_squeeze %dma_wait3A_335 : memref<1x8x1024xf32, #tpu.memory_space<vmem>> -> memref<8x1024xf32, #tpu.memory_space<vmem>>
    tpu.wait_dma2 semaphore(%arg15 : memref<!tpu.dma_semaphore, #tpu.memory_space<semaphore_mem>>) src(%dma_wait3A_336 : memref<8x1024xf32, #tpu.memory_space<vmem>>) dst(%dma_wait3A_332 : memref<8x1024xf32, #tpu.memory_space<hbm>>)
    %scan3A_337 = arith.constant 0 : i32
    %scan3A_338 = arith.constant 4 : i32
    %scan3A_339 = arith.addi %scan3A_337, %scan3A_338 : i32
    %scan3A_340 = arith.constant 1 : i32
    scf.for %scan3A_471 = %scan3A_337 to %scan3A_339 step %scan3A_340  : i32 {
      %mul3A_472 = arith.constant 64 : i32
      %mul3A_473 = arith.muli %mul3A_472, %arg1 : i32
      %mul3A_474 = arith.constant 16 : i32
      %mul3A_475 = arith.muli %mul3A_474, %scan3A_471 : i32
      %add3A_476 = arith.addi %mul3A_473, %mul3A_475 : i32
      %get3A = arith.constant 6 : i32
      %get3A_477 = arith.index_cast %get3A : i32 to index
      %get3A_478 = arith.index_cast %add3A_476 : i32 to index
      %get3A_479 = tpu.vector_load %arg8[%get3A_477, %get3A_478] {strides = array<i32>} : memref<8x1024xi32, #tpu.memory_space<vmem>>, vector<16xi32>,
      %ge3A = vector.broadcast %mul3A_6 : i32 to vector<16xi32>
      %ge3A_480 = arith.cmpi sge, %get3A_479, %ge3A : vector<16xi32>
      %add3A_481 = arith.constant 512 : i32
      %add3A_482 = arith.addi %mul3A_6, %add3A_481 : i32
      %lt3A = vector.broadcast %add3A_482 : i32 to vector<16xi32>
      %lt3A_483 = arith.cmpi slt, %get3A_479, %lt3A : vector<16xi32>
      %and3A = arith.andi %ge3A_480, %lt3A_483 : vector<16xi1>
      tpu.vector_store_idx %arg10[%get3A_479], %broadcast_in_dim3A_7 masked %and3A {add = true} : memref<1024xi32, #tpu.memory_space<vmem>>[vector<16xi32>], vector<16xi32>, vector<16xi1>
    }
    %scan3A_341 = arith.constant 4 : i32
    %broadcast_in_dim3A_342 = arith.constant 0 : i32
    %broadcast_in_dim3A_343 = vector.broadcast %broadcast_in_dim3A_342 : i32 to vector<16xi32>
    %broadcast_in_dim3A_344 = arith.constant 1 : i32
    %broadcast_in_dim3A_345 = vector.broadcast %broadcast_in_dim3A_344 : i32 to vector<16xi32>
    %broadcast_in_dim3A_346 = arith.constant 2 : i32
    %broadcast_in_dim3A_347 = vector.broadcast %broadcast_in_dim3A_346 : i32 to vector<16xi32>
    %broadcast_in_dim3A_348 = arith.constant 3 : i32
    %broadcast_in_dim3A_349 = vector.broadcast %broadcast_in_dim3A_348 : i32 to vector<16xi32>
    %broadcast_in_dim3A_350 = arith.constant 4 : i32
    %broadcast_in_dim3A_351 = vector.broadcast %broadcast_in_dim3A_350 : i32 to vector<16xi32>
    %broadcast_in_dim3A_352 = arith.constant 5 : i32
    %broadcast_in_dim3A_353 = vector.broadcast %broadcast_in_dim3A_352 : i32 to vector<16xi32>
    %broadcast_in_dim3A_354 = arith.constant 6 : i32
    %broadcast_in_dim3A_355 = vector.broadcast %broadcast_in_dim3A_354 : i32 to vector<16xi32>
    %broadcast_in_dim3A_356 = arith.constant 7 : i32
    %broadcast_in_dim3A_357 = vector.broadcast %broadcast_in_dim3A_356 : i32 to vector<16xi32>
    %parallel_loop3A_358 = arith.constant 0 : i32
    %parallel_loop3A_359 = arith.constant 64 : i32
    %parallel_loop3A_360 = arith.constant 1 : i32
    scf.for %parallel_loop3A_471 = %parallel_loop3A_358 to %parallel_loop3A_359 step %parallel_loop3A_360  : i32 {
      %parallel_loop3A_472 = arith.constant 16 : i32
      %parallel_loop3A_473 = arith.muli %parallel_loop3A_472, %parallel_loop3A_471 : i32
      %parallel_loop3A_474 = arith.constant 6 : i32
      %parallel_loop3A_475 = arith.index_cast %parallel_loop3A_474 : i32 to index
      %parallel_loop3A_476 = arith.index_cast %parallel_loop3A_473 : i32 to index
      %parallel_loop3A_477 = tpu.vector_load %arg8[%parallel_loop3A_475, %parallel_loop3A_476] {strides = array<i32>} : memref<8x1024xi32, #tpu.memory_space<vmem>>, vector<16xi32>,
      %parallel_loop3A_478 = tpu.vector_load_idx %arg7[%broadcast_in_dim3A_343, %parallel_loop3A_477] : memref<8x1024xf32, #tpu.memory_space<vmem>>[vector<16xi32>, vector<16xi32>], vector<16xf32>,
      %parallel_loop3A_479 = arith.constant 16 : i32
      %parallel_loop3A_480 = arith.muli %parallel_loop3A_479, %parallel_loop3A_471 : i32
      %parallel_loop3A_481 = arith.constant 0 : i32
      %parallel_loop3A_482 = arith.constant 0 : i32
      %parallel_loop3A_483 = arith.index_cast %parallel_loop3A_481 : i32 to index
      %parallel_loop3A_484 = arith.index_cast %parallel_loop3A_482 : i32 to index
      %parallel_loop3A_485 = arith.index_cast %parallel_loop3A_480 : i32 to index
      %parallel_loop3A_486 = tpu.vector_load %arg9[%parallel_loop3A_483, %parallel_loop3A_484, %parallel_loop3A_485] {strides = array<i32>} : memref<2x8x1024xf32, #tpu.memory_space<vmem>>, vector<16xf32>,
      tpu.vector_store %arg9[%parallel_loop3A_483, %parallel_loop3A_484, %parallel_loop3A_485], %parallel_loop3A_478 {strides = array<i32>} : memref<2x8x1024xf32, #tpu.memory_space<vmem>>, vector<16xf32>,
      %parallel_loop3A_487 = tpu.vector_load_idx %arg7[%broadcast_in_dim3A_345, %parallel_loop3A_477] : memref<8x1024xf32, #tpu.memory_space<vmem>>[vector<16xi32>, vector<16xi32>], vector<16xf32>,
      %parallel_loop3A_488 = arith.constant 16 : i32
      %parallel_loop3A_489 = arith.muli %parallel_loop3A_488, %parallel_loop3A_471 : i32
      %parallel_loop3A_490 = arith.constant 0 : i32
      %parallel_loop3A_491 = arith.constant 1 : i32
      %parallel_loop3A_492 = arith.index_cast %parallel_loop3A_490 : i32 to index
      %parallel_loop3A_493 = arith.index_cast %parallel_loop3A_491 : i32 to index
      %parallel_loop3A_494 = arith.index_cast %parallel_loop3A_489 : i32 to index
      %parallel_loop3A_495 = tpu.vector_load %arg9[%parallel_loop3A_492, %parallel_loop3A_493, %parallel_loop3A_494] {strides = array<i32>} : memref<2x8x1024xf32, #tpu.memory_space<vmem>>, vector<16xf32>,
      tpu.vector_store %arg9[%parallel_loop3A_492, %parallel_loop3A_493, %parallel_loop3A_494], %parallel_loop3A_487 {strides = array<i32>} : memref<2x8x1024xf32, #tpu.memory_space<vmem>>, vector<16xf32>,
      %parallel_loop3A_496 = tpu.vector_load_idx %arg7[%broadcast_in_dim3A_347, %parallel_loop3A_477] : memref<8x1024xf32, #tpu.memory_space<vmem>>[vector<16xi32>, vector<16xi32>], vector<16xf32>,
      %parallel_loop3A_497 = arith.constant 16 : i32
      %parallel_loop3A_498 = arith.muli %parallel_loop3A_497, %parallel_loop3A_471 : i32
      %parallel_loop3A_499 = arith.constant 0 : i32
      %parallel_loop3A_500 = arith.constant 2 : i32
      %parallel_loop3A_501 = arith.index_cast %parallel_loop3A_499 : i32 to index
      %parallel_loop3A_502 = arith.index_cast %parallel_loop3A_500 : i32 to index
      %parallel_loop3A_503 = arith.index_cast %parallel_loop3A_498 : i32 to index
      %parallel_loop3A_504 = tpu.vector_load %arg9[%parallel_loop3A_501, %parallel_loop3A_502, %parallel_loop3A_503] {strides = array<i32>} : memref<2x8x1024xf32, #tpu.memory_space<vmem>>, vector<16xf32>,
      tpu.vector_store %arg9[%parallel_loop3A_501, %parallel_loop3A_502, %parallel_loop3A_503], %parallel_loop3A_496 {strides = array<i32>} : memref<2x8x1024xf32, #tpu.memory_space<vmem>>, vector<16xf32>,
      %parallel_loop3A_505 = tpu.vector_load_idx %arg7[%broadcast_in_dim3A_349, %parallel_loop3A_477] : memref<8x1024xf32, #tpu.memory_space<vmem>>[vector<16xi32>, vector<16xi32>], vector<16xf32>,
      %parallel_loop3A_506 = arith.constant 16 : i32
      %parallel_loop3A_507 = arith.muli %parallel_loop3A_506, %parallel_loop3A_471 : i32
      %parallel_loop3A_508 = arith.constant 0 : i32
      %parallel_loop3A_509 = arith.constant 3 : i32
      %parallel_loop3A_510 = arith.index_cast %parallel_loop3A_508 : i32 to index
      %parallel_loop3A_511 = arith.index_cast %parallel_loop3A_509 : i32 to index
      %parallel_loop3A_512 = arith.index_cast %parallel_loop3A_507 : i32 to index
      %parallel_loop3A_513 = tpu.vector_load %arg9[%parallel_loop3A_510, %parallel_loop3A_511, %parallel_loop3A_512] {strides = array<i32>} : memref<2x8x1024xf32, #tpu.memory_space<vmem>>, vector<16xf32>,
      tpu.vector_store %arg9[%parallel_loop3A_510, %parallel_loop3A_511, %parallel_loop3A_512], %parallel_loop3A_505 {strides = array<i32>} : memref<2x8x1024xf32, #tpu.memory_space<vmem>>, vector<16xf32>,
      %parallel_loop3A_514 = tpu.vector_load_idx %arg7[%broadcast_in_dim3A_351, %parallel_loop3A_477] : memref<8x1024xf32, #tpu.memory_space<vmem>>[vector<16xi32>, vector<16xi32>], vector<16xf32>,
      %parallel_loop3A_515 = arith.constant 16 : i32
      %parallel_loop3A_516 = arith.muli %parallel_loop3A_515, %parallel_loop3A_471 : i32
      %parallel_loop3A_517 = arith.constant 0 : i32
      %parallel_loop3A_518 = arith.constant 4 : i32
      %parallel_loop3A_519 = arith.index_cast %parallel_loop3A_517 : i32 to index
      %parallel_loop3A_520 = arith.index_cast %parallel_loop3A_518 : i32 to index
      %parallel_loop3A_521 = arith.index_cast %parallel_loop3A_516 : i32 to index
      %parallel_loop3A_522 = tpu.vector_load %arg9[%parallel_loop3A_519, %parallel_loop3A_520, %parallel_loop3A_521] {strides = array<i32>} : memref<2x8x1024xf32, #tpu.memory_space<vmem>>, vector<16xf32>,
      tpu.vector_store %arg9[%parallel_loop3A_519, %parallel_loop3A_520, %parallel_loop3A_521], %parallel_loop3A_514 {strides = array<i32>} : memref<2x8x1024xf32, #tpu.memory_space<vmem>>, vector<16xf32>,
      %parallel_loop3A_523 = tpu.vector_load_idx %arg7[%broadcast_in_dim3A_353, %parallel_loop3A_477] : memref<8x1024xf32, #tpu.memory_space<vmem>>[vector<16xi32>, vector<16xi32>], vector<16xf32>,
      %parallel_loop3A_524 = arith.constant 16 : i32
      %parallel_loop3A_525 = arith.muli %parallel_loop3A_524, %parallel_loop3A_471 : i32
      %parallel_loop3A_526 = arith.constant 0 : i32
      %parallel_loop3A_527 = arith.constant 5 : i32
      %parallel_loop3A_528 = arith.index_cast %parallel_loop3A_526 : i32 to index
      %parallel_loop3A_529 = arith.index_cast %parallel_loop3A_527 : i32 to index
      %parallel_loop3A_530 = arith.index_cast %parallel_loop3A_525 : i32 to index
      %parallel_loop3A_531 = tpu.vector_load %arg9[%parallel_loop3A_528, %parallel_loop3A_529, %parallel_loop3A_530] {strides = array<i32>} : memref<2x8x1024xf32, #tpu.memory_space<vmem>>, vector<16xf32>,
      tpu.vector_store %arg9[%parallel_loop3A_528, %parallel_loop3A_529, %parallel_loop3A_530], %parallel_loop3A_523 {strides = array<i32>} : memref<2x8x1024xf32, #tpu.memory_space<vmem>>, vector<16xf32>,
      %parallel_loop3A_532 = tpu.vector_load_idx %arg7[%broadcast_in_dim3A_355, %parallel_loop3A_477] : memref<8x1024xf32, #tpu.memory_space<vmem>>[vector<16xi32>, vector<16xi32>], vector<16xf32>,
      %parallel_loop3A_533 = arith.constant 16 : i32
      %parallel_loop3A_534 = arith.muli %parallel_loop3A_533, %parallel_loop3A_471 : i32
      %parallel_loop3A_535 = arith.constant 0 : i32
      %parallel_loop3A_536 = arith.constant 6 : i32
      %parallel_loop3A_537 = arith.index_cast %parallel_loop3A_535 : i32 to index
      %parallel_loop3A_538 = arith.index_cast %parallel_loop3A_536 : i32 to index
      %parallel_loop3A_539 = arith.index_cast %parallel_loop3A_534 : i32 to index
      %parallel_loop3A_540 = tpu.vector_load %arg9[%parallel_loop3A_537, %parallel_loop3A_538, %parallel_loop3A_539] {strides = array<i32>} : memref<2x8x1024xf32, #tpu.memory_space<vmem>>, vector<16xf32>,
      tpu.vector_store %arg9[%parallel_loop3A_537, %parallel_loop3A_538, %parallel_loop3A_539], %parallel_loop3A_532 {strides = array<i32>} : memref<2x8x1024xf32, #tpu.memory_space<vmem>>, vector<16xf32>,
      %parallel_loop3A_541 = tpu.vector_load_idx %arg7[%broadcast_in_dim3A_357, %parallel_loop3A_477] : memref<8x1024xf32, #tpu.memory_space<vmem>>[vector<16xi32>, vector<16xi32>], vector<16xf32>,
      %parallel_loop3A_542 = arith.constant 16 : i32
      %parallel_loop3A_543 = arith.muli %parallel_loop3A_542, %parallel_loop3A_471 : i32
      %parallel_loop3A_544 = arith.constant 0 : i32
      %parallel_loop3A_545 = arith.constant 7 : i32
      %parallel_loop3A_546 = arith.index_cast %parallel_loop3A_544 : i32 to index
      %parallel_loop3A_547 = arith.index_cast %parallel_loop3A_545 : i32 to index
      %parallel_loop3A_548 = arith.index_cast %parallel_loop3A_543 : i32 to index
      %parallel_loop3A_549 = tpu.vector_load %arg9[%parallel_loop3A_546, %parallel_loop3A_547, %parallel_loop3A_548] {strides = array<i32>} : memref<2x8x1024xf32, #tpu.memory_space<vmem>>, vector<16xf32>,
      tpu.vector_store %arg9[%parallel_loop3A_546, %parallel_loop3A_547, %parallel_loop3A_548], %parallel_loop3A_541 {strides = array<i32>} : memref<2x8x1024xf32, #tpu.memory_space<vmem>>, vector<16xf32>,
    } {sc.loop_unroll_factor = 2 : i64, sc.parallel_access}
    %mul3A_361 = arith.constant 8 : i32
    %mul3A_362 = arith.muli %mul3A_361, %add3A : i32
    %dma_start3A_363 = arith.constant 0 : i32
    %dma_start3A_364 = arith.constant 6 : i32
    %dma_start3A_365 = arith.constant 0 : i32
    %dma_start3A_366 = arith.constant 0 : i32
    %dma_start3A_367 = tpu.memref_slice %arg9[%dma_start3A_363, %dma_start3A_365, %dma_start3A_366] : memref<2x8x1024xf32, #tpu.memory_space<vmem>> -> memref<1x8x1024xf32, #tpu.memory_space<vmem>>
    %dma_start3A_368 = tpu.memref_squeeze %dma_start3A_367 : memref<1x8x1024xf32, #tpu.memory_space<vmem>> -> memref<8x1024xf32, #tpu.memory_space<vmem>>
    %dma_start3A_369 = arith.constant 0 : i32
    %dma_start3A_370 = tpu.memref_slice %arg5[%dma_start3A_364, %mul3A_362, %dma_start3A_369] : memref<8x256x1024xf32, #tpu.memory_space<hbm>> -> memref<1x8x1024xf32, #tpu.memory_space<hbm>>
    %dma_start3A_371 = tpu.memref_squeeze %dma_start3A_370 : memref<1x8x1024xf32, #tpu.memory_space<hbm>> -> memref<8x1024xf32, #tpu.memory_space<hbm>>
    %dma_start3A_372 = arith.constant 0 : i32
    %dma_start3A_373 = tpu.memref_slice %arg5[%dma_start3A_364, %mul3A_362, %dma_start3A_372] : memref<8x256x1024xf32, #tpu.memory_space<hbm>> -> memref<1x8x1024xf32, #tpu.memory_space<hbm>>
    %dma_start3A_374 = tpu.memref_squeeze %dma_start3A_373 : memref<1x8x1024xf32, #tpu.memory_space<hbm>> -> memref<8x1024xf32, #tpu.memory_space<hbm>>
    %dma_start3A_375 = arith.constant 0 : i32
    %dma_start3A_376 = arith.constant 0 : i32
    %dma_start3A_377 = tpu.memref_slice %arg9[%dma_start3A_363, %dma_start3A_375, %dma_start3A_376] : memref<2x8x1024xf32, #tpu.memory_space<vmem>> -> memref<1x8x1024xf32, #tpu.memory_space<vmem>>
    %dma_start3A_378 = tpu.memref_squeeze %dma_start3A_377 : memref<1x8x1024xf32, #tpu.memory_space<vmem>> -> memref<8x1024xf32, #tpu.memory_space<vmem>>
    tpu.enqueue_dma source(%dma_start3A_378 : memref<8x1024xf32, #tpu.memory_space<vmem>>) target(%dma_start3A_374 : memref<8x1024xf32, #tpu.memory_space<hbm>>) target_semaphore(%arg15 : memref<!tpu.dma_semaphore, #tpu.memory_space<semaphore_mem>>)
    %dma_wait3A_379 = arith.constant 1 : i32
    %dma_wait3A_380 = arith.constant 5 : i32
    %dma_wait3A_381 = arith.constant 0 : i32
    %dma_wait3A_382 = arith.constant 0 : i32
    %dma_wait3A_383 = tpu.memref_slice %arg9[%dma_wait3A_379, %dma_wait3A_381, %dma_wait3A_382] : memref<2x8x1024xf32, #tpu.memory_space<vmem>> -> memref<1x8x1024xf32, #tpu.memory_space<vmem>>
    %dma_wait3A_384 = tpu.memref_squeeze %dma_wait3A_383 : memref<1x8x1024xf32, #tpu.memory_space<vmem>> -> memref<8x1024xf32, #tpu.memory_space<vmem>>
    %dma_wait3A_385 = arith.constant 0 : i32
    %dma_wait3A_386 = tpu.memref_slice %arg5[%dma_wait3A_380, %mul3A_304, %dma_wait3A_385] : memref<8x256x1024xf32, #tpu.memory_space<hbm>> -> memref<1x8x1024xf32, #tpu.memory_space<hbm>>
    %dma_wait3A_387 = tpu.memref_squeeze %dma_wait3A_386 : memref<1x8x1024xf32, #tpu.memory_space<hbm>> -> memref<8x1024xf32, #tpu.memory_space<hbm>>
    %dma_wait3A_388 = arith.constant 0 : i32
    %dma_wait3A_389 = tpu.memref_slice %arg5[%dma_wait3A_380, %mul3A_304, %dma_wait3A_388] : memref<8x256x1024xf32, #tpu.memory_space<hbm>> -> memref<1x8x1024xf32, #tpu.memory_space<hbm>>
    %dma_wait3A_390 = tpu.memref_squeeze %dma_wait3A_389 : memref<1x8x1024xf32, #tpu.memory_space<hbm>> -> memref<8x1024xf32, #tpu.memory_space<hbm>>
    %dma_wait3A_391 = arith.constant 0 : i32
    %dma_wait3A_392 = arith.constant 0 : i32
    %dma_wait3A_393 = tpu.memref_slice %arg9[%dma_wait3A_379, %dma_wait3A_391, %dma_wait3A_392] : memref<2x8x1024xf32, #tpu.memory_space<vmem>> -> memref<1x8x1024xf32, #tpu.memory_space<vmem>>
    %dma_wait3A_394 = tpu.memref_squeeze %dma_wait3A_393 : memref<1x8x1024xf32, #tpu.memory_space<vmem>> -> memref<8x1024xf32, #tpu.memory_space<vmem>>
    tpu.wait_dma2 semaphore(%arg16 : memref<!tpu.dma_semaphore, #tpu.memory_space<semaphore_mem>>) src(%dma_wait3A_394 : memref<8x1024xf32, #tpu.memory_space<vmem>>) dst(%dma_wait3A_390 : memref<8x1024xf32, #tpu.memory_space<hbm>>)
    %scan3A_395 = arith.constant 0 : i32
    %scan3A_396 = arith.constant 4 : i32
    %scan3A_397 = arith.addi %scan3A_395, %scan3A_396 : i32
    %scan3A_398 = arith.constant 1 : i32
    scf.for %scan3A_471 = %scan3A_395 to %scan3A_397 step %scan3A_398  : i32 {
      %mul3A_472 = arith.constant 64 : i32
      %mul3A_473 = arith.muli %mul3A_472, %arg1 : i32
      %mul3A_474 = arith.constant 16 : i32
      %mul3A_475 = arith.muli %mul3A_474, %scan3A_471 : i32
      %add3A_476 = arith.addi %mul3A_473, %mul3A_475 : i32
      %get3A = arith.constant 7 : i32
      %get3A_477 = arith.index_cast %get3A : i32 to index
      %get3A_478 = arith.index_cast %add3A_476 : i32 to index
      %get3A_479 = tpu.vector_load %arg8[%get3A_477, %get3A_478] {strides = array<i32>} : memref<8x1024xi32, #tpu.memory_space<vmem>>, vector<16xi32>,
      %ge3A = vector.broadcast %mul3A_6 : i32 to vector<16xi32>
      %ge3A_480 = arith.cmpi sge, %get3A_479, %ge3A : vector<16xi32>
      %add3A_481 = arith.constant 512 : i32
      %add3A_482 = arith.addi %mul3A_6, %add3A_481 : i32
      %lt3A = vector.broadcast %add3A_482 : i32 to vector<16xi32>
      %lt3A_483 = arith.cmpi slt, %get3A_479, %lt3A : vector<16xi32>
      %and3A = arith.andi %ge3A_480, %lt3A_483 : vector<16xi1>
      tpu.vector_store_idx %arg10[%get3A_479], %broadcast_in_dim3A_7 masked %and3A {add = true} : memref<1024xi32, #tpu.memory_space<vmem>>[vector<16xi32>], vector<16xi32>, vector<16xi1>
    }
    %scan3A_399 = arith.constant 4 : i32
    %broadcast_in_dim3A_400 = arith.constant 0 : i32
    %broadcast_in_dim3A_401 = vector.broadcast %broadcast_in_dim3A_400 : i32 to vector<16xi32>
    %broadcast_in_dim3A_402 = arith.constant 1 : i32
    %broadcast_in_dim3A_403 = vector.broadcast %broadcast_in_dim3A_402 : i32 to vector<16xi32>
    %broadcast_in_dim3A_404 = arith.constant 2 : i32
    %broadcast_in_dim3A_405 = vector.broadcast %broadcast_in_dim3A_404 : i32 to vector<16xi32>
    %broadcast_in_dim3A_406 = arith.constant 3 : i32
    %broadcast_in_dim3A_407 = vector.broadcast %broadcast_in_dim3A_406 : i32 to vector<16xi32>
    %broadcast_in_dim3A_408 = arith.constant 4 : i32
    %broadcast_in_dim3A_409 = vector.broadcast %broadcast_in_dim3A_408 : i32 to vector<16xi32>
    %broadcast_in_dim3A_410 = arith.constant 5 : i32
    %broadcast_in_dim3A_411 = vector.broadcast %broadcast_in_dim3A_410 : i32 to vector<16xi32>
    %broadcast_in_dim3A_412 = arith.constant 6 : i32
    %broadcast_in_dim3A_413 = vector.broadcast %broadcast_in_dim3A_412 : i32 to vector<16xi32>
    %broadcast_in_dim3A_414 = arith.constant 7 : i32
    %broadcast_in_dim3A_415 = vector.broadcast %broadcast_in_dim3A_414 : i32 to vector<16xi32>
    %parallel_loop3A_416 = arith.constant 0 : i32
    %parallel_loop3A_417 = arith.constant 64 : i32
    %parallel_loop3A_418 = arith.constant 1 : i32
    scf.for %parallel_loop3A_471 = %parallel_loop3A_416 to %parallel_loop3A_417 step %parallel_loop3A_418  : i32 {
      %parallel_loop3A_472 = arith.constant 16 : i32
      %parallel_loop3A_473 = arith.muli %parallel_loop3A_472, %parallel_loop3A_471 : i32
      %parallel_loop3A_474 = arith.constant 7 : i32
      %parallel_loop3A_475 = arith.index_cast %parallel_loop3A_474 : i32 to index
      %parallel_loop3A_476 = arith.index_cast %parallel_loop3A_473 : i32 to index
      %parallel_loop3A_477 = tpu.vector_load %arg8[%parallel_loop3A_475, %parallel_loop3A_476] {strides = array<i32>} : memref<8x1024xi32, #tpu.memory_space<vmem>>, vector<16xi32>,
      %parallel_loop3A_478 = tpu.vector_load_idx %arg7[%broadcast_in_dim3A_401, %parallel_loop3A_477] : memref<8x1024xf32, #tpu.memory_space<vmem>>[vector<16xi32>, vector<16xi32>], vector<16xf32>,
      %parallel_loop3A_479 = arith.constant 16 : i32
      %parallel_loop3A_480 = arith.muli %parallel_loop3A_479, %parallel_loop3A_471 : i32
      %parallel_loop3A_481 = arith.constant 1 : i32
      %parallel_loop3A_482 = arith.constant 0 : i32
      %parallel_loop3A_483 = arith.index_cast %parallel_loop3A_481 : i32 to index
      %parallel_loop3A_484 = arith.index_cast %parallel_loop3A_482 : i32 to index
      %parallel_loop3A_485 = arith.index_cast %parallel_loop3A_480 : i32 to index
      %parallel_loop3A_486 = tpu.vector_load %arg9[%parallel_loop3A_483, %parallel_loop3A_484, %parallel_loop3A_485] {strides = array<i32>} : memref<2x8x1024xf32, #tpu.memory_space<vmem>>, vector<16xf32>,
      tpu.vector_store %arg9[%parallel_loop3A_483, %parallel_loop3A_484, %parallel_loop3A_485], %parallel_loop3A_478 {strides = array<i32>} : memref<2x8x1024xf32, #tpu.memory_space<vmem>>, vector<16xf32>,
      %parallel_loop3A_487 = tpu.vector_load_idx %arg7[%broadcast_in_dim3A_403, %parallel_loop3A_477] : memref<8x1024xf32, #tpu.memory_space<vmem>>[vector<16xi32>, vector<16xi32>], vector<16xf32>,
      %parallel_loop3A_488 = arith.constant 16 : i32
      %parallel_loop3A_489 = arith.muli %parallel_loop3A_488, %parallel_loop3A_471 : i32
      %parallel_loop3A_490 = arith.constant 1 : i32
      %parallel_loop3A_491 = arith.constant 1 : i32
      %parallel_loop3A_492 = arith.index_cast %parallel_loop3A_490 : i32 to index
      %parallel_loop3A_493 = arith.index_cast %parallel_loop3A_491 : i32 to index
      %parallel_loop3A_494 = arith.index_cast %parallel_loop3A_489 : i32 to index
      %parallel_loop3A_495 = tpu.vector_load %arg9[%parallel_loop3A_492, %parallel_loop3A_493, %parallel_loop3A_494] {strides = array<i32>} : memref<2x8x1024xf32, #tpu.memory_space<vmem>>, vector<16xf32>,
      tpu.vector_store %arg9[%parallel_loop3A_492, %parallel_loop3A_493, %parallel_loop3A_494], %parallel_loop3A_487 {strides = array<i32>} : memref<2x8x1024xf32, #tpu.memory_space<vmem>>, vector<16xf32>,
      %parallel_loop3A_496 = tpu.vector_load_idx %arg7[%broadcast_in_dim3A_405, %parallel_loop3A_477] : memref<8x1024xf32, #tpu.memory_space<vmem>>[vector<16xi32>, vector<16xi32>], vector<16xf32>,
      %parallel_loop3A_497 = arith.constant 16 : i32
      %parallel_loop3A_498 = arith.muli %parallel_loop3A_497, %parallel_loop3A_471 : i32
      %parallel_loop3A_499 = arith.constant 1 : i32
      %parallel_loop3A_500 = arith.constant 2 : i32
      %parallel_loop3A_501 = arith.index_cast %parallel_loop3A_499 : i32 to index
      %parallel_loop3A_502 = arith.index_cast %parallel_loop3A_500 : i32 to index
      %parallel_loop3A_503 = arith.index_cast %parallel_loop3A_498 : i32 to index
      %parallel_loop3A_504 = tpu.vector_load %arg9[%parallel_loop3A_501, %parallel_loop3A_502, %parallel_loop3A_503] {strides = array<i32>} : memref<2x8x1024xf32, #tpu.memory_space<vmem>>, vector<16xf32>,
      tpu.vector_store %arg9[%parallel_loop3A_501, %parallel_loop3A_502, %parallel_loop3A_503], %parallel_loop3A_496 {strides = array<i32>} : memref<2x8x1024xf32, #tpu.memory_space<vmem>>, vector<16xf32>,
      %parallel_loop3A_505 = tpu.vector_load_idx %arg7[%broadcast_in_dim3A_407, %parallel_loop3A_477] : memref<8x1024xf32, #tpu.memory_space<vmem>>[vector<16xi32>, vector<16xi32>], vector<16xf32>,
      %parallel_loop3A_506 = arith.constant 16 : i32
      %parallel_loop3A_507 = arith.muli %parallel_loop3A_506, %parallel_loop3A_471 : i32
      %parallel_loop3A_508 = arith.constant 1 : i32
      %parallel_loop3A_509 = arith.constant 3 : i32
      %parallel_loop3A_510 = arith.index_cast %parallel_loop3A_508 : i32 to index
      %parallel_loop3A_511 = arith.index_cast %parallel_loop3A_509 : i32 to index
      %parallel_loop3A_512 = arith.index_cast %parallel_loop3A_507 : i32 to index
      %parallel_loop3A_513 = tpu.vector_load %arg9[%parallel_loop3A_510, %parallel_loop3A_511, %parallel_loop3A_512] {strides = array<i32>} : memref<2x8x1024xf32, #tpu.memory_space<vmem>>, vector<16xf32>,
      tpu.vector_store %arg9[%parallel_loop3A_510, %parallel_loop3A_511, %parallel_loop3A_512], %parallel_loop3A_505 {strides = array<i32>} : memref<2x8x1024xf32, #tpu.memory_space<vmem>>, vector<16xf32>,
      %parallel_loop3A_514 = tpu.vector_load_idx %arg7[%broadcast_in_dim3A_409, %parallel_loop3A_477] : memref<8x1024xf32, #tpu.memory_space<vmem>>[vector<16xi32>, vector<16xi32>], vector<16xf32>,
      %parallel_loop3A_515 = arith.constant 16 : i32
      %parallel_loop3A_516 = arith.muli %parallel_loop3A_515, %parallel_loop3A_471 : i32
      %parallel_loop3A_517 = arith.constant 1 : i32
      %parallel_loop3A_518 = arith.constant 4 : i32
      %parallel_loop3A_519 = arith.index_cast %parallel_loop3A_517 : i32 to index
      %parallel_loop3A_520 = arith.index_cast %parallel_loop3A_518 : i32 to index
      %parallel_loop3A_521 = arith.index_cast %parallel_loop3A_516 : i32 to index
      %parallel_loop3A_522 = tpu.vector_load %arg9[%parallel_loop3A_519, %parallel_loop3A_520, %parallel_loop3A_521] {strides = array<i32>} : memref<2x8x1024xf32, #tpu.memory_space<vmem>>, vector<16xf32>,
      tpu.vector_store %arg9[%parallel_loop3A_519, %parallel_loop3A_520, %parallel_loop3A_521], %parallel_loop3A_514 {strides = array<i32>} : memref<2x8x1024xf32, #tpu.memory_space<vmem>>, vector<16xf32>,
      %parallel_loop3A_523 = tpu.vector_load_idx %arg7[%broadcast_in_dim3A_411, %parallel_loop3A_477] : memref<8x1024xf32, #tpu.memory_space<vmem>>[vector<16xi32>, vector<16xi32>], vector<16xf32>,
      %parallel_loop3A_524 = arith.constant 16 : i32
      %parallel_loop3A_525 = arith.muli %parallel_loop3A_524, %parallel_loop3A_471 : i32
      %parallel_loop3A_526 = arith.constant 1 : i32
      %parallel_loop3A_527 = arith.constant 5 : i32
      %parallel_loop3A_528 = arith.index_cast %parallel_loop3A_526 : i32 to index
      %parallel_loop3A_529 = arith.index_cast %parallel_loop3A_527 : i32 to index
      %parallel_loop3A_530 = arith.index_cast %parallel_loop3A_525 : i32 to index
      %parallel_loop3A_531 = tpu.vector_load %arg9[%parallel_loop3A_528, %parallel_loop3A_529, %parallel_loop3A_530] {strides = array<i32>} : memref<2x8x1024xf32, #tpu.memory_space<vmem>>, vector<16xf32>,
      tpu.vector_store %arg9[%parallel_loop3A_528, %parallel_loop3A_529, %parallel_loop3A_530], %parallel_loop3A_523 {strides = array<i32>} : memref<2x8x1024xf32, #tpu.memory_space<vmem>>, vector<16xf32>,
      %parallel_loop3A_532 = tpu.vector_load_idx %arg7[%broadcast_in_dim3A_413, %parallel_loop3A_477] : memref<8x1024xf32, #tpu.memory_space<vmem>>[vector<16xi32>, vector<16xi32>], vector<16xf32>,
      %parallel_loop3A_533 = arith.constant 16 : i32
      %parallel_loop3A_534 = arith.muli %parallel_loop3A_533, %parallel_loop3A_471 : i32
      %parallel_loop3A_535 = arith.constant 1 : i32
      %parallel_loop3A_536 = arith.constant 6 : i32
      %parallel_loop3A_537 = arith.index_cast %parallel_loop3A_535 : i32 to index
      %parallel_loop3A_538 = arith.index_cast %parallel_loop3A_536 : i32 to index
      %parallel_loop3A_539 = arith.index_cast %parallel_loop3A_534 : i32 to index
      %parallel_loop3A_540 = tpu.vector_load %arg9[%parallel_loop3A_537, %parallel_loop3A_538, %parallel_loop3A_539] {strides = array<i32>} : memref<2x8x1024xf32, #tpu.memory_space<vmem>>, vector<16xf32>,
      tpu.vector_store %arg9[%parallel_loop3A_537, %parallel_loop3A_538, %parallel_loop3A_539], %parallel_loop3A_532 {strides = array<i32>} : memref<2x8x1024xf32, #tpu.memory_space<vmem>>, vector<16xf32>,
      %parallel_loop3A_541 = tpu.vector_load_idx %arg7[%broadcast_in_dim3A_415, %parallel_loop3A_477] : memref<8x1024xf32, #tpu.memory_space<vmem>>[vector<16xi32>, vector<16xi32>], vector<16xf32>,
      %parallel_loop3A_542 = arith.constant 16 : i32
      %parallel_loop3A_543 = arith.muli %parallel_loop3A_542, %parallel_loop3A_471 : i32
      %parallel_loop3A_544 = arith.constant 1 : i32
      %parallel_loop3A_545 = arith.constant 7 : i32
      %parallel_loop3A_546 = arith.index_cast %parallel_loop3A_544 : i32 to index
      %parallel_loop3A_547 = arith.index_cast %parallel_loop3A_545 : i32 to index
      %parallel_loop3A_548 = arith.index_cast %parallel_loop3A_543 : i32 to index
      %parallel_loop3A_549 = tpu.vector_load %arg9[%parallel_loop3A_546, %parallel_loop3A_547, %parallel_loop3A_548] {strides = array<i32>} : memref<2x8x1024xf32, #tpu.memory_space<vmem>>, vector<16xf32>,
      tpu.vector_store %arg9[%parallel_loop3A_546, %parallel_loop3A_547, %parallel_loop3A_548], %parallel_loop3A_541 {strides = array<i32>} : memref<2x8x1024xf32, #tpu.memory_space<vmem>>, vector<16xf32>,
    } {sc.loop_unroll_factor = 2 : i64, sc.parallel_access}
    %mul3A_419 = arith.constant 8 : i32
    %mul3A_420 = arith.muli %mul3A_419, %add3A : i32
    %dma_start3A_421 = arith.constant 1 : i32
    %dma_start3A_422 = arith.constant 7 : i32
    %dma_start3A_423 = arith.constant 0 : i32
    %dma_start3A_424 = arith.constant 0 : i32
    %dma_start3A_425 = tpu.memref_slice %arg9[%dma_start3A_421, %dma_start3A_423, %dma_start3A_424] : memref<2x8x1024xf32, #tpu.memory_space<vmem>> -> memref<1x8x1024xf32, #tpu.memory_space<vmem>>
    %dma_start3A_426 = tpu.memref_squeeze %dma_start3A_425 : memref<1x8x1024xf32, #tpu.memory_space<vmem>> -> memref<8x1024xf32, #tpu.memory_space<vmem>>
    %dma_start3A_427 = arith.constant 0 : i32
    %dma_start3A_428 = tpu.memref_slice %arg5[%dma_start3A_422, %mul3A_420, %dma_start3A_427] : memref<8x256x1024xf32, #tpu.memory_space<hbm>> -> memref<1x8x1024xf32, #tpu.memory_space<hbm>>
    %dma_start3A_429 = tpu.memref_squeeze %dma_start3A_428 : memref<1x8x1024xf32, #tpu.memory_space<hbm>> -> memref<8x1024xf32, #tpu.memory_space<hbm>>
    %dma_start3A_430 = arith.constant 0 : i32
    %dma_start3A_431 = tpu.memref_slice %arg5[%dma_start3A_422, %mul3A_420, %dma_start3A_430] : memref<8x256x1024xf32, #tpu.memory_space<hbm>> -> memref<1x8x1024xf32, #tpu.memory_space<hbm>>
    %dma_start3A_432 = tpu.memref_squeeze %dma_start3A_431 : memref<1x8x1024xf32, #tpu.memory_space<hbm>> -> memref<8x1024xf32, #tpu.memory_space<hbm>>
    %dma_start3A_433 = arith.constant 0 : i32
    %dma_start3A_434 = arith.constant 0 : i32
    %dma_start3A_435 = tpu.memref_slice %arg9[%dma_start3A_421, %dma_start3A_433, %dma_start3A_434] : memref<2x8x1024xf32, #tpu.memory_space<vmem>> -> memref<1x8x1024xf32, #tpu.memory_space<vmem>>
    %dma_start3A_436 = tpu.memref_squeeze %dma_start3A_435 : memref<1x8x1024xf32, #tpu.memory_space<vmem>> -> memref<8x1024xf32, #tpu.memory_space<vmem>>
    tpu.enqueue_dma source(%dma_start3A_436 : memref<8x1024xf32, #tpu.memory_space<vmem>>) target(%dma_start3A_432 : memref<8x1024xf32, #tpu.memory_space<hbm>>) target_semaphore(%arg16 : memref<!tpu.dma_semaphore, #tpu.memory_space<semaphore_mem>>)
    %dma_wait3A_437 = arith.constant 0 : i32
    %dma_wait3A_438 = arith.constant 6 : i32
    %dma_wait3A_439 = arith.constant 0 : i32
    %dma_wait3A_440 = arith.constant 0 : i32
    %dma_wait3A_441 = tpu.memref_slice %arg9[%dma_wait3A_437, %dma_wait3A_439, %dma_wait3A_440] : memref<2x8x1024xf32, #tpu.memory_space<vmem>> -> memref<1x8x1024xf32, #tpu.memory_space<vmem>>
    %dma_wait3A_442 = tpu.memref_squeeze %dma_wait3A_441 : memref<1x8x1024xf32, #tpu.memory_space<vmem>> -> memref<8x1024xf32, #tpu.memory_space<vmem>>
    %dma_wait3A_443 = arith.constant 0 : i32
    %dma_wait3A_444 = tpu.memref_slice %arg5[%dma_wait3A_438, %mul3A_362, %dma_wait3A_443] : memref<8x256x1024xf32, #tpu.memory_space<hbm>> -> memref<1x8x1024xf32, #tpu.memory_space<hbm>>
    %dma_wait3A_445 = tpu.memref_squeeze %dma_wait3A_444 : memref<1x8x1024xf32, #tpu.memory_space<hbm>> -> memref<8x1024xf32, #tpu.memory_space<hbm>>
    %dma_wait3A_446 = arith.constant 0 : i32
    %dma_wait3A_447 = tpu.memref_slice %arg5[%dma_wait3A_438, %mul3A_362, %dma_wait3A_446] : memref<8x256x1024xf32, #tpu.memory_space<hbm>> -> memref<1x8x1024xf32, #tpu.memory_space<hbm>>
    %dma_wait3A_448 = tpu.memref_squeeze %dma_wait3A_447 : memref<1x8x1024xf32, #tpu.memory_space<hbm>> -> memref<8x1024xf32, #tpu.memory_space<hbm>>
    %dma_wait3A_449 = arith.constant 0 : i32
    %dma_wait3A_450 = arith.constant 0 : i32
    %dma_wait3A_451 = tpu.memref_slice %arg9[%dma_wait3A_437, %dma_wait3A_449, %dma_wait3A_450] : memref<2x8x1024xf32, #tpu.memory_space<vmem>> -> memref<1x8x1024xf32, #tpu.memory_space<vmem>>
    %dma_wait3A_452 = tpu.memref_squeeze %dma_wait3A_451 : memref<1x8x1024xf32, #tpu.memory_space<vmem>> -> memref<8x1024xf32, #tpu.memory_space<vmem>>
    tpu.wait_dma2 semaphore(%arg15 : memref<!tpu.dma_semaphore, #tpu.memory_space<semaphore_mem>>) src(%dma_wait3A_452 : memref<8x1024xf32, #tpu.memory_space<vmem>>) dst(%dma_wait3A_448 : memref<8x1024xf32, #tpu.memory_space<hbm>>)
    %dma_wait3A_453 = arith.constant 1 : i32
    %dma_wait3A_454 = arith.constant 7 : i32
    %dma_wait3A_455 = arith.constant 0 : i32
    %dma_wait3A_456 = arith.constant 0 : i32
    %dma_wait3A_457 = tpu.memref_slice %arg9[%dma_wait3A_453, %dma_wait3A_455, %dma_wait3A_456] : memref<2x8x1024xf32, #tpu.memory_space<vmem>> -> memref<1x8x1024xf32, #tpu.memory_space<vmem>>
    %dma_wait3A_458 = tpu.memref_squeeze %dma_wait3A_457 : memref<1x8x1024xf32, #tpu.memory_space<vmem>> -> memref<8x1024xf32, #tpu.memory_space<vmem>>
    %dma_wait3A_459 = arith.constant 0 : i32
    %dma_wait3A_460 = tpu.memref_slice %arg5[%dma_wait3A_454, %mul3A_420, %dma_wait3A_459] : memref<8x256x1024xf32, #tpu.memory_space<hbm>> -> memref<1x8x1024xf32, #tpu.memory_space<hbm>>
    %dma_wait3A_461 = tpu.memref_squeeze %dma_wait3A_460 : memref<1x8x1024xf32, #tpu.memory_space<hbm>> -> memref<8x1024xf32, #tpu.memory_space<hbm>>
    %dma_wait3A_462 = arith.constant 0 : i32
    %dma_wait3A_463 = tpu.memref_slice %arg5[%dma_wait3A_454, %mul3A_420, %dma_wait3A_462] : memref<8x256x1024xf32, #tpu.memory_space<hbm>> -> memref<1x8x1024xf32, #tpu.memory_space<hbm>>
    %dma_wait3A_464 = tpu.memref_squeeze %dma_wait3A_463 : memref<1x8x1024xf32, #tpu.memory_space<hbm>> -> memref<8x1024xf32, #tpu.memory_space<hbm>>
    %dma_wait3A_465 = arith.constant 0 : i32
    %dma_wait3A_466 = arith.constant 0 : i32
    %dma_wait3A_467 = tpu.memref_slice %arg9[%dma_wait3A_453, %dma_wait3A_465, %dma_wait3A_466] : memref<2x8x1024xf32, #tpu.memory_space<vmem>> -> memref<1x8x1024xf32, #tpu.memory_space<vmem>>
    %dma_wait3A_468 = tpu.memref_squeeze %dma_wait3A_467 : memref<1x8x1024xf32, #tpu.memory_space<vmem>> -> memref<8x1024xf32, #tpu.memory_space<vmem>>
    tpu.wait_dma2 semaphore(%arg16 : memref<!tpu.dma_semaphore, #tpu.memory_space<semaphore_mem>>) src(%dma_wait3A_468 : memref<8x1024xf32, #tpu.memory_space<vmem>>) dst(%dma_wait3A_464 : memref<8x1024xf32, #tpu.memory_space<hbm>>)
    "tpu.region"() ({
      %run_scoped3A = tpu.sem_alloc : memref<!tpu.dma_semaphore, #tpu.memory_space<semaphore_mem>>
      %dma_start3A_471 = arith.constant 0 : i32
      %dma_start3A_472 = tpu.memref_slice %arg14[%arg1, %dma_start3A_471] : memref<16x1024xi32, #tpu.memory_space<vmem_shared>> -> memref<1x1024xi32, #tpu.memory_space<vmem_shared>>
      %dma_start3A_473 = tpu.memref_squeeze %dma_start3A_472 : memref<1x1024xi32, #tpu.memory_space<vmem_shared>> -> memref<1024xi32, #tpu.memory_space<vmem_shared>>
      %dma_start3A_474 = arith.constant 0 : i32
      %dma_start3A_475 = tpu.memref_slice %arg14[%arg1, %dma_start3A_474] : memref<16x1024xi32, #tpu.memory_space<vmem_shared>> -> memref<1x1024xi32, #tpu.memory_space<vmem_shared>>
      %dma_start3A_476 = tpu.memref_squeeze %dma_start3A_475 : memref<1x1024xi32, #tpu.memory_space<vmem_shared>> -> memref<1024xi32, #tpu.memory_space<vmem_shared>>
      tpu.enqueue_dma source(%arg10 : memref<1024xi32, #tpu.memory_space<vmem>>) target(%dma_start3A_476 : memref<1024xi32, #tpu.memory_space<vmem_shared>>) target_semaphore(%run_scoped3A : memref<!tpu.dma_semaphore, #tpu.memory_space<semaphore_mem>>)
      %dma_wait3A_477 = arith.constant 0 : i32
      %dma_wait3A_478 = tpu.memref_slice %arg14[%arg1, %dma_wait3A_477] : memref<16x1024xi32, #tpu.memory_space<vmem_shared>> -> memref<1x1024xi32, #tpu.memory_space<vmem_shared>>
      %dma_wait3A_479 = tpu.memref_squeeze %dma_wait3A_478 : memref<1x1024xi32, #tpu.memory_space<vmem_shared>> -> memref<1024xi32, #tpu.memory_space<vmem_shared>>
      %dma_wait3A_480 = arith.constant 0 : i32
      %dma_wait3A_481 = tpu.memref_slice %arg14[%arg1, %dma_wait3A_480] : memref<16x1024xi32, #tpu.memory_space<vmem_shared>> -> memref<1x1024xi32, #tpu.memory_space<vmem_shared>>
      %dma_wait3A_482 = tpu.memref_squeeze %dma_wait3A_481 : memref<1x1024xi32, #tpu.memory_space<vmem_shared>> -> memref<1024xi32, #tpu.memory_space<vmem_shared>>
      tpu.wait_dma2 semaphore(%run_scoped3A : memref<!tpu.dma_semaphore, #tpu.memory_space<semaphore_mem>>) src(%arg10 : memref<1024xi32, #tpu.memory_space<vmem>>) dst(%dma_wait3A_482 : memref<1024xi32, #tpu.memory_space<vmem_shared>>)
      tpu.yield
    }) : () -> ()
    %barrier3A = arith.constant 0 : index
    tpu.barrier barrier_id(%barrier3A)
    %eq3A = arith.constant 0 : i32
    %eq3A_469 = arith.cmpi eq, %arg1, %eq3A : i32
    %convert_element_type3A = arith.extui %eq3A_469 : i1 to i32
    %cond3A = arith.constant 0 : i32
    %cond3A_470 = arith.cmpi ne, %convert_element_type3A, %cond3A : i32
    scf.if %cond3A_470 {
      "tpu.region"() ({
        %run_scoped3A_518 = tpu.sem_alloc : memref<!tpu.dma_semaphore, #tpu.memory_space<semaphore_mem>>
        tpu.enqueue_dma source(%arg4 : memref<8208xf32, #tpu.memory_space<hbm>>) target(%arg11 : memref<8208xf32, #tpu.memory_space<vmem>>) target_semaphore(%run_scoped3A_518 : memref<!tpu.dma_semaphore, #tpu.memory_space<semaphore_mem>>)
        tpu.wait_dma2 semaphore(%run_scoped3A_518 : memref<!tpu.dma_semaphore, #tpu.memory_space<semaphore_mem>>) src(%arg4 : memref<8208xf32, #tpu.memory_space<hbm>>) dst(%arg11 : memref<8208xf32, #tpu.memory_space<vmem>>)
        tpu.yield
      }) : () -> ()
      %run_scoped3A = arith.constant 0 : i32
      %run_scoped3A_471 = arith.constant 0 : i32
      "tpu.region"() ({
        %run_scoped3A_518 = tpu.sem_alloc : memref<!tpu.dma_semaphore, #tpu.memory_space<semaphore_mem>>
        %dma_start3A_519 = arith.constant 0 : i32
        %dma_start3A_520 = tpu.memref_slice %arg12[%run_scoped3A_471, %dma_start3A_519] : memref<16x512xi32, #tpu.memory_space<vmem>> -> memref<1x512xi32, #tpu.memory_space<vmem>>
        %dma_start3A_521 = tpu.memref_squeeze %dma_start3A_520 : memref<1x512xi32, #tpu.memory_space<vmem>> -> memref<512xi32, #tpu.memory_space<vmem>>
        %dma_start3A_522 = tpu.memref_slice %arg14[%run_scoped3A, %mul3A_6] : memref<16x1024xi32, #tpu.memory_space<vmem_shared>> -> memref<1x512xi32, #tpu.memory_space<vmem_shared>>
        %dma_start3A_523 = tpu.memref_squeeze %dma_start3A_522 : memref<1x512xi32, #tpu.memory_space<vmem_shared>> -> memref<512xi32, #tpu.memory_space<vmem_shared>>
        %dma_start3A_524 = arith.constant 0 : i32
        %dma_start3A_525 = tpu.memref_slice %arg12[%run_scoped3A_471, %dma_start3A_524] : memref<16x512xi32, #tpu.memory_space<vmem>> -> memref<1x512xi32, #tpu.memory_space<vmem>>
        %dma_start3A_526 = tpu.memref_squeeze %dma_start3A_525 : memref<1x512xi32, #tpu.memory_space<vmem>> -> memref<512xi32, #tpu.memory_space<vmem>>
        %dma_start3A_527 = tpu.memref_slice %arg14[%run_scoped3A, %mul3A_6] : memref<16x1024xi32, #tpu.memory_space<vmem_shared>> -> memref<1x512xi32, #tpu.memory_space<vmem_shared>>
        %dma_start3A_528 = tpu.memref_squeeze %dma_start3A_527 : memref<1x512xi32, #tpu.memory_space<vmem_shared>> -> memref<512xi32, #tpu.memory_space<vmem_shared>>
        tpu.enqueue_dma source(%dma_start3A_528 : memref<512xi32, #tpu.memory_space<vmem_shared>>) target(%dma_start3A_526 : memref<512xi32, #tpu.memory_space<vmem>>) target_semaphore(%run_scoped3A_518 : memref<!tpu.dma_semaphore, #tpu.memory_space<semaphore_mem>>)
        %dma_wait3A_529 = arith.constant 0 : i32
        %dma_wait3A_530 = tpu.memref_slice %arg12[%run_scoped3A_471, %dma_wait3A_529] : memref<16x512xi32, #tpu.memory_space<vmem>> -> memref<1x512xi32, #tpu.memory_space<vmem>>
        %dma_wait3A_531 = tpu.memref_squeeze %dma_wait3A_530 : memref<1x512xi32, #tpu.memory_space<vmem>> -> memref<512xi32, #tpu.memory_space<vmem>>
        %dma_wait3A_532 = tpu.memref_slice %arg14[%run_scoped3A, %mul3A_6] : memref<16x1024xi32, #tpu.memory_space<vmem_shared>> -> memref<1x512xi32, #tpu.memory_space<vmem_shared>>
        %dma_wait3A_533 = tpu.memref_squeeze %dma_wait3A_532 : memref<1x512xi32, #tpu.memory_space<vmem_shared>> -> memref<512xi32, #tpu.memory_space<vmem_shared>>
        %dma_wait3A_534 = arith.constant 0 : i32
        %dma_wait3A_535 = tpu.memref_slice %arg12[%run_scoped3A_471, %dma_wait3A_534] : memref<16x512xi32, #tpu.memory_space<vmem>> -> memref<1x512xi32, #tpu.memory_space<vmem>>
        %dma_wait3A_536 = tpu.memref_squeeze %dma_wait3A_535 : memref<1x512xi32, #tpu.memory_space<vmem>> -> memref<512xi32, #tpu.memory_space<vmem>>
        %dma_wait3A_537 = tpu.memref_slice %arg14[%run_scoped3A, %mul3A_6] : memref<16x1024xi32, #tpu.memory_space<vmem_shared>> -> memref<1x512xi32, #tpu.memory_space<vmem_shared>>
        %dma_wait3A_538 = tpu.memref_squeeze %dma_wait3A_537 : memref<1x512xi32, #tpu.memory_space<vmem_shared>> -> memref<512xi32, #tpu.memory_space<vmem_shared>>
        tpu.wait_dma2 semaphore(%run_scoped3A_518 : memref<!tpu.dma_semaphore, #tpu.memory_space<semaphore_mem>>) src(%dma_wait3A_538 : memref<512xi32, #tpu.memory_space<vmem_shared>>) dst(%dma_wait3A_536 : memref<512xi32, #tpu.memory_space<vmem>>)
        tpu.yield
      }) : () -> ()
      %run_scoped3A_472 = arith.constant 1 : i32
      %run_scoped3A_473 = arith.constant 1 : i32
      "tpu.region"() ({
        %run_scoped3A_518 = tpu.sem_alloc : memref<!tpu.dma_semaphore, #tpu.memory_space<semaphore_mem>>
        %dma_start3A_519 = arith.constant 0 : i32
        %dma_start3A_520 = tpu.memref_slice %arg12[%run_scoped3A_473, %dma_start3A_519] : memref<16x512xi32, #tpu.memory_space<vmem>> -> memref<1x512xi32, #tpu.memory_space<vmem>>
        %dma_start3A_521 = tpu.memref_squeeze %dma_start3A_520 : memref<1x512xi32, #tpu.memory_space<vmem>> -> memref<512xi32, #tpu.memory_space<vmem>>
        %dma_start3A_522 = tpu.memref_slice %arg14[%run_scoped3A_472, %mul3A_6] : memref<16x1024xi32, #tpu.memory_space<vmem_shared>> -> memref<1x512xi32, #tpu.memory_space<vmem_shared>>
        %dma_start3A_523 = tpu.memref_squeeze %dma_start3A_522 : memref<1x512xi32, #tpu.memory_space<vmem_shared>> -> memref<512xi32, #tpu.memory_space<vmem_shared>>
        %dma_start3A_524 = arith.constant 0 : i32
        %dma_start3A_525 = tpu.memref_slice %arg12[%run_scoped3A_473, %dma_start3A_524] : memref<16x512xi32, #tpu.memory_space<vmem>> -> memref<1x512xi32, #tpu.memory_space<vmem>>
        %dma_start3A_526 = tpu.memref_squeeze %dma_start3A_525 : memref<1x512xi32, #tpu.memory_space<vmem>> -> memref<512xi32, #tpu.memory_space<vmem>>
        %dma_start3A_527 = tpu.memref_slice %arg14[%run_scoped3A_472, %mul3A_6] : memref<16x1024xi32, #tpu.memory_space<vmem_shared>> -> memref<1x512xi32, #tpu.memory_space<vmem_shared>>
        %dma_start3A_528 = tpu.memref_squeeze %dma_start3A_527 : memref<1x512xi32, #tpu.memory_space<vmem_shared>> -> memref<512xi32, #tpu.memory_space<vmem_shared>>
        tpu.enqueue_dma source(%dma_start3A_528 : memref<512xi32, #tpu.memory_space<vmem_shared>>) target(%dma_start3A_526 : memref<512xi32, #tpu.memory_space<vmem>>) target_semaphore(%run_scoped3A_518 : memref<!tpu.dma_semaphore, #tpu.memory_space<semaphore_mem>>)
        %dma_wait3A_529 = arith.constant 0 : i32
        %dma_wait3A_530 = tpu.memref_slice %arg12[%run_scoped3A_473, %dma_wait3A_529] : memref<16x512xi32, #tpu.memory_space<vmem>> -> memref<1x512xi32, #tpu.memory_space<vmem>>
        %dma_wait3A_531 = tpu.memref_squeeze %dma_wait3A_530 : memref<1x512xi32, #tpu.memory_space<vmem>> -> memref<512xi32, #tpu.memory_space<vmem>>
        %dma_wait3A_532 = tpu.memref_slice %arg14[%run_scoped3A_472, %mul3A_6] : memref<16x1024xi32, #tpu.memory_space<vmem_shared>> -> memref<1x512xi32, #tpu.memory_space<vmem_shared>>
        %dma_wait3A_533 = tpu.memref_squeeze %dma_wait3A_532 : memref<1x512xi32, #tpu.memory_space<vmem_shared>> -> memref<512xi32, #tpu.memory_space<vmem_shared>>
        %dma_wait3A_534 = arith.constant 0 : i32
        %dma_wait3A_535 = tpu.memref_slice %arg12[%run_scoped3A_473, %dma_wait3A_534] : memref<16x512xi32, #tpu.memory_space<vmem>> -> memref<1x512xi32, #tpu.memory_space<vmem>>
        %dma_wait3A_536 = tpu.memref_squeeze %dma_wait3A_535 : memref<1x512xi32, #tpu.memory_space<vmem>> -> memref<512xi32, #tpu.memory_space<vmem>>
        %dma_wait3A_537 = tpu.memref_slice %arg14[%run_scoped3A_472, %mul3A_6] : memref<16x1024xi32, #tpu.memory_space<vmem_shared>> -> memref<1x512xi32, #tpu.memory_space<vmem_shared>>
        %dma_wait3A_538 = tpu.memref_squeeze %dma_wait3A_537 : memref<1x512xi32, #tpu.memory_space<vmem_shared>> -> memref<512xi32, #tpu.memory_space<vmem_shared>>
        tpu.wait_dma2 semaphore(%run_scoped3A_518 : memref<!tpu.dma_semaphore, #tpu.memory_space<semaphore_mem>>) src(%dma_wait3A_538 : memref<512xi32, #tpu.memory_space<vmem_shared>>) dst(%dma_wait3A_536 : memref<512xi32, #tpu.memory_space<vmem>>)
        tpu.yield
      }) : () -> ()
      %run_scoped3A_474 = arith.constant 2 : i32
      %run_scoped3A_475 = arith.constant 2 : i32
      "tpu.region"() ({
        %run_scoped3A_518 = tpu.sem_alloc : memref<!tpu.dma_semaphore, #tpu.memory_space<semaphore_mem>>
        %dma_start3A_519 = arith.constant 0 : i32
        %dma_start3A_520 = tpu.memref_slice %arg12[%run_scoped3A_475, %dma_start3A_519] : memref<16x512xi32, #tpu.memory_space<vmem>> -> memref<1x512xi32, #tpu.memory_space<vmem>>
        %dma_start3A_521 = tpu.memref_squeeze %dma_start3A_520 : memref<1x512xi32, #tpu.memory_space<vmem>> -> memref<512xi32, #tpu.memory_space<vmem>>
        %dma_start3A_522 = tpu.memref_slice %arg14[%run_scoped3A_474, %mul3A_6] : memref<16x1024xi32, #tpu.memory_space<vmem_shared>> -> memref<1x512xi32, #tpu.memory_space<vmem_shared>>
        %dma_start3A_523 = tpu.memref_squeeze %dma_start3A_522 : memref<1x512xi32, #tpu.memory_space<vmem_shared>> -> memref<512xi32, #tpu.memory_space<vmem_shared>>
        %dma_start3A_524 = arith.constant 0 : i32
        %dma_start3A_525 = tpu.memref_slice %arg12[%run_scoped3A_475, %dma_start3A_524] : memref<16x512xi32, #tpu.memory_space<vmem>> -> memref<1x512xi32, #tpu.memory_space<vmem>>
        %dma_start3A_526 = tpu.memref_squeeze %dma_start3A_525 : memref<1x512xi32, #tpu.memory_space<vmem>> -> memref<512xi32, #tpu.memory_space<vmem>>
        %dma_start3A_527 = tpu.memref_slice %arg14[%run_scoped3A_474, %mul3A_6] : memref<16x1024xi32, #tpu.memory_space<vmem_shared>> -> memref<1x512xi32, #tpu.memory_space<vmem_shared>>
        %dma_start3A_528 = tpu.memref_squeeze %dma_start3A_527 : memref<1x512xi32, #tpu.memory_space<vmem_shared>> -> memref<512xi32, #tpu.memory_space<vmem_shared>>
        tpu.enqueue_dma source(%dma_start3A_528 : memref<512xi32, #tpu.memory_space<vmem_shared>>) target(%dma_start3A_526 : memref<512xi32, #tpu.memory_space<vmem>>) target_semaphore(%run_scoped3A_518 : memref<!tpu.dma_semaphore, #tpu.memory_space<semaphore_mem>>)
        %dma_wait3A_529 = arith.constant 0 : i32
        %dma_wait3A_530 = tpu.memref_slice %arg12[%run_scoped3A_475, %dma_wait3A_529] : memref<16x512xi32, #tpu.memory_space<vmem>> -> memref<1x512xi32, #tpu.memory_space<vmem>>
        %dma_wait3A_531 = tpu.memref_squeeze %dma_wait3A_530 : memref<1x512xi32, #tpu.memory_space<vmem>> -> memref<512xi32, #tpu.memory_space<vmem>>
        %dma_wait3A_532 = tpu.memref_slice %arg14[%run_scoped3A_474, %mul3A_6] : memref<16x1024xi32, #tpu.memory_space<vmem_shared>> -> memref<1x512xi32, #tpu.memory_space<vmem_shared>>
        %dma_wait3A_533 = tpu.memref_squeeze %dma_wait3A_532 : memref<1x512xi32, #tpu.memory_space<vmem_shared>> -> memref<512xi32, #tpu.memory_space<vmem_shared>>
        %dma_wait3A_534 = arith.constant 0 : i32
        %dma_wait3A_535 = tpu.memref_slice %arg12[%run_scoped3A_475, %dma_wait3A_534] : memref<16x512xi32, #tpu.memory_space<vmem>> -> memref<1x512xi32, #tpu.memory_space<vmem>>
        %dma_wait3A_536 = tpu.memref_squeeze %dma_wait3A_535 : memref<1x512xi32, #tpu.memory_space<vmem>> -> memref<512xi32, #tpu.memory_space<vmem>>
        %dma_wait3A_537 = tpu.memref_slice %arg14[%run_scoped3A_474, %mul3A_6] : memref<16x1024xi32, #tpu.memory_space<vmem_shared>> -> memref<1x512xi32, #tpu.memory_space<vmem_shared>>
        %dma_wait3A_538 = tpu.memref_squeeze %dma_wait3A_537 : memref<1x512xi32, #tpu.memory_space<vmem_shared>> -> memref<512xi32, #tpu.memory_space<vmem_shared>>
        tpu.wait_dma2 semaphore(%run_scoped3A_518 : memref<!tpu.dma_semaphore, #tpu.memory_space<semaphore_mem>>) src(%dma_wait3A_538 : memref<512xi32, #tpu.memory_space<vmem_shared>>) dst(%dma_wait3A_536 : memref<512xi32, #tpu.memory_space<vmem>>)
        tpu.yield
      }) : () -> ()
      %run_scoped3A_476 = arith.constant 3 : i32
      %run_scoped3A_477 = arith.constant 3 : i32
      "tpu.region"() ({
        %run_scoped3A_518 = tpu.sem_alloc : memref<!tpu.dma_semaphore, #tpu.memory_space<semaphore_mem>>
        %dma_start3A_519 = arith.constant 0 : i32
        %dma_start3A_520 = tpu.memref_slice %arg12[%run_scoped3A_477, %dma_start3A_519] : memref<16x512xi32, #tpu.memory_space<vmem>> -> memref<1x512xi32, #tpu.memory_space<vmem>>
        %dma_start3A_521 = tpu.memref_squeeze %dma_start3A_520 : memref<1x512xi32, #tpu.memory_space<vmem>> -> memref<512xi32, #tpu.memory_space<vmem>>
        %dma_start3A_522 = tpu.memref_slice %arg14[%run_scoped3A_476, %mul3A_6] : memref<16x1024xi32, #tpu.memory_space<vmem_shared>> -> memref<1x512xi32, #tpu.memory_space<vmem_shared>>
        %dma_start3A_523 = tpu.memref_squeeze %dma_start3A_522 : memref<1x512xi32, #tpu.memory_space<vmem_shared>> -> memref<512xi32, #tpu.memory_space<vmem_shared>>
        %dma_start3A_524 = arith.constant 0 : i32
        %dma_start3A_525 = tpu.memref_slice %arg12[%run_scoped3A_477, %dma_start3A_524] : memref<16x512xi32, #tpu.memory_space<vmem>> -> memref<1x512xi32, #tpu.memory_space<vmem>>
        %dma_start3A_526 = tpu.memref_squeeze %dma_start3A_525 : memref<1x512xi32, #tpu.memory_space<vmem>> -> memref<512xi32, #tpu.memory_space<vmem>>
        %dma_start3A_527 = tpu.memref_slice %arg14[%run_scoped3A_476, %mul3A_6] : memref<16x1024xi32, #tpu.memory_space<vmem_shared>> -> memref<1x512xi32, #tpu.memory_space<vmem_shared>>
        %dma_start3A_528 = tpu.memref_squeeze %dma_start3A_527 : memref<1x512xi32, #tpu.memory_space<vmem_shared>> -> memref<512xi32, #tpu.memory_space<vmem_shared>>
        tpu.enqueue_dma source(%dma_start3A_528 : memref<512xi32, #tpu.memory_space<vmem_shared>>) target(%dma_start3A_526 : memref<512xi32, #tpu.memory_space<vmem>>) target_semaphore(%run_scoped3A_518 : memref<!tpu.dma_semaphore, #tpu.memory_space<semaphore_mem>>)
        %dma_wait3A_529 = arith.constant 0 : i32
        %dma_wait3A_530 = tpu.memref_slice %arg12[%run_scoped3A_477, %dma_wait3A_529] : memref<16x512xi32, #tpu.memory_space<vmem>> -> memref<1x512xi32, #tpu.memory_space<vmem>>
        %dma_wait3A_531 = tpu.memref_squeeze %dma_wait3A_530 : memref<1x512xi32, #tpu.memory_space<vmem>> -> memref<512xi32, #tpu.memory_space<vmem>>
        %dma_wait3A_532 = tpu.memref_slice %arg14[%run_scoped3A_476, %mul3A_6] : memref<16x1024xi32, #tpu.memory_space<vmem_shared>> -> memref<1x512xi32, #tpu.memory_space<vmem_shared>>
        %dma_wait3A_533 = tpu.memref_squeeze %dma_wait3A_532 : memref<1x512xi32, #tpu.memory_space<vmem_shared>> -> memref<512xi32, #tpu.memory_space<vmem_shared>>
        %dma_wait3A_534 = arith.constant 0 : i32
        %dma_wait3A_535 = tpu.memref_slice %arg12[%run_scoped3A_477, %dma_wait3A_534] : memref<16x512xi32, #tpu.memory_space<vmem>> -> memref<1x512xi32, #tpu.memory_space<vmem>>
        %dma_wait3A_536 = tpu.memref_squeeze %dma_wait3A_535 : memref<1x512xi32, #tpu.memory_space<vmem>> -> memref<512xi32, #tpu.memory_space<vmem>>
        %dma_wait3A_537 = tpu.memref_slice %arg14[%run_scoped3A_476, %mul3A_6] : memref<16x1024xi32, #tpu.memory_space<vmem_shared>> -> memref<1x512xi32, #tpu.memory_space<vmem_shared>>
        %dma_wait3A_538 = tpu.memref_squeeze %dma_wait3A_537 : memref<1x512xi32, #tpu.memory_space<vmem_shared>> -> memref<512xi32, #tpu.memory_space<vmem_shared>>
        tpu.wait_dma2 semaphore(%run_scoped3A_518 : memref<!tpu.dma_semaphore, #tpu.memory_space<semaphore_mem>>) src(%dma_wait3A_538 : memref<512xi32, #tpu.memory_space<vmem_shared>>) dst(%dma_wait3A_536 : memref<512xi32, #tpu.memory_space<vmem>>)
        tpu.yield
      }) : () -> ()
      %run_scoped3A_478 = arith.constant 4 : i32
      %run_scoped3A_479 = arith.constant 4 : i32
      "tpu.region"() ({
        %run_scoped3A_518 = tpu.sem_alloc : memref<!tpu.dma_semaphore, #tpu.memory_space<semaphore_mem>>
        %dma_start3A_519 = arith.constant 0 : i32
        %dma_start3A_520 = tpu.memref_slice %arg12[%run_scoped3A_479, %dma_start3A_519] : memref<16x512xi32, #tpu.memory_space<vmem>> -> memref<1x512xi32, #tpu.memory_space<vmem>>
        %dma_start3A_521 = tpu.memref_squeeze %dma_start3A_520 : memref<1x512xi32, #tpu.memory_space<vmem>> -> memref<512xi32, #tpu.memory_space<vmem>>
        %dma_start3A_522 = tpu.memref_slice %arg14[%run_scoped3A_478, %mul3A_6] : memref<16x1024xi32, #tpu.memory_space<vmem_shared>> -> memref<1x512xi32, #tpu.memory_space<vmem_shared>>
        %dma_start3A_523 = tpu.memref_squeeze %dma_start3A_522 : memref<1x512xi32, #tpu.memory_space<vmem_shared>> -> memref<512xi32, #tpu.memory_space<vmem_shared>>
        %dma_start3A_524 = arith.constant 0 : i32
        %dma_start3A_525 = tpu.memref_slice %arg12[%run_scoped3A_479, %dma_start3A_524] : memref<16x512xi32, #tpu.memory_space<vmem>> -> memref<1x512xi32, #tpu.memory_space<vmem>>
        %dma_start3A_526 = tpu.memref_squeeze %dma_start3A_525 : memref<1x512xi32, #tpu.memory_space<vmem>> -> memref<512xi32, #tpu.memory_space<vmem>>
        %dma_start3A_527 = tpu.memref_slice %arg14[%run_scoped3A_478, %mul3A_6] : memref<16x1024xi32, #tpu.memory_space<vmem_shared>> -> memref<1x512xi32, #tpu.memory_space<vmem_shared>>
        %dma_start3A_528 = tpu.memref_squeeze %dma_start3A_527 : memref<1x512xi32, #tpu.memory_space<vmem_shared>> -> memref<512xi32, #tpu.memory_space<vmem_shared>>
        tpu.enqueue_dma source(%dma_start3A_528 : memref<512xi32, #tpu.memory_space<vmem_shared>>) target(%dma_start3A_526 : memref<512xi32, #tpu.memory_space<vmem>>) target_semaphore(%run_scoped3A_518 : memref<!tpu.dma_semaphore, #tpu.memory_space<semaphore_mem>>)
        %dma_wait3A_529 = arith.constant 0 : i32
        %dma_wait3A_530 = tpu.memref_slice %arg12[%run_scoped3A_479, %dma_wait3A_529] : memref<16x512xi32, #tpu.memory_space<vmem>> -> memref<1x512xi32, #tpu.memory_space<vmem>>
        %dma_wait3A_531 = tpu.memref_squeeze %dma_wait3A_530 : memref<1x512xi32, #tpu.memory_space<vmem>> -> memref<512xi32, #tpu.memory_space<vmem>>
        %dma_wait3A_532 = tpu.memref_slice %arg14[%run_scoped3A_478, %mul3A_6] : memref<16x1024xi32, #tpu.memory_space<vmem_shared>> -> memref<1x512xi32, #tpu.memory_space<vmem_shared>>
        %dma_wait3A_533 = tpu.memref_squeeze %dma_wait3A_532 : memref<1x512xi32, #tpu.memory_space<vmem_shared>> -> memref<512xi32, #tpu.memory_space<vmem_shared>>
        %dma_wait3A_534 = arith.constant 0 : i32
        %dma_wait3A_535 = tpu.memref_slice %arg12[%run_scoped3A_479, %dma_wait3A_534] : memref<16x512xi32, #tpu.memory_space<vmem>> -> memref<1x512xi32, #tpu.memory_space<vmem>>
        %dma_wait3A_536 = tpu.memref_squeeze %dma_wait3A_535 : memref<1x512xi32, #tpu.memory_space<vmem>> -> memref<512xi32, #tpu.memory_space<vmem>>
        %dma_wait3A_537 = tpu.memref_slice %arg14[%run_scoped3A_478, %mul3A_6] : memref<16x1024xi32, #tpu.memory_space<vmem_shared>> -> memref<1x512xi32, #tpu.memory_space<vmem_shared>>
        %dma_wait3A_538 = tpu.memref_squeeze %dma_wait3A_537 : memref<1x512xi32, #tpu.memory_space<vmem_shared>> -> memref<512xi32, #tpu.memory_space<vmem_shared>>
        tpu.wait_dma2 semaphore(%run_scoped3A_518 : memref<!tpu.dma_semaphore, #tpu.memory_space<semaphore_mem>>) src(%dma_wait3A_538 : memref<512xi32, #tpu.memory_space<vmem_shared>>) dst(%dma_wait3A_536 : memref<512xi32, #tpu.memory_space<vmem>>)
        tpu.yield
      }) : () -> ()
      %run_scoped3A_480 = arith.constant 5 : i32
      %run_scoped3A_481 = arith.constant 5 : i32
      "tpu.region"() ({
        %run_scoped3A_518 = tpu.sem_alloc : memref<!tpu.dma_semaphore, #tpu.memory_space<semaphore_mem>>
        %dma_start3A_519 = arith.constant 0 : i32
        %dma_start3A_520 = tpu.memref_slice %arg12[%run_scoped3A_481, %dma_start3A_519] : memref<16x512xi32, #tpu.memory_space<vmem>> -> memref<1x512xi32, #tpu.memory_space<vmem>>
        %dma_start3A_521 = tpu.memref_squeeze %dma_start3A_520 : memref<1x512xi32, #tpu.memory_space<vmem>> -> memref<512xi32, #tpu.memory_space<vmem>>
        %dma_start3A_522 = tpu.memref_slice %arg14[%run_scoped3A_480, %mul3A_6] : memref<16x1024xi32, #tpu.memory_space<vmem_shared>> -> memref<1x512xi32, #tpu.memory_space<vmem_shared>>
        %dma_start3A_523 = tpu.memref_squeeze %dma_start3A_522 : memref<1x512xi32, #tpu.memory_space<vmem_shared>> -> memref<512xi32, #tpu.memory_space<vmem_shared>>
        %dma_start3A_524 = arith.constant 0 : i32
        %dma_start3A_525 = tpu.memref_slice %arg12[%run_scoped3A_481, %dma_start3A_524] : memref<16x512xi32, #tpu.memory_space<vmem>> -> memref<1x512xi32, #tpu.memory_space<vmem>>
        %dma_start3A_526 = tpu.memref_squeeze %dma_start3A_525 : memref<1x512xi32, #tpu.memory_space<vmem>> -> memref<512xi32, #tpu.memory_space<vmem>>
        %dma_start3A_527 = tpu.memref_slice %arg14[%run_scoped3A_480, %mul3A_6] : memref<16x1024xi32, #tpu.memory_space<vmem_shared>> -> memref<1x512xi32, #tpu.memory_space<vmem_shared>>
        %dma_start3A_528 = tpu.memref_squeeze %dma_start3A_527 : memref<1x512xi32, #tpu.memory_space<vmem_shared>> -> memref<512xi32, #tpu.memory_space<vmem_shared>>
        tpu.enqueue_dma source(%dma_start3A_528 : memref<512xi32, #tpu.memory_space<vmem_shared>>) target(%dma_start3A_526 : memref<512xi32, #tpu.memory_space<vmem>>) target_semaphore(%run_scoped3A_518 : memref<!tpu.dma_semaphore, #tpu.memory_space<semaphore_mem>>)
        %dma_wait3A_529 = arith.constant 0 : i32
        %dma_wait3A_530 = tpu.memref_slice %arg12[%run_scoped3A_481, %dma_wait3A_529] : memref<16x512xi32, #tpu.memory_space<vmem>> -> memref<1x512xi32, #tpu.memory_space<vmem>>
        %dma_wait3A_531 = tpu.memref_squeeze %dma_wait3A_530 : memref<1x512xi32, #tpu.memory_space<vmem>> -> memref<512xi32, #tpu.memory_space<vmem>>
        %dma_wait3A_532 = tpu.memref_slice %arg14[%run_scoped3A_480, %mul3A_6] : memref<16x1024xi32, #tpu.memory_space<vmem_shared>> -> memref<1x512xi32, #tpu.memory_space<vmem_shared>>
        %dma_wait3A_533 = tpu.memref_squeeze %dma_wait3A_532 : memref<1x512xi32, #tpu.memory_space<vmem_shared>> -> memref<512xi32, #tpu.memory_space<vmem_shared>>
        %dma_wait3A_534 = arith.constant 0 : i32
        %dma_wait3A_535 = tpu.memref_slice %arg12[%run_scoped3A_481, %dma_wait3A_534] : memref<16x512xi32, #tpu.memory_space<vmem>> -> memref<1x512xi32, #tpu.memory_space<vmem>>
        %dma_wait3A_536 = tpu.memref_squeeze %dma_wait3A_535 : memref<1x512xi32, #tpu.memory_space<vmem>> -> memref<512xi32, #tpu.memory_space<vmem>>
        %dma_wait3A_537 = tpu.memref_slice %arg14[%run_scoped3A_480, %mul3A_6] : memref<16x1024xi32, #tpu.memory_space<vmem_shared>> -> memref<1x512xi32, #tpu.memory_space<vmem_shared>>
        %dma_wait3A_538 = tpu.memref_squeeze %dma_wait3A_537 : memref<1x512xi32, #tpu.memory_space<vmem_shared>> -> memref<512xi32, #tpu.memory_space<vmem_shared>>
        tpu.wait_dma2 semaphore(%run_scoped3A_518 : memref<!tpu.dma_semaphore, #tpu.memory_space<semaphore_mem>>) src(%dma_wait3A_538 : memref<512xi32, #tpu.memory_space<vmem_shared>>) dst(%dma_wait3A_536 : memref<512xi32, #tpu.memory_space<vmem>>)
        tpu.yield
      }) : () -> ()
      %run_scoped3A_482 = arith.constant 6 : i32
      %run_scoped3A_483 = arith.constant 6 : i32
      "tpu.region"() ({
        %run_scoped3A_518 = tpu.sem_alloc : memref<!tpu.dma_semaphore, #tpu.memory_space<semaphore_mem>>
        %dma_start3A_519 = arith.constant 0 : i32
        %dma_start3A_520 = tpu.memref_slice %arg12[%run_scoped3A_483, %dma_start3A_519] : memref<16x512xi32, #tpu.memory_space<vmem>> -> memref<1x512xi32, #tpu.memory_space<vmem>>
        %dma_start3A_521 = tpu.memref_squeeze %dma_start3A_520 : memref<1x512xi32, #tpu.memory_space<vmem>> -> memref<512xi32, #tpu.memory_space<vmem>>
        %dma_start3A_522 = tpu.memref_slice %arg14[%run_scoped3A_482, %mul3A_6] : memref<16x1024xi32, #tpu.memory_space<vmem_shared>> -> memref<1x512xi32, #tpu.memory_space<vmem_shared>>
        %dma_start3A_523 = tpu.memref_squeeze %dma_start3A_522 : memref<1x512xi32, #tpu.memory_space<vmem_shared>> -> memref<512xi32, #tpu.memory_space<vmem_shared>>
        %dma_start3A_524 = arith.constant 0 : i32
        %dma_start3A_525 = tpu.memref_slice %arg12[%run_scoped3A_483, %dma_start3A_524] : memref<16x512xi32, #tpu.memory_space<vmem>> -> memref<1x512xi32, #tpu.memory_space<vmem>>
        %dma_start3A_526 = tpu.memref_squeeze %dma_start3A_525 : memref<1x512xi32, #tpu.memory_space<vmem>> -> memref<512xi32, #tpu.memory_space<vmem>>
        %dma_start3A_527 = tpu.memref_slice %arg14[%run_scoped3A_482, %mul3A_6] : memref<16x1024xi32, #tpu.memory_space<vmem_shared>> -> memref<1x512xi32, #tpu.memory_space<vmem_shared>>
        %dma_start3A_528 = tpu.memref_squeeze %dma_start3A_527 : memref<1x512xi32, #tpu.memory_space<vmem_shared>> -> memref<512xi32, #tpu.memory_space<vmem_shared>>
        tpu.enqueue_dma source(%dma_start3A_528 : memref<512xi32, #tpu.memory_space<vmem_shared>>) target(%dma_start3A_526 : memref<512xi32, #tpu.memory_space<vmem>>) target_semaphore(%run_scoped3A_518 : memref<!tpu.dma_semaphore, #tpu.memory_space<semaphore_mem>>)
        %dma_wait3A_529 = arith.constant 0 : i32
        %dma_wait3A_530 = tpu.memref_slice %arg12[%run_scoped3A_483, %dma_wait3A_529] : memref<16x512xi32, #tpu.memory_space<vmem>> -> memref<1x512xi32, #tpu.memory_space<vmem>>
        %dma_wait3A_531 = tpu.memref_squeeze %dma_wait3A_530 : memref<1x512xi32, #tpu.memory_space<vmem>> -> memref<512xi32, #tpu.memory_space<vmem>>
        %dma_wait3A_532 = tpu.memref_slice %arg14[%run_scoped3A_482, %mul3A_6] : memref<16x1024xi32, #tpu.memory_space<vmem_shared>> -> memref<1x512xi32, #tpu.memory_space<vmem_shared>>
        %dma_wait3A_533 = tpu.memref_squeeze %dma_wait3A_532 : memref<1x512xi32, #tpu.memory_space<vmem_shared>> -> memref<512xi32, #tpu.memory_space<vmem_shared>>
        %dma_wait3A_534 = arith.constant 0 : i32
        %dma_wait3A_535 = tpu.memref_slice %arg12[%run_scoped3A_483, %dma_wait3A_534] : memref<16x512xi32, #tpu.memory_space<vmem>> -> memref<1x512xi32, #tpu.memory_space<vmem>>
        %dma_wait3A_536 = tpu.memref_squeeze %dma_wait3A_535 : memref<1x512xi32, #tpu.memory_space<vmem>> -> memref<512xi32, #tpu.memory_space<vmem>>
        %dma_wait3A_537 = tpu.memref_slice %arg14[%run_scoped3A_482, %mul3A_6] : memref<16x1024xi32, #tpu.memory_space<vmem_shared>> -> memref<1x512xi32, #tpu.memory_space<vmem_shared>>
        %dma_wait3A_538 = tpu.memref_squeeze %dma_wait3A_537 : memref<1x512xi32, #tpu.memory_space<vmem_shared>> -> memref<512xi32, #tpu.memory_space<vmem_shared>>
        tpu.wait_dma2 semaphore(%run_scoped3A_518 : memref<!tpu.dma_semaphore, #tpu.memory_space<semaphore_mem>>) src(%dma_wait3A_538 : memref<512xi32, #tpu.memory_space<vmem_shared>>) dst(%dma_wait3A_536 : memref<512xi32, #tpu.memory_space<vmem>>)
        tpu.yield
      }) : () -> ()
      %run_scoped3A_484 = arith.constant 7 : i32
      %run_scoped3A_485 = arith.constant 7 : i32
      "tpu.region"() ({
        %run_scoped3A_518 = tpu.sem_alloc : memref<!tpu.dma_semaphore, #tpu.memory_space<semaphore_mem>>
        %dma_start3A_519 = arith.constant 0 : i32
        %dma_start3A_520 = tpu.memref_slice %arg12[%run_scoped3A_485, %dma_start3A_519] : memref<16x512xi32, #tpu.memory_space<vmem>> -> memref<1x512xi32, #tpu.memory_space<vmem>>
        %dma_start3A_521 = tpu.memref_squeeze %dma_start3A_520 : memref<1x512xi32, #tpu.memory_space<vmem>> -> memref<512xi32, #tpu.memory_space<vmem>>
        %dma_start3A_522 = tpu.memref_slice %arg14[%run_scoped3A_484, %mul3A_6] : memref<16x1024xi32, #tpu.memory_space<vmem_shared>> -> memref<1x512xi32, #tpu.memory_space<vmem_shared>>
        %dma_start3A_523 = tpu.memref_squeeze %dma_start3A_522 : memref<1x512xi32, #tpu.memory_space<vmem_shared>> -> memref<512xi32, #tpu.memory_space<vmem_shared>>
        %dma_start3A_524 = arith.constant 0 : i32
        %dma_start3A_525 = tpu.memref_slice %arg12[%run_scoped3A_485, %dma_start3A_524] : memref<16x512xi32, #tpu.memory_space<vmem>> -> memref<1x512xi32, #tpu.memory_space<vmem>>
        %dma_start3A_526 = tpu.memref_squeeze %dma_start3A_525 : memref<1x512xi32, #tpu.memory_space<vmem>> -> memref<512xi32, #tpu.memory_space<vmem>>
        %dma_start3A_527 = tpu.memref_slice %arg14[%run_scoped3A_484, %mul3A_6] : memref<16x1024xi32, #tpu.memory_space<vmem_shared>> -> memref<1x512xi32, #tpu.memory_space<vmem_shared>>
        %dma_start3A_528 = tpu.memref_squeeze %dma_start3A_527 : memref<1x512xi32, #tpu.memory_space<vmem_shared>> -> memref<512xi32, #tpu.memory_space<vmem_shared>>
        tpu.enqueue_dma source(%dma_start3A_528 : memref<512xi32, #tpu.memory_space<vmem_shared>>) target(%dma_start3A_526 : memref<512xi32, #tpu.memory_space<vmem>>) target_semaphore(%run_scoped3A_518 : memref<!tpu.dma_semaphore, #tpu.memory_space<semaphore_mem>>)
        %dma_wait3A_529 = arith.constant 0 : i32
        %dma_wait3A_530 = tpu.memref_slice %arg12[%run_scoped3A_485, %dma_wait3A_529] : memref<16x512xi32, #tpu.memory_space<vmem>> -> memref<1x512xi32, #tpu.memory_space<vmem>>
        %dma_wait3A_531 = tpu.memref_squeeze %dma_wait3A_530 : memref<1x512xi32, #tpu.memory_space<vmem>> -> memref<512xi32, #tpu.memory_space<vmem>>
        %dma_wait3A_532 = tpu.memref_slice %arg14[%run_scoped3A_484, %mul3A_6] : memref<16x1024xi32, #tpu.memory_space<vmem_shared>> -> memref<1x512xi32, #tpu.memory_space<vmem_shared>>
        %dma_wait3A_533 = tpu.memref_squeeze %dma_wait3A_532 : memref<1x512xi32, #tpu.memory_space<vmem_shared>> -> memref<512xi32, #tpu.memory_space<vmem_shared>>
        %dma_wait3A_534 = arith.constant 0 : i32
        %dma_wait3A_535 = tpu.memref_slice %arg12[%run_scoped3A_485, %dma_wait3A_534] : memref<16x512xi32, #tpu.memory_space<vmem>> -> memref<1x512xi32, #tpu.memory_space<vmem>>
        %dma_wait3A_536 = tpu.memref_squeeze %dma_wait3A_535 : memref<1x512xi32, #tpu.memory_space<vmem>> -> memref<512xi32, #tpu.memory_space<vmem>>
        %dma_wait3A_537 = tpu.memref_slice %arg14[%run_scoped3A_484, %mul3A_6] : memref<16x1024xi32, #tpu.memory_space<vmem_shared>> -> memref<1x512xi32, #tpu.memory_space<vmem_shared>>
        %dma_wait3A_538 = tpu.memref_squeeze %dma_wait3A_537 : memref<1x512xi32, #tpu.memory_space<vmem_shared>> -> memref<512xi32, #tpu.memory_space<vmem_shared>>
        tpu.wait_dma2 semaphore(%run_scoped3A_518 : memref<!tpu.dma_semaphore, #tpu.memory_space<semaphore_mem>>) src(%dma_wait3A_538 : memref<512xi32, #tpu.memory_space<vmem_shared>>) dst(%dma_wait3A_536 : memref<512xi32, #tpu.memory_space<vmem>>)
        tpu.yield
      }) : () -> ()
      %run_scoped3A_486 = arith.constant 8 : i32
      %run_scoped3A_487 = arith.constant 8 : i32
      "tpu.region"() ({
        %run_scoped3A_518 = tpu.sem_alloc : memref<!tpu.dma_semaphore, #tpu.memory_space<semaphore_mem>>
        %dma_start3A_519 = arith.constant 0 : i32
        %dma_start3A_520 = tpu.memref_slice %arg12[%run_scoped3A_487, %dma_start3A_519] : memref<16x512xi32, #tpu.memory_space<vmem>> -> memref<1x512xi32, #tpu.memory_space<vmem>>
        %dma_start3A_521 = tpu.memref_squeeze %dma_start3A_520 : memref<1x512xi32, #tpu.memory_space<vmem>> -> memref<512xi32, #tpu.memory_space<vmem>>
        %dma_start3A_522 = tpu.memref_slice %arg14[%run_scoped3A_486, %mul3A_6] : memref<16x1024xi32, #tpu.memory_space<vmem_shared>> -> memref<1x512xi32, #tpu.memory_space<vmem_shared>>
        %dma_start3A_523 = tpu.memref_squeeze %dma_start3A_522 : memref<1x512xi32, #tpu.memory_space<vmem_shared>> -> memref<512xi32, #tpu.memory_space<vmem_shared>>
        %dma_start3A_524 = arith.constant 0 : i32
        %dma_start3A_525 = tpu.memref_slice %arg12[%run_scoped3A_487, %dma_start3A_524] : memref<16x512xi32, #tpu.memory_space<vmem>> -> memref<1x512xi32, #tpu.memory_space<vmem>>
        %dma_start3A_526 = tpu.memref_squeeze %dma_start3A_525 : memref<1x512xi32, #tpu.memory_space<vmem>> -> memref<512xi32, #tpu.memory_space<vmem>>
        %dma_start3A_527 = tpu.memref_slice %arg14[%run_scoped3A_486, %mul3A_6] : memref<16x1024xi32, #tpu.memory_space<vmem_shared>> -> memref<1x512xi32, #tpu.memory_space<vmem_shared>>
        %dma_start3A_528 = tpu.memref_squeeze %dma_start3A_527 : memref<1x512xi32, #tpu.memory_space<vmem_shared>> -> memref<512xi32, #tpu.memory_space<vmem_shared>>
        tpu.enqueue_dma source(%dma_start3A_528 : memref<512xi32, #tpu.memory_space<vmem_shared>>) target(%dma_start3A_526 : memref<512xi32, #tpu.memory_space<vmem>>) target_semaphore(%run_scoped3A_518 : memref<!tpu.dma_semaphore, #tpu.memory_space<semaphore_mem>>)
        %dma_wait3A_529 = arith.constant 0 : i32
        %dma_wait3A_530 = tpu.memref_slice %arg12[%run_scoped3A_487, %dma_wait3A_529] : memref<16x512xi32, #tpu.memory_space<vmem>> -> memref<1x512xi32, #tpu.memory_space<vmem>>
        %dma_wait3A_531 = tpu.memref_squeeze %dma_wait3A_530 : memref<1x512xi32, #tpu.memory_space<vmem>> -> memref<512xi32, #tpu.memory_space<vmem>>
        %dma_wait3A_532 = tpu.memref_slice %arg14[%run_scoped3A_486, %mul3A_6] : memref<16x1024xi32, #tpu.memory_space<vmem_shared>> -> memref<1x512xi32, #tpu.memory_space<vmem_shared>>
        %dma_wait3A_533 = tpu.memref_squeeze %dma_wait3A_532 : memref<1x512xi32, #tpu.memory_space<vmem_shared>> -> memref<512xi32, #tpu.memory_space<vmem_shared>>
        %dma_wait3A_534 = arith.constant 0 : i32
        %dma_wait3A_535 = tpu.memref_slice %arg12[%run_scoped3A_487, %dma_wait3A_534] : memref<16x512xi32, #tpu.memory_space<vmem>> -> memref<1x512xi32, #tpu.memory_space<vmem>>
        %dma_wait3A_536 = tpu.memref_squeeze %dma_wait3A_535 : memref<1x512xi32, #tpu.memory_space<vmem>> -> memref<512xi32, #tpu.memory_space<vmem>>
        %dma_wait3A_537 = tpu.memref_slice %arg14[%run_scoped3A_486, %mul3A_6] : memref<16x1024xi32, #tpu.memory_space<vmem_shared>> -> memref<1x512xi32, #tpu.memory_space<vmem_shared>>
        %dma_wait3A_538 = tpu.memref_squeeze %dma_wait3A_537 : memref<1x512xi32, #tpu.memory_space<vmem_shared>> -> memref<512xi32, #tpu.memory_space<vmem_shared>>
        tpu.wait_dma2 semaphore(%run_scoped3A_518 : memref<!tpu.dma_semaphore, #tpu.memory_space<semaphore_mem>>) src(%dma_wait3A_538 : memref<512xi32, #tpu.memory_space<vmem_shared>>) dst(%dma_wait3A_536 : memref<512xi32, #tpu.memory_space<vmem>>)
        tpu.yield
      }) : () -> ()
      %run_scoped3A_488 = arith.constant 9 : i32
      %run_scoped3A_489 = arith.constant 9 : i32
      "tpu.region"() ({
        %run_scoped3A_518 = tpu.sem_alloc : memref<!tpu.dma_semaphore, #tpu.memory_space<semaphore_mem>>
        %dma_start3A_519 = arith.constant 0 : i32
        %dma_start3A_520 = tpu.memref_slice %arg12[%run_scoped3A_489, %dma_start3A_519] : memref<16x512xi32, #tpu.memory_space<vmem>> -> memref<1x512xi32, #tpu.memory_space<vmem>>
        %dma_start3A_521 = tpu.memref_squeeze %dma_start3A_520 : memref<1x512xi32, #tpu.memory_space<vmem>> -> memref<512xi32, #tpu.memory_space<vmem>>
        %dma_start3A_522 = tpu.memref_slice %arg14[%run_scoped3A_488, %mul3A_6] : memref<16x1024xi32, #tpu.memory_space<vmem_shared>> -> memref<1x512xi32, #tpu.memory_space<vmem_shared>>
        %dma_start3A_523 = tpu.memref_squeeze %dma_start3A_522 : memref<1x512xi32, #tpu.memory_space<vmem_shared>> -> memref<512xi32, #tpu.memory_space<vmem_shared>>
        %dma_start3A_524 = arith.constant 0 : i32
        %dma_start3A_525 = tpu.memref_slice %arg12[%run_scoped3A_489, %dma_start3A_524] : memref<16x512xi32, #tpu.memory_space<vmem>> -> memref<1x512xi32, #tpu.memory_space<vmem>>
        %dma_start3A_526 = tpu.memref_squeeze %dma_start3A_525 : memref<1x512xi32, #tpu.memory_space<vmem>> -> memref<512xi32, #tpu.memory_space<vmem>>
        %dma_start3A_527 = tpu.memref_slice %arg14[%run_scoped3A_488, %mul3A_6] : memref<16x1024xi32, #tpu.memory_space<vmem_shared>> -> memref<1x512xi32, #tpu.memory_space<vmem_shared>>
        %dma_start3A_528 = tpu.memref_squeeze %dma_start3A_527 : memref<1x512xi32, #tpu.memory_space<vmem_shared>> -> memref<512xi32, #tpu.memory_space<vmem_shared>>
        tpu.enqueue_dma source(%dma_start3A_528 : memref<512xi32, #tpu.memory_space<vmem_shared>>) target(%dma_start3A_526 : memref<512xi32, #tpu.memory_space<vmem>>) target_semaphore(%run_scoped3A_518 : memref<!tpu.dma_semaphore, #tpu.memory_space<semaphore_mem>>)
        %dma_wait3A_529 = arith.constant 0 : i32
        %dma_wait3A_530 = tpu.memref_slice %arg12[%run_scoped3A_489, %dma_wait3A_529] : memref<16x512xi32, #tpu.memory_space<vmem>> -> memref<1x512xi32, #tpu.memory_space<vmem>>
        %dma_wait3A_531 = tpu.memref_squeeze %dma_wait3A_530 : memref<1x512xi32, #tpu.memory_space<vmem>> -> memref<512xi32, #tpu.memory_space<vmem>>
        %dma_wait3A_532 = tpu.memref_slice %arg14[%run_scoped3A_488, %mul3A_6] : memref<16x1024xi32, #tpu.memory_space<vmem_shared>> -> memref<1x512xi32, #tpu.memory_space<vmem_shared>>
        %dma_wait3A_533 = tpu.memref_squeeze %dma_wait3A_532 : memref<1x512xi32, #tpu.memory_space<vmem_shared>> -> memref<512xi32, #tpu.memory_space<vmem_shared>>
        %dma_wait3A_534 = arith.constant 0 : i32
        %dma_wait3A_535 = tpu.memref_slice %arg12[%run_scoped3A_489, %dma_wait3A_534] : memref<16x512xi32, #tpu.memory_space<vmem>> -> memref<1x512xi32, #tpu.memory_space<vmem>>
        %dma_wait3A_536 = tpu.memref_squeeze %dma_wait3A_535 : memref<1x512xi32, #tpu.memory_space<vmem>> -> memref<512xi32, #tpu.memory_space<vmem>>
        %dma_wait3A_537 = tpu.memref_slice %arg14[%run_scoped3A_488, %mul3A_6] : memref<16x1024xi32, #tpu.memory_space<vmem_shared>> -> memref<1x512xi32, #tpu.memory_space<vmem_shared>>
        %dma_wait3A_538 = tpu.memref_squeeze %dma_wait3A_537 : memref<1x512xi32, #tpu.memory_space<vmem_shared>> -> memref<512xi32, #tpu.memory_space<vmem_shared>>
        tpu.wait_dma2 semaphore(%run_scoped3A_518 : memref<!tpu.dma_semaphore, #tpu.memory_space<semaphore_mem>>) src(%dma_wait3A_538 : memref<512xi32, #tpu.memory_space<vmem_shared>>) dst(%dma_wait3A_536 : memref<512xi32, #tpu.memory_space<vmem>>)
        tpu.yield
      }) : () -> ()
      %run_scoped3A_490 = arith.constant 10 : i32
      %run_scoped3A_491 = arith.constant 10 : i32
      "tpu.region"() ({
        %run_scoped3A_518 = tpu.sem_alloc : memref<!tpu.dma_semaphore, #tpu.memory_space<semaphore_mem>>
        %dma_start3A_519 = arith.constant 0 : i32
        %dma_start3A_520 = tpu.memref_slice %arg12[%run_scoped3A_491, %dma_start3A_519] : memref<16x512xi32, #tpu.memory_space<vmem>> -> memref<1x512xi32, #tpu.memory_space<vmem>>
        %dma_start3A_521 = tpu.memref_squeeze %dma_start3A_520 : memref<1x512xi32, #tpu.memory_space<vmem>> -> memref<512xi32, #tpu.memory_space<vmem>>
        %dma_start3A_522 = tpu.memref_slice %arg14[%run_scoped3A_490, %mul3A_6] : memref<16x1024xi32, #tpu.memory_space<vmem_shared>> -> memref<1x512xi32, #tpu.memory_space<vmem_shared>>
        %dma_start3A_523 = tpu.memref_squeeze %dma_start3A_522 : memref<1x512xi32, #tpu.memory_space<vmem_shared>> -> memref<512xi32, #tpu.memory_space<vmem_shared>>
        %dma_start3A_524 = arith.constant 0 : i32
        %dma_start3A_525 = tpu.memref_slice %arg12[%run_scoped3A_491, %dma_start3A_524] : memref<16x512xi32, #tpu.memory_space<vmem>> -> memref<1x512xi32, #tpu.memory_space<vmem>>
        %dma_start3A_526 = tpu.memref_squeeze %dma_start3A_525 : memref<1x512xi32, #tpu.memory_space<vmem>> -> memref<512xi32, #tpu.memory_space<vmem>>
        %dma_start3A_527 = tpu.memref_slice %arg14[%run_scoped3A_490, %mul3A_6] : memref<16x1024xi32, #tpu.memory_space<vmem_shared>> -> memref<1x512xi32, #tpu.memory_space<vmem_shared>>
        %dma_start3A_528 = tpu.memref_squeeze %dma_start3A_527 : memref<1x512xi32, #tpu.memory_space<vmem_shared>> -> memref<512xi32, #tpu.memory_space<vmem_shared>>
        tpu.enqueue_dma source(%dma_start3A_528 : memref<512xi32, #tpu.memory_space<vmem_shared>>) target(%dma_start3A_526 : memref<512xi32, #tpu.memory_space<vmem>>) target_semaphore(%run_scoped3A_518 : memref<!tpu.dma_semaphore, #tpu.memory_space<semaphore_mem>>)
        %dma_wait3A_529 = arith.constant 0 : i32
        %dma_wait3A_530 = tpu.memref_slice %arg12[%run_scoped3A_491, %dma_wait3A_529] : memref<16x512xi32, #tpu.memory_space<vmem>> -> memref<1x512xi32, #tpu.memory_space<vmem>>
        %dma_wait3A_531 = tpu.memref_squeeze %dma_wait3A_530 : memref<1x512xi32, #tpu.memory_space<vmem>> -> memref<512xi32, #tpu.memory_space<vmem>>
        %dma_wait3A_532 = tpu.memref_slice %arg14[%run_scoped3A_490, %mul3A_6] : memref<16x1024xi32, #tpu.memory_space<vmem_shared>> -> memref<1x512xi32, #tpu.memory_space<vmem_shared>>
        %dma_wait3A_533 = tpu.memref_squeeze %dma_wait3A_532 : memref<1x512xi32, #tpu.memory_space<vmem_shared>> -> memref<512xi32, #tpu.memory_space<vmem_shared>>
        %dma_wait3A_534 = arith.constant 0 : i32
        %dma_wait3A_535 = tpu.memref_slice %arg12[%run_scoped3A_491, %dma_wait3A_534] : memref<16x512xi32, #tpu.memory_space<vmem>> -> memref<1x512xi32, #tpu.memory_space<vmem>>
        %dma_wait3A_536 = tpu.memref_squeeze %dma_wait3A_535 : memref<1x512xi32, #tpu.memory_space<vmem>> -> memref<512xi32, #tpu.memory_space<vmem>>
        %dma_wait3A_537 = tpu.memref_slice %arg14[%run_scoped3A_490, %mul3A_6] : memref<16x1024xi32, #tpu.memory_space<vmem_shared>> -> memref<1x512xi32, #tpu.memory_space<vmem_shared>>
        %dma_wait3A_538 = tpu.memref_squeeze %dma_wait3A_537 : memref<1x512xi32, #tpu.memory_space<vmem_shared>> -> memref<512xi32, #tpu.memory_space<vmem_shared>>
        tpu.wait_dma2 semaphore(%run_scoped3A_518 : memref<!tpu.dma_semaphore, #tpu.memory_space<semaphore_mem>>) src(%dma_wait3A_538 : memref<512xi32, #tpu.memory_space<vmem_shared>>) dst(%dma_wait3A_536 : memref<512xi32, #tpu.memory_space<vmem>>)
        tpu.yield
      }) : () -> ()
      %run_scoped3A_492 = arith.constant 11 : i32
      %run_scoped3A_493 = arith.constant 11 : i32
      "tpu.region"() ({
        %run_scoped3A_518 = tpu.sem_alloc : memref<!tpu.dma_semaphore, #tpu.memory_space<semaphore_mem>>
        %dma_start3A_519 = arith.constant 0 : i32
        %dma_start3A_520 = tpu.memref_slice %arg12[%run_scoped3A_493, %dma_start3A_519] : memref<16x512xi32, #tpu.memory_space<vmem>> -> memref<1x512xi32, #tpu.memory_space<vmem>>
        %dma_start3A_521 = tpu.memref_squeeze %dma_start3A_520 : memref<1x512xi32, #tpu.memory_space<vmem>> -> memref<512xi32, #tpu.memory_space<vmem>>
        %dma_start3A_522 = tpu.memref_slice %arg14[%run_scoped3A_492, %mul3A_6] : memref<16x1024xi32, #tpu.memory_space<vmem_shared>> -> memref<1x512xi32, #tpu.memory_space<vmem_shared>>
        %dma_start3A_523 = tpu.memref_squeeze %dma_start3A_522 : memref<1x512xi32, #tpu.memory_space<vmem_shared>> -> memref<512xi32, #tpu.memory_space<vmem_shared>>
        %dma_start3A_524 = arith.constant 0 : i32
        %dma_start3A_525 = tpu.memref_slice %arg12[%run_scoped3A_493, %dma_start3A_524] : memref<16x512xi32, #tpu.memory_space<vmem>> -> memref<1x512xi32, #tpu.memory_space<vmem>>
        %dma_start3A_526 = tpu.memref_squeeze %dma_start3A_525 : memref<1x512xi32, #tpu.memory_space<vmem>> -> memref<512xi32, #tpu.memory_space<vmem>>
        %dma_start3A_527 = tpu.memref_slice %arg14[%run_scoped3A_492, %mul3A_6] : memref<16x1024xi32, #tpu.memory_space<vmem_shared>> -> memref<1x512xi32, #tpu.memory_space<vmem_shared>>
        %dma_start3A_528 = tpu.memref_squeeze %dma_start3A_527 : memref<1x512xi32, #tpu.memory_space<vmem_shared>> -> memref<512xi32, #tpu.memory_space<vmem_shared>>
        tpu.enqueue_dma source(%dma_start3A_528 : memref<512xi32, #tpu.memory_space<vmem_shared>>) target(%dma_start3A_526 : memref<512xi32, #tpu.memory_space<vmem>>) target_semaphore(%run_scoped3A_518 : memref<!tpu.dma_semaphore, #tpu.memory_space<semaphore_mem>>)
        %dma_wait3A_529 = arith.constant 0 : i32
        %dma_wait3A_530 = tpu.memref_slice %arg12[%run_scoped3A_493, %dma_wait3A_529] : memref<16x512xi32, #tpu.memory_space<vmem>> -> memref<1x512xi32, #tpu.memory_space<vmem>>
        %dma_wait3A_531 = tpu.memref_squeeze %dma_wait3A_530 : memref<1x512xi32, #tpu.memory_space<vmem>> -> memref<512xi32, #tpu.memory_space<vmem>>
        %dma_wait3A_532 = tpu.memref_slice %arg14[%run_scoped3A_492, %mul3A_6] : memref<16x1024xi32, #tpu.memory_space<vmem_shared>> -> memref<1x512xi32, #tpu.memory_space<vmem_shared>>
        %dma_wait3A_533 = tpu.memref_squeeze %dma_wait3A_532 : memref<1x512xi32, #tpu.memory_space<vmem_shared>> -> memref<512xi32, #tpu.memory_space<vmem_shared>>
        %dma_wait3A_534 = arith.constant 0 : i32
        %dma_wait3A_535 = tpu.memref_slice %arg12[%run_scoped3A_493, %dma_wait3A_534] : memref<16x512xi32, #tpu.memory_space<vmem>> -> memref<1x512xi32, #tpu.memory_space<vmem>>
        %dma_wait3A_536 = tpu.memref_squeeze %dma_wait3A_535 : memref<1x512xi32, #tpu.memory_space<vmem>> -> memref<512xi32, #tpu.memory_space<vmem>>
        %dma_wait3A_537 = tpu.memref_slice %arg14[%run_scoped3A_492, %mul3A_6] : memref<16x1024xi32, #tpu.memory_space<vmem_shared>> -> memref<1x512xi32, #tpu.memory_space<vmem_shared>>
        %dma_wait3A_538 = tpu.memref_squeeze %dma_wait3A_537 : memref<1x512xi32, #tpu.memory_space<vmem_shared>> -> memref<512xi32, #tpu.memory_space<vmem_shared>>
        tpu.wait_dma2 semaphore(%run_scoped3A_518 : memref<!tpu.dma_semaphore, #tpu.memory_space<semaphore_mem>>) src(%dma_wait3A_538 : memref<512xi32, #tpu.memory_space<vmem_shared>>) dst(%dma_wait3A_536 : memref<512xi32, #tpu.memory_space<vmem>>)
        tpu.yield
      }) : () -> ()
      %run_scoped3A_494 = arith.constant 12 : i32
      %run_scoped3A_495 = arith.constant 12 : i32
      "tpu.region"() ({
        %run_scoped3A_518 = tpu.sem_alloc : memref<!tpu.dma_semaphore, #tpu.memory_space<semaphore_mem>>
        %dma_start3A_519 = arith.constant 0 : i32
        %dma_start3A_520 = tpu.memref_slice %arg12[%run_scoped3A_495, %dma_start3A_519] : memref<16x512xi32, #tpu.memory_space<vmem>> -> memref<1x512xi32, #tpu.memory_space<vmem>>
        %dma_start3A_521 = tpu.memref_squeeze %dma_start3A_520 : memref<1x512xi32, #tpu.memory_space<vmem>> -> memref<512xi32, #tpu.memory_space<vmem>>
        %dma_start3A_522 = tpu.memref_slice %arg14[%run_scoped3A_494, %mul3A_6] : memref<16x1024xi32, #tpu.memory_space<vmem_shared>> -> memref<1x512xi32, #tpu.memory_space<vmem_shared>>
        %dma_start3A_523 = tpu.memref_squeeze %dma_start3A_522 : memref<1x512xi32, #tpu.memory_space<vmem_shared>> -> memref<512xi32, #tpu.memory_space<vmem_shared>>
        %dma_start3A_524 = arith.constant 0 : i32
        %dma_start3A_525 = tpu.memref_slice %arg12[%run_scoped3A_495, %dma_start3A_524] : memref<16x512xi32, #tpu.memory_space<vmem>> -> memref<1x512xi32, #tpu.memory_space<vmem>>
        %dma_start3A_526 = tpu.memref_squeeze %dma_start3A_525 : memref<1x512xi32, #tpu.memory_space<vmem>> -> memref<512xi32, #tpu.memory_space<vmem>>
        %dma_start3A_527 = tpu.memref_slice %arg14[%run_scoped3A_494, %mul3A_6] : memref<16x1024xi32, #tpu.memory_space<vmem_shared>> -> memref<1x512xi32, #tpu.memory_space<vmem_shared>>
        %dma_start3A_528 = tpu.memref_squeeze %dma_start3A_527 : memref<1x512xi32, #tpu.memory_space<vmem_shared>> -> memref<512xi32, #tpu.memory_space<vmem_shared>>
        tpu.enqueue_dma source(%dma_start3A_528 : memref<512xi32, #tpu.memory_space<vmem_shared>>) target(%dma_start3A_526 : memref<512xi32, #tpu.memory_space<vmem>>) target_semaphore(%run_scoped3A_518 : memref<!tpu.dma_semaphore, #tpu.memory_space<semaphore_mem>>)
        %dma_wait3A_529 = arith.constant 0 : i32
        %dma_wait3A_530 = tpu.memref_slice %arg12[%run_scoped3A_495, %dma_wait3A_529] : memref<16x512xi32, #tpu.memory_space<vmem>> -> memref<1x512xi32, #tpu.memory_space<vmem>>
        %dma_wait3A_531 = tpu.memref_squeeze %dma_wait3A_530 : memref<1x512xi32, #tpu.memory_space<vmem>> -> memref<512xi32, #tpu.memory_space<vmem>>
        %dma_wait3A_532 = tpu.memref_slice %arg14[%run_scoped3A_494, %mul3A_6] : memref<16x1024xi32, #tpu.memory_space<vmem_shared>> -> memref<1x512xi32, #tpu.memory_space<vmem_shared>>
        %dma_wait3A_533 = tpu.memref_squeeze %dma_wait3A_532 : memref<1x512xi32, #tpu.memory_space<vmem_shared>> -> memref<512xi32, #tpu.memory_space<vmem_shared>>
        %dma_wait3A_534 = arith.constant 0 : i32
        %dma_wait3A_535 = tpu.memref_slice %arg12[%run_scoped3A_495, %dma_wait3A_534] : memref<16x512xi32, #tpu.memory_space<vmem>> -> memref<1x512xi32, #tpu.memory_space<vmem>>
        %dma_wait3A_536 = tpu.memref_squeeze %dma_wait3A_535 : memref<1x512xi32, #tpu.memory_space<vmem>> -> memref<512xi32, #tpu.memory_space<vmem>>
        %dma_wait3A_537 = tpu.memref_slice %arg14[%run_scoped3A_494, %mul3A_6] : memref<16x1024xi32, #tpu.memory_space<vmem_shared>> -> memref<1x512xi32, #tpu.memory_space<vmem_shared>>
        %dma_wait3A_538 = tpu.memref_squeeze %dma_wait3A_537 : memref<1x512xi32, #tpu.memory_space<vmem_shared>> -> memref<512xi32, #tpu.memory_space<vmem_shared>>
        tpu.wait_dma2 semaphore(%run_scoped3A_518 : memref<!tpu.dma_semaphore, #tpu.memory_space<semaphore_mem>>) src(%dma_wait3A_538 : memref<512xi32, #tpu.memory_space<vmem_shared>>) dst(%dma_wait3A_536 : memref<512xi32, #tpu.memory_space<vmem>>)
        tpu.yield
      }) : () -> ()
      %run_scoped3A_496 = arith.constant 13 : i32
      %run_scoped3A_497 = arith.constant 13 : i32
      "tpu.region"() ({
        %run_scoped3A_518 = tpu.sem_alloc : memref<!tpu.dma_semaphore, #tpu.memory_space<semaphore_mem>>
        %dma_start3A_519 = arith.constant 0 : i32
        %dma_start3A_520 = tpu.memref_slice %arg12[%run_scoped3A_497, %dma_start3A_519] : memref<16x512xi32, #tpu.memory_space<vmem>> -> memref<1x512xi32, #tpu.memory_space<vmem>>
        %dma_start3A_521 = tpu.memref_squeeze %dma_start3A_520 : memref<1x512xi32, #tpu.memory_space<vmem>> -> memref<512xi32, #tpu.memory_space<vmem>>
        %dma_start3A_522 = tpu.memref_slice %arg14[%run_scoped3A_496, %mul3A_6] : memref<16x1024xi32, #tpu.memory_space<vmem_shared>> -> memref<1x512xi32, #tpu.memory_space<vmem_shared>>
        %dma_start3A_523 = tpu.memref_squeeze %dma_start3A_522 : memref<1x512xi32, #tpu.memory_space<vmem_shared>> -> memref<512xi32, #tpu.memory_space<vmem_shared>>
        %dma_start3A_524 = arith.constant 0 : i32
        %dma_start3A_525 = tpu.memref_slice %arg12[%run_scoped3A_497, %dma_start3A_524] : memref<16x512xi32, #tpu.memory_space<vmem>> -> memref<1x512xi32, #tpu.memory_space<vmem>>
        %dma_start3A_526 = tpu.memref_squeeze %dma_start3A_525 : memref<1x512xi32, #tpu.memory_space<vmem>> -> memref<512xi32, #tpu.memory_space<vmem>>
        %dma_start3A_527 = tpu.memref_slice %arg14[%run_scoped3A_496, %mul3A_6] : memref<16x1024xi32, #tpu.memory_space<vmem_shared>> -> memref<1x512xi32, #tpu.memory_space<vmem_shared>>
        %dma_start3A_528 = tpu.memref_squeeze %dma_start3A_527 : memref<1x512xi32, #tpu.memory_space<vmem_shared>> -> memref<512xi32, #tpu.memory_space<vmem_shared>>
        tpu.enqueue_dma source(%dma_start3A_528 : memref<512xi32, #tpu.memory_space<vmem_shared>>) target(%dma_start3A_526 : memref<512xi32, #tpu.memory_space<vmem>>) target_semaphore(%run_scoped3A_518 : memref<!tpu.dma_semaphore, #tpu.memory_space<semaphore_mem>>)
        %dma_wait3A_529 = arith.constant 0 : i32
        %dma_wait3A_530 = tpu.memref_slice %arg12[%run_scoped3A_497, %dma_wait3A_529] : memref<16x512xi32, #tpu.memory_space<vmem>> -> memref<1x512xi32, #tpu.memory_space<vmem>>
        %dma_wait3A_531 = tpu.memref_squeeze %dma_wait3A_530 : memref<1x512xi32, #tpu.memory_space<vmem>> -> memref<512xi32, #tpu.memory_space<vmem>>
        %dma_wait3A_532 = tpu.memref_slice %arg14[%run_scoped3A_496, %mul3A_6] : memref<16x1024xi32, #tpu.memory_space<vmem_shared>> -> memref<1x512xi32, #tpu.memory_space<vmem_shared>>
        %dma_wait3A_533 = tpu.memref_squeeze %dma_wait3A_532 : memref<1x512xi32, #tpu.memory_space<vmem_shared>> -> memref<512xi32, #tpu.memory_space<vmem_shared>>
        %dma_wait3A_534 = arith.constant 0 : i32
        %dma_wait3A_535 = tpu.memref_slice %arg12[%run_scoped3A_497, %dma_wait3A_534] : memref<16x512xi32, #tpu.memory_space<vmem>> -> memref<1x512xi32, #tpu.memory_space<vmem>>
        %dma_wait3A_536 = tpu.memref_squeeze %dma_wait3A_535 : memref<1x512xi32, #tpu.memory_space<vmem>> -> memref<512xi32, #tpu.memory_space<vmem>>
        %dma_wait3A_537 = tpu.memref_slice %arg14[%run_scoped3A_496, %mul3A_6] : memref<16x1024xi32, #tpu.memory_space<vmem_shared>> -> memref<1x512xi32, #tpu.memory_space<vmem_shared>>
        %dma_wait3A_538 = tpu.memref_squeeze %dma_wait3A_537 : memref<1x512xi32, #tpu.memory_space<vmem_shared>> -> memref<512xi32, #tpu.memory_space<vmem_shared>>
        tpu.wait_dma2 semaphore(%run_scoped3A_518 : memref<!tpu.dma_semaphore, #tpu.memory_space<semaphore_mem>>) src(%dma_wait3A_538 : memref<512xi32, #tpu.memory_space<vmem_shared>>) dst(%dma_wait3A_536 : memref<512xi32, #tpu.memory_space<vmem>>)
        tpu.yield
      }) : () -> ()
      %run_scoped3A_498 = arith.constant 14 : i32
      %run_scoped3A_499 = arith.constant 14 : i32
      "tpu.region"() ({
        %run_scoped3A_518 = tpu.sem_alloc : memref<!tpu.dma_semaphore, #tpu.memory_space<semaphore_mem>>
        %dma_start3A_519 = arith.constant 0 : i32
        %dma_start3A_520 = tpu.memref_slice %arg12[%run_scoped3A_499, %dma_start3A_519] : memref<16x512xi32, #tpu.memory_space<vmem>> -> memref<1x512xi32, #tpu.memory_space<vmem>>
        %dma_start3A_521 = tpu.memref_squeeze %dma_start3A_520 : memref<1x512xi32, #tpu.memory_space<vmem>> -> memref<512xi32, #tpu.memory_space<vmem>>
        %dma_start3A_522 = tpu.memref_slice %arg14[%run_scoped3A_498, %mul3A_6] : memref<16x1024xi32, #tpu.memory_space<vmem_shared>> -> memref<1x512xi32, #tpu.memory_space<vmem_shared>>
        %dma_start3A_523 = tpu.memref_squeeze %dma_start3A_522 : memref<1x512xi32, #tpu.memory_space<vmem_shared>> -> memref<512xi32, #tpu.memory_space<vmem_shared>>
        %dma_start3A_524 = arith.constant 0 : i32
        %dma_start3A_525 = tpu.memref_slice %arg12[%run_scoped3A_499, %dma_start3A_524] : memref<16x512xi32, #tpu.memory_space<vmem>> -> memref<1x512xi32, #tpu.memory_space<vmem>>
        %dma_start3A_526 = tpu.memref_squeeze %dma_start3A_525 : memref<1x512xi32, #tpu.memory_space<vmem>> -> memref<512xi32, #tpu.memory_space<vmem>>
        %dma_start3A_527 = tpu.memref_slice %arg14[%run_scoped3A_498, %mul3A_6] : memref<16x1024xi32, #tpu.memory_space<vmem_shared>> -> memref<1x512xi32, #tpu.memory_space<vmem_shared>>
        %dma_start3A_528 = tpu.memref_squeeze %dma_start3A_527 : memref<1x512xi32, #tpu.memory_space<vmem_shared>> -> memref<512xi32, #tpu.memory_space<vmem_shared>>
        tpu.enqueue_dma source(%dma_start3A_528 : memref<512xi32, #tpu.memory_space<vmem_shared>>) target(%dma_start3A_526 : memref<512xi32, #tpu.memory_space<vmem>>) target_semaphore(%run_scoped3A_518 : memref<!tpu.dma_semaphore, #tpu.memory_space<semaphore_mem>>)
        %dma_wait3A_529 = arith.constant 0 : i32
        %dma_wait3A_530 = tpu.memref_slice %arg12[%run_scoped3A_499, %dma_wait3A_529] : memref<16x512xi32, #tpu.memory_space<vmem>> -> memref<1x512xi32, #tpu.memory_space<vmem>>
        %dma_wait3A_531 = tpu.memref_squeeze %dma_wait3A_530 : memref<1x512xi32, #tpu.memory_space<vmem>> -> memref<512xi32, #tpu.memory_space<vmem>>
        %dma_wait3A_532 = tpu.memref_slice %arg14[%run_scoped3A_498, %mul3A_6] : memref<16x1024xi32, #tpu.memory_space<vmem_shared>> -> memref<1x512xi32, #tpu.memory_space<vmem_shared>>
        %dma_wait3A_533 = tpu.memref_squeeze %dma_wait3A_532 : memref<1x512xi32, #tpu.memory_space<vmem_shared>> -> memref<512xi32, #tpu.memory_space<vmem_shared>>
        %dma_wait3A_534 = arith.constant 0 : i32
        %dma_wait3A_535 = tpu.memref_slice %arg12[%run_scoped3A_499, %dma_wait3A_534] : memref<16x512xi32, #tpu.memory_space<vmem>> -> memref<1x512xi32, #tpu.memory_space<vmem>>
        %dma_wait3A_536 = tpu.memref_squeeze %dma_wait3A_535 : memref<1x512xi32, #tpu.memory_space<vmem>> -> memref<512xi32, #tpu.memory_space<vmem>>
        %dma_wait3A_537 = tpu.memref_slice %arg14[%run_scoped3A_498, %mul3A_6] : memref<16x1024xi32, #tpu.memory_space<vmem_shared>> -> memref<1x512xi32, #tpu.memory_space<vmem_shared>>
        %dma_wait3A_538 = tpu.memref_squeeze %dma_wait3A_537 : memref<1x512xi32, #tpu.memory_space<vmem_shared>> -> memref<512xi32, #tpu.memory_space<vmem_shared>>
        tpu.wait_dma2 semaphore(%run_scoped3A_518 : memref<!tpu.dma_semaphore, #tpu.memory_space<semaphore_mem>>) src(%dma_wait3A_538 : memref<512xi32, #tpu.memory_space<vmem_shared>>) dst(%dma_wait3A_536 : memref<512xi32, #tpu.memory_space<vmem>>)
        tpu.yield
      }) : () -> ()
      %run_scoped3A_500 = arith.constant 15 : i32
      %run_scoped3A_501 = arith.constant 15 : i32
      "tpu.region"() ({
        %run_scoped3A_518 = tpu.sem_alloc : memref<!tpu.dma_semaphore, #tpu.memory_space<semaphore_mem>>
        %dma_start3A_519 = arith.constant 0 : i32
        %dma_start3A_520 = tpu.memref_slice %arg12[%run_scoped3A_501, %dma_start3A_519] : memref<16x512xi32, #tpu.memory_space<vmem>> -> memref<1x512xi32, #tpu.memory_space<vmem>>
        %dma_start3A_521 = tpu.memref_squeeze %dma_start3A_520 : memref<1x512xi32, #tpu.memory_space<vmem>> -> memref<512xi32, #tpu.memory_space<vmem>>
        %dma_start3A_522 = tpu.memref_slice %arg14[%run_scoped3A_500, %mul3A_6] : memref<16x1024xi32, #tpu.memory_space<vmem_shared>> -> memref<1x512xi32, #tpu.memory_space<vmem_shared>>
        %dma_start3A_523 = tpu.memref_squeeze %dma_start3A_522 : memref<1x512xi32, #tpu.memory_space<vmem_shared>> -> memref<512xi32, #tpu.memory_space<vmem_shared>>
        %dma_start3A_524 = arith.constant 0 : i32
        %dma_start3A_525 = tpu.memref_slice %arg12[%run_scoped3A_501, %dma_start3A_524] : memref<16x512xi32, #tpu.memory_space<vmem>> -> memref<1x512xi32, #tpu.memory_space<vmem>>
        %dma_start3A_526 = tpu.memref_squeeze %dma_start3A_525 : memref<1x512xi32, #tpu.memory_space<vmem>> -> memref<512xi32, #tpu.memory_space<vmem>>
        %dma_start3A_527 = tpu.memref_slice %arg14[%run_scoped3A_500, %mul3A_6] : memref<16x1024xi32, #tpu.memory_space<vmem_shared>> -> memref<1x512xi32, #tpu.memory_space<vmem_shared>>
        %dma_start3A_528 = tpu.memref_squeeze %dma_start3A_527 : memref<1x512xi32, #tpu.memory_space<vmem_shared>> -> memref<512xi32, #tpu.memory_space<vmem_shared>>
        tpu.enqueue_dma source(%dma_start3A_528 : memref<512xi32, #tpu.memory_space<vmem_shared>>) target(%dma_start3A_526 : memref<512xi32, #tpu.memory_space<vmem>>) target_semaphore(%run_scoped3A_518 : memref<!tpu.dma_semaphore, #tpu.memory_space<semaphore_mem>>)
        %dma_wait3A_529 = arith.constant 0 : i32
        %dma_wait3A_530 = tpu.memref_slice %arg12[%run_scoped3A_501, %dma_wait3A_529] : memref<16x512xi32, #tpu.memory_space<vmem>> -> memref<1x512xi32, #tpu.memory_space<vmem>>
        %dma_wait3A_531 = tpu.memref_squeeze %dma_wait3A_530 : memref<1x512xi32, #tpu.memory_space<vmem>> -> memref<512xi32, #tpu.memory_space<vmem>>
        %dma_wait3A_532 = tpu.memref_slice %arg14[%run_scoped3A_500, %mul3A_6] : memref<16x1024xi32, #tpu.memory_space<vmem_shared>> -> memref<1x512xi32, #tpu.memory_space<vmem_shared>>
        %dma_wait3A_533 = tpu.memref_squeeze %dma_wait3A_532 : memref<1x512xi32, #tpu.memory_space<vmem_shared>> -> memref<512xi32, #tpu.memory_space<vmem_shared>>
        %dma_wait3A_534 = arith.constant 0 : i32
        %dma_wait3A_535 = tpu.memref_slice %arg12[%run_scoped3A_501, %dma_wait3A_534] : memref<16x512xi32, #tpu.memory_space<vmem>> -> memref<1x512xi32, #tpu.memory_space<vmem>>
        %dma_wait3A_536 = tpu.memref_squeeze %dma_wait3A_535 : memref<1x512xi32, #tpu.memory_space<vmem>> -> memref<512xi32, #tpu.memory_space<vmem>>
        %dma_wait3A_537 = tpu.memref_slice %arg14[%run_scoped3A_500, %mul3A_6] : memref<16x1024xi32, #tpu.memory_space<vmem_shared>> -> memref<1x512xi32, #tpu.memory_space<vmem_shared>>
        %dma_wait3A_538 = tpu.memref_squeeze %dma_wait3A_537 : memref<1x512xi32, #tpu.memory_space<vmem_shared>> -> memref<512xi32, #tpu.memory_space<vmem_shared>>
        tpu.wait_dma2 semaphore(%run_scoped3A_518 : memref<!tpu.dma_semaphore, #tpu.memory_space<semaphore_mem>>) src(%dma_wait3A_538 : memref<512xi32, #tpu.memory_space<vmem_shared>>) dst(%dma_wait3A_536 : memref<512xi32, #tpu.memory_space<vmem>>)
        tpu.yield
      }) : () -> ()
      %broadcast_in_dim3A_502 = arith.constant 0.000000e+00 : f32
      %broadcast_in_dim3A_503 = vector.broadcast %broadcast_in_dim3A_502 : f32 to vector<16xf32>
      %scan3A_504 = arith.constant 0 : i32
      %scan3A_505 = arith.constant 32 : i32
      %scan3A_506 = arith.addi %scan3A_504, %scan3A_505 : i32
      %scan3A_507 = arith.constant 1 : i32
      %scan3A_508 = scf.for %scan3A_518 = %scan3A_504 to %scan3A_506 step %scan3A_507 iter_args(%scan3A_519 = %broadcast_in_dim3A_503) -> (vector<16xf32>)  : i32 {
        %mul3A_520 = arith.constant 16 : i32
        %mul3A_521 = arith.muli %mul3A_520, %scan3A_518 : i32
        %get3A = arith.constant 0 : i32
        %get3A_522 = arith.index_cast %get3A : i32 to index
        %get3A_523 = arith.index_cast %mul3A_521 : i32 to index
        %get3A_524 = tpu.vector_load %arg12[%get3A_522, %get3A_523] {strides = array<i32>} : memref<16x512xi32, #tpu.memory_space<vmem>>, vector<16xi32>,
        %mul3A_525 = arith.constant 16 : i32
        %mul3A_526 = arith.muli %mul3A_525, %scan3A_518 : i32
        %get3A_527 = arith.constant 1 : i32
        %get3A_528 = arith.index_cast %get3A_527 : i32 to index
        %get3A_529 = arith.index_cast %mul3A_526 : i32 to index
        %get3A_530 = tpu.vector_load %arg12[%get3A_528, %get3A_529] {strides = array<i32>} : memref<16x512xi32, #tpu.memory_space<vmem>>, vector<16xi32>,
        %add3A_531 = arith.addi %get3A_524, %get3A_530 : vector<16xi32>
        %mul3A_532 = arith.constant 16 : i32
        %mul3A_533 = arith.muli %mul3A_532, %scan3A_518 : i32
        %get3A_534 = arith.constant 2 : i32
        %get3A_535 = arith.index_cast %get3A_534 : i32 to index
        %get3A_536 = arith.index_cast %mul3A_533 : i32 to index
        %get3A_537 = tpu.vector_load %arg12[%get3A_535, %get3A_536] {strides = array<i32>} : memref<16x512xi32, #tpu.memory_space<vmem>>, vector<16xi32>,
        %add3A_538 = arith.addi %add3A_531, %get3A_537 : vector<16xi32>
        %mul3A_539 = arith.constant 16 : i32
        %mul3A_540 = arith.muli %mul3A_539, %scan3A_518 : i32
        %get3A_541 = arith.constant 3 : i32
        %get3A_542 = arith.index_cast %get3A_541 : i32 to index
        %get3A_543 = arith.index_cast %mul3A_540 : i32 to index
        %get3A_544 = tpu.vector_load %arg12[%get3A_542, %get3A_543] {strides = array<i32>} : memref<16x512xi32, #tpu.memory_space<vmem>>, vector<16xi32>,
        %add3A_545 = arith.addi %add3A_538, %get3A_544 : vector<16xi32>
        %mul3A_546 = arith.constant 16 : i32
        %mul3A_547 = arith.muli %mul3A_546, %scan3A_518 : i32
        %get3A_548 = arith.constant 4 : i32
        %get3A_549 = arith.index_cast %get3A_548 : i32 to index
        %get3A_550 = arith.index_cast %mul3A_547 : i32 to index
        %get3A_551 = tpu.vector_load %arg12[%get3A_549, %get3A_550] {strides = array<i32>} : memref<16x512xi32, #tpu.memory_space<vmem>>, vector<16xi32>,
        %add3A_552 = arith.addi %add3A_545, %get3A_551 : vector<16xi32>
        %mul3A_553 = arith.constant 16 : i32
        %mul3A_554 = arith.muli %mul3A_553, %scan3A_518 : i32
        %get3A_555 = arith.constant 5 : i32
        %get3A_556 = arith.index_cast %get3A_555 : i32 to index
        %get3A_557 = arith.index_cast %mul3A_554 : i32 to index
        %get3A_558 = tpu.vector_load %arg12[%get3A_556, %get3A_557] {strides = array<i32>} : memref<16x512xi32, #tpu.memory_space<vmem>>, vector<16xi32>,
        %add3A_559 = arith.addi %add3A_552, %get3A_558 : vector<16xi32>
        %mul3A_560 = arith.constant 16 : i32
        %mul3A_561 = arith.muli %mul3A_560, %scan3A_518 : i32
        %get3A_562 = arith.constant 6 : i32
        %get3A_563 = arith.index_cast %get3A_562 : i32 to index
        %get3A_564 = arith.index_cast %mul3A_561 : i32 to index
        %get3A_565 = tpu.vector_load %arg12[%get3A_563, %get3A_564] {strides = array<i32>} : memref<16x512xi32, #tpu.memory_space<vmem>>, vector<16xi32>,
        %add3A_566 = arith.addi %add3A_559, %get3A_565 : vector<16xi32>
        %mul3A_567 = arith.constant 16 : i32
        %mul3A_568 = arith.muli %mul3A_567, %scan3A_518 : i32
        %get3A_569 = arith.constant 7 : i32
        %get3A_570 = arith.index_cast %get3A_569 : i32 to index
        %get3A_571 = arith.index_cast %mul3A_568 : i32 to index
        %get3A_572 = tpu.vector_load %arg12[%get3A_570, %get3A_571] {strides = array<i32>} : memref<16x512xi32, #tpu.memory_space<vmem>>, vector<16xi32>,
        %add3A_573 = arith.addi %add3A_566, %get3A_572 : vector<16xi32>
        %mul3A_574 = arith.constant 16 : i32
        %mul3A_575 = arith.muli %mul3A_574, %scan3A_518 : i32
        %get3A_576 = arith.constant 8 : i32
        %get3A_577 = arith.index_cast %get3A_576 : i32 to index
        %get3A_578 = arith.index_cast %mul3A_575 : i32 to index
        %get3A_579 = tpu.vector_load %arg12[%get3A_577, %get3A_578] {strides = array<i32>} : memref<16x512xi32, #tpu.memory_space<vmem>>, vector<16xi32>,
        %add3A_580 = arith.addi %add3A_573, %get3A_579 : vector<16xi32>
        %mul3A_581 = arith.constant 16 : i32
        %mul3A_582 = arith.muli %mul3A_581, %scan3A_518 : i32
        %get3A_583 = arith.constant 9 : i32
        %get3A_584 = arith.index_cast %get3A_583 : i32 to index
        %get3A_585 = arith.index_cast %mul3A_582 : i32 to index
        %get3A_586 = tpu.vector_load %arg12[%get3A_584, %get3A_585] {strides = array<i32>} : memref<16x512xi32, #tpu.memory_space<vmem>>, vector<16xi32>,
        %add3A_587 = arith.addi %add3A_580, %get3A_586 : vector<16xi32>
        %mul3A_588 = arith.constant 16 : i32
        %mul3A_589 = arith.muli %mul3A_588, %scan3A_518 : i32
        %get3A_590 = arith.constant 10 : i32
        %get3A_591 = arith.index_cast %get3A_590 : i32 to index
        %get3A_592 = arith.index_cast %mul3A_589 : i32 to index
        %get3A_593 = tpu.vector_load %arg12[%get3A_591, %get3A_592] {strides = array<i32>} : memref<16x512xi32, #tpu.memory_space<vmem>>, vector<16xi32>,
        %add3A_594 = arith.addi %add3A_587, %get3A_593 : vector<16xi32>
        %mul3A_595 = arith.constant 16 : i32
        %mul3A_596 = arith.muli %mul3A_595, %scan3A_518 : i32
        %get3A_597 = arith.constant 11 : i32
        %get3A_598 = arith.index_cast %get3A_597 : i32 to index
        %get3A_599 = arith.index_cast %mul3A_596 : i32 to index
        %get3A_600 = tpu.vector_load %arg12[%get3A_598, %get3A_599] {strides = array<i32>} : memref<16x512xi32, #tpu.memory_space<vmem>>, vector<16xi32>,
        %add3A_601 = arith.addi %add3A_594, %get3A_600 : vector<16xi32>
        %mul3A_602 = arith.constant 16 : i32
        %mul3A_603 = arith.muli %mul3A_602, %scan3A_518 : i32
        %get3A_604 = arith.constant 12 : i32
        %get3A_605 = arith.index_cast %get3A_604 : i32 to index
        %get3A_606 = arith.index_cast %mul3A_603 : i32 to index
        %get3A_607 = tpu.vector_load %arg12[%get3A_605, %get3A_606] {strides = array<i32>} : memref<16x512xi32, #tpu.memory_space<vmem>>, vector<16xi32>,
        %add3A_608 = arith.addi %add3A_601, %get3A_607 : vector<16xi32>
        %mul3A_609 = arith.constant 16 : i32
        %mul3A_610 = arith.muli %mul3A_609, %scan3A_518 : i32
        %get3A_611 = arith.constant 13 : i32
        %get3A_612 = arith.index_cast %get3A_611 : i32 to index
        %get3A_613 = arith.index_cast %mul3A_610 : i32 to index
        %get3A_614 = tpu.vector_load %arg12[%get3A_612, %get3A_613] {strides = array<i32>} : memref<16x512xi32, #tpu.memory_space<vmem>>, vector<16xi32>,
        %add3A_615 = arith.addi %add3A_608, %get3A_614 : vector<16xi32>
        %mul3A_616 = arith.constant 16 : i32
        %mul3A_617 = arith.muli %mul3A_616, %scan3A_518 : i32
        %get3A_618 = arith.constant 14 : i32
        %get3A_619 = arith.index_cast %get3A_618 : i32 to index
        %get3A_620 = arith.index_cast %mul3A_617 : i32 to index
        %get3A_621 = tpu.vector_load %arg12[%get3A_619, %get3A_620] {strides = array<i32>} : memref<16x512xi32, #tpu.memory_space<vmem>>, vector<16xi32>,
        %add3A_622 = arith.addi %add3A_615, %get3A_621 : vector<16xi32>
        %mul3A_623 = arith.constant 16 : i32
        %mul3A_624 = arith.muli %mul3A_623, %scan3A_518 : i32
        %get3A_625 = arith.constant 15 : i32
        %get3A_626 = arith.index_cast %get3A_625 : i32 to index
        %get3A_627 = arith.index_cast %mul3A_624 : i32 to index
        %get3A_628 = tpu.vector_load %arg12[%get3A_626, %get3A_627] {strides = array<i32>} : memref<16x512xi32, #tpu.memory_space<vmem>>, vector<16xi32>,
        %add3A_629 = arith.addi %add3A_622, %get3A_628 : vector<16xi32>
        %gather3A = tpu.vector_load_idx %arg11[%add3A_629] : memref<8208xf32, #tpu.memory_space<vmem>>[vector<16xi32>], vector<16xf32>,
        %add3A_630 = arith.addf %scan3A_519, %gather3A : vector<16xf32>
        scf.yield %add3A_630 : vector<16xf32>
      }
      %scan3A_509 = arith.constant 32 : i32
      %reduce_sum3A = arith.constant true
      %reduce_sum3A_510 = vector.broadcast %reduce_sum3A : i1 to vector<16xi1>
      %reduce_sum3A_511 = tpu.scan <sum>, %scan3A_508 masked %reduce_sum3A_510 : vector<16xf32>, vector<16xi1> -> vector<16xf32>
      %reduce_sum3A_512 = vector.extract %reduce_sum3A_511[15] : f32 from vector<16xf32>
      %broadcast_in_dim3A_513 = arith.constant 0.000000e+00 : f32
      %broadcast_in_dim3A_514 = vector.broadcast %broadcast_in_dim3A_513 : f32 to vector<16xf32>
      %add3A_515 = vector.broadcast %reduce_sum3A_512 : f32 to vector<16xf32>
      %add3A_516 = arith.addf %broadcast_in_dim3A_514, %add3A_515 : vector<16xf32>
      %exp3A = math.exp %add3A_516 : vector<16xf32>
      %swap3A = arith.constant 0 : index
      %swap3A_517 = tpu.vector_load %arg13[%swap3A] {strides = array<i32>} : memref<16xf32, #tpu.memory_space<vmem>>, vector<16xf32>,
      tpu.vector_store %arg13[%swap3A], %exp3A {strides = array<i32>} : memref<16xf32, #tpu.memory_space<vmem>>, vector<16xf32>,
      "tpu.region"() ({
        %run_scoped3A_518 = tpu.sem_alloc : memref<!tpu.dma_semaphore, #tpu.memory_space<semaphore_mem>>
        %dma_start3A_519 = arith.constant 0 : i32
        %dma_start3A_520 = tpu.memref_slice %arg6[%arg0, %dma_start3A_519] : memref<2x16xf32, #tpu.memory_space<hbm>> -> memref<1x16xf32, #tpu.memory_space<hbm>>
        %dma_start3A_521 = tpu.memref_squeeze %dma_start3A_520 : memref<1x16xf32, #tpu.memory_space<hbm>> -> memref<16xf32, #tpu.memory_space<hbm>>
        %dma_start3A_522 = arith.constant 0 : i32
        %dma_start3A_523 = tpu.memref_slice %arg6[%arg0, %dma_start3A_522] : memref<2x16xf32, #tpu.memory_space<hbm>> -> memref<1x16xf32, #tpu.memory_space<hbm>>
        %dma_start3A_524 = tpu.memref_squeeze %dma_start3A_523 : memref<1x16xf32, #tpu.memory_space<hbm>> -> memref<16xf32, #tpu.memory_space<hbm>>
        tpu.enqueue_dma source(%arg13 : memref<16xf32, #tpu.memory_space<vmem>>) target(%dma_start3A_524 : memref<16xf32, #tpu.memory_space<hbm>>) target_semaphore(%run_scoped3A_518 : memref<!tpu.dma_semaphore, #tpu.memory_space<semaphore_mem>>)
        %dma_wait3A_525 = arith.constant 0 : i32
        %dma_wait3A_526 = tpu.memref_slice %arg6[%arg0, %dma_wait3A_525] : memref<2x16xf32, #tpu.memory_space<hbm>> -> memref<1x16xf32, #tpu.memory_space<hbm>>
        %dma_wait3A_527 = tpu.memref_squeeze %dma_wait3A_526 : memref<1x16xf32, #tpu.memory_space<hbm>> -> memref<16xf32, #tpu.memory_space<hbm>>
        %dma_wait3A_528 = arith.constant 0 : i32
        %dma_wait3A_529 = tpu.memref_slice %arg6[%arg0, %dma_wait3A_528] : memref<2x16xf32, #tpu.memory_space<hbm>> -> memref<1x16xf32, #tpu.memory_space<hbm>>
        %dma_wait3A_530 = tpu.memref_squeeze %dma_wait3A_529 : memref<1x16xf32, #tpu.memory_space<hbm>> -> memref<16xf32, #tpu.memory_space<hbm>>
        tpu.wait_dma2 semaphore(%run_scoped3A_518 : memref<!tpu.dma_semaphore, #tpu.memory_space<semaphore_mem>>) src(%arg13 : memref<16xf32, #tpu.memory_space<vmem>>) dst(%dma_wait3A_530 : memref<16xf32, #tpu.memory_space<hbm>>)
        tpu.yield
      }) : () -> ()
    } else {
    }
    return
  }
}

module attributes {stable_mosaic.version = 14 : i64} {
  func.func @_tc_body(%arg0: i32, %arg1: memref<1x256x1024xf32, #tpu.memory_space<vmem>>, %arg2: memref<1024x256xf32, #tpu.memory_space<vmem>>, %arg3: memref<1024x1xf32, #tpu.memory_space<vmem>>, %arg4: memref<1x1x1024xi32, #tpu.memory_space<vmem>>, %arg5: memref<1x128xf32, #tpu.memory_space<vmem>>, %arg6: memref<256x1024xf32, #tpu.memory_space<vmem>>, %arg7: memref<1024x256xf32, #tpu.memory_space<vmem>>, %arg8: memref<1024x1xf32, #tpu.memory_space<vmem>>, %arg9: memref<1x1xf32, #tpu.memory_space<smem>>) attributes {dimension_semantics = [#tpu.dimension_semantics<arbitrary>], iteration_bounds = array<i64: 8>, scalar_prefetch = 0 : i64, scratch_operands = 3 : i64, tpu.core_type = #tpu.core_type<tc>, window_params = [{transform_indices = @transform_0, window_bounds = array<i64: 1, 256, 1024>}, {pipeline_mode = #tpu.pipeline_mode<synchronous>, transform_indices = @transform_1, window_bounds = array<i64: 1024, 256>}, {pipeline_mode = #tpu.pipeline_mode<synchronous>, transform_indices = @transform_2, window_bounds = array<i64: 1024, 1>}, {transform_indices = @transform_3, window_bounds = array<i64: 1, 1, 1024>}, {pipeline_mode = #tpu.pipeline_mode<synchronous>, transform_indices = @transform_4, window_bounds = array<i64: 1, 128>}, {pipeline_mode = #tpu.pipeline_mode<synchronous>, transform_indices = @transform_5, window_bounds = array<i64: 256, 1024>}]} {
    %get3A = arith.constant 0 : index
    %get3A_0 = arith.constant 0 : index
    %get3A_1 = arith.constant 0 : index
    %get3A_2 = vector.load %arg1[%get3A, %get3A_0, %get3A_1] : memref<1x256x1024xf32, #tpu.memory_space<vmem>>, vector<1x256x1024xf32>
    %get3A_3 = vector.shape_cast %get3A_2 : vector<1x256x1024xf32> to vector<256x1024xf32>
    %eq3A = arith.constant 0 : i32
    %eq3A_4 = arith.cmpi eq, %arg0, %eq3A : i32
    %convert_element_type3A = arith.extui %eq3A_4 : i1 to i32
    %cond3A = arith.constant 0 : i32
    %cond3A_5 = arith.cmpi ne, %convert_element_type3A, %cond3A : i32
    scf.if %cond3A_5 {
      %get3A_56 = arith.constant 0 : index
      %get3A_57 = arith.constant 0 : index
      %get3A_58 = vector.load %arg2[%get3A_56, %get3A_57] : memref<1024x256xf32, #tpu.memory_space<vmem>>, vector<1024x256xf32>
      %add3A_59 = arith.addf %get3A_58, %get3A_58 : vector<1024x256xf32>
      %swap3A_60 = arith.constant 0 : index
      %swap3A_61 = arith.constant 0 : index
      %swap3A_62 = vector.load %arg7[%swap3A_60, %swap3A_61] : memref<1024x256xf32, #tpu.memory_space<vmem>>, vector<1024x256xf32>
      tpu.vector_store %arg7[%swap3A_60, %swap3A_61], %add3A_59 {strides = array<i32>} : memref<1024x256xf32, #tpu.memory_space<vmem>>, vector<1024x256xf32>,
      %mul3A_63 = arith.mulf %get3A_58, %get3A_58 : vector<1024x256xf32>
      %reduce_sum3A_64 = arith.constant dense<0.000000e+00> : vector<1024xf32>
      %reduce_sum3A_65 = vector.multi_reduction <add>, %mul3A_63, %reduce_sum3A_64 [1] : vector<1024x256xf32> to vector<1024xf32>
      %broadcast_in_dim3A_66 = vector.shape_cast %reduce_sum3A_65 : vector<1024xf32> to vector<1024x1xf32>
      %swap3A_67 = arith.constant 0 : index
      %swap3A_68 = arith.constant 0 : index
      %swap3A_69 = vector.load %arg8[%swap3A_67, %swap3A_68] : memref<1024x1xf32, #tpu.memory_space<vmem>>, vector<1024x1xf32>
      tpu.vector_store %arg8[%swap3A_67, %swap3A_68], %broadcast_in_dim3A_66 {strides = array<i32>} : memref<1024x1xf32, #tpu.memory_space<vmem>>, vector<1024x1xf32>,
      %iota3A = tpu.iota {dimensions = array<i32: 0>} : vector<256x256xi32>
      %iota3A_70 = tpu.iota {dimensions = array<i32: 1>} : vector<256x256xi32>
      %eq3A_71 = arith.cmpi eq, %iota3A, %iota3A_70 : vector<256x256xi32>
      %jit3A_72 = arith.constant 1.000000e+00 : f32
      %jit3A_73 = arith.constant 0.000000e+00 : f32
      %broadcast_in_dim3A_74 = vector.broadcast %jit3A_72 : f32 to vector<256x256xf32>
      %broadcast_in_dim3A_75 = vector.broadcast %jit3A_73 : f32 to vector<256x256xf32>
      %select_n3A_76 = arith.select %eq3A_71, %broadcast_in_dim3A_74, %broadcast_in_dim3A_75 : vector<256x256xi1>, vector<256x256xf32>
      %dot_general3A_77 = arith.constant dense<0.000000e+00> : vector<256x1024xf32>
      %dot_general3A_78 = tpu.matmul %select_n3A_76, %get3A_58, %dot_general3A_77 {dimension_numbers = #tpu.dot_dimension_numbers<[1], [1], [0], [0], [0, 0, 1, 0], [], []>, precision = #tpu.contract_precision<fp32>, transpose_lhs_hint = false} : vector<256x256xf32>, vector<1024x256xf32>, vector<256x1024xf32> -> vector<256x1024xf32>
      %swap3A_79 = arith.constant 0 : index
      %swap3A_80 = arith.constant 0 : index
      %swap3A_81 = vector.load %arg6[%swap3A_79, %swap3A_80] : memref<256x1024xf32, #tpu.memory_space<vmem>>, vector<256x1024xf32>
      tpu.vector_store %arg6[%swap3A_79, %swap3A_80], %dot_general3A_78 {strides = array<i32>} : memref<256x1024xf32, #tpu.memory_space<vmem>>, vector<256x1024xf32>,
    } else {
    }
    %mul3A = arith.mulf %get3A_3, %get3A_3 : vector<256x1024xf32>
    %reduce_sum3A = arith.constant dense<0.000000e+00> : vector<1024xf32>
    %reduce_sum3A_6 = vector.multi_reduction <add>, %mul3A, %reduce_sum3A [0] : vector<256x1024xf32> to vector<1024xf32>
    %broadcast_in_dim3A = vector.shape_cast %reduce_sum3A_6 : vector<1024xf32> to vector<1x1024xf32>
    %get3A_7 = arith.constant 0 : index
    %get3A_8 = arith.constant 0 : index
    %get3A_9 = vector.load %arg7[%get3A_7, %get3A_8] : memref<1024x256xf32, #tpu.memory_space<vmem>>, vector<1024x256xf32>
    %dot_general3A = arith.constant dense<0.000000e+00> : vector<1024x1024xf32>
    %dot_general3A_10 = tpu.matmul %get3A_9, %get3A_3, %dot_general3A {dimension_numbers = #tpu.dot_dimension_numbers<[1], [0], [0], [1], [0, 0, 1, 1], [], []>, transpose_lhs_hint = false} : vector<1024x256xf32>, vector<256x1024xf32>, vector<1024x1024xf32> -> vector<1024x1024xf32>
    %get3A_11 = arith.constant 0 : index
    %get3A_12 = arith.constant 0 : index
    %get3A_13 = vector.load %arg8[%get3A_11, %get3A_12] : memref<1024x1xf32, #tpu.memory_space<vmem>>, vector<1024x1xf32>
    %add3A = vector.broadcast %broadcast_in_dim3A : vector<1x1024xf32> to vector<1024x1024xf32>
    %add3A_14 = vector.broadcast %get3A_13 : vector<1024x1xf32> to vector<1024x1024xf32>
    %add3A_15 = arith.addf %add3A, %add3A_14 : vector<1024x1024xf32>
    %sub3A = arith.subf %add3A_15, %dot_general3A_10 : vector<1024x1024xf32>
    %reduce_min3A = arith.constant dense<0x7F800000> : vector<1024xf32>
    %reduce_min3A_16 = vector.multi_reduction <minimumf>, %sub3A, %reduce_min3A [0] : vector<1024x1024xf32> to vector<1024xf32>
    %broadcast_in_dim3A_17 = vector.shape_cast %reduce_min3A_16 : vector<1024xf32> to vector<1x1024xf32>
    %get3A_18 = arith.constant 0 : index
    %get3A_19 = arith.constant 0 : index
    %get3A_20 = vector.load %arg3[%get3A_18, %get3A_19] : memref<1024x1xf32, #tpu.memory_space<vmem>>, vector<1024x1xf32>
    %eq3A_21 = vector.broadcast %broadcast_in_dim3A_17 : vector<1x1024xf32> to vector<1024x1024xf32>
    %eq3A_22 = arith.cmpf oeq, %sub3A, %eq3A_21 : vector<1024x1024xf32>
    %jit3A = arith.constant 2.000000e+00 : f32
    %broadcast_in_dim3A_23 = vector.shape_cast %get3A_20 : vector<1024x1xf32> to vector<1024x1xf32>
    %broadcast_in_dim3A_24 = vector.broadcast %broadcast_in_dim3A_23 : vector<1024x1xf32> to vector<1024x1024xf32>
    %broadcast_in_dim3A_25 = vector.broadcast %jit3A : f32 to vector<1024x1024xf32>
    %select_n3A = arith.select %eq3A_22, %broadcast_in_dim3A_24, %broadcast_in_dim3A_25 : vector<1024x1024xi1>, vector<1024x1024xf32>
    %reduce_min3A_26 = arith.constant dense<0x7F800000> : vector<1024xf32>
    %reduce_min3A_27 = vector.multi_reduction <minimumf>, %select_n3A, %reduce_min3A_26 [0] : vector<1024x1024xf32> to vector<1024xf32>
    %broadcast_in_dim3A_28 = vector.shape_cast %reduce_min3A_27 : vector<1024xf32> to vector<1x1024xf32>
    %bitcast_convert_type3A = tpu.bitcast %broadcast_in_dim3A_28 : vector<1x1024xf32> -> vector<1x1024xi32>
    %sub3A_29 = arith.constant 1065353216 : i32
    %sub3A_30 = vector.broadcast %sub3A_29 : i32 to vector<1x1024xi32>
    %sub3A_31 = arith.subi %bitcast_convert_type3A, %sub3A_30 : vector<1x1024xi32>
    %swap3A = arith.constant 0 : index
    %swap3A_32 = arith.constant 0 : index
    %swap3A_33 = arith.constant 0 : index
    %swap3A_34 = vector.load %arg4[%swap3A, %swap3A_32, %swap3A_33] : memref<1x1x1024xi32, #tpu.memory_space<vmem>>, vector<1x1x1024xi32>
    %swap3A_35 = vector.shape_cast %swap3A_34 : vector<1x1x1024xi32> to vector<1x1024xi32>
    %swap3A_36 = vector.shape_cast %sub3A_31 : vector<1x1024xi32> to vector<1x1x1024xi32>
    tpu.vector_store %arg4[%swap3A, %swap3A_32, %swap3A_33], %swap3A_36 {strides = array<i32>} : memref<1x1x1024xi32, #tpu.memory_space<vmem>>, vector<1x1x1024xi32>,
    %reduce_sum3A_37 = vector.shape_cast %broadcast_in_dim3A_17 : vector<1x1024xf32> to vector<1x1x1024xf32>
    %reduce_sum3A_38 = arith.constant dense<0.000000e+00> : vector<1xf32>
    %reduce_sum3A_39 = vector.multi_reduction <add>, %reduce_sum3A_37, %reduce_sum3A_38 [1, 2] : vector<1x1x1024xf32> to vector<1xf32>
    %reduce_sum3A_40 = vector.shape_cast %reduce_sum3A_39 : vector<1xf32> to vector<1x1x1xf32>
    %reduce_sum3A_41 = vector.extract %reduce_sum3A_40[0, 0, 0] : f32 from vector<1x1x1xf32>
    %eq3A_42 = arith.constant 0 : i32
    %eq3A_43 = arith.cmpi eq, %arg0, %eq3A_42 : i32
    %convert_element_type3A_44 = arith.extui %eq3A_43 : i1 to i32
    %cond3A_45 = arith.constant 0 : i32
    %cond3A_46 = arith.cmpi ne, %convert_element_type3A_44, %cond3A_45 : i32
    scf.if %cond3A_46 {
      %swap3A_56 = arith.constant 0 : index
      %swap3A_57 = arith.constant 0 : index
      %swap3A_58 = memref.load %arg9[%swap3A_56, %swap3A_57] : memref<1x1xf32, #tpu.memory_space<smem>>
      memref.store %reduce_sum3A_41, %arg9[%swap3A_56, %swap3A_57] : memref<1x1xf32, #tpu.memory_space<smem>>
    } else {
    }
    %gt3A = arith.constant 0 : i32
    %gt3A_47 = arith.cmpi sgt, %arg0, %gt3A : i32
    %convert_element_type3A_48 = arith.extui %gt3A_47 : i1 to i32
    %cond3A_49 = arith.constant 0 : i32
    %cond3A_50 = arith.cmpi ne, %convert_element_type3A_48, %cond3A_49 : i32
    scf.if %cond3A_50 {
      %get3A_56 = arith.constant 0 : index
      %get3A_57 = arith.constant 0 : index
      %get3A_58 = memref.load %arg9[%get3A_56, %get3A_57] : memref<1x1xf32, #tpu.memory_space<smem>>
      %add3A_59 = arith.addf %get3A_58, %reduce_sum3A_41 : f32
      %swap3A_60 = arith.constant 0 : index
      %swap3A_61 = arith.constant 0 : index
      %swap3A_62 = memref.load %arg9[%swap3A_60, %swap3A_61] : memref<1x1xf32, #tpu.memory_space<smem>>
      memref.store %add3A_59, %arg9[%swap3A_60, %swap3A_61] : memref<1x1xf32, #tpu.memory_space<smem>>
    } else {
    }
    %eq3A_51 = arith.constant 7 : i32
    %eq3A_52 = arith.cmpi eq, %arg0, %eq3A_51 : i32
    %convert_element_type3A_53 = arith.extui %eq3A_52 : i1 to i32
    %cond3A_54 = arith.constant 0 : i32
    %cond3A_55 = arith.cmpi ne, %convert_element_type3A_53, %cond3A_54 : i32
    scf.if %cond3A_55 {
      %get3A_56 = arith.constant 0 : index
      %get3A_57 = arith.constant 0 : index
      %get3A_58 = memref.load %arg9[%get3A_56, %get3A_57] : memref<1x1xf32, #tpu.memory_space<smem>>
      %mul3A_59 = arith.constant 5.96046448E-7 : f32
      %mul3A_60 = arith.mulf %get3A_58, %mul3A_59 : f32
      %broadcast_in_dim3A_61 = vector.broadcast %mul3A_60 : f32 to vector<1x128xf32>
      %swap3A_62 = arith.constant 0 : index
      %swap3A_63 = arith.constant 0 : index
      %swap3A_64 = vector.load %arg5[%swap3A_62, %swap3A_63] : memref<1x128xf32, #tpu.memory_space<vmem>>, vector<1x128xf32>
      tpu.vector_store %arg5[%swap3A_62, %swap3A_63], %broadcast_in_dim3A_61 {strides = array<i32>} : memref<1x128xf32, #tpu.memory_space<vmem>>, vector<1x128xf32>,
    } else {
    }
    return
  }
  func.func @transform_0(%arg0: i32) -> (i32, i32, i32) {
    %c0_i32 = arith.constant 0 : i32
    %c0_i32_0 = arith.constant 0 : i32
    %c0_i32_1 = arith.constant 0 : i32
    return %arg0, %c0_i32, %c0_i32_0 : i32, i32, i32
  }
  func.func @transform_1(%arg0: i32) -> (i32, i32) {
    %c0_i32 = arith.constant 0 : i32
    %c0_i32_0 = arith.constant 0 : i32
    %c0_i32_1 = arith.constant 0 : i32
    return %c0_i32, %c0_i32_0 : i32, i32
  }
  func.func @transform_2(%arg0: i32) -> (i32, i32) {
    %c0_i32 = arith.constant 0 : i32
    %c0_i32_0 = arith.constant 0 : i32
    %c0_i32_1 = arith.constant 0 : i32
    return %c0_i32, %c0_i32_0 : i32, i32
  }
  func.func @transform_3(%arg0: i32) -> (i32, i32, i32) {
    %c0_i32 = arith.constant 0 : i32
    %c0_i32_0 = arith.constant 0 : i32
    %c0_i32_1 = arith.constant 0 : i32
    return %arg0, %c0_i32, %c0_i32_0 : i32, i32, i32
  }
  func.func @transform_4(%arg0: i32) -> (i32, i32) {
    %c0_i32 = arith.constant 0 : i32
    %c0_i32_0 = arith.constant 0 : i32
    %c0_i32_1 = arith.constant 0 : i32
    return %c0_i32, %c0_i32_0 : i32, i32
  }
  func.func @transform_5(%arg0: i32) -> (i32, i32) {
    %c0_i32 = arith.constant 0 : i32
    %c0_i32_0 = arith.constant 0 : i32
    %c0_i32_1 = arith.constant 0 : i32
    return %c0_i32, %c0_i32_0 : i32, i32
  }
}

</mosaic_0001>

<sc_bundles>
// kernel: kernel.4.cloned.1.call-start
scs
__scs_entry_jumppad:
0x0: {  	(pc) =	sbr.rel $0x88, $3  }
0x1: {  	(tag) =	ssettag $0x0;
	lr =	simm.s32 $0x1  }
0x2: {  	[smem:$0x3F9F] =	sst lr;
	_ =	strace $0xD0000000  }
0x3: {  	_ = 	snop  }
0x4: {  	_ = 	snop  }
0x5: {  	_ = 	snop  }
0x6: {  	_ = 	snop  }
0x7: {  	_ = 	snop  }
__scs_overlays_trampoline_lowered:
0x8: {  	[smem:$0x3FAE] =	sst s0  }
0x9: {  	[smem:$0x3FAF] =	sst s1  }
0xa: {  	[smem:$0x3FB0] =	sst s2  }
0xb: {  	[smem:$0x3FB1] =	sst s3  }
0xc: {  	[smem:$0x3FB2] =	sst s4  }
0xd: {  	[smem:$0x3FB3] =	sst s5  }
0xe: {  	[smem:$0x3FB4] =	sst s6  }
0xf: {  	[smem:$0x3FB5] =	sst s7  }
0x10: {  	[smem:$0x3FB6] =	sst s8  }
0x11: {  	[smem:$0x3FB7] =	sst s9;
	s0 =	simm.s32 @!p0 $0x0  }
0x12: {  	s1 =	sld [smem:$0x3F9D];
	s0 =	simm.s32 @p0 $0x1  }
0x13: {  	[smem:$0x3FB8] =	sst s0;
	s0 =	simm.s32 @!p1 $0x0  }
0x14: {  	s2 =	sld [smem:$0x3F9C];
	s0 =	simm.s32 @p1 $0x1  }
0x15: {  	[smem:$0x3FB9] =	sst s0;
	s0 =	simm.s32 @!p2 $0x0  }
0x16: {  	s3 =	sld [smem:$0x3FDB];
	s0 =	simm.s32 @p2 $0x1  }
0x17: {  	s4 =	simm.s32 $0x1BF5;
	[smem:$0x3FBB] =	sst s0  }
0x18: {  	s0 =	sld [smem:$0x3F9E];
	_ =	swait.ge [sflag:s4], $0x0  }
0x19: {  	s7 =	sld [smem:$0x3F9F]  }
0x1a: {  	s8 =	sadd.s32 $0xFFFFE003, lr  }
0x1b: {  	s9 =	sadd.s32 $0xFFFFFEF7, lr;
	s5 =	simm.s32 $0xFFFFFFFF;
	p2 =	slt.u32 s8, $0xFFFFF086  }
0x1c: {  	p1 =	slt.u32 s9, $0xF7A;
	s5 =	simm.s32 @!p2 $0x0  }
0x1d: {  	s5 =	simm.s32 @p1 $0x1;
	p0 =	seq.s32 s7, s2  }
0x1e: {  	s7 =	smul.u32 @!p0 $0xF7A, s2;
	p2 =	seq.s32 @!p0 s5, $0x0  }
0x1f: {  	s9 =	smul.u32 $0xF7A, s1;
	s8 =	simm.s32 @!p0 $0x1BF5;
	p2 =	por !p2, p0  }
0x20: {  	[sflag:s8] =	ssyncset.s32 @!p0 $0xFFFFF086;
	s6 =	sadd.s32 @!p0 s3, s7;
	s7 =	simm.s32 @!p0 $0x108  }
0x21: {  	s3 =	sadd.s32 s3, s9;
	s6 =	sadd.s32 @!p0 $0x88, s6;
	s7 =	simm.s32 @p2 $0x1082  }
0x22: {  	[simem:s7], [sflag:s8] =	dma.local @!p0 [hbm:s6], $0xF7A  }
0x23: {  	s9 =	sor.u32 $0xD0000000, s2;
	s6 =	simm.s32 $0x108;
	_ =	swait.ge @!p0 [sflag:s8], $0x0  }
0x24: {  	s3 =	sadd.s32 $0x88, s3;
	s6 =	simm.s32 @!p1 $0x1082;
	[sflag:s4] =	ssyncset.s32 $0xFFFFF086  }
0x25: {  	[simem:s6], [sflag:s4] =	dma.local [hbm:s3], $0xF7A  }
0x26: {  	[smem:$0x3F9F] =	sst s1;
	(tag) =	ssettag s2;
	_ =	strace s9  }
0x27: {  	s1 =	sld [smem:$0x3FAF]  }
0x28: {  	s2 =	sld [smem:$0x3FB0]  }
0x29: {  	s4 =	sld [smem:$0x3FB2]  }
0x2a: {  	p0 =	seq.s32 s5, $0x0;
	s5 =	sld [smem:$0x3FB3]  }
0x2b: {  	s6 =	sld [smem:$0x3FB4]  }
0x2c: {  	s7 =	sld [smem:$0x3FB5]  }
0x2d: {  	s3 =	simm.s32 $0x108;
	s8 =	sld [smem:$0x3FB6]  }
0x2e: {  	s3 =	simm.s32 @!p0 $0x1082;
	s9 =	sld [smem:$0x3FB7]  }
0x2f: {  	lr =	sadd.s32 s0, s3;
	s0 =	sld [smem:$0x3FAE]  }
0x30: {  	s3 =	sld [smem:$0x3FB1]  }
0x31: {  	[smem:$0x3FBA] =	sst s10  }
0x32: {  	s10 =	sld [smem:$0x3FB8];
	_ =	sdelay $0x3  }
0x33: {  	p0 =	seq.s32 s10, $0x1;
	s10 =	sld [smem:$0x3FBA];
	_ =	sdelay $0x3  }
0x34: {  	[smem:$0x3FBA] =	sst s10  }
0x35: {  	s10 =	sld [smem:$0x3FB9];
	_ =	sdelay $0x3  }
0x36: {  	p1 =	seq.s32 s10, $0x1;
	s10 =	sld [smem:$0x3FBA];
	_ =	sdelay $0x3  }
0x37: {  	[smem:$0x3FBA] =	sst s10  }
0x38: {  	s10 =	sld [smem:$0x3FBB]  }
0x39: {  	_ = 	snop;
	(pc) =	sbr.ind lr, $3  }
0x3a: {  	_ = 	snop  }
0x3b: {  	_ = 	snop  }
0x3c: {  	p2 =	seq.s32 s10, $0x1;
	s10 =	sld [smem:$0x3FBA]  }
0x3d: {  	_ =	shalt  }
0x3e: {  	_ =	shalt  }
0x3f: {  	_ =	shalt  }
0x40: {  	_ =	shalt  }
0x41: {  	_ =	shalt  }
0x42: {  	_ =	shalt  }
0x43: {  	_ =	shalt  }
0x44: {  	_ =	shalt  }
0x45: {  	_ =	shalt  }
0x46: {  	_ =	shalt  }
0x47: {  	_ =	shalt  }
0x48: {  	_ =	shalt  }
0x49: {  	_ =	shalt  }
0x4a: {  	_ =	shalt  }
0x4b: {  	_ =	shalt  }
0x4c: {  	_ =	shalt  }
0x4d: {  	_ =	shalt  }
0x4e: {  	_ =	shalt  }
0x4f: {  	_ =	shalt  }
0x50: {  	_ =	shalt  }
0x51: {  	_ =	shalt  }
0x52: {  	_ =	shalt  }
0x53: {  	_ =	shalt  }
0x54: {  	_ =	shalt  }
0x55: {  	_ =	shalt  }
0x56: {  	_ =	shalt  }
0x57: {  	_ =	shalt  }
0x58: {  	_ =	shalt  }
0x59: {  	_ =	shalt  }
0x5a: {  	_ =	shalt  }
0x5b: {  	_ =	shalt  }
0x5c: {  	_ =	shalt  }
0x5d: {  	_ =	shalt  }
0x5e: {  	_ =	shalt  }
0x5f: {  	_ =	shalt  }
0x60: {  	_ =	shalt  }
0x61: {  	_ =	shalt  }
0x62: {  	_ =	shalt  }
0x63: {  	_ =	shalt  }
0x64: {  	_ =	shalt  }
0x65: {  	_ =	shalt  }
0x66: {  	_ =	shalt  }
0x67: {  	_ =	shalt  }
0x68: {  	_ =	shalt  }
0x69: {  	_ =	shalt  }
0x6a: {  	_ =	shalt  }
0x6b: {  	_ =	shalt  }
0x6c: {  	_ =	shalt  }
0x6d: {  	_ =	shalt  }
0x6e: {  	_ =	shalt  }
0x6f: {  	_ =	shalt  }
0x70: {  	_ =	shalt  }
0x71: {  	_ =	shalt  }
0x72: {  	_ =	shalt  }
0x73: {  	_ =	shalt  }
0x74: {  	_ =	shalt  }
0x75: {  	_ =	shalt  }
0x76: {  	_ =	shalt  }
0x77: {  	_ =	shalt  }
0x78: {  	_ =	shalt  }
0x79: {  	_ =	shalt  }
0x7a: {  	_ =	shalt  }
0x7b: {  	_ =	shalt  }
0x7c: {  	_ =	shalt  }
0x7d: {  	_ =	shalt  }
0x7e: {  	_ =	shalt  }
0x7f: {  	_ =	shalt  }
0x80: {  	_ =	shalt  }
0x81: {  	_ =	shalt  }
0x82: {  	_ =	shalt  }
0x83: {  	_ =	shalt  }
0x84: {  	_ =	shalt  }
0x85: {  	_ =	shalt  }
0x86: {  	_ =	shalt  }
0x87: {  	_ =	shalt  }
.Lfunc_end0:
.L_simem_size_0:
called_computation_lowered:
.L_overlay_start_0:
0x88: {  	s2 =	sld [smem:$0x3FD9]  }
0x89: {  	s3 =	sld [smem:$0x3FFE];
	_ =	sdelay $0x1  }
0x8a: {  	s1 =	srdreg.scid  }
0x8b: {  	s0 =	sand.u32 $0x1, s1  }
0x8c: {  	s14 =	sshll.u32 s0, $0xA;
	s2 =	sadd.s32 s3, s2  }
0x8d: {  	s2 =	sadd.s32 s2, s14  }
0x8e: {  	[smem:$0x3FC6] =	sst s2  }
0x8f: {  	_ = 	snop  }
0x90: {  	s2 =	sld [smem:$0x3FD0];
	_ =	sdelay $0x2  }
0x91: {  	s15 =	simm.s32 $0xA;
	s4 =	simm.s32 $0x10  }
0x92: {  	[smem:s4], [sflag:s15] =	dma.local [hbm:s2], $0x1  }
0x93: {  	_ =	swait.eq [sflag:s15], $0x1  }
0x94: {  	[sflag:s15] =	ssyncset.done $0x0  }
0x95: {  	[sflag:s15] =	ssyncadd.s32 $0xFFFFFFFF  }
0x96: {  	s16 =	sld [smem:$0x11];
	(tm) =	ssettm $0x1  }
0x97: {  	s17 =	sld [smem:$0x3FFB];
	_ =	sdelay $0x3  }
0x98: {  	_ =	strace s17  }
0x99: {  	s3 =	sld [smem:$0x3FFC];
	_ =	sdelay $0x3  }
0x9a: {  	_ =	strace s3  }
0x9b: {  	s3 =	sld [smem:$0x3FFD];
	_ =	sdelay $0x3  }
0x9c: {  	_ =	strace s3  }
0x9d: {  	_ =	strace $0x8FFFFFFF  }
0x9e: {  	s18 =	sld [smem:$0x3FDB];
	_ =	sdelay $0x1  }
0x9f: {  	s19 =	simm.s32 $_scs_section_size  }
0xa0: {  	s5 =	simm.s32 $_size__tile_overlayer_lowered;
	s6 =	simm.s32 $_tile_overlayer_lowered  }
0xa1: {  	s22 =	simm.s32 $0x1BFF;
	s21 =	sshll.u32 s6, $0x1;
	s3 =	sadd.s32 s19, s18  }
0xa2: {  	s7 =	simm.s32 $0x0;
	s20 =	sshll.u32 s5, $0x1;
	s5 =	sadd.s32 s21, s3  }
0xa3: {  	[timem:s7], [sflag:s22] =	dma.local [hbm:s5], s20  }
0xa4: {  	_ =	swait.ge [sflag:s22], s20  }
0xa5: {  	s4 =	ssub.s32 $0x0, s20;
	[sflag:s22] =	ssyncset.done $0x0  }
0xa6: {  	[sflag:s22] =	ssyncadd.s32 s4;
	_ =	sdelay $0x1  }
0xa7: {  	s23 =	simm.s32 $0x1B8B  }
0xa8: {  	_ =	swait.ge [sflag:s23], $0x1  }
0xa9: {  	[sflag:s23] =	ssyncset.done $0x0  }
0xaa: {  	s25 =	simm.s32 $0x1B8E;
	s24 =	sld [smem:$0x3FFE];
	[sflag:s23] =	ssyncadd.s32 $0xFFFFFFFF  }
0xab: {  	s26 =	simm.s32 $execute0_lowered;
	[smem:$0x3FD2] =	sst s25  }
0xac: {  	s5 =	sshll.u32 s26, $0x1;
	_ =	strace $0x80000046;
	[dreg:$0x1] =	wrdreg $0xFFFFFFFF  }
0xad: {  	s28 =	simm.s32 $_size_execute0_lowered;
	s3 =	sadd.s32 s3, s5;
	[dreg:$0x0] =	wrdreg $0x0  }
0xae: {  	s5 =	sshll.u32 s28, $0x1;
	[dreg:$0x2] =	wrdreg s3  }
0xaf: {  	[dreg:$0x3] =	wrdreg s5  }
0xb0: {  	[dreg:$0x4] =	wrdreg $0xC0  }
0xb1: {  	_ =	task [dreg:s7], $0x5FFFF  }
0xb2: {  	[dreg:$0x1] =	wrdreg $0xFFFFFFFF  }
0xb3: {  	[dreg:$0x0] =	wrdreg $0x60  }
0xb4: {  	[dreg:$0x2] =	wrdreg s16  }
0xb5: {  	[dreg:$0x3] =	wrdreg s24  }
0xb6: {  	[dreg:$0x4] =	wrdreg $0xC5000  }
0xb7: {  	[dreg:$0x5] =	wrdreg $0x9  }
0xb8: {  	_ =	task.clear_ibuf [dreg:s7], $0x6FFFF;
	_ =	strace $0x90000046  }
0xb9: {  	s29 =	simm.s32 $0x9;
	_ =	strace $0x80000048  }
0xba: {  	_ =	swait.ge [sflag:s29], $0x1  }
0xbb: {  	[sflag:s29] =	ssyncadd.s32 $0xFFFFFFFF  }
0xbc: {  	_ =	strace $0x90000048  }
0xbd: {  	_ =	sfence  }
0xbe: {  	s30 =	sld [smem:$0x0];
	_ =	sdelay $0x2  }
0xbf: {  	s31 =	sshll.u32 s1, $0xD;
	s1 =	sshrl.u32 s1, $0x2  }
0xc0: {  	s3 =	sand.u32 $0x4000, s31;
	s1 =	sadd.s32 s1, s30  }
0xc1: {  	s0 =	sor.u32 s3, s0;
	s1 =	sshll.u32 s1, $0x11  }
0xc2: {  	s0 =	sor.u32 s1, s0  }
0xc3: {  	s0 =	sadd.s32 $0x8F2B, s0  }
0xc4: {  	[sflag:s0] =	ssyncadd.remote.s32 $0x1  }
0xc5: {  	_ =	sfence.sel $0xFFFF  }
0xc6: {  	[dreg:$0x0] =	wrdreg $0xFFFFFFFF;
	(pc) =	sbr.abs _section_cstart, $3  }
0xc7: {  	[dreg:$0x1] =	wrdreg $0xFFFFFFFF  }
0xc8: {  	_ =	task.clear_ibuf [dreg:s7], $0x2FFFF;
	_ =	strace $0x9FFFFFFF  }
0xc9: {  	(tm) =	ssettm $0x7FFFFFFF  }
tec
execute0_lowered:
.L_overlay_start_1:
0x0: {  	(tag) =	ssettag $0x1  }
0x1: {  	s0 =	rddreg [dreg:$0x0]  }
0x2: {  	s2 =	rddreg [dreg:$0x1]  }
0x3: {  	s4 =	rddreg [dreg:$0x2];
	s3 =	srdreg.scid;
	s1 =	simm.s32 $0x0  }
0x4: {  	s6 =	stileid.u32;
	s7 =	sand.u32 $0x1, s3;
	[smem:$0x7FF] =	sst s1  }
0x5: {  	s16 =	sshll.u32 s6, $0xB;
	s8 =	sadd.s32 $0x1200, s2;
	s17 =	sadd.s32 $0x1600, s2  }
0x6: {  	s10 =	sshll.u32 s6, $0x6;
	s11 =	sshll.u32 s6, $0x9;
	s5 =	sshll.u32 s7, $0xA  }
0x7: {  	_ =	strace $0x80000047;
	[dreg:$0x7] =	wrdreg s8;
	s10 =	sor.u32 s11, s10  }
0x8: {  	[dreg:$0x8] =	wrdreg s17;
	s19 =	sshll.u32 s7, $0x4;
	s15 =	sor.u32 $0x380, s10  }
0x9: {  	s3 =	sor.u32 s5, s16;
	s16 =	sor.u32 $0x390, s10;
	[dreg:$0x19] =	wrdreg s15  }
0xa: {  	s12 =	sadd.s32 s19, s2;
	s19 =	sor.u32 $0x3B0, s10;
	[dreg:$0x1a] =	wrdreg s16  }
0xb: {  	s0 =	sadd.s32 s0, s3;
	[dreg:$0x1c] =	wrdreg s19  }
0xc: {  	s21 =	sand.u32 $0x1C40, s10;
	s13 =	sadd.s32 $0x1C00, s12;
	[dreg:$0x9] =	wrdreg s0  }
0xd: {  	s18 =	sadd.s32 s3, s2;
	s17 =	sor.u32 $0x2000, s21;
	[dreg:$0x17] =	wrdreg s13  }
0xe: {  	s22 =	sadd.s32 $0x1E00, s18;
	[dreg:$0xa] =	wrdreg s17  }
0xf: {  	s31 =	sshll.u32 s6, $0xA;
	s23 =	sadd.s32 $0x9E00, s18;
	[dreg:$0xb] =	wrdreg s22  }
0x10: {  	s9 =	ssub.s32 $0x2, s7;
	s24 =	sadd.s32 $0x11E00, s18;
	[dreg:$0xc] =	wrdreg s23  }
0x11: {  	s20 =	sshrl.u32 s9, $0x1;
	s25 =	sadd.s32 $0x19E00, s18;
	[dreg:$0xd] =	wrdreg s24  }
0x12: {  	s5 =	sshll.u32 s6, $0x7;
	s26 =	sadd.s32 $0x21E00, s18;
	[dreg:$0xe] =	wrdreg s25  }
0x13: {  	s9 =	ssub.s32 s9, s20;
	s28 =	sadd.s32 $0x29E00, s18;
	[dreg:$0xf] =	wrdreg s26  }
0x14: {  	s2 =	sshll.u32 s7, $0x9;
	s29 =	sadd.s32 $0x31E00, s18;
	[dreg:$0x10] =	wrdreg s28  }
0x15: {  	s7 =	sshll.u32 s7, $0xC;
	s30 =	sadd.s32 $0x39E00, s18;
	[dreg:$0x11] =	wrdreg s29  }
0x16: {  	s8 =	sand.u32 $0x380, s5;
	s14 =	smax.u32 s9, $0x1;
	[dreg:$0x12] =	wrdreg s30  }
0x17: {  	s0 =	sand.u32 $0x2000, s31;
	s18 =	sor.u32 $0x3A0, s10;
	[dreg:$0x18] =	wrdreg s14  }
0x18: {  	s0 =	sadd.s32 s0, s4;
	s4 =	sadd.s32 s7, s4;
	[dreg:$0x1b] =	wrdreg s18  }
0x19: {  	s0 =	sadd.s32 s8, s0;
	[dreg:$0x13] =	wrdreg s4  }
0x1a: {  	s8 =	sadd.s32 $0x80, s4;
	[dreg:$0x14] =	wrdreg s0  }
0x1b: {  	s11 =	sadd.s32 $0x100, s4;
	[dreg:$0x15] =	wrdreg s8  }
0x1c: {  	s20 =	sadd.s32 $0x180, s4;
	[dreg:$0x16] =	wrdreg s11  }
0x1d: {  	s21 =	sadd.s32 $0x200, s4;
	[dreg:$0x1d] =	wrdreg s20  }
0x1e: {  	s22 =	sadd.s32 $0x280, s4;
	[dreg:$0x1e] =	wrdreg s21  }
0x1f: {  	s23 =	sadd.s32 $0x300, s4;
	[dreg:$0x1f] =	wrdreg s22  }
0x20: {  	s24 =	sadd.s32 $0x380, s4;
	[smem:$0x7C4] =	sst s23  }
0x21: {  	s25 =	sadd.s32 $0x2000, s4;
	[smem:$0x7C5] =	sst s24  }
0x22: {  	s26 =	sadd.s32 $0x2080, s4;
	[smem:$0x7C6] =	sst s25  }
0x23: {  	s28 =	sadd.s32 $0x2100, s4;
	[smem:$0x7C7] =	sst s26  }
0x24: {  	s29 =	sadd.s32 $0x2180, s4;
	[smem:$0x7C8] =	sst s28  }
0x25: {  	s30 =	sadd.s32 $0x2200, s4;
	[smem:$0x7C9] =	sst s29  }
0x26: {  	s31 =	sadd.s32 $0x2280, s4;
	[smem:$0x7CA] =	sst s30  }
0x27: {  	s5 =	sadd.s32 $0x2300, s4;
	[smem:$0x7CB] =	sst s31  }
0x28: {  	p0 =	sne.s32 s6, $0x0;
	s6 =	sadd.s32 $0x2380, s4;
	[smem:$0x7CC] =	sst s5  }
0x29: {  	s7 =	sadd.s32 $0x400, s4;
	[smem:$0x7CD] =	sst s6  }
0x2a: {  	s9 =	sadd.s32 $0xC00, s4;
	[smem:$0x7CE] =	sst s7  }
0x2b: {  	s10 =	sadd.s32 $0x480, s4;
	[smem:$0x7D0] =	sst s9  }
0x2c: {  	s12 =	sadd.s32 $0xC80, s4;
	[smem:$0x7D1] =	sst s10  }
0x2d: {  	s13 =	sadd.s32 $0x500, s4;
	[smem:$0x7D3] =	sst s12  }
0x2e: {  	s14 =	sadd.s32 $0x900, s4;
	[smem:$0x7D4] =	sst s13  }
0x2f: {  	s15 =	sadd.s32 $0xD00, s4;
	[smem:$0x7D5] =	sst s14  }
0x30: {  	s16 =	sadd.s32 $0x580, s4;
	[smem:$0x7D6] =	sst s15  }
0x31: {  	s18 =	sadd.s32 $0x980, s4;
	[smem:$0x7D7] =	sst s16  }
0x32: {  	s19 =	sadd.s32 $0xD80, s4;
	[smem:$0x7D8] =	sst s18  }
0x33: {  	s8 =	sadd.s32 $0x800, s4;
	[smem:$0x7D9] =	sst s19  }
0x34: {  	s11 =	sadd.s32 $0x880, s4;
	[smem:$0x7CF] =	sst s8  }
0x35: {  	s20 =	sadd.s32 $0x600, s4;
	[smem:$0x7D2] =	sst s11  }
0x36: {  	s21 =	sadd.s32 $0xA00, s4;
	[smem:$0x7DA] =	sst s20  }
0x37: {  	s22 =	sadd.s32 $0xE00, s4;
	[smem:$0x7DB] =	sst s21  }
0x38: {  	s23 =	sadd.s32 $0x680, s4;
	[smem:$0x7DC] =	sst s22  }
0x39: {  	s24 =	sadd.s32 $0xA80, s4;
	[smem:$0x7DD] =	sst s23  }
0x3a: {  	s25 =	sadd.s32 $0xE80, s4;
	[smem:$0x7DE] =	sst s24  }
0x3b: {  	s26 =	sadd.s32 $0x700, s4;
	[smem:$0x7DF] =	sst s25  }
0x3c: {  	s28 =	sadd.s32 $0xB00, s4;
	[smem:$0x7E0] =	sst s26  }
0x3d: {  	s29 =	sadd.s32 $0xF00, s4;
	[smem:$0x7E1] =	sst s28  }
0x3e: {  	s30 =	sadd.s32 $0x780, s4;
	[smem:$0x7E2] =	sst s29  }
0x3f: {  	s31 =	sadd.s32 $0xB80, s4;
	[smem:$0x7E3] =	sst s30  }
0x40: {  	s5 =	sadd.s32 $0xF80, s4;
	[smem:$0x7E4] =	sst s31  }
0x41: {  	s6 =	sadd.s32 $0x2400, s4;
	[smem:$0x7E5] =	sst s5  }
0x42: {  	s7 =	sadd.s32 $0x2800, s4;
	[smem:$0x7E6] =	sst s6  }
0x43: {  	s9 =	sadd.s32 $0x2480, s4;
	[smem:$0x7E7] =	sst s7  }
0x44: {  	s10 =	sadd.s32 $0x2880, s4;
	[smem:$0x7E9] =	sst s9  }
0x45: {  	s12 =	sadd.s32 $0x2500, s4;
	[smem:$0x7EA] =	sst s10  }
0x46: {  	s13 =	sadd.s32 $0x2900, s4;
	[smem:$0x7EC] =	sst s12  }
0x47: {  	s14 =	sadd.s32 $0x2D00, s4;
	[smem:$0x7ED] =	sst s13  }
0x48: {  	s15 =	sadd.s32 $0x2580, s4;
	[smem:$0x7EE] =	sst s14  }
0x49: {  	s16 =	sadd.s32 $0x2980, s4;
	[smem:$0x7EF] =	sst s15  }
0x4a: {  	s18 =	sadd.s32 $0x2D80, s4;
	[smem:$0x7F0] =	sst s16  }
0x4b: {  	s19 =	sadd.s32 $0x2600, s4;
	[smem:$0x7F1] =	sst s18  }
0x4c: {  	s8 =	sadd.s32 $0x2C00, s4;
	[smem:$0x7F2] =	sst s19  }
0x4d: {  	s11 =	sadd.s32 $0x2C80, s4;
	[smem:$0x7E8] =	sst s8  }
0x4e: {  	s20 =	sadd.s32 $0x2A00, s4;
	[smem:$0x7EB] =	sst s11  }
0x4f: {  	s21 =	sadd.s32 $0x2E00, s4;
	[smem:$0x7F3] =	sst s20  }
0x50: {  	s22 =	sadd.s32 $0x2680, s4;
	[smem:$0x7F4] =	sst s21  }
0x51: {  	s23 =	sadd.s32 $0x2A80, s4;
	[smem:$0x7F5] =	sst s22  }
0x52: {  	s24 =	sadd.s32 $0x2E80, s4;
	[smem:$0x7F6] =	sst s23  }
0x53: {  	s25 =	sadd.s32 $0x2700, s4;
	[smem:$0x7F7] =	sst s24  }
0x54: {  	s26 =	sadd.s32 $0x2B00, s4;
	[smem:$0x7F8] =	sst s25  }
.Ltmp0:
0x55: {  	s28 =	sadd.s32 $0x2F00, s4;
	[smem:$0x7F9] =	sst s26;
	(pc) =	sbr.rel .LBB2_1-.Ltmp0, $4  }
0x56: {  	s29 =	sadd.s32 $0x2780, s4;
	[smem:$0x7FA] =	sst s28  }
0x57: {  	s3 =	sadd.s32 $0x200, s2;
	s30 =	sadd.s32 $0x2B80, s4;
	[smem:$0x7FB] =	sst s29  }
0x58: {  	v0 =	vmov s2;
	s2 =	simm.s32 $0x0;
	s31 =	sadd.s32 $0x2F80, s4;
	[smem:$0x7FC] =	sst s30  }
0x59: {  	v2 =	vimm.s32 $0x0;
	v3 =	vimm.s32 $0x1;
	v1 =	vmov s3;
	s7 =	simm.s32 $0x3;
	[smem:$0x7FD] =	sst s31;
	s8 =	simm.s32 $0x8000  }
.LBB2_22:
0x5a: {  	v11 =	vld [tilespmem:s0+$0xA480]  }
0x5b: {  	v12 =	vld [tilespmem:s0+$0xA500]  }
0x5c: {  	v13 =	vld [tilespmem:s0+$0xA580]  }
0x5d: {  	v14 =	vld [tilespmem:s0+$0xA600]  }
0x5e: {  	v15 =	vld [tilespmem:s0+$0xA680]  }
0x5f: {  	v16 =	vld [tilespmem:s0+$0xA700];
	s2 =	sor.u32 s3, s2  }
0x60: {  	v55 =	vld [tilespmem:s0+$0xA780];
	s2 =	sor.u32 $0x380, s2;
	v11 =	vadd.s32 v11, v12  }
0x61: {  	v56 =	vld [tilespmem:s2+$0xA480];
	v11 =	vadd.s32 v13, v11  }
0x62: {  	v11 =	vadd.s32 v14, v11  }
0x63: {  	v57 =	vld [tilespmem:s0+$0xB500];
	v11 =	vadd.s32 v15, v11  }
0x64: {  	v58 =	vld [tilespmem:s0+$0xB580];
	v11 =	vadd.s32 v16, v11  }
0x65: {  	v59 =	vld [tilespmem:s0+$0xB600];
	v11 =	vadd.s32 v55, v11  }
0x66: {  	v60 =	vld [tilespmem:s0+$0xB680];
	v11 =	vadd.s32 v56, v11  }
0x67: {  	v61 =	vld [tilespmem:s0+$0xB700];
	v5 =	vadd.s32 v5, v11  }
0x68: {  	v62 =	vld [tilespmem:s0+$0xB780];
	v5 =	vadd.s32 v57, v5  }
0x69: {  	v6 =	vadd.s32 v6, v10;
	v63 =	vld [tilespmem:s0+$0xB800];
	v5 =	vadd.s32 v58, v5  }
0x6a: {  	v6 =	vadd.s32 v7, v6;
	v5 =	vadd.s32 v59, v5  }
0x6b: {  	v6 =	vadd.s32 v8, v6;
	v5 =	vadd.s32 v60, v5  }
0x6c: {  	v6 =	vadd.s32 v9, v6;
	v5 =	vadd.s32 v61, v5  }
0x6d: {  	v5 =	vadd.s32 v62, v5  }
0x6e: {  	v5 =	vadd.s32 v63, v5;
	_ =	sdelay $0x2  }
0x6f: {  	v6 =	vld.idx.msk [tilespmem:v6+s9+$0x0], $0xffff;
	_ =	sdelay $0x1  }
0x70: {  	v5 =	vld.idx.msk [tilespmem:v5+s9+$0x0], $0xffff;
	_ =	sdelay $0x2  }
0x71: {  	v4 =	vadd.f32 v6, v4;
	_ =	sdelay $0x1  }
0x72: {  	v4 =	vadd.f32 v5, v4;
	_ =	sdelay $0x1  }
0x73: {  	(xrf2) =	vadd.scan.msk.f32 $0xffff, v4;
	_ =	sdelay $0x9  }
0x74: {  	v4, _, _ =	vpop (xrf2)  }
0x75: {  	v4 =	vadd.f32 $0.0e+00, v4;
	_ =	sdelay $0x1  }
0x76: {  	v4 =	vmul.f32 $1.442695020e+00, v4;
	_ =	sdelay $0x1  }
0x77: {  	v4 =	vbroadcast v4, $0xF;
	_ =	sdelay $0x1  }
0x78: {  	(erf) = vpow2.f32 v4;
	_ =	sdelay $0x8  }
0x79: {  	v4 =	vpop (erf)  }
0x7a: {  	s30 =	rddreg [dreg:$0x17];
	s31 =	simm.s32 $0xC480;
	[tilespmem:$0xC480] =	vst v4  }
0x7b: {  	[hbm4b:s30+s1] =	stream.linear.scatter [tilespmem:s31], [sflag:$0x3], $0x80, $0x38;
	[tilespmem:$0xC900] =	vst v63  }
0x7c: {  	_ =	swait.ge [sflag:s7], $0x80  }
0x7d: {  	[sflag:s7] =	ssyncset.done $0x0  }
0x7e: {  	s2 =	sld [smem:$0x7C3];
	[sflag:s7] =	ssyncadd.s32 $0xFFFFFF80  }
.LBB2_23:
0x7f: {  	_ =	sdelay $0x1  }
0x80: {  	s0 =	rddreg [dreg:$0x18];
	s2 =	sadd.s32 $0x1, s2  }
0x81: {  	p1 =	sne.s32 s2, s0  }
.Ltmp1:
0x82: {  	_ = 	snop;
	(pc) =	sbr.rel @!p1 .LBB2_24-.Ltmp1, $1  }
0x83: {  	_ =	sdelay $0x3  }
.LBB2_1:
0x84: {  	[smem:$0x7C3] =	sst s2  }
0x85: {  	s0 =	rddreg [dreg:$0x9]  }
0x86: {  	[tilespmem:s1], [sflag:$0x3] =	stream.linear.gather [hbm4b:s0+s1], $0x2000, $0x38;
	[tilespmem:$0xC900] =	vst v63  }
0x87: {  	_ =	swait.ge [sflag:s7], $0x2000  }
0x88: {  	[sflag:s7] =	ssyncset.done $0x0  }
0x89: {  	s31 =	simm.s32 $0x2000;
	s30 =	rddreg [dreg:$0x7];
	[sflag:s7] =	ssyncadd.s32 $0xFFFFE000  }
0x8a: {  	[tilespmem:s31], [sflag:$0x3] =	stream.linear.gather [hbm4b:s30+s1], $0x2000, $0x38;
	[tilespmem:$0xC900] =	vst v63  }
0x8b: {  	_ =	swait.ge [sflag:s7], $0x2000  }
0x8c: {  	[sflag:s7] =	ssyncset.done $0x0  }
0x8d: {  	s0 =	simm.s32 $0x8020;
	[sflag:s7] =	ssyncadd.s32 $0xFFFFE000  }
0x8e: {  	[tilespmem:s0+$0xFFFFFFE0] =	vst v2  }
0x8f: {  	[tilespmem:s0+$0x10] =	vst v2  }
0x90: {  	s2 =	simm.s32 $0x0;
	[tilespmem:s0+$0x0] =	vst v2  }
.LBB2_2:
0x91: {  	s2 =	sadd.s32 $0x4, s2  }
0x92: {  	[tilespmem:s0+$0xFFFFFFF0] =	vst v2;
	s0 =	sadd.s32 $0x40, s0;
	p1 =	slt.u32 s2, $0x3C  }
.Ltmp2:
0x93: {  	[tilespmem:s0+$0xFFFFFFE0] =	vst v2;
	(pc) =	sbr.rel @p1 .LBB2_2-.Ltmp2, $3  }
0x94: {  	_ =	sdelay $0x1  }
0x95: {  	[tilespmem:s0+$0x10] =	vst v2  }
0x96: {  	[tilespmem:s0+$0x0] =	vst v2  }
0x97: {  	[tilespmem:s0+$0xFFFFFFF0] =	vst v2  }
0x98: {  	v4 =	vld [tilespmem:s17+$0x0];
	_ =	sdelay $0x4  }
0x99: {  	vm0 =	vge.s32 v4, v0;
	vm1 =	vlt.s32 v4, v1  }
0x9a: {  	vm0 =	vmand vm0, vm1;
	_ =	sdelay $0x5  }
0x9b: {  	[tilespmem:v4+s8+$0x0] =	vst.idx.add.s32.msk vm0, v3  }
0x9c: {  	v4 =	vld [tilespmem:s17+$0x10];
	_ =	sdelay $0x4  }
0x9d: {  	vm10 =	vge.s32 v4, v0;
	vm11 =	vlt.s32 v4, v1  }
0x9e: {  	vm0 =	vmand vm10, vm11;
	_ =	sdelay $0x5  }
0x9f: {  	[tilespmem:v4+s8+$0x0] =	vst.idx.add.s32.msk vm0, v3  }
0xa0: {  	v4 =	vld [tilespmem:s17+$0x20];
	_ =	sdelay $0x4  }
0xa1: {  	vm12 =	vge.s32 v4, v0;
	vm13 =	vlt.s32 v4, v1  }
0xa2: {  	vm0 =	vmand vm12, vm13;
	_ =	sdelay $0x5  }
0xa3: {  	[tilespmem:v4+s8+$0x0] =	vst.idx.add.s32.msk vm0, v3  }
0xa4: {  	v4 =	vld [tilespmem:s17+$0x30];
	_ =	sdelay $0x4  }
0xa5: {  	vm14 =	vge.s32 v4, v0;
	vm15 =	vlt.s32 v4, v1  }
0xa6: {  	vm0 =	vmand vm14, vm15;
	_ =	sdelay $0x2  }
0xa7: {  	s6 =	simm.s32 $0x0  }
0xa8: {  	s3 =	sand.u32 $0x60, s6  }
0xa9: {  	s2 =	sand.u32 $0x1C00, s6;
	s4 =	sor.u32 $0x10, s3  }
0xaa: {  	s21 =	sor.u32 s2, s4;
	[tilespmem:v4+s8+$0x0] =	vst.idx.add.s32.msk vm0, v3  }
0xab: {  	v4 =	vld [tilespmem:s21+$0x2000];
	_ =	sdelay $0x4  }
0xac: {  	v5 =	vshll.u32 v4, $0x3  }
0xad: {  	v4 =	vand.u32 $0x7F, v4;
	v5 =	vand.u32 $0xFFFFFC00, v5  }
0xae: {  	s10 =	sor.u32 s3, s2;
	v5 =	vor.u32 v4, v5  }
0xaf: {  	v4 =	vld [tilespmem:s10+$0x2000];
	_ =	sdelay $0x3  }
0xb0: {  	s7 =	simm.s32 $0x20;
	v7 =	vld.idx.msk [tilespmem:v5+s1+$0x0], $0xffff  }
0xb1: {  	s9 =	simm.s32 $0x100;
	s22 =	sand.u32 $0x60, s7;
	v8 =	vor.u32 $0x80, v5;
	v6 =	vshll.u32 v4, $0x3  }
0xb2: {  	s11 =	sand.u32 $0x1C00, s9;
	s14 =	sor.u32 $0x10, s22;
	v4 =	vand.u32 $0x7F, v4;
	v6 =	vand.u32 $0xFFFFFC00, v6  }
0xb3: {  	s18 =	sor.u32 s11, s14;
	v6 =	vor.u32 v4, v6  }
0xb4: {  	s19 =	sor.u32 s22, s11;
	v4 =	vld [tilespmem:s18+$0x2000]  }
0xb5: {  	[tilespmem:s21+$0x4000] =	vst v7;
	v7 =	vld [tilespmem:s19+$0x2000]  }
0xb6: {  	v9 =	vld.idx.msk [tilespmem:v8+s1+$0x0], $0xffff  }
0xb7: {  	v10 =	vor.u32 $0x100, v5  }
0xb8: {  	v11 =	vld.idx.msk [tilespmem:v6+s1+$0x0], $0xffff  }
0xb9: {  	s24 =	sor.u32 $0x4000, s2;
	v12 =	vor.u32 $0x80, v6;
	v8 =	vshll.u32 v4, $0x3  }
0xba: {  	s16 =	sor.u32 s4, s24;
	v4 =	vand.u32 $0x7F, v4;
	v8 =	vand.u32 $0xFFFFFC00, v8;
	v13 =	vshll.u32 v7, $0x3  }
0xbb: {  	v8 =	vor.u32 v4, v8;
	v7 =	vand.u32 $0x7F, v7;
	[tilespmem:s16+$0x80] =	vst v9;
	v4 =	vand.u32 $0xFFFFFC00, v13  }
0xbc: {  	v9 =	vld.idx.msk [tilespmem:v10+s1+$0x0], $0xffff;
	v7 =	vor.u32 v7, v4  }
0xbd: {  	[tilespmem:s10+$0x4000] =	vst v11;
	v4 =	vor.u32 $0x180, v5  }
0xbe: {  	v10 =	vld.idx.msk [tilespmem:v12+s1+$0x0], $0xffff  }
0xbf: {  	s12 =	simm.s32 $0x40;
	v11 =	vor.u32 $0x100, v6  }
0xc0: {  	s25 =	sand.u32 $0x60, s12;
	s2 =	simm.s32 $0x200;
	v12 =	vld.idx.msk [tilespmem:v8+s1+$0x0], $0xffff  }
0xc1: {  	s13 =	sor.u32 $0x10, s25;
	s15 =	sand.u32 $0x1C00, s2;
	v14 =	vor.u32 $0x80, v8;
	v13 =	vld.idx.msk [tilespmem:v7+s1+$0x0], $0xffff;
	[tilespmem:s16+$0x100] =	vst v9  }
0xc2: {  	s20 =	sor.u32 s15, s13;
	s8 =	sor.u32 s3, s24;
	v4 =	vld.idx.msk [tilespmem:v4+s1+$0x0], $0xffff  }
0xc3: {  	v15 =	vor.u32 $0x200, v5;
	[tilespmem:s8+$0x80] =	vst v10;
	v10 =	vld [tilespmem:s20+$0x2000]  }
0xc4: {  	s21 =	sor.u32 s25, s15;
	v11 =	vld.idx.msk [tilespmem:v11+s1+$0x0], $0xffff  }
0xc5: {  	v9 =	vor.u32 $0x80, v7;
	[tilespmem:s18+$0x4000] =	vst v12;
	v12 =	vld [tilespmem:s21+$0x2000]  }
0xc6: {  	v16 =	vor.u32 $0x180, v6;
	v14 =	vld.idx.msk [tilespmem:v14+s1+$0x0], $0xffff;
	[tilespmem:s19+$0x4000] =	vst v13  }
0xc7: {  	v13 =	vor.u32 $0x100, v8;
	[tilespmem:s16+$0x180] =	vst v4  }
0xc8: {  	s28 =	sor.u32 $0x4000, s11;
	v4 =	vshll.u32 v10, $0x3;
	v15 =	vld.idx.msk [tilespmem:v15+s1+$0x0], $0xffff  }
0xc9: {  	s23 =	sor.u32 s14, s28;
	s14 =	sor.u32 s22, s28;
	s22 =	simm.s32 $0x60;
	v18 =	vor.u32 $0x280, v5;
	v10 =	vand.u32 $0x7F, v10;
	v4 =	vand.u32 $0xFFFFFC00, v4  }
0xca: {  	s0 =	sand.u32 $0x60, s22;
	s3 =	simm.s32 $0x300;
	v9 =	vld.idx.msk [tilespmem:v9+s1+$0x0], $0xffff;
	[tilespmem:s8+$0x100] =	vst v11;
	v11 =	vshll.u32 v12, $0x3;
	v4 =	vor.u32 v10, v4  }
0xcb: {  	s11 =	sand.u32 $0x1C00, s3;
	s10 =	sor.u32 $0x10, s0;
	v17 =	vor.u32 $0x100, v7;
	v12 =	vand.u32 $0x7F, v12;
	v16 =	vld.idx.msk [tilespmem:v16+s1+$0x0], $0xffff;
	[tilespmem:s23+$0x80] =	vst v14;
	v11 =	vand.u32 $0xFFFFFC00, v11  }
0xcc: {  	s24 =	sor.u32 s11, s10;
	v11 =	vor.u32 v12, v11;
	v13 =	vld.idx.msk [tilespmem:v13+s1+$0x0], $0xffff  }
0xcd: {  	v19 =	vld [tilespmem:s24+$0x2000];
	v12 =	vor.u32 $0x180, v8;
	[tilespmem:s16+$0x200] =	vst v15  }
0xce: {  	v10 =	vor.u32 $0x200, v6;
	v14 =	vld.idx.msk [tilespmem:v18+s1+$0x0], $0xffff  }
0xcf: {  	[tilespmem:s14+$0x80] =	vst v9;
	v15 =	vld.idx.msk [tilespmem:v4+s1+$0x0], $0xffff  }
0xd0: {  	v9 =	vld.idx.msk [tilespmem:v17+s1+$0x0], $0xffff;
	[tilespmem:s8+$0x180] =	vst v16;
	v16 =	vor.u32 $0x300, v5  }
0xd1: {  	v18 =	vor.u32 $0x80, v4;
	v17 =	vld.idx.msk [tilespmem:v11+s1+$0x0], $0xffff;
	[tilespmem:s23+$0x100] =	vst v13  }
0xd2: {  	v13 =	vor.u32 $0x80, v11;
	v12 =	vld.idx.msk [tilespmem:v12+s1+$0x0], $0xffff  }
0xd3: {  	s26 =	sor.u32 s0, s11;
	v20 =	vor.u32 $0x200, v8;
	v10 =	vld.idx.msk [tilespmem:v10+s1+$0x0], $0xffff;
	[tilespmem:s16+$0x280] =	vst v14  }
0xd4: {  	v14 =	vor.u32 $0x180, v7;
	[tilespmem:s20+$0x4000] =	vst v15;
	v15 =	vld [tilespmem:s26+$0x2000]  }
0xd5: {  	s30 =	sand.u32 $0x3, s6;
	v21 =	vor.u32 $0x280, v6;
	v16 =	vld.idx.msk [tilespmem:v16+s1+$0x0], $0xffff  }
0xd6: {  	s16 =	sshll.u32 s30, $0x5;
	v18 =	vld.idx.msk [tilespmem:v18+s1+$0x0], $0xffff;
	[tilespmem:s21+$0x4000] =	vst v17;
	v17 =	vor.u32 $0x380, v5  }
0xd7: {  	v22 =	vor.u32 $0x100, v4;
	s18 =	sadd.s32 $0x0, s16;
	v13 =	vld.idx.msk [tilespmem:v13+s1+$0x0], $0xffff;
	[tilespmem:s23+$0x180] =	vst v12  }
0xd8: {  	[tilespmem:s14+$0x100] =	vst v9;
	v5 =	vshll.u32 v19, $0x3;
	s28 =	sadd.s32 $0x10, s18;
	v12 =	vor.u32 $0x100, v11;
	v9 =	vld.idx.msk [tilespmem:v20+s1+$0x0], $0xffff  }
0xd9: {  	s15 =	sor.u32 $0x4000, s15;
	[tilespmem:s8+$0x200] =	vst v10;
	v5 =	vand.u32 $0xFFFFFC00, v5;
	s31 =	sor.u32 $0x300, s28;
	v10 =	vld.idx.msk [tilespmem:v14+s1+$0x0], $0xffff;
	v14 =	vand.u32 $0x7F, v19;
	v19 =	vor.u32 $0x280, v8  }
0xda: {  	s19 =	sor.u32 s13, s15;
	v20 =	vld.idx.msk [tilespmem:v21+s1+$0x0], $0xffff;
	[tilespmem:s31+$0x4000] =	vst v16;
	v16 =	vshll.u32 v15, $0x3;
	v5 =	vor.u32 v14, v5  }
0xdb: {  	s4 =	sor.u32 s25, s15;
	v14 =	vor.u32 $0x200, v7;
	v15 =	vand.u32 $0x7F, v15;
	[tilespmem:s19+$0x80] =	vst v18;
	v17 =	vld.idx.msk [tilespmem:v17+s1+$0x0], $0xffff;
	v16 =	vand.u32 $0xFFFFFC00, v16  }
0xdc: {  	v18 =	vld.idx.msk [tilespmem:v22+s1+$0x0], $0xffff;
	[tilespmem:s4+$0x80] =	vst v13;
	v21 =	vor.u32 v15, v16  }
0xdd: {  	v13 =	vld.idx.msk [tilespmem:v12+s1+$0x0], $0xffff;
	v12 =	vor.u32 $0x180, v4;
	[tilespmem:s23+$0x200] =	vst v9  }
0xde: {  	v9 =	vor.u32 $0x300, v6;
	v15 =	vld.idx.msk [tilespmem:v19+s1+$0x0], $0xffff  }
0xdf: {  	[tilespmem:s14+$0x180] =	vst v10;
	v10 =	vld.idx.msk [tilespmem:v5+s1+$0x0], $0xffff  }
0xe0: {  	s25 =	simm.s32 $0x80;
	v16 =	vor.u32 $0x300, v8;
	v14 =	vld.idx.msk [tilespmem:v14+s1+$0x0], $0xffff  }
0xe1: {  	s13 =	sand.u32 $0x60, s25;
	s16 =	simm.s32 $0x400;
	v22 =	vor.u32 $0x80, v5;
	[tilespmem:s19+$0x100] =	vst v18;
	v19 =	vld.idx.msk [tilespmem:v21+s1+$0x0], $0xffff  }
0xe2: {  	s21 =	sor.u32 $0x10, s13;
	s15 =	sand.u32 $0x1C00, s16;
	[tilespmem:s8+$0x280] =	vst v20;
	v12 =	vld.idx.msk [tilespmem:v12+s1+$0x0], $0xffff  }
0xe3: {  	v24 =	vor.u32 $0x280, v7;
	s20 =	sor.u32 s15, s21;
	v20 =	vld.idx.msk [tilespmem:v9+s1+$0x0], $0xffff  }
0xe4: {  	v18 =	vor.u32 $0x80, v21;
	v9 =	vld [tilespmem:s20+$0x2000];
	[tilespmem:s23+$0x280] =	vst v15  }
0xe5: {  	v23 =	vor.u32 $0x200, v4;
	s5 =	sor.u32 $0x380, s28;
	s8 =	simm.s32 $0x1;
	[tilespmem:s24+$0x4000] =	vst v10;
	v16 =	vld.idx.msk [tilespmem:v16+s1+$0x0], $0xffff  }
0xe6: {  	s28 =	sand.u32 $0x3, s8;
	[tilespmem:s5+$0x4000] =	vst v17;
	v15 =	vor.u32 $0x180, v11;
	s24 =	sor.u32 s13, s15;
	v17 =	vld.idx.msk [tilespmem:v22+s1+$0x0], $0xffff  }
0xe7: {  	v8 =	vor.u32 $0x380, v8;
	s23 =	sshll.u32 s28, $0x5;
	[tilespmem:s14+$0x200] =	vst v14;
	v22 =	vld [tilespmem:s24+$0x2000]  }
0xe8: {  	v29 =	vor.u32 $0x280, v4;
	v25 =	vor.u32 $0x100, v5;
	s28 =	sadd.s32 $0x100, s23;
	v33 =	vld.idx.msk [tilespmem:v24+s1+$0x0], $0xffff;
	[tilespmem:s26+$0x4000] =	vst v19  }
0xe9: {  	v28 =	vor.u32 $0x200, v11;
	s29 =	sadd.s32 $0x10, s28;
	v19 =	vor.u32 $0x380, v6;
	[tilespmem:s19+$0x180] =	vst v12;
	v12 =	vor.u32 $0x300, v7;
	v18 =	vld.idx.msk [tilespmem:v18+s1+$0x0], $0xffff  }
0xea: {  	s30 =	sor.u32 $0x4000, s11;
	[tilespmem:s4+$0x100] =	vst v13;
	v6 =	vor.u32 $0x380, v7;
	s31 =	sor.u32 $0x300, s29;
	v13 =	vld.idx.msk [tilespmem:v23+s1+$0x0], $0xffff;
	v23 =	vor.u32 $0x100, v21;
	v7 =	vshll.u32 v9, $0x3  }
0xeb: {  	s11 =	sor.u32 s10, s30;
	v30 =	vor.u32 $0x180, v5;
	v14 =	vand.u32 $0x7F, v9;
	v27 =	vld.idx.msk [tilespmem:v15+s1+$0x0], $0xffff;
	v15 =	vand.u32 $0xFFFFFC00, v7;
	[tilespmem:s31+$0x4000] =	vst v16  }
0xec: {  	s5 =	sor.u32 $0x300, s18;
	v10 =	vor.u32 $0x280, v11;
	v15 =	vor.u32 v14, v15;
	[tilespmem:s11+$0x80] =	vst v17;
	v34 =	vld.idx.msk [tilespmem:v8+s1+$0x0], $0xffff;
	v8 =	vshll.u32 v22, $0x3  }
0xed: {  	s10 =	sor.u32 s0, s30;
	v9 =	vor.u32 $0x300, v11;
	[tilespmem:s5+$0x4000] =	vst v20;
	v20 =	vand.u32 $0x7F, v22;
	v25 =	vld.idx.msk [tilespmem:v25+s1+$0x0], $0xffff;
	v22 =	vand.u32 $0xFFFFFC00, v8  }
0xee: {  	s6 =	sor.u32 s6, s6;
	s9 =	sor.u32 s9, s7;
	s30 =	sor.u32 s16, s25;
	v7 =	vor.u32 $0x380, v11;
	v11 =	vor.u32 $0x300, v21;
	v24 =	vld.idx.msk [tilespmem:v19+s1+$0x0], $0xffff;
	[tilespmem:s10+$0x80] =	vst v18;
	v31 =	vor.u32 v20, v22  }
0xef: {  	s18 =	sor.u32 s2, s12;
	s12 =	sor.u32 $0x380, s30;
	s23 =	sor.u32 $0x380, s6;
	v16 =	vor.u32 $0x200, v21;
	v14 =	vor.u32 $0x280, v21;
	v17 =	vor.u32 $0x180, v21;
	[tilespmem:s19+$0x200] =	vst v13;
	v26 =	vld.idx.msk [tilespmem:v23+s1+$0x0], $0xffff  }
0xf0: {  	s6 =	sor.u32 $0x380, s9;
	s9 =	sor.u32 $0x380, s18;
	s26 =	sor.u32 s3, s22;
	v8 =	vor.u32 $0x380, v21;
	v23 =	vor.u32 $0x80, v31;
	v20 =	vor.u32 $0x100, v31;
	[tilespmem:s4+$0x180] =	vst v27;
	v27 =	vld.idx.msk [tilespmem:v29+s1+$0x0], $0xffff  }
0xf1: {  	s22 =	simm.s32 $0x400;
	s7 =	sor.u32 $0x380, s26;
	s31 =	sor.u32 $0x380, s29;
	[tilespmem:s14+$0x280] =	vst v33;
	v21 =	vor.u32 $0x180, v31;
	v18 =	vor.u32 $0x200, v31;
	v19 =	vor.u32 $0x280, v31;
	v32 =	vld.idx.msk [tilespmem:v15+s1+$0x0], $0xffff  }
0xf2: {  	s26 =	simm.s32 $0x8;
	s29 =	simm.s32 $0xA0;
	s14 =	sor.u32 $0x300, s28;
	v22 =	vor.u32 $0x300, v31;
	v13 =	vor.u32 $0x380, v31;
	v29 =	vor.u32 $0x300, v4;
	v28 =	vld.idx.msk [tilespmem:v28+s1+$0x0], $0xffff;
	[tilespmem:s31+$0x4000] =	vst v34  }
.LBB2_4:
0xf3: {  	s0 =	sand.u32 $0x60, s29;
	v31 =	vld.idx.msk [tilespmem:v31+s1+$0x0], $0xffff;
	v33 =	vor.u32 $0x80, v15;
	s16 =	sadd.s32 $0x100, s16;
	[tilespmem:s11+$0x100] =	vst v25  }
0xf4: {  	s26 =	sadd.s32 $0x2, s26;
	s25 =	sand.u32 $0x1C00, s16;
	s18 =	sor.u32 $0x10, s0;
	v25 =	vld.idx.msk [tilespmem:v30+s1+$0x0], $0xffff;
	[tilespmem:s23+$0x4000] =	vst v24  }
0xf5: {  	p1 =	slt.u32 s26, $0x3E;
	s28 =	sor.u32 s0, s25;
	s30 =	sor.u32 s25, s18;
	[tilespmem:s10+$0x100] =	vst v26;
	v24 =	vld.idx.msk [tilespmem:v12+s1+$0x0], $0xffff;
	v12 =	vmov v9;
	v9 =	vmov v11;
	v11 =	vmov v22  }
0xf6: {  	s31 =	sor.u32 s16, s29;
	s23 =	smov.u32 s6;
	s6 =	smov.u32 s9;
	v26 =	vor.u32 $0x200, v5;
	v22 =	vld [tilespmem:s30+$0x2000];
	[tilespmem:s19+$0x280] =	vst v27  }
0xf7: {  	s8 =	sadd.s32 $0x1, s8;
	s19 =	sor.u32 $0x380, s31;
	[tilespmem:s20+$0x4000] =	vst v32;
	v27 =	vld.idx.msk [tilespmem:v29+s1+$0x0], $0xffff;
	s20 =	smov.u32 s30  }
0xf8: {  	s9 =	smov.u32 s7;
	s7 =	smov.u32 s12;
	s30 =	sand.u32 $0x3, s8;
	v29 =	vld.idx.msk [tilespmem:v33+s1+$0x0], $0xffff;
	[tilespmem:s4+$0x200] =	vst v28  }
0xf9: {  	v30 =	vor.u32 $0x380, v4;
	v4 =	vmov v5;
	v5 =	vmov v15;
	s12 =	smov.u32 s19;
	s30 =	sshll.u32 s30, $0x5;
	v28 =	vld [tilespmem:s28+$0x2000];
	[tilespmem:s24+$0x4000] =	vst v31;
	s24 =	smov.u32 s28  }
0xfa: {  	v31 =	vor.u32 $0x100, v5;
	s19 =	sadd.s32 s30, s2;
	s2 =	smov.u32 s3;
	s3 =	smov.u32 s22;
	v23 =	vld.idx.msk [tilespmem:v23+s1+$0x0], $0xffff;
	[tilespmem:s11+$0x180] =	vst v25  }
0xfb: {  	s22 =	smov.u32 s16;
	s28 =	sadd.s32 $0x10, s19;
	v32 =	vld.idx.msk [tilespmem:v26+s1+$0x0], $0xffff;
	[tilespmem:s14+$0x4000] =	vst v24;
	s14 =	sor.u32 $0x300, s19  }
0xfc: {  	v15 =	vshll.u32 v22, $0x3;
	s19 =	sor.u32 $0x4000, s15;
	s30 =	sor.u32 $0x300, s28;
	s15 =	smov.u32 s25;
	v33 =	vld.idx.msk [tilespmem:v17+s1+$0x0], $0xffff;
	v17 =	vmov v21  }
0xfd: {  	v21 =	vand.u32 $0x7F, v22;
	v15 =	vand.u32 $0xFFFFFC00, v15;
	s25 =	sor.u32 s13, s19;
	s31 =	sor.u32 s21, s19;
	v22 =	vor.u32 $0x280, v4;
	s13 =	smov.u32 s0;
	v34 =	vld.idx.msk [tilespmem:v10+s1+$0x0], $0xffff;
	[tilespmem:s30+$0x4000] =	vst v27;
	v10 =	vmovc v14;
	v14 =	vmovc v19  }
0xfe: {  	s21 =	smov.u32 s18;
	s19 =	smov.u32 s11;
	v15 =	vor.u32 v21, v15;
	s11 =	smov.u32 s31;
	v19 =	vand.u32 $0x7F, v28;
	v24 =	vshll.u32 v28, $0x3;
	[tilespmem:s31+$0x80] =	vst v29;
	v35 =	vld.idx.msk [tilespmem:v30+s1+$0x0], $0xffff  }
0xff: {  	v21 =	vand.u32 $0xFFFFFC00, v24;
	v25 =	vld.idx.msk [tilespmem:v31+s1+$0x0], $0xffff  }
.Ltmp3:
0x100: {  	v31 =	vor.u32 v19, v21;
	[tilespmem:s25+$0x80] =	vst v23;
	v24 =	vld.idx.msk [tilespmem:v6+s1+$0x0], $0xffff;
	v6 =	vmovc v7;
	v7 =	vmov v8;
	v8 =	vmov v13;
	(pc) =	sbr.rel @p1 .LBB2_4-.Ltmp3, $4  }
0x101: {  	v30 =	vor.u32 $0x180, v5;
	v23 =	vor.u32 $0x80, v31;
	v26 =	vld.idx.msk [tilespmem:v20+s1+$0x0], $0xffff;
	v20 =	vor.u32 $0x100, v31;
	[tilespmem:s19+$0x200] =	vst v32  }
0x102: {  	v21 =	vor.u32 $0x180, v31;
	v36 =	vor.u32 $0x200, v31;
	v19 =	vor.u32 $0x280, v31;
	[tilespmem:s10+$0x180] =	vst v33;
	v27 =	vld.idx.msk [tilespmem:v22+s1+$0x0], $0xffff  }
0x103: {  	s0 =	sor.u32 $0x380, s28;
	v13 =	vor.u32 $0x380, v31;
	v22 =	vor.u32 $0x300, v31;
	v32 =	vld.idx.msk [tilespmem:v15+s1+$0x0], $0xffff;
	[tilespmem:s4+$0x280] =	vst v34;
	s4 =	smov.u32 s10;
	s10 =	smov.u32 s25  }
0x104: {  	s29 =	sadd.s32 $0x20, s29;
	v29 =	vor.u32 $0x300, v4;
	v28 =	vld.idx.msk [tilespmem:v16+s1+$0x0], $0xffff;
	[tilespmem:s0+$0x4000] =	vst v35;
	v16 =	vmov v18;
	v18 =	vmov v36  }
0x105: {  	_ =	sdelay $0x3  }
0x106: {  	v33 =	vor.u32 $0x80, v15;
	v31 =	vld.idx.msk [tilespmem:v31+s1+$0x0], $0xffff;
	_ =	sdelay $0x3  }
0x107: {  	[tilespmem:s20+$0x4000] =	vst v32  }
0x108: {  	v32 =	vld.idx.msk [tilespmem:v33+s1+$0x0], $0xffff;
	[tilespmem:s24+$0x4000] =	vst v31  }
0x109: {  	v31 =	vor.u32 $0x100, v15;
	v23 =	vld.idx.msk [tilespmem:v23+s1+$0x0], $0xffff;
	_ =	sdelay $0x1  }
0x10a: {  	s0 =	sor.u32 $0x4000, s15  }
0x10b: {  	s15 =	sor.u32 s21, s0  }
0x10c: {  	s0 =	sor.u32 s13, s0;
	[tilespmem:s15+$0x80] =	vst v32  }
0x10d: {  	v31 =	vld.idx.msk [tilespmem:v31+s1+$0x0], $0xffff;
	[tilespmem:s0+$0x80] =	vst v23  }
0x10e: {  	v23 =	vor.u32 $0x180, v15;
	v20 =	vld.idx.msk [tilespmem:v20+s1+$0x0], $0xffff;
	_ =	sdelay $0x1  }
0x10f: {  	[tilespmem:s10+$0x100] =	vst v26  }
0x110: {  	[tilespmem:s11+$0x100] =	vst v25;
	v17 =	vld.idx.msk [tilespmem:v17+s1+$0x0], $0xffff  }
0x111: {  	v25 =	vld.idx.msk [tilespmem:v30+s1+$0x0], $0xffff;
	[tilespmem:s15+$0x100] =	vst v31  }
0x112: {  	v30 =	vor.u32 $0x200, v5;
	v23 =	vld.idx.msk [tilespmem:v23+s1+$0x0], $0xffff;
	[tilespmem:s0+$0x100] =	vst v20  }
0x113: {  	[tilespmem:s23+$0x4000] =	vst v24;
	v20 =	vor.u32 $0x200, v15;
	v21 =	vld.idx.msk [tilespmem:v21+s1+$0x0], $0xffff  }
0x114: {  	[tilespmem:s19+$0x280] =	vst v27  }
0x115: {  	v12 =	vld.idx.msk [tilespmem:v12+s1+$0x0], $0xffff;
	[tilespmem:s10+$0x180] =	vst v17  }
0x116: {  	[tilespmem:s11+$0x180] =	vst v25;
	v16 =	vld.idx.msk [tilespmem:v16+s1+$0x0], $0xffff  }
0x117: {  	v24 =	vld.idx.msk [tilespmem:v30+s1+$0x0], $0xffff;
	[tilespmem:s15+$0x180] =	vst v23  }
0x118: {  	v25 =	vor.u32 $0x280, v5;
	v17 =	vld.idx.msk [tilespmem:v20+s1+$0x0], $0xffff;
	[tilespmem:s0+$0x180] =	vst v21  }
0x119: {  	s8 =	sadd.s32 $0x1, s8;
	[tilespmem:s4+$0x200] =	vst v28;
	v20 =	vor.u32 $0x280, v15;
	v18 =	vld.idx.msk [tilespmem:v18+s1+$0x0], $0xffff  }
0x11a: {  	s16 =	sand.u32 $0x3, s8;
	[tilespmem:s14+$0x4000] =	vst v12;
	v21 =	vld.idx.msk [tilespmem:v29+s1+$0x0], $0xffff  }
0x11b: {  	v4 =	vor.u32 $0x380, v4;
	s13 =	sshll.u32 s16, $0x5;
	v10 =	vld.idx.msk [tilespmem:v10+s1+$0x0], $0xffff;
	[tilespmem:s10+$0x200] =	vst v16  }
0x11c: {  	s2 =	sadd.s32 s13, s2;
	[tilespmem:s11+$0x200] =	vst v24;
	v14 =	vld.idx.msk [tilespmem:v14+s1+$0x0], $0xffff  }
0x11d: {  	s13 =	sadd.s32 $0x10, s2;
	v12 =	vld.idx.msk [tilespmem:v25+s1+$0x0], $0xffff;
	[tilespmem:s15+$0x200] =	vst v17  }
0x11e: {  	s18 =	sor.u32 $0x300, s13;
	v23 =	vor.u32 $0x300, v5;
	v16 =	vld.idx.msk [tilespmem:v20+s1+$0x0], $0xffff;
	[tilespmem:s0+$0x200] =	vst v18  }
0x11f: {  	v17 =	vor.u32 $0x300, v15;
	[tilespmem:s18+$0x4000] =	vst v21;
	v18 =	vld.idx.msk [tilespmem:v19+s1+$0x0], $0xffff  }
0x120: {  	[tilespmem:s4+$0x280] =	vst v10;
	v4 =	vld.idx.msk [tilespmem:v4+s1+$0x0], $0xffff  }
0x121: {  	v9 =	vld.idx.msk [tilespmem:v9+s1+$0x0], $0xffff;
	[tilespmem:s10+$0x280] =	vst v14  }
0x122: {  	s8 =	sadd.s32 $0x1, s8;
	[tilespmem:s11+$0x280] =	vst v12;
	v11 =	vld.idx.msk [tilespmem:v11+s1+$0x0], $0xffff  }
0x123: {  	s19 =	sand.u32 $0x3, s8;
	s8 =	sadd.s32 $0x1, s8;
	v10 =	vld.idx.msk [tilespmem:v23+s1+$0x0], $0xffff;
	[tilespmem:s15+$0x280] =	vst v16  }
0x124: {  	s20 =	sand.u32 $0x3, s8;
	s21 =	sor.u32 $0x380, s13;
	s4 =	sshll.u32 s19, $0x5;
	v5 =	vor.u32 $0x380, v5;
	v12 =	vld.idx.msk [tilespmem:v17+s1+$0x0], $0xffff;
	[tilespmem:s0+$0x280] =	vst v18  }
0x125: {  	s2 =	sor.u32 $0x300, s2;
	s3 =	sadd.s32 s4, s3;
	s4 =	sshll.u32 s20, $0x5;
	v14 =	vor.u32 $0x380, v15;
	[tilespmem:s21+$0x4000] =	vst v4;
	v4 =	vld.idx.msk [tilespmem:v22+s1+$0x0], $0xffff  }
0x126: {  	v6 =	vld.idx.msk [tilespmem:v6+s1+$0x0], $0xffff;
	s23 =	sadd.s32 $0x10, s3;
	s4 =	sadd.s32 s4, s22;
	s3 =	sor.u32 $0x300, s3;
	[tilespmem:s2+$0x4000] =	vst v9  }
0x127: {  	s24 =	sor.u32 $0x300, s23;
	s25 =	sadd.s32 $0x10, s4;
	v7 =	vld.idx.msk [tilespmem:v7+s1+$0x0], $0xffff;
	[tilespmem:s3+$0x4000] =	vst v11  }
0x128: {  	s26 =	sor.u32 $0x300, s25;
	v8 =	vld.idx.msk [tilespmem:v8+s1+$0x0], $0xffff;
	[tilespmem:s24+$0x4000] =	vst v10  }
0x129: {  	s28 =	sor.u32 $0x300, s4;
	v5 =	vld.idx.msk [tilespmem:v5+s1+$0x0], $0xffff;
	[tilespmem:s26+$0x4000] =	vst v12  }
0x12a: {  	v9 =	vld.idx.msk [tilespmem:v14+s1+$0x0], $0xffff;
	[tilespmem:s28+$0x4000] =	vst v4  }
0x12b: {  	[tilespmem:s6+$0x4000] =	vst v6;
	v4 =	vld.idx.msk [tilespmem:v13+s1+$0x0], $0xffff  }
0x12c: {  	[tilespmem:s9+$0x4000] =	vst v7  }
0x12d: {  	s29 =	sor.u32 $0x380, s23;
	[tilespmem:s7+$0x4000] =	vst v8  }
0x12e: {  	s0 =	sor.u32 $0x380, s25;
	[tilespmem:s29+$0x4000] =	vst v5  }
0x12f: {  	[tilespmem:s0+$0x4000] =	vst v9  }
0x130: {  	[tilespmem:s12+$0x4000] =	vst v4  }
0x131: {  	s30 =	simm.s32 $0x0;
	s31 =	simm.s32 $0x4000;
	s2 =	rddreg [dreg:$0xb]  }
0x132: {  	[hbm4b:s2+s30] =	stream.linear.scatter [tilespmem:s31], [sflag:$0x1], $0x2000, $0x38;
	[tilespmem:$0xC900] =	vst v63  }
0x133: {  	v4 =	vld [tilespmem:s17+$0x80];
	_ =	sdelay $0x4  }
0x134: {  	vm0 =	vge.s32 v4, v0;
	vm1 =	vlt.s32 v4, v1  }
0x135: {  	vm0 =	vmand vm0, vm1;
	_ =	sdelay $0x4  }
0x136: {  	s5 =	simm.s32 $0x8000  }
0x137: {  	[tilespmem:v4+s5+$0x0] =	vst.idx.add.s32.msk vm0, v3  }
0x138: {  	v4 =	vld [tilespmem:s17+$0x90];
	_ =	sdelay $0x4  }
0x139: {  	vm10 =	vge.s32 v4, v0;
	vm11 =	vlt.s32 v4, v1  }
0x13a: {  	vm0 =	vmand vm10, vm11;
	_ =	sdelay $0x5  }
0x13b: {  	[tilespmem:v4+s5+$0x0] =	vst.idx.add.s32.msk vm0, v3  }
0x13c: {  	v4 =	vld [tilespmem:s17+$0xA0];
	_ =	sdelay $0x4  }
0x13d: {  	vm12 =	vge.s32 v4, v0;
	vm13 =	vlt.s32 v4, v1  }
0x13e: {  	vm0 =	vmand vm12, vm13;
	_ =	sdelay $0x5  }
0x13f: {  	[tilespmem:v4+s5+$0x0] =	vst.idx.add.s32.msk vm0, v3  }
0x140: {  	v4 =	vld [tilespmem:s17+$0xB0];
	_ =	sdelay $0x4  }
0x141: {  	vm14 =	vge.s32 v4, v0;
	vm15 =	vlt.s32 v4, v1  }
0x142: {  	vm0 =	vmand vm14, vm15;
	_ =	sdelay $0x3  }
0x143: {  	s19 =	sand.u32 $0x1C00, s30;
	s12 =	sand.u32 $0x60, s30  }
0x144: {  	s0 =	sor.u32 $0x2000, s19;
	s15 =	sor.u32 $0x10, s12  }
0x145: {  	s3 =	sor.u32 s15, s0;
	[tilespmem:v4+s5+$0x0] =	vst.idx.add.s32.msk vm0, v3  }
0x146: {  	v4 =	vld [tilespmem:s3+$0x80];
	_ =	sdelay $0x4  }
0x147: {  	v5 =	vshll.u32 v4, $0x3  }
0x148: {  	v4 =	vand.u32 $0x7F, v4;
	v5 =	vand.u32 $0xFFFFFC00, v5  }
0x149: {  	s0 =	sor.u32 s12, s0;
	v5 =	vor.u32 v4, v5  }
0x14a: {  	v4 =	vld [tilespmem:s0+$0x80];
	_ =	sdelay $0x3  }
0x14b: {  	s6 =	simm.s32 $0x100;
	s4 =	simm.s32 $0x20;
	v7 =	vld.idx.msk [tilespmem:v5+s1+$0x0], $0xffff  }
0x14c: {  	s11 =	sand.u32 $0x1C00, s6;
	s24 =	sand.u32 $0x60, s4;
	v8 =	vor.u32 $0x80, v5;
	v6 =	vshll.u32 v4, $0x3  }
0x14d: {  	s7 =	sor.u32 $0x2000, s11;
	s10 =	sor.u32 $0x10, s24;
	v4 =	vand.u32 $0x7F, v4;
	v6 =	vand.u32 $0xFFFFFC00, v6  }
0x14e: {  	s8 =	sor.u32 $0x6000, s19;
	s9 =	sor.u32 s10, s7;
	v6 =	vor.u32 v4, v6  }
0x14f: {  	s13 =	sor.u32 s15, s8;
	s0 =	sor.u32 s24, s7;
	v4 =	vld [tilespmem:s9+$0x80]  }
0x150: {  	[tilespmem:s13+$0x0] =	vst v7;
	v7 =	vld [tilespmem:s0+$0x80]  }
0x151: {  	v8 =	vld.idx.msk [tilespmem:v8+s1+$0x0], $0xffff  }
0x152: {  	v9 =	vor.u32 $0x100, v5  }
0x153: {  	v10 =	vld.idx.msk [tilespmem:v6+s1+$0x0], $0xffff  }
0x154: {  	s14 =	sor.u32 $0x6080, s19;
	v11 =	vor.u32 $0x80, v6;
	v12 =	vshll.u32 v4, $0x3  }
0x155: {  	s18 =	sor.u32 s15, s14;
	v4 =	vand.u32 $0x7F, v4;
	v12 =	vand.u32 $0xFFFFFC00, v12;
	v13 =	vshll.u32 v7, $0x3  }
0x156: {  	v14 =	vand.u32 $0x7F, v7;
	v7 =	vor.u32 v4, v12;
	[tilespmem:s18+$0x0] =	vst v8;
	v4 =	vand.u32 $0xFFFFFC00, v13  }
0x157: {  	s2 =	sor.u32 s12, s8;
	v9 =	vld.idx.msk [tilespmem:v9+s1+$0x0], $0xffff;
	v8 =	vor.u32 v14, v4  }
0x158: {  	[tilespmem:s2+$0x0] =	vst v10;
	v4 =	vor.u32 $0x180, v5  }
0x159: {  	v10 =	vld.idx.msk [tilespmem:v11+s1+$0x0], $0xffff  }
0x15a: {  	s20 =	simm.s32 $0x40;
	s22 =	simm.s32 $0x200;
	s21 =	sor.u32 $0x6100, s19;
	v11 =	vor.u32 $0x100, v6  }
0x15b: {  	s26 =	sand.u32 $0x60, s20;
	s23 =	sor.u32 s15, s21;
	s3 =	sand.u32 $0x1C00, s22;
	v12 =	vld.idx.msk [tilespmem:v7+s1+$0x0], $0xffff  }
0x15c: {  	s16 =	sor.u32 $0x10, s26;
	s25 =	sor.u32 $0x2000, s3;
	v14 =	vor.u32 $0x80, v7;
	v13 =	vld.idx.msk [tilespmem:v8+s1+$0x0], $0xffff;
	[tilespmem:s23+$0x0] =	vst v9  }
0x15d: {  	s28 =	sor.u32 s16, s25;
	s0 =	sor.u32 s12, s14;
	v9 =	vor.u32 $0x80, v8;
	v4 =	vld.idx.msk [tilespmem:v4+s1+$0x0], $0xffff  }
0x15e: {  	s29 =	sor.u32 $0x6000, s11;
	v15 =	vor.u32 $0x200, v5;
	[tilespmem:s0+$0x0] =	vst v10;
	v10 =	vld [tilespmem:s28+$0x80]  }
0x15f: {  	s30 =	sor.u32 s10, s29;
	s2 =	sor.u32 s26, s25;
	v11 =	vld.idx.msk [tilespmem:v11+s1+$0x0], $0xffff  }
0x160: {  	s31 =	sor.u32 $0x6180, s19;
	s0 =	sor.u32 s24, s29;
	[tilespmem:s30+$0x0] =	vst v12;
	v12 =	vld [tilespmem:s2+$0x80]  }
0x161: {  	v16 =	vor.u32 $0x180, v6;
	s2 =	sor.u32 s15, s31;
	v14 =	vld.idx.msk [tilespmem:v14+s1+$0x0], $0xffff;
	[tilespmem:s0+$0x0] =	vst v13  }
0x162: {  	v13 =	vld.idx.msk [tilespmem:v9+s1+$0x0], $0xffff;
	v9 =	vor.u32 $0x100, v7;
	[tilespmem:s2+$0x0] =	vst v4  }
0x163: {  	s7 =	sor.u32 s12, s21;
	s21 =	simm.s32 $0x300;
	v4 =	vshll.u32 v10, $0x3;
	v15 =	vld.idx.msk [tilespmem:v15+s1+$0x0], $0xffff  }
0x164: {  	s8 =	sor.u32 $0x6080, s11;
	s4 =	sand.u32 $0x1C00, s21;
	s18 =	simm.s32 $0x60;
	v10 =	vand.u32 $0x7F, v10;
	[tilespmem:s7+$0x0] =	vst v11;
	v4 =	vand.u32 $0xFFFFFC00, v4;
	v11 =	vor.u32 $0x280, v5  }
0x165: {  	s9 =	sor.u32 s10, s8;
	s23 =	sor.u32 $0x2000, s4;
	s2 =	sand.u32 $0x60, s18;
	v18 =	vshll.u32 v12, $0x3;
	v4 =	vor.u32 v10, v4  }
0x166: {  	v17 =	vor.u32 $0x100, v8;
	s0 =	sor.u32 s24, s8;
	s7 =	sor.u32 $0x6200, s19;
	s6 =	sor.u32 $0x10, s2;
	v16 =	vld.idx.msk [tilespmem:v16+s1+$0x0], $0xffff;
	v12 =	vand.u32 $0x7F, v12;
	[tilespmem:s9+$0x0] =	vst v14;
	v14 =	vand.u32 $0xFFFFFC00, v18  }
0x167: {  	s13 =	sor.u32 s15, s7;
	s25 =	sor.u32 s6, s23;
	v18 =	vld.idx.msk [tilespmem:v9+s1+$0x0], $0xffff;
	v9 =	vor.u32 v12, v14;
	[tilespmem:s0+$0x0] =	vst v13  }
0x168: {  	v19 =	vld [tilespmem:s25+$0x80];
	v13 =	vor.u32 $0x180, v7;
	[tilespmem:s13+$0x0] =	vst v15  }
0x169: {  	v10 =	vor.u32 $0x200, v6;
	v11 =	vld.idx.msk [tilespmem:v11+s1+$0x0], $0xffff  }
0x16a: {  	s20 =	sor.u32 $0x6100, s11;
	s14 =	sor.u32 s12, s31;
	v14 =	vld.idx.msk [tilespmem:v4+s1+$0x0], $0xffff  }
0x16b: {  	s22 =	sor.u32 s10, s20;
	v12 =	vld.idx.msk [tilespmem:v17+s1+$0x0], $0xffff;
	v17 =	vor.u32 $0x80, v4;
	[tilespmem:s14+$0x0] =	vst v16  }
0x16c: {  	v15 =	vor.u32 $0x300, v5;
	s14 =	sor.u32 $0x6280, s19;
	v16 =	vld.idx.msk [tilespmem:v9+s1+$0x0], $0xffff;
	[tilespmem:s22+$0x0] =	vst v18  }
0x16d: {  	s18 =	sor.u32 $0x6000, s3;
	s28 =	sor.u32 s15, s14;
	v18 =	vor.u32 $0x80, v9;
	v13 =	vld.idx.msk [tilespmem:v13+s1+$0x0], $0xffff  }
0x16e: {  	v20 =	vor.u32 $0x200, v7;
	s29 =	sor.u32 s16, s18;
	s0 =	sor.u32 s2, s23;
	v10 =	vld.idx.msk [tilespmem:v10+s1+$0x0], $0xffff;
	[tilespmem:s28+$0x0] =	vst v11  }
0x16f: {  	v11 =	vor.u32 $0x180, v8;
	[tilespmem:s29+$0x0] =	vst v14;
	v14 =	vld [tilespmem:s0+$0x80]  }
0x170: {  	v21 =	vor.u32 $0x280, v6;
	s31 =	sor.u32 $0x6180, s11;
	s30 =	sor.u32 s26, s18;
	v17 =	vld.idx.msk [tilespmem:v17+s1+$0x0], $0xffff  }
0x171: {  	v22 =	vor.u32 $0x100, v4;
	s13 =	sor.u32 s10, s31;
	v15 =	vld.idx.msk [tilespmem:v15+s1+$0x0], $0xffff;
	[tilespmem:s30+$0x0] =	vst v16  }
0x172: {  	s8 =	sor.u32 s24, s20;
	v16 =	vor.u32 $0x380, v5;
	v18 =	vld.idx.msk [tilespmem:v18+s1+$0x0], $0xffff;
	[tilespmem:s13+$0x0] =	vst v13  }
0x173: {  	s18 =	sor.u32 $0x6080, s3;
	s7 =	sor.u32 s12, s7;
	[tilespmem:s8+$0x0] =	vst v12;
	v5 =	vshll.u32 v19, $0x3;
	v13 =	vor.u32 $0x100, v9;
	v12 =	vld.idx.msk [tilespmem:v20+s1+$0x0], $0xffff  }
0x174: {  	s21 =	sor.u32 s16, s18;
	s0 =	sor.u32 $0x6300, s19;
	[tilespmem:s7+$0x0] =	vst v10;
	v5 =	vand.u32 $0xFFFFFC00, v5;
	v10 =	vld.idx.msk [tilespmem:v11+s1+$0x0], $0xffff;
	v11 =	vand.u32 $0x7F, v19;
	v19 =	vor.u32 $0x280, v7  }
0x175: {  	s20 =	sor.u32 s15, s0;
	v20 =	vld.idx.msk [tilespmem:v21+s1+$0x0], $0xffff;
	v5 =	vor.u32 v11, v5;
	[tilespmem:s21+$0x0] =	vst v17  }
0x176: {  	s7 =	sor.u32 s26, s18;
	[tilespmem:s20+$0x0] =	vst v15;
	v11 =	vor.u32 $0x200, v8;
	s20 =	sor.u32 $0x6200, s11;
	v17 =	vld.idx.msk [tilespmem:v22+s1+$0x0], $0xffff  }
0x177: {  	v15 =	vshll.u32 v14, $0x3;
	s22 =	sor.u32 s10, s20;
	v16 =	vld.idx.msk [tilespmem:v16+s1+$0x0], $0xffff;
	[tilespmem:s7+$0x0] =	vst v18  }
0x178: {  	s13 =	simm.s32 $0x400;
	v14 =	vand.u32 $0x7F, v14;
	v15 =	vand.u32 $0xFFFFFC00, v15;
	v13 =	vld.idx.msk [tilespmem:v13+s1+$0x0], $0xffff;
	[tilespmem:s22+$0x0] =	vst v12  }
0x179: {  	s25 =	simm.s32 $0x80;
	s23 =	sor.u32 s24, s31;
	s8 =	sand.u32 $0x1C00, s13;
	v21 =	vor.u32 v14, v15;
	v12 =	vld.idx.msk [tilespmem:v19+s1+$0x0], $0xffff  }
0x17a: {  	s29 =	sor.u32 $0x2000, s8;
	v14 =	vor.u32 $0x180, v4;
	s7 =	sand.u32 $0x60, s25;
	[tilespmem:s23+$0x0] =	vst v10;
	v10 =	vld.idx.msk [tilespmem:v5+s1+$0x0], $0xffff  }
0x17b: {  	v15 =	vor.u32 $0x300, v6;
	s9 =	sor.u32 $0x10, s7;
	s25 =	sor.u32 s7, s29;
	v18 =	vld.idx.msk [tilespmem:v11+s1+$0x0], $0xffff  }
0x17c: {  	v24 =	vor.u32 $0x180, v9;
	s14 =	sor.u32 s12, s14;
	s21 =	sor.u32 $0x6100, s3;
	s30 =	sor.u32 s9, s29;
	v27 =	vld [tilespmem:s25+$0x80]  }
0x17d: {  	s28 =	sor.u32 s16, s21;
	[tilespmem:s14+$0x0] =	vst v20;
	v11 =	vor.u32 $0x300, v7;
	v22 =	vld [tilespmem:s30+$0x80]  }
0x17e: {  	s18 =	sor.u32 $0x6280, s11;
	s21 =	sor.u32 s26, s21;
	[tilespmem:s28+$0x0] =	vst v17;
	v17 =	vor.u32 $0x80, v5;
	v19 =	vld.idx.msk [tilespmem:v21+s1+$0x0], $0xffff  }
0x17f: {  	s31 =	sor.u32 s10, s18;
	v20 =	vor.u32 $0x80, v21;
	s23 =	sor.u32 $0x6000, s4;
	v14 =	vld.idx.msk [tilespmem:v14+s1+$0x0], $0xffff;
	[tilespmem:s21+$0x0] =	vst v13  }
0x180: {  	s14 =	sor.u32 $0x6380, s19;
	s28 =	sor.u32 s6, s23;
	v23 =	vld.idx.msk [tilespmem:v15+s1+$0x0], $0xffff;
	v15 =	vor.u32 $0x200, v4;
	[tilespmem:s31+$0x0] =	vst v12  }
0x181: {  	s15 =	sor.u32 s15, s14;
	[tilespmem:s28+$0x0] =	vst v10;
	v10 =	vor.u32 $0x280, v8;
	v32 =	vld.idx.msk [tilespmem:v24+s1+$0x0], $0xffff  }
0x182: {  	v29 =	vor.u32 $0x380, v6;
	v28 =	vor.u32 $0x100, v5;
	s19 =	sor.u32 s2, s23;
	[tilespmem:s15+$0x0] =	vst v16;
	s15 =	sor.u32 $0x6180, s3;
	v25 =	vld.idx.msk [tilespmem:v11+s1+$0x0], $0xffff  }
0x183: {  	v6 =	vor.u32 $0x380, v8;
	v30 =	vor.u32 $0x100, v21;
	s29 =	sor.u32 s16, s15;
	v17 =	vld.idx.msk [tilespmem:v17+s1+$0x0], $0xffff;
	[tilespmem:s19+$0x0] =	vst v19;
	v19 =	vor.u32 $0x380, v7  }
0x184: {  	s30 =	sor.u32 s24, s20;
	v16 =	vor.u32 $0x200, v9;
	v12 =	vor.u32 $0x300, v8;
	v8 =	vor.u32 $0x300, v9;
	[tilespmem:s29+$0x0] =	vst v14;
	v20 =	vld.idx.msk [tilespmem:v20+s1+$0x0], $0xffff  }
0x185: {  	s0 =	sor.u32 s12, s0;
	s20 =	sor.u32 $0x6300, s11;
	[tilespmem:s30+$0x0] =	vst v18;
	v11 =	vor.u32 $0x280, v9;
	v7 =	vor.u32 $0x380, v9;
	v9 =	vshll.u32 v22, $0x3;
	v13 =	vld.idx.msk [tilespmem:v15+s1+$0x0], $0xffff  }
0x186: {  	v63 =	vor.u32 $0x280, v4;
	s22 =	sor.u32 s10, s20;
	s31 =	sor.u32 $0x6080, s4;
	v14 =	vand.u32 $0x7F, v22;
	[tilespmem:s0+$0x0] =	vst v23;
	v9 =	vand.u32 $0xFFFFFC00, v9;
	v34 =	vld.idx.msk [tilespmem:v10+s1+$0x0], $0xffff  }
0x187: {  	v18 =	vor.u32 $0x180, v21;
	s23 =	sor.u32 s6, s31;
	v15 =	vor.u32 v14, v9;
	v10 =	vshll.u32 v27, $0x3;
	[tilespmem:s22+$0x0] =	vst v25;
	v25 =	vld.idx.msk [tilespmem:v29+s1+$0x0], $0xffff  }
0x188: {  	s28 =	sor.u32 $0x6200, s3;
	s25 =	sor.u32 s2, s31;
	v9 =	vand.u32 $0x7F, v27;
	v14 =	vor.u32 $0x280, v21;
	[tilespmem:s23+$0x0] =	vst v17;
	v26 =	vld.idx.msk [tilespmem:v19+s1+$0x0], $0xffff;
	v19 =	vand.u32 $0xFFFFFC00, v10  }
0x189: {  	s14 =	sor.u32 s12, s14;
	s29 =	sor.u32 s16, s28;
	v17 =	vor.u32 $0x200, v21;
	v28 =	vld.idx.msk [tilespmem:v28+s1+$0x0], $0xffff;
	v10 =	vor.u32 $0x300, v21;
	v31 =	vor.u32 v9, v19;
	[tilespmem:s25+$0x0] =	vst v20  }
0x18a: {  	s11 =	sor.u32 $0x6380, s11;
	s12 =	sor.u32 s24, s20;
	s31 =	sor.u32 s26, s15;
	v9 =	vor.u32 $0x380, v21;
	[tilespmem:s29+$0x0] =	vst v13;
	v24 =	vor.u32 $0x80, v31;
	v23 =	vld.idx.msk [tilespmem:v30+s1+$0x0], $0xffff;
	v30 =	vor.u32 $0x180, v5  }
0x18b: {  	s20 =	simm.s32 $0xA0;
	s30 =	sor.u32 s24, s18;
	s18 =	sor.u32 $0x6100, s4;
	[tilespmem:s31+$0x0] =	vst v32;
	v20 =	vor.u32 $0x100, v31;
	v22 =	vor.u32 $0x180, v31;
	v29 =	vor.u32 $0x200, v31;
	v27 =	vld.idx.msk [tilespmem:v63+s1+$0x0], $0xffff  }
0x18c: {  	s15 =	sor.u32 s26, s28;
	s19 =	simm.s32 $0x8;
	s0 =	sor.u32 s10, s11;
	v19 =	vor.u32 $0x280, v31;
	v21 =	vor.u32 $0x300, v31;
	v13 =	vor.u32 $0x380, v31;
	v32 =	vld.idx.msk [tilespmem:v15+s1+$0x0], $0xffff;
	[tilespmem:s30+$0x0] =	vst v34  }
.LBB2_6:
0x18d: {  	s21 =	sand.u32 $0x60, s20;
	s13 =	sadd.s32 $0x100, s13;
	s10 =	sor.u32 s6, s18;
	v33 =	vld.idx.msk [tilespmem:v16+s1+$0x0], $0xffff;
	v34 =	vor.u32 $0x300, v4;
	[tilespmem:s0+$0x0] =	vst v26;
	v16 =	vmov v17;
	v17 =	vmov v29  }
0x18e: {  	s0 =	sor.u32 $0x6000, s8;
	v29 =	vor.u32 $0x80, v15;
	s23 =	sor.u32 $0x6280, s3;
	s22 =	sand.u32 $0x1C00, s13;
	v26 =	vld.idx.msk [tilespmem:v31+s1+$0x0], $0xffff;
	[tilespmem:s10+$0x0] =	vst v28  }
0x18f: {  	s19 =	sadd.s32 $0x2, s19;
	s10 =	sor.u32 $0x10, s21;
	s25 =	sor.u32 $0x2000, s22;
	v28 =	vld.idx.msk [tilespmem:v30+s1+$0x0], $0xffff;
	[tilespmem:s14+$0x0] =	vst v25  }
0x190: {  	p1 =	slt.u32 s19, $0x3E;
	s28 =	sor.u32 s16, s23;
	s14 =	sor.u32 s10, s25;
	v25 =	vld.idx.msk [tilespmem:v12+s1+$0x0], $0xffff;
	v12 =	vmov v8;
	v8 =	vmov v10;
	v10 =	vmov v21  }
0x191: {  	s29 =	sor.u32 s7, s0;
	s0 =	sor.u32 s9, s0;
	v30 =	vor.u32 $0x200, v5;
	s25 =	sor.u32 s21, s25;
	v21 =	vld [tilespmem:s14+$0x80];
	[tilespmem:s28+$0x0] =	vst v27  }
0x192: {  	s18 =	sor.u32 s2, s18;
	s14 =	sor.u32 s24, s11;
	[tilespmem:s0+$0x0] =	vst v32;
	s0 =	sor.u32 s26, s23;
	v27 =	vld.idx.msk [tilespmem:v34+s1+$0x0], $0xffff  }
0x193: {  	s24 =	smov.u32 s26;
	s26 =	smov.u32 s2;
	v29 =	vld.idx.msk [tilespmem:v29+s1+$0x0], $0xffff;
	[tilespmem:s18+$0x0] =	vst v23;
	s18 =	sor.u32 $0x6180, s4  }
0x194: {  	s2 =	smov.u32 s7;
	v23 =	vld [tilespmem:s25+$0x80];
	[tilespmem:s29+$0x0] =	vst v26;
	s11 =	sor.u32 s26, s18;
	s18 =	sor.u32 s6, s18;
	v26 =	vor.u32 $0x380, v4;
	v4 =	vmov v5;
	v5 =	vmov v15  }
0x195: {  	s7 =	smov.u32 s21;
	v24 =	vld.idx.msk [tilespmem:v24+s1+$0x0], $0xffff;
	v31 =	vor.u32 $0x100, v5;
	[tilespmem:s18+$0x0] =	vst v28;
	s18 =	smov.u32 s8;
	s8 =	smov.u32 s22  }
0x196: {  	s21 =	smov.u32 s16;
	s16 =	smov.u32 s6;
	v32 =	vld.idx.msk [tilespmem:v30+s1+$0x0], $0xffff;
	[tilespmem:s15+$0x0] =	vst v33;
	s15 =	sor.u32 $0x6300, s3  }
0x197: {  	v15 =	vshll.u32 v21, $0x3;
	s6 =	sor.u32 $0x6080, s18;
	v33 =	vld.idx.msk [tilespmem:v18+s1+$0x0], $0xffff;
	s22 =	sor.u32 s21, s15;
	[tilespmem:s12+$0x0] =	vst v25;
	s12 =	sor.u32 s24, s15;
	v18 =	vmov v22  }
0x198: {  	v34 =	vor.u32 $0x280, v4;
	v21 =	vand.u32 $0x7F, v21;
	v15 =	vand.u32 $0xFFFFFC00, v15;
	s15 =	sor.u32 s2, s6;
	s23 =	sor.u32 s9, s6;
	s6 =	smov.u32 s9;
	v35 =	vld.idx.msk [tilespmem:v11+s1+$0x0], $0xffff;
	[tilespmem:s22+$0x0] =	vst v27;
	v11 =	vmovc v14;
	v14 =	vmovc v19  }
0x199: {  	s9 =	smov.u32 s10;
	v15 =	vor.u32 v21, v15;
	v19 =	vand.u32 $0x7F, v23;
	v22 =	vshll.u32 v23, $0x3;
	[tilespmem:s23+$0x0] =	vst v29;
	v26 =	vld.idx.msk [tilespmem:v26+s1+$0x0], $0xffff  }
.Ltmp4:
0x19a: {  	s10 =	sor.u32 $0x6200, s4;
	v21 =	vand.u32 $0xFFFFFC00, v22;
	v28 =	vld.idx.msk [tilespmem:v31+s1+$0x0], $0xffff;
	(pc) =	sbr.rel @p1 .LBB2_6-.Ltmp4, $4  }
0x19b: {  	v31 =	vor.u32 v19, v21;
	[tilespmem:s15+$0x0] =	vst v24;
	s15 =	sor.u32 s26, s10;
	s10 =	sor.u32 s16, s10;
	v25 =	vld.idx.msk [tilespmem:v6+s1+$0x0], $0xffff;
	v6 =	vmovc v7;
	v7 =	vmov v9;
	v9 =	vmov v13  }
0x19c: {  	v30 =	vor.u32 $0x180, v5;
	v24 =	vor.u32 $0x80, v31;
	v23 =	vld.idx.msk [tilespmem:v20+s1+$0x0], $0xffff;
	v20 =	vor.u32 $0x100, v31;
	[tilespmem:s10+$0x0] =	vst v32  }
0x19d: {  	v22 =	vor.u32 $0x180, v31;
	v29 =	vor.u32 $0x200, v31;
	v19 =	vor.u32 $0x280, v31;
	[tilespmem:s11+$0x0] =	vst v33;
	v27 =	vld.idx.msk [tilespmem:v34+s1+$0x0], $0xffff;
	s11 =	sor.u32 $0x6380, s3;
	s3 =	smov.u32 s4;
	s4 =	smov.u32 s18  }
0x19e: {  	s20 =	sadd.s32 $0x20, s20;
	v21 =	vor.u32 $0x300, v31;
	v13 =	vor.u32 $0x380, v31;
	v32 =	vld.idx.msk [tilespmem:v15+s1+$0x0], $0xffff;
	s18 =	sor.u32 $0x6100, s4;
	[tilespmem:s0+$0x0] =	vst v35;
	s0 =	sor.u32 s21, s11  }
0x19f: {  	_ =	sdelay $0x3  }
0x1a0: {  	v33 =	vor.u32 $0x80, v15;
	v31 =	vld.idx.msk [tilespmem:v31+s1+$0x0], $0xffff;
	_ =	sdelay $0x1  }
0x1a1: {  	s10 =	sor.u32 $0x6000, s8  }
0x1a2: {  	s13 =	sor.u32 s9, s10  }
0x1a3: {  	s10 =	sor.u32 s7, s10;
	[tilespmem:s13+$0x0] =	vst v32  }
0x1a4: {  	v32 =	vld.idx.msk [tilespmem:v33+s1+$0x0], $0xffff;
	[tilespmem:s10+$0x0] =	vst v31  }
0x1a5: {  	v31 =	vor.u32 $0x100, v15;
	v24 =	vld.idx.msk [tilespmem:v24+s1+$0x0], $0xffff;
	_ =	sdelay $0x1  }
0x1a6: {  	s20 =	sor.u32 $0x6080, s8  }
0x1a7: {  	s21 =	sor.u32 s9, s20  }
0x1a8: {  	s10 =	sor.u32 s7, s20;
	[tilespmem:s21+$0x0] =	vst v32  }
0x1a9: {  	v31 =	vld.idx.msk [tilespmem:v31+s1+$0x0], $0xffff;
	[tilespmem:s10+$0x0] =	vst v24  }
0x1aa: {  	v24 =	vor.u32 $0x180, v15;
	v20 =	vld.idx.msk [tilespmem:v20+s1+$0x0], $0xffff  }
0x1ab: {  	[tilespmem:s0+$0x0] =	vst v26;
	s28 =	sor.u32 s2, s18  }
0x1ac: {  	s22 =	sor.u32 s6, s18;
	s23 =	sor.u32 $0x6100, s8;
	v16 =	vld.idx.msk [tilespmem:v16+s1+$0x0], $0xffff;
	[tilespmem:s28+$0x0] =	vst v23  }
0x1ad: {  	[tilespmem:s22+$0x0] =	vst v28;
	s25 =	sor.u32 s9, s23;
	v18 =	vld.idx.msk [tilespmem:v18+s1+$0x0], $0xffff  }
0x1ae: {  	s18 =	sor.u32 s7, s23;
	v26 =	vld.idx.msk [tilespmem:v30+s1+$0x0], $0xffff;
	[tilespmem:s25+$0x0] =	vst v31  }
0x1af: {  	v28 =	vor.u32 $0x200, v5;
	v23 =	vld.idx.msk [tilespmem:v24+s1+$0x0], $0xffff;
	[tilespmem:s18+$0x0] =	vst v20  }
0x1b0: {  	s19 =	sor.u32 $0x6180, s4;
	[tilespmem:s14+$0x0] =	vst v25;
	v24 =	vor.u32 $0x200, v15;
	v20 =	vld.idx.msk [tilespmem:v22+s1+$0x0], $0xffff  }
0x1b1: {  	[tilespmem:s15+$0x0] =	vst v16;
	s10 =	sor.u32 s2, s19  }
0x1b2: {  	v12 =	vld.idx.msk [tilespmem:v12+s1+$0x0], $0xffff;
	s22 =	sor.u32 $0x6180, s8;
	s20 =	sor.u32 s6, s19;
	[tilespmem:s10+$0x0] =	vst v18;
	v22 =	vor.u32 $0x300, v4  }
0x1b3: {  	s23 =	sor.u32 s9, s22;
	[tilespmem:s20+$0x0] =	vst v26;
	v17 =	vld.idx.msk [tilespmem:v17+s1+$0x0], $0xffff  }
0x1b4: {  	s0 =	sor.u32 $0x6280, s3;
	v25 =	vld.idx.msk [tilespmem:v28+s1+$0x0], $0xffff;
	s25 =	sor.u32 s7, s22;
	[tilespmem:s23+$0x0] =	vst v23  }
0x1b5: {  	v26 =	vor.u32 $0x280, v5;
	s21 =	sor.u32 s16, s0;
	v18 =	vld.idx.msk [tilespmem:v24+s1+$0x0], $0xffff;
	[tilespmem:s25+$0x0] =	vst v20  }
0x1b6: {  	s28 =	sor.u32 $0x6200, s4;
	[tilespmem:s21+$0x0] =	vst v27;
	v23 =	vor.u32 $0x280, v15;
	v16 =	vld.idx.msk [tilespmem:v29+s1+$0x0], $0xffff  }
0x1b7: {  	s13 =	sor.u32 s2, s28;
	[tilespmem:s12+$0x0] =	vst v12;
	v20 =	vld.idx.msk [tilespmem:v22+s1+$0x0], $0xffff  }
0x1b8: {  	s14 =	sor.u32 s6, s28;
	s15 =	sor.u32 $0x6200, s8;
	v11 =	vld.idx.msk [tilespmem:v11+s1+$0x0], $0xffff;
	v4 =	vor.u32 $0x380, v4;
	[tilespmem:s13+$0x0] =	vst v17  }
0x1b9: {  	[tilespmem:s14+$0x0] =	vst v25;
	s18 =	sor.u32 s9, s15;
	v14 =	vld.idx.msk [tilespmem:v14+s1+$0x0], $0xffff  }
0x1ba: {  	s12 =	sor.u32 $0x6300, s3;
	s10 =	sor.u32 s7, s15;
	v12 =	vld.idx.msk [tilespmem:v26+s1+$0x0], $0xffff;
	[tilespmem:s18+$0x0] =	vst v18  }
0x1bb: {  	s19 =	sor.u32 s16, s12;
	v22 =	vor.u32 $0x300, v5;
	v17 =	vld.idx.msk [tilespmem:v23+s1+$0x0], $0xffff;
	[tilespmem:s10+$0x0] =	vst v16  }
0x1bc: {  	s20 =	sor.u32 $0x6280, s4;
	s0 =	sor.u32 s26, s0;
	v18 =	vor.u32 $0x300, v15;
	[tilespmem:s19+$0x0] =	vst v20;
	v16 =	vld.idx.msk [tilespmem:v19+s1+$0x0], $0xffff  }
0x1bd: {  	[tilespmem:s0+$0x0] =	vst v11;
	s25 =	sor.u32 s2, s20;
	v4 =	vld.idx.msk [tilespmem:v4+s1+$0x0], $0xffff  }
0x1be: {  	s21 =	sor.u32 s6, s20;
	v8 =	vld.idx.msk [tilespmem:v8+s1+$0x0], $0xffff;
	s22 =	sor.u32 $0x6280, s8;
	[tilespmem:s25+$0x0] =	vst v14  }
0x1bf: {  	[tilespmem:s21+$0x0] =	vst v12;
	s23 =	sor.u32 s9, s22;
	v10 =	vld.idx.msk [tilespmem:v10+s1+$0x0], $0xffff  }
0x1c0: {  	s28 =	sor.u32 $0x6380, s3;
	s14 =	sor.u32 s7, s22;
	v11 =	vld.idx.msk [tilespmem:v22+s1+$0x0], $0xffff;
	[tilespmem:s23+$0x0] =	vst v17  }
0x1c1: {  	s15 =	sor.u32 s16, s28;
	v5 =	vor.u32 $0x380, v5;
	v12 =	vld.idx.msk [tilespmem:v18+s1+$0x0], $0xffff;
	[tilespmem:s14+$0x0] =	vst v16  }
0x1c2: {  	s16 =	sor.u32 $0x6300, s4;
	v14 =	vor.u32 $0x380, v15;
	s19 =	sor.u32 s26, s12;
	[tilespmem:s15+$0x0] =	vst v4;
	v4 =	vld.idx.msk [tilespmem:v21+s1+$0x0], $0xffff  }
0x1c3: {  	v6 =	vld.idx.msk [tilespmem:v6+s1+$0x0], $0xffff;
	s22 =	sor.u32 s2, s16;
	[tilespmem:s19+$0x0] =	vst v8  }
0x1c4: {  	s20 =	sor.u32 $0x6300, s8;
	s18 =	sor.u32 s6, s16;
	v7 =	vld.idx.msk [tilespmem:v7+s1+$0x0], $0xffff;
	[tilespmem:s22+$0x0] =	vst v10  }
0x1c5: {  	s21 =	sor.u32 s9, s20;
	v9 =	vld.idx.msk [tilespmem:v9+s1+$0x0], $0xffff;
	[tilespmem:s18+$0x0] =	vst v11  }
0x1c6: {  	s3 =	sor.u32 s7, s20;
	v5 =	vld.idx.msk [tilespmem:v5+s1+$0x0], $0xffff;
	[tilespmem:s21+$0x0] =	vst v12  }
0x1c7: {  	s23 =	sor.u32 s24, s11;
	v8 =	vld.idx.msk [tilespmem:v14+s1+$0x0], $0xffff;
	[tilespmem:s3+$0x0] =	vst v4  }
0x1c8: {  	s0 =	sor.u32 s26, s28;
	s24 =	sor.u32 $0x6380, s4;
	[tilespmem:s23+$0x0] =	vst v6;
	v4 =	vld.idx.msk [tilespmem:v13+s1+$0x0], $0xffff  }
0x1c9: {  	s25 =	sor.u32 s6, s24;
	[tilespmem:s0+$0x0] =	vst v7;
	s6 =	sor.u32 s2, s24  }
0x1ca: {  	s26 =	sor.u32 $0x6380, s8;
	[tilespmem:s6+$0x0] =	vst v9  }
0x1cb: {  	s28 =	sor.u32 s9, s26;
	[tilespmem:s25+$0x0] =	vst v5  }
0x1cc: {  	s7 =	sor.u32 s7, s26;
	[tilespmem:s28+$0x0] =	vst v8  }
0x1cd: {  	s8 =	simm.s32 $0x6000;
	[tilespmem:s7+$0x0] =	vst v4  }
0x1ce: {  	s9 =	simm.s32 $0x1;
	s11 =	simm.s32 $0x0;
	s0 =	rddreg [dreg:$0xc]  }
0x1cf: {  	[hbm4b:s0+s11] =	stream.linear.scatter [tilespmem:s8], [sflag:$0x2], $0x2000, $0x38;
	[tilespmem:$0xC900] =	vst v63  }
0x1d0: {  	_ =	swait.ge [sflag:s9], $0x2000  }
0x1d1: {  	[sflag:s9] =	ssyncset.done $0x0  }
0x1d2: {  	[sflag:s9] =	ssyncadd.s32 $0xFFFFE000  }
0x1d3: {  	v4 =	vld [tilespmem:s17+$0x100];
	_ =	sdelay $0x4  }
0x1d4: {  	vm0 =	vge.s32 v4, v0;
	vm1 =	vlt.s32 v4, v1  }
0x1d5: {  	vm0 =	vmand vm0, vm1;
	_ =	sdelay $0x5  }
0x1d6: {  	[tilespmem:v4+s5+$0x0] =	vst.idx.add.s32.msk vm0, v3  }
0x1d7: {  	v4 =	vld [tilespmem:s17+$0x110];
	_ =	sdelay $0x4  }
0x1d8: {  	vm10 =	vge.s32 v4, v0;
	vm11 =	vlt.s32 v4, v1  }
0x1d9: {  	vm0 =	vmand vm10, vm11;
	_ =	sdelay $0x5  }
0x1da: {  	[tilespmem:v4+s5+$0x0] =	vst.idx.add.s32.msk vm0, v3  }
0x1db: {  	v4 =	vld [tilespmem:s17+$0x120];
	_ =	sdelay $0x4  }
0x1dc: {  	vm12 =	vge.s32 v4, v0;
	vm13 =	vlt.s32 v4, v1  }
0x1dd: {  	vm0 =	vmand vm12, vm13;
	_ =	sdelay $0x5  }
0x1de: {  	[tilespmem:v4+s5+$0x0] =	vst.idx.add.s32.msk vm0, v3  }
0x1df: {  	v4 =	vld [tilespmem:s17+$0x130];
	_ =	sdelay $0x4  }
0x1e0: {  	vm14 =	vge.s32 v4, v0;
	vm15 =	vlt.s32 v4, v1  }
0x1e1: {  	vm0 =	vmand vm14, vm15;
	_ =	sdelay $0x3  }
0x1e2: {  	s10 =	sand.u32 $0x60, s11  }
0x1e3: {  	s14 =	sand.u32 $0x1C00, s11;
	s15 =	sor.u32 $0x10, s10  }
0x1e4: {  	s16 =	sor.u32 s15, s14;
	[tilespmem:v4+s5+$0x0] =	vst.idx.add.s32.msk vm0, v3  }
0x1e5: {  	v4 =	vld [tilespmem:s16+$0x2100];
	_ =	sdelay $0x4  }
0x1e6: {  	v5 =	vshll.u32 v4, $0x3  }
0x1e7: {  	v4 =	vand.u32 $0x7F, v4;
	v5 =	vand.u32 $0xFFFFFC00, v5  }
0x1e8: {  	s18 =	sor.u32 s10, s14;
	v5 =	vor.u32 v4, v5  }
0x1e9: {  	v4 =	vld [tilespmem:s18+$0x2100];
	_ =	sdelay $0x3  }
0x1ea: {  	s12 =	simm.s32 $0x20;
	v7 =	vld.idx.msk [tilespmem:v5+s1+$0x0], $0xffff  }
0x1eb: {  	s13 =	simm.s32 $0x100;
	s23 =	sand.u32 $0x60, s12;
	v8 =	vor.u32 $0x80, v5;
	v6 =	vshll.u32 v4, $0x3  }
0x1ec: {  	s24 =	sand.u32 $0x1C00, s13;
	s25 =	sor.u32 $0x10, s23;
	v4 =	vand.u32 $0x7F, v4;
	v6 =	vand.u32 $0xFFFFFC00, v6  }
0x1ed: {  	s2 =	sor.u32 $0x4000, s14;
	s26 =	sor.u32 s25, s24;
	v6 =	vor.u32 v4, v6  }
0x1ee: {  	s4 =	sor.u32 s15, s2;
	s28 =	sor.u32 s23, s24;
	v4 =	vld [tilespmem:s26+$0x2100]  }
0x1ef: {  	[tilespmem:s4+$0x0] =	vst v7;
	v7 =	vld [tilespmem:s28+$0x2100]  }
0x1f0: {  	v9 =	vld.idx.msk [tilespmem:v8+s1+$0x0], $0xffff  }
0x1f1: {  	v10 =	vor.u32 $0x100, v5  }
0x1f2: {  	v11 =	vld.idx.msk [tilespmem:v6+s1+$0x0], $0xffff  }
0x1f3: {  	v12 =	vor.u32 $0x80, v6;
	v8 =	vshll.u32 v4, $0x3  }
0x1f4: {  	v4 =	vand.u32 $0x7F, v4;
	v8 =	vand.u32 $0xFFFFFC00, v8;
	v13 =	vshll.u32 v7, $0x3  }
0x1f5: {  	v8 =	vor.u32 v4, v8;
	v7 =	vand.u32 $0x7F, v7;
	[tilespmem:s4+$0x80] =	vst v9;
	v4 =	vand.u32 $0xFFFFFC00, v13  }
0x1f6: {  	s5 =	sor.u32 s10, s2;
	v9 =	vld.idx.msk [tilespmem:v10+s1+$0x0], $0xffff;
	v7 =	vor.u32 v7, v4  }
0x1f7: {  	[tilespmem:s5+$0x0] =	vst v11;
	v4 =	vor.u32 $0x180, v5  }
0x1f8: {  	v10 =	vld.idx.msk [tilespmem:v12+s1+$0x0], $0xffff  }
0x1f9: {  	s15 =	simm.s32 $0x40;
	v11 =	vor.u32 $0x100, v6  }
0x1fa: {  	s21 =	sand.u32 $0x60, s15;
	s2 =	simm.s32 $0x200;
	v12 =	vld.idx.msk [tilespmem:v8+s1+$0x0], $0xffff  }
0x1fb: {  	s20 =	sor.u32 $0x10, s21;
	s19 =	sand.u32 $0x1C00, s2;
	v14 =	vor.u32 $0x80, v8;
	v13 =	vld.idx.msk [tilespmem:v7+s1+$0x0], $0xffff;
	[tilespmem:s16+$0x4100] =	vst v9  }
0x1fc: {  	s22 =	sor.u32 s20, s19;
	v4 =	vld.idx.msk [tilespmem:v4+s1+$0x0], $0xffff  }
0x1fd: {  	s10 =	sor.u32 $0x4000, s24;
	v15 =	vor.u32 $0x200, v5;
	[tilespmem:s5+$0x80] =	vst v10;
	v10 =	vld [tilespmem:s22+$0x2100]  }
0x1fe: {  	s0 =	sor.u32 s25, s10;
	s29 =	sor.u32 s21, s19;
	v11 =	vld.idx.msk [tilespmem:v11+s1+$0x0], $0xffff  }
0x1ff: {  	s23 =	sor.u32 s23, s10;
	v9 =	vor.u32 $0x80, v7;
	[tilespmem:s0+$0x0] =	vst v12;
	v12 =	vld [tilespmem:s29+$0x2100]  }
0x200: {  	v16 =	vor.u32 $0x180, v6;
	v14 =	vld.idx.msk [tilespmem:v14+s1+$0x0], $0xffff;
	[tilespmem:s23+$0x0] =	vst v13  }
0x201: {  	v13 =	vor.u32 $0x100, v8;
	[tilespmem:s4+$0x180] =	vst v4  }
0x202: {  	v4 =	vshll.u32 v10, $0x3;
	v15 =	vld.idx.msk [tilespmem:v15+s1+$0x0], $0xffff  }
0x203: {  	s14 =	simm.s32 $0x60;
	v18 =	vor.u32 $0x280, v5;
	v10 =	vand.u32 $0x7F, v10;
	v4 =	vand.u32 $0xFFFFFC00, v4  }
0x204: {  	s3 =	simm.s32 $0x300;
	s25 =	sand.u32 $0x60, s14;
	v9 =	vld.idx.msk [tilespmem:v9+s1+$0x0], $0xffff;
	[tilespmem:s18+$0x4100] =	vst v11;
	v11 =	vshll.u32 v12, $0x3;
	v4 =	vor.u32 v10, v4  }
0x205: {  	s31 =	sand.u32 $0x1C00, s3;
	s24 =	sor.u32 $0x10, s25;
	v17 =	vor.u32 $0x100, v7;
	v12 =	vand.u32 $0x7F, v12;
	v16 =	vld.idx.msk [tilespmem:v16+s1+$0x0], $0xffff;
	[tilespmem:s0+$0x80] =	vst v14;
	v11 =	vand.u32 $0xFFFFFC00, v11  }
0x206: {  	s6 =	sor.u32 s24, s31;
	v11 =	vor.u32 v12, v11;
	v13 =	vld.idx.msk [tilespmem:v13+s1+$0x0], $0xffff  }
0x207: {  	v19 =	vld [tilespmem:s6+$0x2100];
	v12 =	vor.u32 $0x180, v8;
	[tilespmem:s4+$0x200] =	vst v15  }
0x208: {  	v10 =	vor.u32 $0x200, v6;
	v14 =	vld.idx.msk [tilespmem:v18+s1+$0x0], $0xffff  }
0x209: {  	[tilespmem:s23+$0x80] =	vst v9;
	v15 =	vld.idx.msk [tilespmem:v4+s1+$0x0], $0xffff  }
0x20a: {  	v9 =	vld.idx.msk [tilespmem:v17+s1+$0x0], $0xffff;
	[tilespmem:s5+$0x180] =	vst v16;
	v16 =	vor.u32 $0x300, v5  }
0x20b: {  	v18 =	vor.u32 $0x80, v4;
	v17 =	vld.idx.msk [tilespmem:v11+s1+$0x0], $0xffff;
	[tilespmem:s26+$0x4100] =	vst v13  }
0x20c: {  	s19 =	sor.u32 $0x4000, s19;
	v13 =	vor.u32 $0x80, v11;
	v12 =	vld.idx.msk [tilespmem:v12+s1+$0x0], $0xffff  }
0x20d: {  	s9 =	sor.u32 s25, s31;
	s10 =	sor.u32 s20, s19;
	v20 =	vor.u32 $0x200, v8;
	v10 =	vld.idx.msk [tilespmem:v10+s1+$0x0], $0xffff;
	[tilespmem:s4+$0x280] =	vst v14  }
0x20e: {  	v14 =	vor.u32 $0x180, v7;
	[tilespmem:s10+$0x0] =	vst v15;
	v15 =	vld [tilespmem:s9+$0x2100]  }
0x20f: {  	v21 =	vor.u32 $0x280, v6;
	s26 =	sand.u32 $0x3, s11;
	s4 =	sor.u32 s21, s19;
	v16 =	vld.idx.msk [tilespmem:v16+s1+$0x0], $0xffff  }
0x210: {  	s18 =	sshll.u32 s26, $0x5;
	v18 =	vld.idx.msk [tilespmem:v18+s1+$0x0], $0xffff;
	[tilespmem:s4+$0x0] =	vst v17;
	v17 =	vor.u32 $0x380, v5  }
0x211: {  	v22 =	vor.u32 $0x100, v4;
	s18 =	sadd.s32 $0x0, s18;
	v13 =	vld.idx.msk [tilespmem:v13+s1+$0x0], $0xffff;
	[tilespmem:s0+$0x180] =	vst v12  }
0x212: {  	[tilespmem:s28+$0x4100] =	vst v9;
	s16 =	sadd.s32 $0x10, s18;
	v5 =	vshll.u32 v19, $0x3;
	v12 =	vor.u32 $0x100, v11;
	v9 =	vld.idx.msk [tilespmem:v20+s1+$0x0], $0xffff  }
0x213: {  	[tilespmem:s5+$0x200] =	vst v10;
	s28 =	sor.u32 $0x300, s16;
	v5 =	vand.u32 $0xFFFFFC00, v5;
	v10 =	vld.idx.msk [tilespmem:v14+s1+$0x0], $0xffff;
	v14 =	vand.u32 $0x7F, v19;
	v19 =	vor.u32 $0x280, v8  }
0x214: {  	v20 =	vld.idx.msk [tilespmem:v21+s1+$0x0], $0xffff;
	[tilespmem:s28+$0x4000] =	vst v16;
	v16 =	vshll.u32 v15, $0x3;
	v5 =	vor.u32 v14, v5  }
0x215: {  	v14 =	vor.u32 $0x200, v7;
	v15 =	vand.u32 $0x7F, v15;
	[tilespmem:s10+$0x80] =	vst v18;
	v17 =	vld.idx.msk [tilespmem:v17+s1+$0x0], $0xffff;
	v16 =	vand.u32 $0xFFFFFC00, v16  }
0x216: {  	v18 =	vld.idx.msk [tilespmem:v22+s1+$0x0], $0xffff;
	[tilespmem:s4+$0x80] =	vst v13;
	v21 =	vor.u32 v15, v16  }
0x217: {  	v13 =	vld.idx.msk [tilespmem:v12+s1+$0x0], $0xffff;
	v12 =	vor.u32 $0x180, v4;
	[tilespmem:s0+$0x200] =	vst v9  }
0x218: {  	v9 =	vor.u32 $0x300, v6;
	v15 =	vld.idx.msk [tilespmem:v19+s1+$0x0], $0xffff  }
0x219: {  	[tilespmem:s23+$0x180] =	vst v10;
	v10 =	vld.idx.msk [tilespmem:v5+s1+$0x0], $0xffff  }
0x21a: {  	s30 =	simm.s32 $0x80;
	v16 =	vor.u32 $0x300, v8;
	v14 =	vld.idx.msk [tilespmem:v14+s1+$0x0], $0xffff  }
0x21b: {  	s20 =	sand.u32 $0x60, s30;
	s21 =	simm.s32 $0x400;
	v22 =	vor.u32 $0x80, v5;
	[tilespmem:s22+$0x4100] =	vst v18;
	v19 =	vld.idx.msk [tilespmem:v21+s1+$0x0], $0xffff  }
0x21c: {  	s26 =	sand.u32 $0x1C00, s21;
	[tilespmem:s5+$0x280] =	vst v20;
	s22 =	sor.u32 $0x10, s20;
	v12 =	vld.idx.msk [tilespmem:v12+s1+$0x0], $0xffff  }
0x21d: {  	v24 =	vor.u32 $0x280, v7;
	s5 =	sor.u32 $0x4000, s31;
	s19 =	sor.u32 s22, s26;
	v20 =	vld.idx.msk [tilespmem:v9+s1+$0x0], $0xffff  }
0x21e: {  	s8 =	sor.u32 s24, s5;
	v18 =	vor.u32 $0x80, v21;
	v9 =	vld [tilespmem:s19+$0x2100];
	[tilespmem:s0+$0x280] =	vst v15  }
0x21f: {  	v23 =	vor.u32 $0x200, v4;
	s24 =	sor.u32 $0x380, s16;
	s16 =	simm.s32 $0x1;
	[tilespmem:s8+$0x0] =	vst v10;
	v16 =	vld.idx.msk [tilespmem:v16+s1+$0x0], $0xffff  }
0x220: {  	s28 =	sand.u32 $0x3, s16;
	[tilespmem:s24+$0x4000] =	vst v17;
	s24 =	sor.u32 s20, s26;
	v15 =	vor.u32 $0x180, v11;
	v17 =	vld.idx.msk [tilespmem:v22+s1+$0x0], $0xffff  }
0x221: {  	v8 =	vor.u32 $0x380, v8;
	s7 =	sor.u32 s25, s5;
	s0 =	sshll.u32 s28, $0x5;
	[tilespmem:s23+$0x200] =	vst v14;
	v22 =	vld [tilespmem:s24+$0x2100]  }
0x222: {  	v29 =	vor.u32 $0x280, v4;
	v25 =	vor.u32 $0x100, v5;
	s0 =	sadd.s32 $0x100, s0;
	v63 =	vld.idx.msk [tilespmem:v24+s1+$0x0], $0xffff;
	[tilespmem:s7+$0x0] =	vst v19  }
0x223: {  	v28 =	vor.u32 $0x200, v11;
	s5 =	sadd.s32 $0x10, s0;
	v19 =	vor.u32 $0x380, v6;
	[tilespmem:s10+$0x180] =	vst v12;
	v12 =	vor.u32 $0x300, v7;
	v18 =	vld.idx.msk [tilespmem:v18+s1+$0x0], $0xffff  }
0x224: {  	[tilespmem:s29+$0x4100] =	vst v13;
	v6 =	vor.u32 $0x380, v7;
	s28 =	sor.u32 $0x300, s5;
	v13 =	vld.idx.msk [tilespmem:v23+s1+$0x0], $0xffff;
	v23 =	vor.u32 $0x100, v21;
	v7 =	vshll.u32 v9, $0x3  }
0x225: {  	v30 =	vor.u32 $0x180, v5;
	v14 =	vand.u32 $0x7F, v9;
	v26 =	vld.idx.msk [tilespmem:v15+s1+$0x0], $0xffff;
	v15 =	vand.u32 $0xFFFFFC00, v7;
	[tilespmem:s28+$0x4000] =	vst v16  }
0x226: {  	s18 =	sor.u32 $0x300, s18;
	v10 =	vor.u32 $0x280, v11;
	v15 =	vor.u32 v14, v15;
	[tilespmem:s8+$0x80] =	vst v17;
	v34 =	vld.idx.msk [tilespmem:v8+s1+$0x0], $0xffff;
	v8 =	vshll.u32 v22, $0x3  }
0x227: {  	v9 =	vor.u32 $0x300, v11;
	[tilespmem:s18+$0x4000] =	vst v20;
	v20 =	vand.u32 $0x7F, v22;
	v25 =	vld.idx.msk [tilespmem:v25+s1+$0x0], $0xffff;
	v22 =	vand.u32 $0xFFFFFC00, v8  }
0x228: {  	s12 =	sor.u32 s13, s12;
	s13 =	sor.u32 s2, s15;
	s11 =	sor.u32 s11, s11;
	v7 =	vor.u32 $0x380, v11;
	v11 =	vor.u32 $0x300, v21;
	v24 =	vld.idx.msk [tilespmem:v19+s1+$0x0], $0xffff;
	[tilespmem:s7+$0x80] =	vst v18;
	v31 =	vor.u32 v20, v22  }
0x229: {  	s14 =	sor.u32 s3, s14;
	s15 =	sor.u32 $0x380, s13;
	s31 =	sor.u32 $0x380, s11;
	v16 =	vor.u32 $0x200, v21;
	v14 =	vor.u32 $0x280, v21;
	v17 =	vor.u32 $0x180, v21;
	[tilespmem:s10+$0x200] =	vst v13;
	v27 =	vld.idx.msk [tilespmem:v23+s1+$0x0], $0xffff  }
0x22a: {  	s11 =	sor.u32 $0x380, s12;
	s12 =	sor.u32 $0x380, s14;
	s29 =	simm.s32 $0x8;
	v8 =	vor.u32 $0x380, v21;
	v23 =	vor.u32 $0x80, v31;
	v20 =	vor.u32 $0x100, v31;
	[tilespmem:s4+$0x180] =	vst v26;
	v26 =	vld.idx.msk [tilespmem:v29+s1+$0x0], $0xffff  }
0x22b: {  	s14 =	sor.u32 $0x300, s0;
	s18 =	sor.u32 s21, s30;
	s28 =	sor.u32 $0x380, s5;
	[tilespmem:s23+$0x280] =	vst v63;
	v22 =	vor.u32 $0x180, v31;
	v18 =	vor.u32 $0x200, v31;
	v19 =	vor.u32 $0x280, v31;
	v32 =	vld.idx.msk [tilespmem:v15+s1+$0x0], $0xffff  }
0x22c: {  	s30 =	simm.s32 $0xA0;
	s13 =	sor.u32 $0x380, s18;
	s23 =	simm.s32 $0x400;
	v21 =	vor.u32 $0x300, v31;
	v13 =	vor.u32 $0x380, v31;
	v29 =	vor.u32 $0x300, v4;
	v28 =	vld.idx.msk [tilespmem:v28+s1+$0x0], $0xffff;
	[tilespmem:s28+$0x4000] =	vst v34  }
.LBB2_8:
0x22d: {  	s18 =	sand.u32 $0x60, s30;
	v31 =	vld.idx.msk [tilespmem:v31+s1+$0x0], $0xffff;
	v33 =	vor.u32 $0x80, v15;
	s21 =	sadd.s32 $0x100, s21;
	[tilespmem:s6+$0x4100] =	vst v25;
	s6 =	smov.u32 s19  }
0x22e: {  	s29 =	sadd.s32 $0x2, s29;
	s25 =	sand.u32 $0x1C00, s21;
	s28 =	sor.u32 $0x10, s18;
	v25 =	vld.idx.msk [tilespmem:v30+s1+$0x0], $0xffff;
	[tilespmem:s31+$0x4000] =	vst v24  }
0x22f: {  	s26 =	sor.u32 $0x4000, s26;
	p1 =	slt.u32 s29, $0x3E;
	s19 =	sor.u32 s28, s25;
	[tilespmem:s9+$0x4100] =	vst v27;
	v24 =	vld.idx.msk [tilespmem:v12+s1+$0x0], $0xffff;
	v12 =	vmov v9;
	v9 =	vmov v11;
	v11 =	vmov v21  }
0x230: {  	s0 =	sor.u32 s20, s26;
	s5 =	sor.u32 s22, s26;
	s31 =	sor.u32 s18, s25;
	v27 =	vor.u32 $0x200, v5;
	v21 =	vld [tilespmem:s19+$0x2100];
	[tilespmem:s10+$0x280] =	vst v26  }
0x231: {  	s16 =	sadd.s32 $0x1, s16;
	s20 =	smov.u32 s18;
	s9 =	sor.u32 s21, s30;
	[tilespmem:s5+$0x0] =	vst v32;
	v26 =	vld.idx.msk [tilespmem:v29+s1+$0x0], $0xffff  }
0x232: {  	s26 =	smov.u32 s25;
	s18 =	sor.u32 $0x380, s9;
	s9 =	sand.u32 $0x3, s16;
	v29 =	vld.idx.msk [tilespmem:v33+s1+$0x0], $0xffff;
	[tilespmem:s4+$0x200] =	vst v28  }
0x233: {  	v30 =	vor.u32 $0x380, v4;
	v4 =	vmov v5;
	v5 =	vmov v15;
	s22 =	smov.u32 s28;
	s10 =	sshll.u32 s9, $0x5;
	s9 =	smov.u32 s24;
	v28 =	vld [tilespmem:s31+$0x2100];
	[tilespmem:s0+$0x0] =	vst v31  }
0x234: {  	s10 =	sadd.s32 s10, s2;
	s2 =	smov.u32 s3;
	s3 =	smov.u32 s23;
	v31 =	vor.u32 $0x100, v5;
	v23 =	vld.idx.msk [tilespmem:v23+s1+$0x0], $0xffff;
	[tilespmem:s8+$0x180] =	vst v25  }
0x235: {  	s23 =	smov.u32 s21;
	s25 =	sadd.s32 $0x10, s10;
	v32 =	vld.idx.msk [tilespmem:v27+s1+$0x0], $0xffff;
	[tilespmem:s14+$0x4000] =	vst v24;
	s14 =	sor.u32 $0x300, s10  }
0x236: {  	s24 =	smov.u32 s31;
	s28 =	sor.u32 $0x300, s25;
	v15 =	vshll.u32 v21, $0x3;
	s10 =	smov.u32 s8;
	v33 =	vld.idx.msk [tilespmem:v17+s1+$0x0], $0xffff;
	v17 =	vmov v22  }
0x237: {  	v34 =	vor.u32 $0x280, v4;
	s31 =	smov.u32 s11;
	s11 =	smov.u32 s15;
	v21 =	vand.u32 $0x7F, v21;
	s8 =	smov.u32 s5;
	v15 =	vand.u32 $0xFFFFFC00, v15;
	v35 =	vld.idx.msk [tilespmem:v10+s1+$0x0], $0xffff;
	[tilespmem:s28+$0x4000] =	vst v26;
	v10 =	vmovc v14;
	v14 =	vmovc v19  }
0x238: {  	s15 =	smov.u32 s12;
	s12 =	smov.u32 s13;
	s13 =	smov.u32 s18;
	v15 =	vor.u32 v21, v15;
	v19 =	vand.u32 $0x7F, v28;
	v22 =	vshll.u32 v28, $0x3;
	[tilespmem:s8+$0x80] =	vst v29;
	v36 =	vld.idx.msk [tilespmem:v30+s1+$0x0], $0xffff  }
0x239: {  	v21 =	vand.u32 $0xFFFFFC00, v22;
	v25 =	vld.idx.msk [tilespmem:v31+s1+$0x0], $0xffff  }
.Ltmp5:
0x23a: {  	v31 =	vor.u32 v19, v21;
	[tilespmem:s0+$0x80] =	vst v23;
	v24 =	vld.idx.msk [tilespmem:v6+s1+$0x0], $0xffff;
	v6 =	vmovc v7;
	v7 =	vmov v8;
	v8 =	vmov v13;
	(pc) =	sbr.rel @p1 .LBB2_8-.Ltmp5, $4  }
0x23b: {  	v30 =	vor.u32 $0x180, v5;
	v23 =	vor.u32 $0x80, v31;
	v27 =	vld.idx.msk [tilespmem:v20+s1+$0x0], $0xffff;
	v20 =	vor.u32 $0x100, v31;
	[tilespmem:s10+$0x200] =	vst v32  }
0x23c: {  	v22 =	vor.u32 $0x180, v31;
	v37 =	vor.u32 $0x200, v31;
	v19 =	vor.u32 $0x280, v31;
	[tilespmem:s7+$0x180] =	vst v33;
	v26 =	vld.idx.msk [tilespmem:v34+s1+$0x0], $0xffff  }
0x23d: {  	s5 =	sor.u32 $0x380, s25;
	v21 =	vor.u32 $0x300, v31;
	v13 =	vor.u32 $0x380, v31;
	v32 =	vld.idx.msk [tilespmem:v15+s1+$0x0], $0xffff;
	[tilespmem:s4+$0x280] =	vst v35;
	s4 =	smov.u32 s7;
	s7 =	smov.u32 s0  }
0x23e: {  	s30 =	sadd.s32 $0x20, s30;
	v29 =	vor.u32 $0x300, v4;
	v28 =	vld.idx.msk [tilespmem:v16+s1+$0x0], $0xffff;
	[tilespmem:s5+$0x4000] =	vst v36;
	v16 =	vmov v18;
	v18 =	vmov v37  }
0x23f: {  	_ =	sdelay $0x3  }
0x240: {  	v33 =	vor.u32 $0x80, v15;
	v31 =	vld.idx.msk [tilespmem:v31+s1+$0x0], $0xffff;
	_ =	sdelay $0x1  }
0x241: {  	s0 =	sor.u32 $0x4000, s26  }
0x242: {  	s18 =	sor.u32 s22, s0  }
0x243: {  	s0 =	sor.u32 s20, s0;
	[tilespmem:s18+$0x0] =	vst v32  }
0x244: {  	v32 =	vld.idx.msk [tilespmem:v33+s1+$0x0], $0xffff;
	[tilespmem:s0+$0x0] =	vst v31  }
0x245: {  	v31 =	vor.u32 $0x100, v15;
	v23 =	vld.idx.msk [tilespmem:v23+s1+$0x0], $0xffff;
	_ =	sdelay $0x3  }
0x246: {  	[tilespmem:s18+$0x80] =	vst v32  }
0x247: {  	v31 =	vld.idx.msk [tilespmem:v31+s1+$0x0], $0xffff;
	[tilespmem:s0+$0x80] =	vst v23  }
0x248: {  	v23 =	vor.u32 $0x180, v15;
	v20 =	vld.idx.msk [tilespmem:v20+s1+$0x0], $0xffff;
	_ =	sdelay $0x1  }
0x249: {  	[tilespmem:s9+$0x4100] =	vst v27  }
0x24a: {  	[tilespmem:s6+$0x4100] =	vst v25;
	v17 =	vld.idx.msk [tilespmem:v17+s1+$0x0], $0xffff  }
0x24b: {  	v25 =	vld.idx.msk [tilespmem:v30+s1+$0x0], $0xffff;
	[tilespmem:s19+$0x4100] =	vst v31  }
0x24c: {  	v30 =	vor.u32 $0x200, v5;
	v23 =	vld.idx.msk [tilespmem:v23+s1+$0x0], $0xffff;
	[tilespmem:s24+$0x4100] =	vst v20  }
0x24d: {  	[tilespmem:s31+$0x4000] =	vst v24;
	v20 =	vor.u32 $0x200, v15;
	v22 =	vld.idx.msk [tilespmem:v22+s1+$0x0], $0xffff  }
0x24e: {  	[tilespmem:s10+$0x280] =	vst v26  }
0x24f: {  	v12 =	vld.idx.msk [tilespmem:v12+s1+$0x0], $0xffff;
	[tilespmem:s7+$0x180] =	vst v17  }
0x250: {  	[tilespmem:s8+$0x180] =	vst v25;
	v16 =	vld.idx.msk [tilespmem:v16+s1+$0x0], $0xffff  }
0x251: {  	v24 =	vld.idx.msk [tilespmem:v30+s1+$0x0], $0xffff;
	[tilespmem:s18+$0x180] =	vst v23  }
0x252: {  	v25 =	vor.u32 $0x280, v5;
	v17 =	vld.idx.msk [tilespmem:v20+s1+$0x0], $0xffff;
	[tilespmem:s0+$0x180] =	vst v22  }
0x253: {  	s5 =	sadd.s32 $0x1, s16;
	[tilespmem:s4+$0x200] =	vst v28;
	v20 =	vor.u32 $0x280, v15;
	v18 =	vld.idx.msk [tilespmem:v18+s1+$0x0], $0xffff  }
0x254: {  	s10 =	sand.u32 $0x3, s5;
	[tilespmem:s14+$0x4000] =	vst v12;
	v22 =	vld.idx.msk [tilespmem:v29+s1+$0x0], $0xffff  }
0x255: {  	v4 =	vor.u32 $0x380, v4;
	s6 =	sshll.u32 s10, $0x5;
	v10 =	vld.idx.msk [tilespmem:v10+s1+$0x0], $0xffff;
	[tilespmem:s7+$0x200] =	vst v16  }
0x256: {  	s2 =	sadd.s32 s6, s2;
	[tilespmem:s8+$0x200] =	vst v24;
	v14 =	vld.idx.msk [tilespmem:v14+s1+$0x0], $0xffff  }
0x257: {  	s6 =	sadd.s32 $0x10, s2;
	v12 =	vld.idx.msk [tilespmem:v25+s1+$0x0], $0xffff;
	[tilespmem:s18+$0x200] =	vst v17  }
0x258: {  	s14 =	sor.u32 $0x300, s6;
	v23 =	vor.u32 $0x300, v5;
	v16 =	vld.idx.msk [tilespmem:v20+s1+$0x0], $0xffff;
	[tilespmem:s0+$0x200] =	vst v18  }
0x259: {  	v17 =	vor.u32 $0x300, v15;
	[tilespmem:s14+$0x4000] =	vst v22;
	v18 =	vld.idx.msk [tilespmem:v19+s1+$0x0], $0xffff  }
0x25a: {  	[tilespmem:s4+$0x280] =	vst v10;
	v4 =	vld.idx.msk [tilespmem:v4+s1+$0x0], $0xffff  }
0x25b: {  	v9 =	vld.idx.msk [tilespmem:v9+s1+$0x0], $0xffff;
	[tilespmem:s7+$0x280] =	vst v14  }
0x25c: {  	s5 =	sadd.s32 $0x1, s5;
	[tilespmem:s8+$0x280] =	vst v12;
	v11 =	vld.idx.msk [tilespmem:v11+s1+$0x0], $0xffff  }
0x25d: {  	s16 =	sand.u32 $0x3, s5;
	s5 =	sadd.s32 $0x1, s5;
	v10 =	vld.idx.msk [tilespmem:v23+s1+$0x0], $0xffff;
	[tilespmem:s18+$0x280] =	vst v16  }
0x25e: {  	s20 =	sor.u32 $0x380, s6;
	s4 =	sshll.u32 s16, $0x5;
	s19 =	sand.u32 $0x3, s5;
	v5 =	vor.u32 $0x380, v5;
	v12 =	vld.idx.msk [tilespmem:v17+s1+$0x0], $0xffff;
	[tilespmem:s0+$0x280] =	vst v18  }
0x25f: {  	s2 =	sor.u32 $0x300, s2;
	s3 =	sadd.s32 s4, s3;
	s4 =	sshll.u32 s19, $0x5;
	v14 =	vor.u32 $0x380, v15;
	[tilespmem:s20+$0x4000] =	vst v4;
	v4 =	vld.idx.msk [tilespmem:v21+s1+$0x0], $0xffff  }
0x260: {  	v6 =	vld.idx.msk [tilespmem:v6+s1+$0x0], $0xffff;
	s21 =	sadd.s32 $0x10, s3;
	s3 =	sor.u32 $0x300, s3;
	[tilespmem:s2+$0x4000] =	vst v9;
	s4 =	sadd.s32 s4, s23  }
0x261: {  	s22 =	sor.u32 $0x300, s21;
	v7 =	vld.idx.msk [tilespmem:v7+s1+$0x0], $0xffff;
	s24 =	sadd.s32 $0x10, s4;
	[tilespmem:s3+$0x4000] =	vst v11  }
0x262: {  	s25 =	sor.u32 $0x300, s24;
	v8 =	vld.idx.msk [tilespmem:v8+s1+$0x0], $0xffff;
	[tilespmem:s22+$0x4000] =	vst v10  }
0x263: {  	s26 =	sor.u32 $0x300, s4;
	v5 =	vld.idx.msk [tilespmem:v5+s1+$0x0], $0xffff;
	[tilespmem:s25+$0x4000] =	vst v12  }
0x264: {  	v9 =	vld.idx.msk [tilespmem:v14+s1+$0x0], $0xffff;
	[tilespmem:s26+$0x4000] =	vst v4  }
0x265: {  	[tilespmem:s11+$0x4000] =	vst v6;
	v4 =	vld.idx.msk [tilespmem:v13+s1+$0x0], $0xffff  }
0x266: {  	[tilespmem:s15+$0x4000] =	vst v7  }
0x267: {  	s28 =	sor.u32 $0x380, s21;
	[tilespmem:s12+$0x4000] =	vst v8  }
0x268: {  	s0 =	sor.u32 $0x380, s24;
	[tilespmem:s28+$0x4000] =	vst v5  }
0x269: {  	[tilespmem:s0+$0x4000] =	vst v9  }
0x26a: {  	s30 =	simm.s32 $0x0;
	[tilespmem:s13+$0x4000] =	vst v4  }
0x26b: {  	s31 =	simm.s32 $0x4000;
	s3 =	simm.s32 $0x2;
	s2 =	rddreg [dreg:$0xd]  }
0x26c: {  	[hbm4b:s2+s30] =	stream.linear.scatter [tilespmem:s31], [sflag:$0x1], $0x2000, $0x38;
	[tilespmem:$0xC900] =	vst v63  }
0x26d: {  	_ =	swait.ge [sflag:s3], $0x2000  }
0x26e: {  	[sflag:s3] =	ssyncset.done $0x0  }
0x26f: {  	[sflag:s3] =	ssyncadd.s32 $0xFFFFE000  }
0x270: {  	v4 =	vld [tilespmem:s17+$0x180];
	_ =	sdelay $0x4  }
0x271: {  	vm0 =	vge.s32 v4, v0;
	vm1 =	vlt.s32 v4, v1  }
0x272: {  	vm0 =	vmand vm0, vm1;
	_ =	sdelay $0x4  }
0x273: {  	s29 =	simm.s32 $0x8000  }
0x274: {  	[tilespmem:v4+s29+$0x0] =	vst.idx.add.s32.msk vm0, v3  }
0x275: {  	v4 =	vld [tilespmem:s17+$0x190];
	_ =	sdelay $0x4  }
0x276: {  	vm10 =	vge.s32 v4, v0;
	vm11 =	vlt.s32 v4, v1  }
0x277: {  	vm0 =	vmand vm10, vm11;
	_ =	sdelay $0x5  }
0x278: {  	[tilespmem:v4+s29+$0x0] =	vst.idx.add.s32.msk vm0, v3  }
0x279: {  	v4 =	vld [tilespmem:s17+$0x1A0];
	_ =	sdelay $0x4  }
0x27a: {  	vm12 =	vge.s32 v4, v0;
	vm13 =	vlt.s32 v4, v1  }
0x27b: {  	vm0 =	vmand vm12, vm13;
	_ =	sdelay $0x5  }
0x27c: {  	[tilespmem:v4+s29+$0x0] =	vst.idx.add.s32.msk vm0, v3  }
0x27d: {  	v4 =	vld [tilespmem:s17+$0x1B0];
	_ =	sdelay $0x4  }
0x27e: {  	vm14 =	vge.s32 v4, v0;
	vm15 =	vlt.s32 v4, v1  }
0x27f: {  	vm0 =	vmand vm14, vm15;
	_ =	sdelay $0x3  }
0x280: {  	s19 =	sand.u32 $0x1C00, s30;
	s12 =	sand.u32 $0x60, s30  }
0x281: {  	s15 =	sor.u32 $0x10, s12;
	s0 =	sor.u32 $0x2000, s19  }
0x282: {  	s4 =	sor.u32 s15, s0;
	[tilespmem:v4+s29+$0x0] =	vst.idx.add.s32.msk vm0, v3  }
0x283: {  	v4 =	vld [tilespmem:s4+$0x180];
	_ =	sdelay $0x4  }
0x284: {  	v5 =	vshll.u32 v4, $0x3  }
0x285: {  	v4 =	vand.u32 $0x7F, v4;
	v5 =	vand.u32 $0xFFFFFC00, v5  }
0x286: {  	s0 =	sor.u32 s12, s0;
	v5 =	vor.u32 v4, v5  }
0x287: {  	v4 =	vld [tilespmem:s0+$0x180];
	_ =	sdelay $0x3  }
0x288: {  	s6 =	simm.s32 $0x100;
	s5 =	simm.s32 $0x20;
	v7 =	vld.idx.msk [tilespmem:v5+s1+$0x0], $0xffff  }
0x289: {  	s11 =	sand.u32 $0x1C00, s6;
	s24 =	sand.u32 $0x60, s5;
	v8 =	vor.u32 $0x80, v5;
	v6 =	vshll.u32 v4, $0x3  }
0x28a: {  	s7 =	sor.u32 $0x2000, s11;
	s10 =	sor.u32 $0x10, s24;
	v4 =	vand.u32 $0x7F, v4;
	v6 =	vand.u32 $0xFFFFFC00, v6  }
0x28b: {  	s8 =	sor.u32 $0x6000, s19;
	s9 =	sor.u32 s10, s7;
	v6 =	vor.u32 v4, v6  }
0x28c: {  	s13 =	sor.u32 s15, s8;
	s0 =	sor.u32 s24, s7;
	v4 =	vld [tilespmem:s9+$0x180]  }
0x28d: {  	[tilespmem:s13+$0x0] =	vst v7;
	v7 =	vld [tilespmem:s0+$0x180]  }
0x28e: {  	v8 =	vld.idx.msk [tilespmem:v8+s1+$0x0], $0xffff  }
0x28f: {  	v9 =	vor.u32 $0x100, v5  }
0x290: {  	v10 =	vld.idx.msk [tilespmem:v6+s1+$0x0], $0xffff  }
0x291: {  	s14 =	sor.u32 $0x6080, s19;
	v11 =	vor.u32 $0x80, v6;
	v12 =	vshll.u32 v4, $0x3  }
0x292: {  	s16 =	sor.u32 s15, s14;
	v4 =	vand.u32 $0x7F, v4;
	v12 =	vand.u32 $0xFFFFFC00, v12;
	v13 =	vshll.u32 v7, $0x3  }
0x293: {  	v14 =	vand.u32 $0x7F, v7;
	v7 =	vor.u32 v4, v12;
	[tilespmem:s16+$0x0] =	vst v8;
	v4 =	vand.u32 $0xFFFFFC00, v13  }
0x294: {  	s2 =	sor.u32 s12, s8;
	v9 =	vld.idx.msk [tilespmem:v9+s1+$0x0], $0xffff;
	v8 =	vor.u32 v14, v4  }
0x295: {  	[tilespmem:s2+$0x0] =	vst v10;
	v4 =	vor.u32 $0x180, v5  }
0x296: {  	v10 =	vld.idx.msk [tilespmem:v11+s1+$0x0], $0xffff  }
0x297: {  	s21 =	simm.s32 $0x200;
	s18 =	simm.s32 $0x40;
	s20 =	sor.u32 $0x6100, s19;
	v11 =	vor.u32 $0x100, v6  }
0x298: {  	s22 =	sor.u32 s15, s20;
	s26 =	sand.u32 $0x60, s18;
	s3 =	sand.u32 $0x1C00, s21;
	v12 =	vld.idx.msk [tilespmem:v7+s1+$0x0], $0xffff  }
0x299: {  	s23 =	sor.u32 $0x2000, s3;
	s16 =	sor.u32 $0x10, s26;
	v14 =	vor.u32 $0x80, v7;
	v13 =	vld.idx.msk [tilespmem:v8+s1+$0x0], $0xffff;
	[tilespmem:s22+$0x0] =	vst v9  }
0x29a: {  	s0 =	sor.u32 s12, s14;
	s25 =	sor.u32 s16, s23;
	v9 =	vor.u32 $0x80, v8;
	v4 =	vld.idx.msk [tilespmem:v4+s1+$0x0], $0xffff  }
0x29b: {  	s28 =	sor.u32 $0x6000, s11;
	v15 =	vor.u32 $0x200, v5;
	[tilespmem:s0+$0x0] =	vst v10;
	v10 =	vld [tilespmem:s25+$0x180]  }
0x29c: {  	s30 =	sor.u32 s10, s28;
	s2 =	sor.u32 s26, s23;
	v11 =	vld.idx.msk [tilespmem:v11+s1+$0x0], $0xffff  }
0x29d: {  	s31 =	sor.u32 $0x6180, s19;
	s0 =	sor.u32 s24, s28;
	[tilespmem:s30+$0x0] =	vst v12;
	v12 =	vld [tilespmem:s2+$0x180]  }
0x29e: {  	v16 =	vor.u32 $0x180, v6;
	s2 =	sor.u32 s15, s31;
	v14 =	vld.idx.msk [tilespmem:v14+s1+$0x0], $0xffff;
	[tilespmem:s0+$0x0] =	vst v13  }
0x29f: {  	v13 =	vld.idx.msk [tilespmem:v9+s1+$0x0], $0xffff;
	v9 =	vor.u32 $0x100, v7;
	[tilespmem:s2+$0x0] =	vst v4  }
0x2a0: {  	s6 =	sor.u32 s12, s20;
	s18 =	simm.s32 $0x300;
	v4 =	vshll.u32 v10, $0x3;
	v15 =	vld.idx.msk [tilespmem:v15+s1+$0x0], $0xffff  }
0x2a1: {  	s4 =	sand.u32 $0x1C00, s18;
	s7 =	sor.u32 $0x6080, s11;
	s14 =	simm.s32 $0x60;
	v10 =	vand.u32 $0x7F, v10;
	[tilespmem:s6+$0x0] =	vst v11;
	v4 =	vand.u32 $0xFFFFFC00, v4;
	v11 =	vor.u32 $0x280, v5  }
0x2a2: {  	s21 =	sor.u32 $0x2000, s4;
	s8 =	sor.u32 s10, s7;
	s2 =	sand.u32 $0x60, s14;
	v18 =	vshll.u32 v12, $0x3;
	v4 =	vor.u32 v10, v4  }
0x2a3: {  	v17 =	vor.u32 $0x100, v8;
	s0 =	sor.u32 s24, s7;
	s7 =	sor.u32 $0x6200, s19;
	s6 =	sor.u32 $0x10, s2;
	v16 =	vld.idx.msk [tilespmem:v16+s1+$0x0], $0xffff;
	v12 =	vand.u32 $0x7F, v12;
	[tilespmem:s8+$0x0] =	vst v14;
	v14 =	vand.u32 $0xFFFFFC00, v18  }
0x2a4: {  	s9 =	sor.u32 s15, s7;
	s22 =	sor.u32 s6, s21;
	v18 =	vld.idx.msk [tilespmem:v9+s1+$0x0], $0xffff;
	v9 =	vor.u32 v12, v14;
	[tilespmem:s0+$0x0] =	vst v13  }
0x2a5: {  	v19 =	vld [tilespmem:s22+$0x180];
	v13 =	vor.u32 $0x180, v7;
	[tilespmem:s9+$0x0] =	vst v15  }
0x2a6: {  	v10 =	vor.u32 $0x200, v6;
	v11 =	vld.idx.msk [tilespmem:v11+s1+$0x0], $0xffff  }
0x2a7: {  	s5 =	sor.u32 $0x6100, s11;
	s13 =	sor.u32 s12, s31;
	v14 =	vld.idx.msk [tilespmem:v4+s1+$0x0], $0xffff  }
0x2a8: {  	s20 =	sor.u32 s10, s5;
	v12 =	vld.idx.msk [tilespmem:v17+s1+$0x0], $0xffff;
	v17 =	vor.u32 $0x80, v4;
	[tilespmem:s13+$0x0] =	vst v16  }
0x2a9: {  	s14 =	sor.u32 $0x6280, s19;
	v15 =	vor.u32 $0x300, v5;
	v16 =	vld.idx.msk [tilespmem:v9+s1+$0x0], $0xffff;
	[tilespmem:s20+$0x0] =	vst v18  }
0x2aa: {  	s25 =	sor.u32 $0x6000, s3;
	s23 =	sor.u32 s15, s14;
	v18 =	vor.u32 $0x80, v9;
	v13 =	vld.idx.msk [tilespmem:v13+s1+$0x0], $0xffff  }
0x2ab: {  	v20 =	vor.u32 $0x200, v7;
	s28 =	sor.u32 s16, s25;
	s0 =	sor.u32 s2, s21;
	v10 =	vld.idx.msk [tilespmem:v10+s1+$0x0], $0xffff;
	[tilespmem:s23+$0x0] =	vst v11  }
0x2ac: {  	v11 =	vor.u32 $0x180, v8;
	[tilespmem:s28+$0x0] =	vst v14;
	v14 =	vld [tilespmem:s0+$0x180]  }
0x2ad: {  	v21 =	vor.u32 $0x280, v6;
	s30 =	sor.u32 s26, s25;
	s31 =	sor.u32 $0x6180, s11;
	v17 =	vld.idx.msk [tilespmem:v17+s1+$0x0], $0xffff  }
0x2ae: {  	v22 =	vor.u32 $0x100, v4;
	s9 =	sor.u32 s10, s31;
	s13 =	sor.u32 $0x6080, s3;
	v15 =	vld.idx.msk [tilespmem:v15+s1+$0x0], $0xffff;
	[tilespmem:s30+$0x0] =	vst v16  }
0x2af: {  	s5 =	sor.u32 s24, s5;
	s7 =	sor.u32 s12, s7;
	s20 =	sor.u32 s16, s13;
	v18 =	vld.idx.msk [tilespmem:v18+s1+$0x0], $0xffff;
	[tilespmem:s9+$0x0] =	vst v13  }
0x2b0: {  	[tilespmem:s5+$0x0] =	vst v12;
	s5 =	sor.u32 s26, s13;
	s13 =	simm.s32 $0x400;
	s23 =	simm.s32 $0x80;
	v16 =	vor.u32 $0x380, v5;
	v12 =	vld.idx.msk [tilespmem:v20+s1+$0x0], $0xffff  }
0x2b1: {  	s8 =	sand.u32 $0x1C00, s13;
	[tilespmem:s7+$0x0] =	vst v10;
	s7 =	sand.u32 $0x60, s23;
	v13 =	vor.u32 $0x100, v9;
	v10 =	vld.idx.msk [tilespmem:v11+s1+$0x0], $0xffff  }
0x2b2: {  	s0 =	sor.u32 $0x6300, s19;
	s28 =	sor.u32 $0x2000, s8;
	v5 =	vshll.u32 v19, $0x3;
	s9 =	sor.u32 $0x10, s7;
	v20 =	vld.idx.msk [tilespmem:v21+s1+$0x0], $0xffff;
	[tilespmem:s20+$0x0] =	vst v17  }
0x2b3: {  	s18 =	sor.u32 s15, s0;
	v5 =	vand.u32 $0xFFFFFC00, v5;
	v11 =	vand.u32 $0x7F, v19;
	v19 =	vor.u32 $0x280, v7;
	s30 =	sor.u32 s9, s28;
	v17 =	vld.idx.msk [tilespmem:v22+s1+$0x0], $0xffff  }
0x2b4: {  	[tilespmem:s18+$0x0] =	vst v15;
	v15 =	vshll.u32 v14, $0x3;
	v5 =	vor.u32 v11, v5;
	v22 =	vld [tilespmem:s30+$0x180]  }
0x2b5: {  	v11 =	vor.u32 $0x200, v8;
	v14 =	vand.u32 $0x7F, v14;
	s20 =	sor.u32 $0x6200, s11;
	v15 =	vand.u32 $0xFFFFFC00, v15;
	v16 =	vld.idx.msk [tilespmem:v16+s1+$0x0], $0xffff;
	[tilespmem:s5+$0x0] =	vst v18  }
0x2b6: {  	s21 =	sor.u32 s10, s20;
	v21 =	vor.u32 v14, v15;
	s5 =	sor.u32 s7, s28;
	v13 =	vld.idx.msk [tilespmem:v13+s1+$0x0], $0xffff  }
0x2b7: {  	v14 =	vor.u32 $0x180, v4;
	[tilespmem:s21+$0x0] =	vst v12;
	v27 =	vld [tilespmem:s5+$0x180]  }
0x2b8: {  	s22 =	sor.u32 s24, s31;
	v15 =	vor.u32 $0x300, v6;
	v12 =	vld.idx.msk [tilespmem:v19+s1+$0x0], $0xffff  }
0x2b9: {  	s14 =	sor.u32 s12, s14;
	v24 =	vor.u32 $0x180, v9;
	[tilespmem:s22+$0x0] =	vst v10;
	s21 =	sor.u32 $0x6100, s3;
	v10 =	vld.idx.msk [tilespmem:v5+s1+$0x0], $0xffff  }
0x2ba: {  	[tilespmem:s14+$0x0] =	vst v20;
	s25 =	sor.u32 s16, s21;
	v18 =	vld.idx.msk [tilespmem:v11+s1+$0x0], $0xffff;
	v11 =	vor.u32 $0x300, v7  }
0x2bb: {  	s18 =	sor.u32 $0x6280, s11;
	s30 =	sor.u32 s26, s21;
	[tilespmem:s25+$0x0] =	vst v17;
	v17 =	vor.u32 $0x80, v5;
	v19 =	vld.idx.msk [tilespmem:v21+s1+$0x0], $0xffff  }
0x2bc: {  	s31 =	sor.u32 s10, s18;
	v20 =	vor.u32 $0x80, v21;
	s22 =	sor.u32 $0x6000, s4;
	v14 =	vld.idx.msk [tilespmem:v14+s1+$0x0], $0xffff;
	[tilespmem:s30+$0x0] =	vst v13  }
0x2bd: {  	s14 =	sor.u32 $0x6380, s19;
	s23 =	sor.u32 s6, s22;
	v23 =	vld.idx.msk [tilespmem:v15+s1+$0x0], $0xffff;
	v15 =	vor.u32 $0x200, v4;
	[tilespmem:s31+$0x0] =	vst v12  }
0x2be: {  	s15 =	sor.u32 s15, s14;
	[tilespmem:s23+$0x0] =	vst v10;
	v10 =	vor.u32 $0x280, v8;
	v62 =	vld.idx.msk [tilespmem:v24+s1+$0x0], $0xffff  }
0x2bf: {  	v29 =	vor.u32 $0x380, v6;
	v28 =	vor.u32 $0x100, v5;
	s5 =	sor.u32 $0x6180, s3;
	s25 =	sor.u32 s2, s22;
	[tilespmem:s15+$0x0] =	vst v16;
	v25 =	vld.idx.msk [tilespmem:v11+s1+$0x0], $0xffff  }
0x2c0: {  	v6 =	vor.u32 $0x380, v8;
	v30 =	vor.u32 $0x100, v21;
	s28 =	sor.u32 s16, s5;
	v17 =	vld.idx.msk [tilespmem:v17+s1+$0x0], $0xffff;
	[tilespmem:s25+$0x0] =	vst v19;
	v19 =	vor.u32 $0x380, v7  }
0x2c1: {  	v16 =	vor.u32 $0x200, v9;
	v12 =	vor.u32 $0x300, v8;
	v8 =	vor.u32 $0x300, v9;
	s31 =	sor.u32 s24, s20;
	[tilespmem:s28+$0x0] =	vst v14;
	v20 =	vld.idx.msk [tilespmem:v20+s1+$0x0], $0xffff  }
0x2c2: {  	s0 =	sor.u32 s12, s0;
	s20 =	sor.u32 $0x6300, s11;
	v11 =	vor.u32 $0x280, v9;
	[tilespmem:s31+$0x0] =	vst v18;
	v7 =	vor.u32 $0x380, v9;
	v9 =	vshll.u32 v22, $0x3;
	v13 =	vld.idx.msk [tilespmem:v15+s1+$0x0], $0xffff  }
0x2c3: {  	v63 =	vor.u32 $0x280, v4;
	s21 =	sor.u32 $0x6080, s4;
	s22 =	sor.u32 s10, s20;
	v14 =	vand.u32 $0x7F, v22;
	[tilespmem:s0+$0x0] =	vst v23;
	v9 =	vand.u32 $0xFFFFFC00, v9;
	v34 =	vld.idx.msk [tilespmem:v10+s1+$0x0], $0xffff  }
0x2c4: {  	s23 =	sor.u32 s6, s21;
	v18 =	vor.u32 $0x180, v21;
	v15 =	vor.u32 v14, v9;
	v10 =	vshll.u32 v27, $0x3;
	[tilespmem:s22+$0x0] =	vst v25;
	v25 =	vld.idx.msk [tilespmem:v29+s1+$0x0], $0xffff  }
0x2c5: {  	s25 =	sor.u32 s2, s21;
	s28 =	sor.u32 $0x6200, s3;
	v9 =	vand.u32 $0x7F, v27;
	v14 =	vor.u32 $0x280, v21;
	[tilespmem:s23+$0x0] =	vst v17;
	v26 =	vld.idx.msk [tilespmem:v19+s1+$0x0], $0xffff;
	v19 =	vand.u32 $0xFFFFFC00, v10  }
0x2c6: {  	s19 =	simm.s32 $0x8;
	s30 =	sor.u32 s16, s28;
	v17 =	vor.u32 $0x200, v21;
	v28 =	vld.idx.msk [tilespmem:v28+s1+$0x0], $0xffff;
	v10 =	vor.u32 $0x300, v21;
	v31 =	vor.u32 v9, v19;
	[tilespmem:s25+$0x0] =	vst v20  }
0x2c7: {  	s14 =	sor.u32 s12, s14;
	s5 =	sor.u32 s26, s5;
	s11 =	sor.u32 $0x6380, s11;
	v9 =	vor.u32 $0x380, v21;
	[tilespmem:s30+$0x0] =	vst v13;
	v24 =	vor.u32 $0x80, v31;
	v23 =	vld.idx.msk [tilespmem:v30+s1+$0x0], $0xffff;
	v30 =	vor.u32 $0x180, v5  }
0x2c8: {  	s31 =	sor.u32 s24, s18;
	s12 =	sor.u32 s24, s20;
	s20 =	simm.s32 $0xA0;
	[tilespmem:s5+$0x0] =	vst v62;
	v20 =	vor.u32 $0x100, v31;
	v22 =	vor.u32 $0x180, v31;
	v29 =	vor.u32 $0x200, v31;
	v27 =	vld.idx.msk [tilespmem:v63+s1+$0x0], $0xffff  }
0x2c9: {  	s18 =	sor.u32 $0x6100, s4;
	s0 =	sor.u32 s10, s11;
	s15 =	sor.u32 s26, s28;
	v19 =	vor.u32 $0x280, v31;
	v21 =	vor.u32 $0x300, v31;
	v13 =	vor.u32 $0x380, v31;
	v32 =	vld.idx.msk [tilespmem:v15+s1+$0x0], $0xffff;
	[tilespmem:s31+$0x0] =	vst v34  }
.LBB2_10:
0x2ca: {  	s5 =	sand.u32 $0x60, s20;
	s13 =	sadd.s32 $0x100, s13;
	s10 =	sor.u32 s6, s18;
	v33 =	vld.idx.msk [tilespmem:v16+s1+$0x0], $0xffff;
	v34 =	vor.u32 $0x300, v4;
	[tilespmem:s0+$0x0] =	vst v26;
	v16 =	vmov v17;
	v17 =	vmov v29  }
0x2cb: {  	s0 =	sor.u32 $0x6000, s8;
	v29 =	vor.u32 $0x80, v15;
	s22 =	sor.u32 $0x6280, s3;
	s21 =	sand.u32 $0x1C00, s13;
	v26 =	vld.idx.msk [tilespmem:v31+s1+$0x0], $0xffff;
	[tilespmem:s10+$0x0] =	vst v28  }
0x2cc: {  	s19 =	sadd.s32 $0x2, s19;
	s10 =	sor.u32 $0x10, s5;
	s23 =	sor.u32 $0x2000, s21;
	v28 =	vld.idx.msk [tilespmem:v30+s1+$0x0], $0xffff;
	[tilespmem:s14+$0x0] =	vst v25  }
0x2cd: {  	p1 =	slt.u32 s19, $0x3E;
	s25 =	sor.u32 s16, s22;
	s14 =	sor.u32 s10, s23;
	v25 =	vld.idx.msk [tilespmem:v12+s1+$0x0], $0xffff;
	v12 =	vmov v8;
	v8 =	vmov v10;
	v10 =	vmov v21  }
0x2ce: {  	s28 =	sor.u32 s7, s0;
	s0 =	sor.u32 s9, s0;
	v30 =	vor.u32 $0x200, v5;
	s23 =	sor.u32 s5, s23;
	v21 =	vld [tilespmem:s14+$0x180];
	[tilespmem:s25+$0x0] =	vst v27  }
0x2cf: {  	s18 =	sor.u32 s2, s18;
	s14 =	sor.u32 s24, s11;
	[tilespmem:s0+$0x0] =	vst v32;
	s0 =	sor.u32 s26, s22;
	v27 =	vld.idx.msk [tilespmem:v34+s1+$0x0], $0xffff  }
0x2d0: {  	s24 =	smov.u32 s26;
	s26 =	smov.u32 s2;
	v29 =	vld.idx.msk [tilespmem:v29+s1+$0x0], $0xffff;
	[tilespmem:s18+$0x0] =	vst v23;
	s18 =	sor.u32 $0x6180, s4  }
0x2d1: {  	s2 =	smov.u32 s7;
	v23 =	vld [tilespmem:s23+$0x180];
	[tilespmem:s28+$0x0] =	vst v26;
	s11 =	sor.u32 s26, s18;
	s18 =	sor.u32 s6, s18;
	v26 =	vor.u32 $0x380, v4;
	v4 =	vmov v5;
	v5 =	vmov v15  }
0x2d2: {  	s7 =	smov.u32 s5;
	s5 =	smov.u32 s8;
	s8 =	smov.u32 s21;
	v24 =	vld.idx.msk [tilespmem:v24+s1+$0x0], $0xffff;
	v31 =	vor.u32 $0x100, v5;
	[tilespmem:s18+$0x0] =	vst v28  }
0x2d3: {  	s21 =	smov.u32 s16;
	s16 =	smov.u32 s6;
	v32 =	vld.idx.msk [tilespmem:v30+s1+$0x0], $0xffff;
	[tilespmem:s15+$0x0] =	vst v33;
	s15 =	sor.u32 $0x6300, s3  }
0x2d4: {  	s6 =	sor.u32 $0x6080, s5;
	v15 =	vshll.u32 v21, $0x3;
	v33 =	vld.idx.msk [tilespmem:v18+s1+$0x0], $0xffff;
	s18 =	sor.u32 s21, s15;
	[tilespmem:s12+$0x0] =	vst v25;
	s12 =	sor.u32 s24, s15;
	v18 =	vmov v22  }
0x2d5: {  	s22 =	sor.u32 s9, s6;
	v34 =	vor.u32 $0x280, v4;
	v21 =	vand.u32 $0x7F, v21;
	v15 =	vand.u32 $0xFFFFFC00, v15;
	s15 =	sor.u32 s2, s6;
	s6 =	smov.u32 s9;
	v35 =	vld.idx.msk [tilespmem:v11+s1+$0x0], $0xffff;
	[tilespmem:s18+$0x0] =	vst v27;
	v11 =	vmovc v14;
	v14 =	vmovc v19  }
0x2d6: {  	s9 =	smov.u32 s10;
	v15 =	vor.u32 v21, v15;
	v19 =	vand.u32 $0x7F, v23;
	v22 =	vshll.u32 v23, $0x3;
	[tilespmem:s22+$0x0] =	vst v29;
	v26 =	vld.idx.msk [tilespmem:v26+s1+$0x0], $0xffff  }
.Ltmp6:
0x2d7: {  	s10 =	sor.u32 $0x6200, s4;
	v21 =	vand.u32 $0xFFFFFC00, v22;
	v28 =	vld.idx.msk [tilespmem:v31+s1+$0x0], $0xffff;
	(pc) =	sbr.rel @p1 .LBB2_10-.Ltmp6, $4  }
0x2d8: {  	v31 =	vor.u32 v19, v21;
	[tilespmem:s15+$0x0] =	vst v24;
	s15 =	sor.u32 s26, s10;
	s10 =	sor.u32 s16, s10;
	v25 =	vld.idx.msk [tilespmem:v6+s1+$0x0], $0xffff;
	v6 =	vmovc v7;
	v7 =	vmov v9;
	v9 =	vmov v13  }
0x2d9: {  	v30 =	vor.u32 $0x180, v5;
	v24 =	vor.u32 $0x80, v31;
	v23 =	vld.idx.msk [tilespmem:v20+s1+$0x0], $0xffff;
	v20 =	vor.u32 $0x100, v31;
	[tilespmem:s10+$0x0] =	vst v32  }
0x2da: {  	v22 =	vor.u32 $0x180, v31;
	v29 =	vor.u32 $0x200, v31;
	v19 =	vor.u32 $0x280, v31;
	[tilespmem:s11+$0x0] =	vst v33;
	v27 =	vld.idx.msk [tilespmem:v34+s1+$0x0], $0xffff;
	s11 =	sor.u32 $0x6380, s3;
	s3 =	smov.u32 s4;
	s4 =	smov.u32 s5  }
0x2db: {  	s20 =	sadd.s32 $0x20, s20;
	v21 =	vor.u32 $0x300, v31;
	v13 =	vor.u32 $0x380, v31;
	v32 =	vld.idx.msk [tilespmem:v15+s1+$0x0], $0xffff;
	s18 =	sor.u32 $0x6100, s4;
	[tilespmem:s0+$0x0] =	vst v35;
	s0 =	sor.u32 s21, s11  }
0x2dc: {  	_ =	sdelay $0x3  }
0x2dd: {  	v33 =	vor.u32 $0x80, v15;
	v31 =	vld.idx.msk [tilespmem:v31+s1+$0x0], $0xffff;
	_ =	sdelay $0x1  }
0x2de: {  	s5 =	sor.u32 $0x6000, s8  }
0x2df: {  	s10 =	sor.u32 s9, s5  }
0x2e0: {  	s5 =	sor.u32 s7, s5;
	[tilespmem:s10+$0x0] =	vst v32  }
0x2e1: {  	v32 =	vld.idx.msk [tilespmem:v33+s1+$0x0], $0xffff;
	[tilespmem:s5+$0x0] =	vst v31  }
0x2e2: {  	v31 =	vor.u32 $0x100, v15;
	v24 =	vld.idx.msk [tilespmem:v24+s1+$0x0], $0xffff;
	_ =	sdelay $0x1  }
0x2e3: {  	s25 =	sor.u32 $0x6080, s8  }
0x2e4: {  	s28 =	sor.u32 s9, s25  }
0x2e5: {  	s5 =	sor.u32 s7, s25;
	[tilespmem:s28+$0x0] =	vst v32  }
0x2e6: {  	v31 =	vld.idx.msk [tilespmem:v31+s1+$0x0], $0xffff;
	[tilespmem:s5+$0x0] =	vst v24  }
0x2e7: {  	v24 =	vor.u32 $0x180, v15;
	v20 =	vld.idx.msk [tilespmem:v20+s1+$0x0], $0xffff  }
0x2e8: {  	[tilespmem:s0+$0x0] =	vst v26;
	s10 =	sor.u32 s6, s18  }
0x2e9: {  	s13 =	sor.u32 $0x6100, s8;
	s20 =	sor.u32 s2, s18;
	[tilespmem:s10+$0x0] =	vst v28  }
0x2ea: {  	s19 =	sor.u32 s9, s13;
	[tilespmem:s20+$0x0] =	vst v23;
	v26 =	vld.idx.msk [tilespmem:v30+s1+$0x0], $0xffff  }
0x2eb: {  	s21 =	sor.u32 s7, s13;
	v18 =	vld.idx.msk [tilespmem:v18+s1+$0x0], $0xffff;
	v28 =	vor.u32 $0x200, v5;
	[tilespmem:s19+$0x0] =	vst v31  }
0x2ec: {  	s0 =	sor.u32 $0x6280, s3;
	v23 =	vld.idx.msk [tilespmem:v24+s1+$0x0], $0xffff;
	[tilespmem:s21+$0x0] =	vst v20  }
0x2ed: {  	s22 =	sor.u32 $0x6180, s4;
	[tilespmem:s14+$0x0] =	vst v25;
	s13 =	sor.u32 s16, s0;
	v24 =	vor.u32 $0x200, v15;
	v20 =	vld.idx.msk [tilespmem:v22+s1+$0x0], $0xffff  }
0x2ee: {  	v16 =	vld.idx.msk [tilespmem:v16+s1+$0x0], $0xffff;
	s23 =	sor.u32 s6, s22;
	[tilespmem:s13+$0x0] =	vst v27  }
0x2ef: {  	v12 =	vld.idx.msk [tilespmem:v12+s1+$0x0], $0xffff;
	s25 =	sor.u32 $0x6180, s8;
	[tilespmem:s23+$0x0] =	vst v26;
	s5 =	sor.u32 s2, s22;
	v22 =	vor.u32 $0x300, v4  }
0x2f0: {  	s28 =	sor.u32 s9, s25;
	v25 =	vld.idx.msk [tilespmem:v28+s1+$0x0], $0xffff;
	[tilespmem:s5+$0x0] =	vst v18  }
0x2f1: {  	s13 =	sor.u32 s7, s25;
	v26 =	vor.u32 $0x280, v5;
	v17 =	vld.idx.msk [tilespmem:v17+s1+$0x0], $0xffff;
	[tilespmem:s28+$0x0] =	vst v23  }
0x2f2: {  	v18 =	vld.idx.msk [tilespmem:v24+s1+$0x0], $0xffff;
	[tilespmem:s13+$0x0] =	vst v20  }
0x2f3: {  	s14 =	sor.u32 $0x6200, s4;
	[tilespmem:s15+$0x0] =	vst v16;
	v23 =	vor.u32 $0x280, v15;
	v16 =	vld.idx.msk [tilespmem:v29+s1+$0x0], $0xffff  }
0x2f4: {  	s18 =	sor.u32 s6, s14;
	[tilespmem:s12+$0x0] =	vst v12;
	v20 =	vld.idx.msk [tilespmem:v22+s1+$0x0], $0xffff  }
0x2f5: {  	s10 =	sor.u32 s2, s14;
	v11 =	vld.idx.msk [tilespmem:v11+s1+$0x0], $0xffff;
	s19 =	sor.u32 $0x6200, s8;
	[tilespmem:s18+$0x0] =	vst v25;
	v4 =	vor.u32 $0x380, v4  }
0x2f6: {  	s20 =	sor.u32 s9, s19;
	v12 =	vld.idx.msk [tilespmem:v26+s1+$0x0], $0xffff;
	[tilespmem:s10+$0x0] =	vst v17  }
0x2f7: {  	s21 =	sor.u32 $0x6300, s3;
	s5 =	sor.u32 s7, s19;
	v14 =	vld.idx.msk [tilespmem:v14+s1+$0x0], $0xffff;
	v22 =	vor.u32 $0x300, v5;
	[tilespmem:s20+$0x0] =	vst v18  }
0x2f8: {  	s22 =	sor.u32 s16, s21;
	v17 =	vld.idx.msk [tilespmem:v23+s1+$0x0], $0xffff;
	[tilespmem:s5+$0x0] =	vst v16  }
0x2f9: {  	s0 =	sor.u32 s26, s0;
	s23 =	sor.u32 $0x6280, s4;
	v18 =	vor.u32 $0x300, v15;
	[tilespmem:s22+$0x0] =	vst v20;
	v16 =	vld.idx.msk [tilespmem:v19+s1+$0x0], $0xffff  }
0x2fa: {  	[tilespmem:s0+$0x0] =	vst v11;
	s25 =	sor.u32 s6, s23;
	v4 =	vld.idx.msk [tilespmem:v4+s1+$0x0], $0xffff  }
0x2fb: {  	v8 =	vld.idx.msk [tilespmem:v8+s1+$0x0], $0xffff;
	s28 =	sor.u32 $0x6280, s8;
	[tilespmem:s25+$0x0] =	vst v12;
	s13 =	sor.u32 s2, s23  }
0x2fc: {  	s10 =	sor.u32 s9, s28;
	[tilespmem:s13+$0x0] =	vst v14;
	v11 =	vld.idx.msk [tilespmem:v22+s1+$0x0], $0xffff  }
0x2fd: {  	s14 =	sor.u32 $0x6380, s3;
	v5 =	vor.u32 $0x380, v5;
	s15 =	sor.u32 s7, s28;
	v10 =	vld.idx.msk [tilespmem:v10+s1+$0x0], $0xffff;
	[tilespmem:s10+$0x0] =	vst v17  }
0x2fe: {  	s18 =	sor.u32 s16, s14;
	v12 =	vld.idx.msk [tilespmem:v18+s1+$0x0], $0xffff;
	[tilespmem:s15+$0x0] =	vst v16  }
0x2ff: {  	s19 =	sor.u32 $0x6300, s4;
	s21 =	sor.u32 s26, s21;
	v14 =	vor.u32 $0x380, v15;
	[tilespmem:s18+$0x0] =	vst v4;
	v4 =	vld.idx.msk [tilespmem:v21+s1+$0x0], $0xffff  }
0x300: {  	v6 =	vld.idx.msk [tilespmem:v6+s1+$0x0], $0xffff;
	[tilespmem:s21+$0x0] =	vst v8;
	s20 =	sor.u32 s6, s19  }
0x301: {  	v7 =	vld.idx.msk [tilespmem:v7+s1+$0x0], $0xffff;
	s22 =	sor.u32 $0x6300, s8;
	[tilespmem:s20+$0x0] =	vst v11;
	s10 =	sor.u32 s2, s19  }
0x302: {  	s23 =	sor.u32 s9, s22;
	v5 =	vld.idx.msk [tilespmem:v5+s1+$0x0], $0xffff;
	[tilespmem:s10+$0x0] =	vst v10  }
0x303: {  	s3 =	sor.u32 s7, s22;
	v9 =	vld.idx.msk [tilespmem:v9+s1+$0x0], $0xffff;
	[tilespmem:s23+$0x0] =	vst v12  }
0x304: {  	s24 =	sor.u32 s24, s11;
	v8 =	vld.idx.msk [tilespmem:v14+s1+$0x0], $0xffff;
	[tilespmem:s3+$0x0] =	vst v4  }
0x305: {  	[tilespmem:s24+$0x0] =	vst v6;
	s0 =	sor.u32 s26, s14;
	s25 =	sor.u32 $0x6380, s4;
	v4 =	vld.idx.msk [tilespmem:v13+s1+$0x0], $0xffff  }
0x306: {  	s28 =	sor.u32 s6, s25;
	[tilespmem:s0+$0x0] =	vst v7  }
0x307: {  	s5 =	sor.u32 $0x6380, s8;
	s8 =	sor.u32 s2, s25;
	[tilespmem:s28+$0x0] =	vst v5  }
0x308: {  	s6 =	sor.u32 s9, s5;
	[tilespmem:s8+$0x0] =	vst v9  }
0x309: {  	s9 =	sor.u32 s7, s5;
	[tilespmem:s6+$0x0] =	vst v8  }
0x30a: {  	s11 =	simm.s32 $0x1;
	[tilespmem:s9+$0x0] =	vst v4  }
0x30b: {  	s13 =	simm.s32 $0x0;
	s10 =	simm.s32 $0x6000;
	s0 =	rddreg [dreg:$0xe]  }
0x30c: {  	[hbm4b:s0+s13] =	stream.linear.scatter [tilespmem:s10], [sflag:$0x2], $0x2000, $0x38;
	[tilespmem:$0xC900] =	vst v63  }
0x30d: {  	_ =	swait.ge [sflag:s11], $0x2000  }
0x30e: {  	[sflag:s11] =	ssyncset.done $0x0  }
0x30f: {  	[sflag:s11] =	ssyncadd.s32 $0xFFFFE000  }
0x310: {  	v4 =	vld [tilespmem:s17+$0x200];
	_ =	sdelay $0x4  }
0x311: {  	vm0 =	vge.s32 v4, v0;
	vm1 =	vlt.s32 v4, v1  }
0x312: {  	vm0 =	vmand vm0, vm1;
	_ =	sdelay $0x5  }
0x313: {  	[tilespmem:v4+s29+$0x0] =	vst.idx.add.s32.msk vm0, v3  }
0x314: {  	v4 =	vld [tilespmem:s17+$0x210];
	_ =	sdelay $0x4  }
0x315: {  	vm10 =	vge.s32 v4, v0;
	vm11 =	vlt.s32 v4, v1  }
0x316: {  	vm0 =	vmand vm10, vm11;
	_ =	sdelay $0x5  }
0x317: {  	[tilespmem:v4+s29+$0x0] =	vst.idx.add.s32.msk vm0, v3  }
0x318: {  	v4 =	vld [tilespmem:s17+$0x220];
	_ =	sdelay $0x4  }
0x319: {  	vm12 =	vge.s32 v4, v0;
	vm13 =	vlt.s32 v4, v1  }
0x31a: {  	vm0 =	vmand vm12, vm13;
	_ =	sdelay $0x5  }
0x31b: {  	[tilespmem:v4+s29+$0x0] =	vst.idx.add.s32.msk vm0, v3  }
0x31c: {  	v4 =	vld [tilespmem:s17+$0x230];
	_ =	sdelay $0x4  }
0x31d: {  	vm14 =	vge.s32 v4, v0;
	vm15 =	vlt.s32 v4, v1  }
0x31e: {  	vm0 =	vmand vm14, vm15;
	_ =	sdelay $0x3  }
0x31f: {  	s12 =	sand.u32 $0x60, s13  }
0x320: {  	s14 =	sand.u32 $0x1C00, s13;
	s15 =	sor.u32 $0x10, s12  }
0x321: {  	s16 =	sor.u32 s15, s14;
	[tilespmem:v4+s29+$0x0] =	vst.idx.add.s32.msk vm0, v3  }
0x322: {  	v4 =	vld [tilespmem:s16+$0x2200];
	_ =	sdelay $0x4  }
0x323: {  	v5 =	vshll.u32 v4, $0x3  }
0x324: {  	s10 =	sor.u32 s12, s14;
	v4 =	vand.u32 $0x7F, v4;
	v5 =	vand.u32 $0xFFFFFC00, v5  }
0x325: {  	v5 =	vor.u32 v4, v5;
	v4 =	vld [tilespmem:s10+$0x2200];
	_ =	sdelay $0x2  }
0x326: {  	s19 =	simm.s32 $0x20  }
0x327: {  	s24 =	simm.s32 $0x100;
	s17 =	sand.u32 $0x60, s19  }
0x328: {  	s22 =	sand.u32 $0x1C00, s24;
	s23 =	sor.u32 $0x10, s17;
	v7 =	vld.idx.msk [tilespmem:v5+s1+$0x0], $0xffff;
	v6 =	vshll.u32 v4, $0x3  }
0x329: {  	s9 =	sor.u32 s23, s22;
	v8 =	vor.u32 $0x80, v5;
	v4 =	vand.u32 $0x7F, v4;
	v6 =	vand.u32 $0xFFFFFC00, v6  }
0x32a: {  	v6 =	vor.u32 v4, v6;
	v4 =	vld [tilespmem:s9+$0x2200]  }
0x32b: {  	s2 =	sor.u32 $0x4000, s14  }
0x32c: {  	s6 =	sor.u32 s15, s2;
	s14 =	sor.u32 s17, s22  }
0x32d: {  	[tilespmem:s6+$0x0] =	vst v7;
	v7 =	vld [tilespmem:s14+$0x2200]  }
0x32e: {  	v9 =	vld.idx.msk [tilespmem:v8+s1+$0x0], $0xffff  }
0x32f: {  	v10 =	vor.u32 $0x100, v5;
	v11 =	vld.idx.msk [tilespmem:v6+s1+$0x0], $0xffff;
	v8 =	vshll.u32 v4, $0x3  }
0x330: {  	v12 =	vor.u32 $0x80, v6;
	v4 =	vand.u32 $0x7F, v4;
	v8 =	vand.u32 $0xFFFFFC00, v8  }
0x331: {  	v8 =	vor.u32 v4, v8  }
0x332: {  	v13 =	vshll.u32 v7, $0x3  }
0x333: {  	s11 =	sor.u32 s12, s2;
	v7 =	vand.u32 $0x7F, v7;
	[tilespmem:s6+$0x80] =	vst v9;
	v4 =	vand.u32 $0xFFFFFC00, v13  }
0x334: {  	v9 =	vld.idx.msk [tilespmem:v10+s1+$0x0], $0xffff;
	v7 =	vor.u32 v7, v4;
	[tilespmem:s11+$0x0] =	vst v11  }
0x335: {  	v4 =	vor.u32 $0x180, v5;
	v10 =	vld.idx.msk [tilespmem:v12+s1+$0x0], $0xffff  }
0x336: {  	v12 =	vld.idx.msk [tilespmem:v8+s1+$0x0], $0xffff  }
0x337: {  	s26 =	simm.s32 $0x40;
	v11 =	vor.u32 $0x100, v6  }
0x338: {  	s18 =	sand.u32 $0x60, s26;
	s2 =	simm.s32 $0x200  }
0x339: {  	s7 =	sor.u32 $0x4000, s22;
	s20 =	sor.u32 $0x10, s18;
	s25 =	sand.u32 $0x1C00, s2;
	v14 =	vor.u32 $0x80, v8;
	v13 =	vld.idx.msk [tilespmem:v7+s1+$0x0], $0xffff;
	[tilespmem:s6+$0x100] =	vst v9  }
0x33a: {  	s30 =	sor.u32 s20, s25;
	s0 =	sor.u32 s23, s7;
	v4 =	vld.idx.msk [tilespmem:v4+s1+$0x0], $0xffff;
	[tilespmem:s11+$0x80] =	vst v10  }
0x33b: {  	s21 =	sor.u32 s18, s25;
	v15 =	vor.u32 $0x200, v5;
	v10 =	vld [tilespmem:s30+$0x2200];
	[tilespmem:s0+$0x0] =	vst v12  }
0x33c: {  	v11 =	vld.idx.msk [tilespmem:v11+s1+$0x0], $0xffff;
	[dreg:$0x4] =	wrdreg s21  }
0x33d: {  	s23 =	sor.u32 s17, s7;
	v9 =	vor.u32 $0x80, v7;
	v12 =	vld [tilespmem:s21+$0x2200]  }
0x33e: {  	v16 =	vor.u32 $0x180, v6;
	v14 =	vld.idx.msk [tilespmem:v14+s1+$0x0], $0xffff;
	[tilespmem:s23+$0x0] =	vst v13  }
0x33f: {  	v13 =	vor.u32 $0x100, v8;
	[tilespmem:s6+$0x180] =	vst v4  }
0x340: {  	v4 =	vshll.u32 v10, $0x3;
	v15 =	vld.idx.msk [tilespmem:v15+s1+$0x0], $0xffff  }
0x341: {  	s31 =	simm.s32 $0x60;
	v18 =	vor.u32 $0x280, v5;
	v10 =	vand.u32 $0x7F, v10;
	v4 =	vand.u32 $0xFFFFFC00, v4  }
0x342: {  	s12 =	sand.u32 $0x60, s31;
	s17 =	simm.s32 $0x300;
	v9 =	vld.idx.msk [tilespmem:v9+s1+$0x0], $0xffff;
	[tilespmem:s11+$0x100] =	vst v11;
	v4 =	vor.u32 v10, v4;
	v11 =	vshll.u32 v12, $0x3  }
0x343: {  	s15 =	sor.u32 $0x10, s12;
	s28 =	sand.u32 $0x1C00, s17;
	v17 =	vor.u32 $0x100, v7;
	v16 =	vld.idx.msk [tilespmem:v16+s1+$0x0], $0xffff;
	v12 =	vand.u32 $0x7F, v12;
	[tilespmem:s0+$0x80] =	vst v14;
	v11 =	vand.u32 $0xFFFFFC00, v11  }
0x344: {  	s7 =	sor.u32 s15, s28;
	v13 =	vld.idx.msk [tilespmem:v13+s1+$0x0], $0xffff;
	v11 =	vor.u32 v12, v11  }
0x345: {  	v19 =	vld [tilespmem:s7+$0x2200];
	v12 =	vor.u32 $0x180, v8;
	[tilespmem:s16+$0x4200] =	vst v15  }
0x346: {  	v10 =	vor.u32 $0x200, v6;
	v14 =	vld.idx.msk [tilespmem:v18+s1+$0x0], $0xffff  }
0x347: {  	[tilespmem:s23+$0x80] =	vst v9;
	v15 =	vld.idx.msk [tilespmem:v4+s1+$0x0], $0xffff  }
0x348: {  	v9 =	vld.idx.msk [tilespmem:v17+s1+$0x0], $0xffff;
	[tilespmem:s11+$0x180] =	vst v16;
	v18 =	vor.u32 $0x80, v4  }
0x349: {  	v16 =	vor.u32 $0x300, v5;
	[tilespmem:s0+$0x100] =	vst v13;
	v17 =	vld.idx.msk [tilespmem:v11+s1+$0x0], $0xffff  }
0x34a: {  	s22 =	sor.u32 $0x4000, s25;
	v13 =	vor.u32 $0x80, v11;
	v12 =	vld.idx.msk [tilespmem:v12+s1+$0x0], $0xffff  }
0x34b: {  	s8 =	sor.u32 s12, s28;
	v20 =	vor.u32 $0x200, v8;
	s16 =	sor.u32 s20, s22;
	v10 =	vld.idx.msk [tilespmem:v10+s1+$0x0], $0xffff;
	[tilespmem:s6+$0x280] =	vst v14  }
0x34c: {  	v14 =	vor.u32 $0x180, v7;
	[tilespmem:s16+$0x0] =	vst v15;
	v15 =	vld [tilespmem:s8+$0x2200]  }
0x34d: {  	v21 =	vor.u32 $0x280, v6;
	s6 =	sor.u32 s18, s22;
	v18 =	vld.idx.msk [tilespmem:v18+s1+$0x0], $0xffff  }
0x34e: {  	s25 =	sand.u32 $0x3, s13;
	v22 =	vor.u32 $0x100, v4;
	v16 =	vld.idx.msk [tilespmem:v16+s1+$0x0], $0xffff;
	[tilespmem:s6+$0x0] =	vst v17  }
0x34f: {  	s5 =	sshll.u32 s25, $0x5;
	v17 =	vor.u32 $0x380, v5;
	[tilespmem:s0+$0x180] =	vst v12;
	v13 =	vld.idx.msk [tilespmem:v13+s1+$0x0], $0xffff  }
0x350: {  	[tilespmem:s23+$0x100] =	vst v9;
	s18 =	sadd.s32 $0x0, s5;
	v12 =	vor.u32 $0x100, v11;
	v9 =	vld.idx.msk [tilespmem:v20+s1+$0x0], $0xffff  }
0x351: {  	s5 =	sadd.s32 $0x10, s18;
	[tilespmem:s10+$0x4200] =	vst v10;
	v5 =	vshll.u32 v19, $0x3;
	v10 =	vld.idx.msk [tilespmem:v14+s1+$0x0], $0xffff;
	v14 =	vand.u32 $0x7F, v19;
	v19 =	vor.u32 $0x280, v8  }
0x352: {  	s3 =	sor.u32 $0x300, s5;
	v5 =	vand.u32 $0xFFFFFC00, v5;
	v20 =	vld.idx.msk [tilespmem:v21+s1+$0x0], $0xffff;
	[tilespmem:s16+$0x80] =	vst v18  }
0x353: {  	[tilespmem:s3+$0x4000] =	vst v16;
	v16 =	vshll.u32 v15, $0x3;
	v5 =	vor.u32 v14, v5;
	v18 =	vld.idx.msk [tilespmem:v22+s1+$0x0], $0xffff  }
0x354: {  	s25 =	simm.s32 $0x80;
	s21 =	simm.s32 $0x400;
	v14 =	vor.u32 $0x200, v7;
	v15 =	vand.u32 $0x7F, v15;
	v16 =	vand.u32 $0xFFFFFC00, v16;
	v17 =	vld.idx.msk [tilespmem:v17+s1+$0x0], $0xffff;
	[tilespmem:s6+$0x80] =	vst v13  }
0x355: {  	s4 =	sor.u32 $0x4000, s28;
	s29 =	sand.u32 $0x1C00, s21;
	s20 =	sand.u32 $0x60, s25;
	v21 =	vor.u32 v15, v16;
	[tilespmem:s9+$0x4200] =	vst v9;
	v13 =	vld.idx.msk [tilespmem:v12+s1+$0x0], $0xffff  }
0x356: {  	v9 =	vor.u32 $0x300, v6;
	s9 =	sor.u32 s12, s4;
	s12 =	sor.u32 s20, s29;
	v15 =	vld.idx.msk [tilespmem:v19+s1+$0x0], $0xffff  }
0x357: {  	v24 =	vld [tilespmem:s12+$0x2200]  }
0x358: {  	v12 =	vor.u32 $0x180, v4;
	[tilespmem:s23+$0x180] =	vst v10;
	v10 =	vld.idx.msk [tilespmem:v5+s1+$0x0], $0xffff  }
0x359: {  	v16 =	vor.u32 $0x300, v8;
	[tilespmem:s11+$0x280] =	vst v20;
	v14 =	vld.idx.msk [tilespmem:v14+s1+$0x0], $0xffff  }
0x35a: {  	v23 =	vor.u32 $0x180, v11;
	s22 =	sor.u32 $0x10, s20;
	s5 =	sor.u32 $0x380, s5;
	[tilespmem:s16+$0x100] =	vst v18;
	v19 =	vld.idx.msk [tilespmem:v21+s1+$0x0], $0xffff  }
0x35b: {  	v22 =	vor.u32 $0x80, v5;
	s11 =	sor.u32 s22, s29;
	[tilespmem:s5+$0x4000] =	vst v17;
	v20 =	vld.idx.msk [tilespmem:v9+s1+$0x0], $0xffff  }
0x35c: {  	v17 =	vor.u32 $0x280, v7;
	v9 =	vld [tilespmem:s11+$0x2200];
	[tilespmem:s0+$0x280] =	vst v15  }
0x35d: {  	s10 =	sor.u32 s15, s4;
	s15 =	simm.s32 $0x1;
	v18 =	vor.u32 $0x80, v21;
	v12 =	vld.idx.msk [tilespmem:v12+s1+$0x0], $0xffff;
	[tilespmem:s6+$0x100] =	vst v13  }
0x35e: {  	s28 =	sand.u32 $0x3, s15;
	v15 =	vor.u32 $0x200, v4;
	[tilespmem:s10+$0x0] =	vst v10;
	v16 =	vld.idx.msk [tilespmem:v16+s1+$0x0], $0xffff  }
0x35f: {  	v8 =	vor.u32 $0x380, v8;
	s0 =	sshll.u32 s28, $0x5;
	[tilespmem:s14+$0x4200] =	vst v14;
	v29 =	vld.idx.msk [tilespmem:v23+s1+$0x0], $0xffff  }
0x360: {  	v62 =	vor.u32 $0x280, v4;
	v28 =	vor.u32 $0x200, v11;
	s4 =	sor.u32 $0x300, s18;
	s5 =	sadd.s32 $0x100, s0;
	v22 =	vld.idx.msk [tilespmem:v22+s1+$0x0], $0xffff;
	[tilespmem:s9+$0x0] =	vst v19  }
0x361: {  	v25 =	vor.u32 $0x100, v5;
	v30 =	vor.u32 $0x180, v5;
	v10 =	vor.u32 $0x280, v11;
	s28 =	sadd.s32 $0x10, s5;
	v63 =	vld.idx.msk [tilespmem:v17+s1+$0x0], $0xffff;
	[tilespmem:s4+$0x4000] =	vst v20  }
0x362: {  	v14 =	vor.u32 $0x100, v21;
	v19 =	vor.u32 $0x380, v6;
	v6 =	vor.u32 $0x380, v7;
	s3 =	sor.u32 $0x300, s28;
	v18 =	vld.idx.msk [tilespmem:v18+s1+$0x0], $0xffff;
	[tilespmem:s16+$0x180] =	vst v12  }
0x363: {  	v17 =	vor.u32 $0x180, v21;
	v12 =	vor.u32 $0x300, v7;
	v7 =	vshll.u32 v9, $0x3;
	v27 =	vld.idx.msk [tilespmem:v15+s1+$0x0], $0xffff;
	[tilespmem:s3+$0x4000] =	vst v16  }
0x364: {  	v13 =	vand.u32 $0x7F, v9;
	v20 =	vand.u32 $0x7F, v24;
	v15 =	vand.u32 $0xFFFFFC00, v7;
	[tilespmem:s6+$0x180] =	vst v29;
	v34 =	vld.idx.msk [tilespmem:v8+s1+$0x0], $0xffff  }
0x365: {  	s25 =	sor.u32 s21, s25;
	s18 =	sor.u32 s24, s19;
	v9 =	vor.u32 $0x300, v11;
	v15 =	vor.u32 v13, v15;
	[tilespmem:s10+$0x80] =	vst v22;
	v8 =	vshll.u32 v24, $0x3;
	v28 =	vld.idx.msk [tilespmem:v28+s1+$0x0], $0xffff  }
0x366: {  	s19 =	sor.u32 s2, s26;
	s24 =	sor.u32 s17, s31;
	s31 =	simm.s32 $0xA0;
	v7 =	vor.u32 $0x380, v11;
	v16 =	vor.u32 $0x200, v21;
	v25 =	vld.idx.msk [tilespmem:v25+s1+$0x0], $0xffff;
	v22 =	vand.u32 $0xFFFFFC00, v8  }
0x367: {  	s26 =	sor.u32 $0x380, s19;
	s24 =	sor.u32 $0x380, s24;
	s14 =	sor.u32 s13, s13;
	v11 =	vor.u32 $0x300, v21;
	v29 =	vor.u32 $0x300, v4;
	v24 =	vld.idx.msk [tilespmem:v19+s1+$0x0], $0xffff;
	[tilespmem:s9+$0x80] =	vst v18;
	v31 =	vor.u32 v20, v22  }
0x368: {  	s19 =	sor.u32 $0x380, s25;
	s13 =	sor.u32 $0x380, s18;
	s0 =	sor.u32 $0x380, s14;
	v13 =	vor.u32 $0x280, v21;
	v8 =	vor.u32 $0x380, v21;
	v26 =	vld.idx.msk [tilespmem:v14+s1+$0x0], $0xffff;
	v23 =	vor.u32 $0x80, v31;
	[tilespmem:s30+$0x4200] =	vst v27  }
0x369: {  	s14 =	sor.u32 $0x300, s5;
	s28 =	sor.u32 $0x380, s28;
	s4 =	simm.s32 $0x300;
	[tilespmem:s23+$0x280] =	vst v63;
	v20 =	vor.u32 $0x100, v31;
	v22 =	vor.u32 $0x180, v31;
	v18 =	vor.u32 $0x200, v31;
	v27 =	vld.idx.msk [tilespmem:v62+s1+$0x0], $0xffff  }
0x36a: {  	s3 =	simm.s32 $0x200;
	s23 =	simm.s32 $0x400;
	v19 =	vor.u32 $0x280, v31;
	v21 =	vor.u32 $0x300, v31;
	v14 =	vor.u32 $0x380, v31;
	s30 =	simm.s32 $0x8;
	v32 =	vld.idx.msk [tilespmem:v15+s1+$0x0], $0xffff;
	[tilespmem:s28+$0x4000] =	vst v34  }
.LBB2_12:
0x36b: {  	[tilespmem:s10+$0x100] =	vst v25  }
0x36c: {  	s5 =	sand.u32 $0x60, s31;
	v31 =	vld.idx.msk [tilespmem:v31+s1+$0x0], $0xffff;
	s21 =	sadd.s32 $0x100, s21;
	[tilespmem:s0+$0x4000] =	vst v24  }
0x36d: {  	v33 =	vor.u32 $0x80, v15;
	s28 =	sand.u32 $0x1C00, s21;
	s17 =	sor.u32 $0x10, s5;
	v25 =	vld.idx.msk [tilespmem:v30+s1+$0x0], $0xffff;
	[tilespmem:s9+$0x100] =	vst v26  }
0x36e: {  	s25 =	sor.u32 s17, s28;
	s0 =	sor.u32 $0x4000, s29;
	v24 =	vld.idx.msk [tilespmem:v12+s1+$0x0], $0xffff  }
0x36f: {  	s15 =	sadd.s32 $0x1, s15;
	s18 =	sor.u32 s20, s0;
	s0 =	sor.u32 s22, s0;
	v12 =	vmov v9;
	v9 =	vmov v11;
	v11 =	vmov v21;
	v21 =	vld [tilespmem:s25+$0x2200];
	[tilespmem:s16+$0x280] =	vst v27  }
0x370: {  	s2 =	sor.u32 s5, s28;
	v26 =	vor.u32 $0x200, v5;
	s22 =	sor.u32 s21, s31;
	s20 =	smov.u32 s5;
	[tilespmem:s0+$0x0] =	vst v32  }
0x371: {  	s5 =	sor.u32 $0x380, s22;
	s16 =	sand.u32 $0x3, s15;
	s22 =	rddreg [dreg:$0x4];
	v27 =	vld.idx.msk [tilespmem:v29+s1+$0x0], $0xffff  }
0x372: {  	v29 =	vld.idx.msk [tilespmem:v33+s1+$0x0], $0xffff;
	[tilespmem:s22+$0x4200] =	vst v28;
	s16 =	sshll.u32 s16, $0x5  }
0x373: {  	s29 =	smov.u32 s28;
	v30 =	vor.u32 $0x380, v4;
	v4 =	vmov v5;
	v5 =	vmov v15;
	v28 =	vld [tilespmem:s2+$0x2200];
	[tilespmem:s18+$0x0] =	vst v31;
	s16 =	sadd.s32 s16, s3  }
0x374: {  	s28 =	smov.u32 s8;
	s22 =	smov.u32 s17;
	v31 =	vor.u32 $0x100, v5;
	v23 =	vld.idx.msk [tilespmem:v23+s1+$0x0], $0xffff;
	[tilespmem:s10+$0x180] =	vst v25;
	s17 =	sadd.s32 $0x10, s16  }
0x375: {  	[dreg:$0x4] =	wrdreg s28;
	v32 =	vld.idx.msk [tilespmem:v26+s1+$0x0], $0xffff;
	s28 =	sor.u32 $0x300, s17;
	[tilespmem:s14+$0x4000] =	vst v24  }
0x376: {  	s14 =	sor.u32 $0x300, s16;
	v15 =	vshll.u32 v21, $0x3;
	s16 =	smov.u32 s10;
	s10 =	smov.u32 s0;
	v63 =	vld.idx.msk [tilespmem:v17+s1+$0x0], $0xffff;
	[tilespmem:s28+$0x4000] =	vst v27  }
0x377: {  	v34 =	vor.u32 $0x280, v4;
	v21 =	vand.u32 $0x7F, v21;
	v15 =	vand.u32 $0xFFFFFC00, v15;
	v35 =	vld.idx.msk [tilespmem:v10+s1+$0x0], $0xffff;
	[tilespmem:s10+$0x80] =	vst v29  }
0x378: {  	s30 =	sadd.s32 $0x2, s30;
	v15 =	vor.u32 v21, v15;
	v36 =	vld.idx.msk [tilespmem:v30+s1+$0x0], $0xffff  }
0x379: {  	p1 =	slt.u32 s30, $0x3E;
	s8 =	smov.u32 s12;
	s12 =	smov.u32 s2;
	v17 =	vmov v22;
	v22 =	vshll.u32 v28, $0x3;
	v25 =	vld.idx.msk [tilespmem:v31+s1+$0x0], $0xffff;
	[tilespmem:s18+$0x80] =	vst v23  }
.Ltmp7:
0x37a: {  	s31 =	sadd.s32 $0x20, s31;
	s3 =	smov.u32 s4;
	v10 =	vmovc v13;
	v13 =	vmov v19;
	v19 =	vand.u32 $0x7F, v28;
	v21 =	vand.u32 $0xFFFFFC00, v22;
	v24 =	vld.idx.msk [tilespmem:v6+s1+$0x0], $0xffff;
	(pc) =	sbr.rel @p1 .LBB2_12-.Ltmp7, $4  }
0x37b: {  	s4 =	smov.u32 s23;
	s23 =	smov.u32 s21;
	s0 =	smov.u32 s13;
	v31 =	vor.u32 v19, v21;
	v26 =	vld.idx.msk [tilespmem:v20+s1+$0x0], $0xffff;
	[tilespmem:s7+$0x4200] =	vst v32  }
0x37c: {  	s13 =	smov.u32 s26;
	s26 =	smov.u32 s24;
	s24 =	smov.u32 s19;
	v29 =	vor.u32 $0x300, v4;
	v30 =	vor.u32 $0x180, v5;
	v6 =	vmovc v7;
	v23 =	vor.u32 $0x80, v31;
	v27 =	vld.idx.msk [tilespmem:v34+s1+$0x0], $0xffff;
	[tilespmem:s9+$0x180] =	vst v63  }
0x37d: {  	s19 =	smov.u32 s5;
	s28 =	sor.u32 $0x380, s17;
	v7 =	vmovc v8;
	v8 =	vmovc v14;
	s7 =	smov.u32 s11;
	v20 =	vor.u32 $0x100, v31;
	v22 =	vor.u32 $0x180, v31;
	v37 =	vor.u32 $0x200, v31;
	[tilespmem:s6+$0x280] =	vst v35;
	v32 =	vld.idx.msk [tilespmem:v15+s1+$0x0], $0xffff  }
0x37e: {  	s11 =	smov.u32 s25;
	v19 =	vor.u32 $0x280, v31;
	v21 =	vor.u32 $0x300, v31;
	v14 =	vor.u32 $0x380, v31;
	s6 =	smov.u32 s9;
	s9 =	smov.u32 s18;
	v28 =	vld.idx.msk [tilespmem:v16+s1+$0x0], $0xffff;
	v16 =	vmovc v18;
	v18 =	vmovc v37;
	[tilespmem:s28+$0x4000] =	vst v36  }
0x37f: {  	_ =	sdelay $0x3  }
0x380: {  	v33 =	vor.u32 $0x80, v15;
	v31 =	vld.idx.msk [tilespmem:v31+s1+$0x0], $0xffff;
	_ =	sdelay $0x1  }
0x381: {  	s2 =	sor.u32 $0x4000, s29  }
0x382: {  	s21 =	sor.u32 s22, s2  }
0x383: {  	s18 =	sor.u32 s20, s2;
	[tilespmem:s21+$0x0] =	vst v32  }
0x384: {  	v32 =	vld.idx.msk [tilespmem:v33+s1+$0x0], $0xffff;
	[tilespmem:s18+$0x0] =	vst v31  }
0x385: {  	v31 =	vor.u32 $0x100, v15;
	v23 =	vld.idx.msk [tilespmem:v23+s1+$0x0], $0xffff;
	_ =	sdelay $0x3  }
0x386: {  	[tilespmem:s21+$0x80] =	vst v32  }
0x387: {  	v31 =	vld.idx.msk [tilespmem:v31+s1+$0x0], $0xffff;
	[tilespmem:s18+$0x80] =	vst v23  }
0x388: {  	[tilespmem:s10+$0x100] =	vst v25;
	v23 =	vor.u32 $0x180, v15;
	v20 =	vld.idx.msk [tilespmem:v20+s1+$0x0], $0xffff  }
0x389: {  	v25 =	vld.idx.msk [tilespmem:v30+s1+$0x0], $0xffff  }
0x38a: {  	v30 =	vor.u32 $0x200, v5;
	[tilespmem:s9+$0x100] =	vst v26  }
0x38b: {  	v17 =	vld.idx.msk [tilespmem:v17+s1+$0x0], $0xffff  }
0x38c: {  	[tilespmem:s21+$0x100] =	vst v31  }
0x38d: {  	v23 =	vld.idx.msk [tilespmem:v23+s1+$0x0], $0xffff;
	[tilespmem:s18+$0x100] =	vst v20  }
0x38e: {  	[tilespmem:s10+$0x180] =	vst v25;
	v20 =	vor.u32 $0x200, v15;
	v22 =	vld.idx.msk [tilespmem:v22+s1+$0x0], $0xffff  }
0x38f: {  	[tilespmem:s0+$0x4000] =	vst v24;
	v24 =	vld.idx.msk [tilespmem:v30+s1+$0x0], $0xffff  }
0x390: {  	v12 =	vld.idx.msk [tilespmem:v12+s1+$0x0], $0xffff;
	[tilespmem:s9+$0x180] =	vst v17  }
0x391: {  	[tilespmem:s16+$0x280] =	vst v27;
	v25 =	vor.u32 $0x280, v5;
	v16 =	vld.idx.msk [tilespmem:v16+s1+$0x0], $0xffff  }
0x392: {  	[tilespmem:s21+$0x180] =	vst v23  }
0x393: {  	s30 =	sadd.s32 $0x1, s15;
	v17 =	vld.idx.msk [tilespmem:v20+s1+$0x0], $0xffff;
	[tilespmem:s18+$0x180] =	vst v22  }
0x394: {  	s5 =	sand.u32 $0x3, s30;
	v22 =	vld.idx.msk [tilespmem:v29+s1+$0x0], $0xffff;
	s31 =	rddreg [dreg:$0x4];
	[tilespmem:s7+$0x4200] =	vst v24  }
0x395: {  	s2 =	sshll.u32 s5, $0x5;
	v20 =	vor.u32 $0x280, v15;
	v18 =	vld.idx.msk [tilespmem:v18+s1+$0x0], $0xffff;
	[tilespmem:s14+$0x4000] =	vst v12  }
0x396: {  	s2 =	sadd.s32 s2, s3;
	[tilespmem:s8+$0x4200] =	vst v16;
	v12 =	vld.idx.msk [tilespmem:v25+s1+$0x0], $0xffff  }
0x397: {  	v4 =	vor.u32 $0x380, v4;
	s15 =	sadd.s32 $0x10, s2;
	[tilespmem:s31+$0x4200] =	vst v28;
	v13 =	vld.idx.msk [tilespmem:v13+s1+$0x0], $0xffff  }
0x398: {  	s5 =	sor.u32 $0x300, s15;
	v23 =	vor.u32 $0x300, v5;
	v10 =	vld.idx.msk [tilespmem:v10+s1+$0x0], $0xffff;
	[tilespmem:s11+$0x4200] =	vst v17  }
0x399: {  	[tilespmem:s5+$0x4000] =	vst v22  }
0x39a: {  	v16 =	vld.idx.msk [tilespmem:v20+s1+$0x0], $0xffff;
	[tilespmem:s12+$0x4200] =	vst v18  }
0x39b: {  	v17 =	vor.u32 $0x300, v15;
	v18 =	vld.idx.msk [tilespmem:v19+s1+$0x0], $0xffff;
	[tilespmem:s10+$0x280] =	vst v12  }
0x39c: {  	s0 =	sadd.s32 $0x1, s30;
	v4 =	vld.idx.msk [tilespmem:v4+s1+$0x0], $0xffff;
	[tilespmem:s9+$0x280] =	vst v13  }
0x39d: {  	s16 =	sand.u32 $0x3, s0;
	[tilespmem:s6+$0x280] =	vst v10;
	v10 =	vld.idx.msk [tilespmem:v23+s1+$0x0], $0xffff  }
0x39e: {  	v5 =	vor.u32 $0x380, v5;
	s5 =	sshll.u32 s16, $0x5;
	v11 =	vld.idx.msk [tilespmem:v11+s1+$0x0], $0xffff  }
0x39f: {  	s0 =	sadd.s32 $0x1, s0;
	s17 =	sadd.s32 s5, s4;
	v9 =	vld.idx.msk [tilespmem:v9+s1+$0x0], $0xffff;
	[tilespmem:s21+$0x280] =	vst v16  }
0x3a0: {  	s0 =	sand.u32 $0x3, s0;
	s20 =	sor.u32 $0x380, s15;
	s5 =	sadd.s32 $0x10, s17;
	v12 =	vld.idx.msk [tilespmem:v17+s1+$0x0], $0xffff;
	[tilespmem:s18+$0x280] =	vst v18  }
0x3a1: {  	s0 =	sshll.u32 s0, $0x5;
	v13 =	vor.u32 $0x380, v15;
	[tilespmem:s20+$0x4000] =	vst v4;
	s21 =	sor.u32 $0x300, s5;
	v4 =	vld.idx.msk [tilespmem:v21+s1+$0x0], $0xffff  }
0x3a2: {  	s0 =	sadd.s32 s0, s23;
	v6 =	vld.idx.msk [tilespmem:v6+s1+$0x0], $0xffff;
	s3 =	sor.u32 $0x300, s17;
	[tilespmem:s21+$0x4000] =	vst v10  }
0x3a3: {  	s2 =	sor.u32 $0x300, s2;
	s22 =	sadd.s32 $0x10, s0;
	[tilespmem:s3+$0x4000] =	vst v11;
	v5 =	vld.idx.msk [tilespmem:v5+s1+$0x0], $0xffff  }
0x3a4: {  	s23 =	sor.u32 $0x300, s22;
	[tilespmem:s2+$0x4000] =	vst v9;
	v8 =	vld.idx.msk [tilespmem:v8+s1+$0x0], $0xffff  }
0x3a5: {  	s0 =	sor.u32 $0x300, s0;
	v7 =	vld.idx.msk [tilespmem:v7+s1+$0x0], $0xffff;
	[tilespmem:s23+$0x4000] =	vst v12  }
0x3a6: {  	v9 =	vld.idx.msk [tilespmem:v13+s1+$0x0], $0xffff;
	[tilespmem:s0+$0x4000] =	vst v4  }
0x3a7: {  	[tilespmem:s13+$0x4000] =	vst v6;
	s25 =	sor.u32 $0x380, s5;
	v4 =	vld.idx.msk [tilespmem:v14+s1+$0x0], $0xffff  }
0x3a8: {  	[tilespmem:s25+$0x4000] =	vst v5  }
0x3a9: {  	[tilespmem:s24+$0x4000] =	vst v8  }
0x3aa: {  	s29 =	sor.u32 $0x380, s22;
	[tilespmem:s26+$0x4000] =	vst v7  }
0x3ab: {  	[tilespmem:s29+$0x4000] =	vst v9  }
0x3ac: {  	s30 =	simm.s32 $0x0;
	[tilespmem:s19+$0x4000] =	vst v4  }
0x3ad: {  	s31 =	simm.s32 $0x4000;
	s4 =	simm.s32 $0x2;
	s2 =	rddreg [dreg:$0xf]  }
0x3ae: {  	[hbm4b:s2+s30] =	stream.linear.scatter [tilespmem:s31], [sflag:$0x1], $0x2000, $0x38;
	[tilespmem:$0xC900] =	vst v63  }
0x3af: {  	_ =	swait.ge [sflag:s4], $0x2000  }
0x3b0: {  	[sflag:s4] =	ssyncset.done $0x0  }
0x3b1: {  	s5 =	rddreg [dreg:$0xa];
	[sflag:s4] =	ssyncadd.s32 $0xFFFFE000  }
0x3b2: {  	v4 =	vld [tilespmem:s5+$0x280];
	_ =	sdelay $0x4  }
0x3b3: {  	vm0 =	vge.s32 v4, v0;
	vm1 =	vlt.s32 v4, v1  }
0x3b4: {  	vm0 =	vmand vm0, vm1;
	_ =	sdelay $0x4  }
0x3b5: {  	s28 =	simm.s32 $0x8000  }
0x3b6: {  	[tilespmem:v4+s28+$0x0] =	vst.idx.add.s32.msk vm0, v3  }
0x3b7: {  	v4 =	vld [tilespmem:s5+$0x290];
	_ =	sdelay $0x4  }
0x3b8: {  	vm10 =	vge.s32 v4, v0;
	vm11 =	vlt.s32 v4, v1  }
0x3b9: {  	vm0 =	vmand vm10, vm11;
	_ =	sdelay $0x5  }
0x3ba: {  	[tilespmem:v4+s28+$0x0] =	vst.idx.add.s32.msk vm0, v3  }
0x3bb: {  	v4 =	vld [tilespmem:s5+$0x2A0];
	_ =	sdelay $0x4  }
0x3bc: {  	vm12 =	vge.s32 v4, v0;
	vm13 =	vlt.s32 v4, v1  }
0x3bd: {  	vm0 =	vmand vm12, vm13;
	_ =	sdelay $0x5  }
0x3be: {  	[tilespmem:v4+s28+$0x0] =	vst.idx.add.s32.msk vm0, v3  }
0x3bf: {  	v4 =	vld [tilespmem:s5+$0x2B0];
	_ =	sdelay $0x4  }
0x3c0: {  	vm14 =	vge.s32 v4, v0;
	vm15 =	vlt.s32 v4, v1  }
0x3c1: {  	vm0 =	vmand vm14, vm15;
	_ =	sdelay $0x3  }
0x3c2: {  	s12 =	sand.u32 $0x60, s30;
	s19 =	sand.u32 $0x1C00, s30  }
0x3c3: {  	s15 =	sor.u32 $0x10, s12;
	s0 =	sor.u32 $0x2000, s19  }
0x3c4: {  	s6 =	sor.u32 s15, s0;
	[tilespmem:v4+s28+$0x0] =	vst.idx.add.s32.msk vm0, v3  }
0x3c5: {  	v4 =	vld [tilespmem:s6+$0x280];
	_ =	sdelay $0x4  }
0x3c6: {  	v5 =	vshll.u32 v4, $0x3  }
0x3c7: {  	v4 =	vand.u32 $0x7F, v4;
	v5 =	vand.u32 $0xFFFFFC00, v5  }
0x3c8: {  	s0 =	sor.u32 s12, s0;
	v5 =	vor.u32 v4, v5  }
0x3c9: {  	v4 =	vld [tilespmem:s0+$0x280];
	_ =	sdelay $0x3  }
0x3ca: {  	s7 =	simm.s32 $0x20;
	s8 =	simm.s32 $0x100;
	v7 =	vld.idx.msk [tilespmem:v5+s1+$0x0], $0xffff  }
0x3cb: {  	s11 =	sand.u32 $0x1C00, s8;
	s24 =	sand.u32 $0x60, s7;
	v8 =	vor.u32 $0x80, v5;
	v6 =	vshll.u32 v4, $0x3  }
0x3cc: {  	s9 =	sor.u32 $0x2000, s11;
	s10 =	sor.u32 $0x10, s24;
	v4 =	vand.u32 $0x7F, v4;
	v6 =	vand.u32 $0xFFFFFC00, v6  }
0x3cd: {  	s14 =	sor.u32 s10, s9;
	s13 =	sor.u32 $0x6000, s19;
	v6 =	vor.u32 v4, v6  }
0x3ce: {  	s16 =	sor.u32 s15, s13;
	s0 =	sor.u32 s24, s9;
	v4 =	vld [tilespmem:s14+$0x280]  }
0x3cf: {  	[tilespmem:s16+$0x0] =	vst v7;
	v7 =	vld [tilespmem:s0+$0x280]  }
0x3d0: {  	v8 =	vld.idx.msk [tilespmem:v8+s1+$0x0], $0xffff  }
0x3d1: {  	v9 =	vor.u32 $0x100, v5  }
0x3d2: {  	v10 =	vld.idx.msk [tilespmem:v6+s1+$0x0], $0xffff  }
0x3d3: {  	s17 =	sor.u32 $0x6080, s19;
	v11 =	vor.u32 $0x80, v6;
	v12 =	vshll.u32 v4, $0x3  }
0x3d4: {  	s18 =	sor.u32 s15, s17;
	v4 =	vand.u32 $0x7F, v4;
	v12 =	vand.u32 $0xFFFFFC00, v12;
	v13 =	vshll.u32 v7, $0x3  }
0x3d5: {  	v14 =	vand.u32 $0x7F, v7;
	v7 =	vor.u32 v4, v12;
	[tilespmem:s18+$0x0] =	vst v8;
	v4 =	vand.u32 $0xFFFFFC00, v13  }
0x3d6: {  	s2 =	sor.u32 s12, s13;
	v9 =	vld.idx.msk [tilespmem:v9+s1+$0x0], $0xffff;
	v8 =	vor.u32 v14, v4  }
0x3d7: {  	[tilespmem:s2+$0x0] =	vst v10;
	v4 =	vor.u32 $0x180, v5  }
0x3d8: {  	v10 =	vld.idx.msk [tilespmem:v11+s1+$0x0], $0xffff  }
0x3d9: {  	s22 =	simm.s32 $0x200;
	s20 =	simm.s32 $0x40;
	s21 =	sor.u32 $0x6100, s19;
	v11 =	vor.u32 $0x100, v6  }
0x3da: {  	s3 =	sand.u32 $0x1C00, s22;
	s26 =	sand.u32 $0x60, s20;
	s23 =	sor.u32 s15, s21;
	v12 =	vld.idx.msk [tilespmem:v7+s1+$0x0], $0xffff  }
0x3db: {  	s25 =	sor.u32 $0x2000, s3;
	s16 =	sor.u32 $0x10, s26;
	v14 =	vor.u32 $0x80, v7;
	v13 =	vld.idx.msk [tilespmem:v8+s1+$0x0], $0xffff;
	[tilespmem:s23+$0x0] =	vst v9  }
0x3dc: {  	s0 =	sor.u32 s12, s17;
	s29 =	sor.u32 s16, s25;
	v9 =	vor.u32 $0x80, v8;
	v4 =	vld.idx.msk [tilespmem:v4+s1+$0x0], $0xffff  }
0x3dd: {  	s30 =	sor.u32 $0x6000, s11;
	v15 =	vor.u32 $0x200, v5;
	[tilespmem:s0+$0x0] =	vst v10;
	v10 =	vld [tilespmem:s29+$0x280]  }
0x3de: {  	s31 =	sor.u32 s10, s30;
	s2 =	sor.u32 s26, s25;
	v11 =	vld.idx.msk [tilespmem:v11+s1+$0x0], $0xffff  }
0x3df: {  	s6 =	sor.u32 $0x6180, s19;
	s0 =	sor.u32 s24, s30;
	[tilespmem:s31+$0x0] =	vst v12;
	v12 =	vld [tilespmem:s2+$0x280]  }
0x3e0: {  	s8 =	sor.u32 s15, s6;
	v16 =	vor.u32 $0x180, v6;
	v14 =	vld.idx.msk [tilespmem:v14+s1+$0x0], $0xffff;
	[tilespmem:s0+$0x0] =	vst v13  }
0x3e1: {  	v13 =	vld.idx.msk [tilespmem:v9+s1+$0x0], $0xffff;
	v9 =	vor.u32 $0x100, v7;
	[tilespmem:s8+$0x0] =	vst v4  }
0x3e2: {  	s22 =	simm.s32 $0x300;
	s20 =	simm.s32 $0x60;
	s9 =	sor.u32 s12, s21;
	v4 =	vshll.u32 v10, $0x3;
	v15 =	vld.idx.msk [tilespmem:v15+s1+$0x0], $0xffff  }
0x3e3: {  	s7 =	sor.u32 $0x6200, s19;
	s13 =	sor.u32 $0x6080, s11;
	s4 =	sand.u32 $0x1C00, s22;
	v10 =	vand.u32 $0x7F, v10;
	[tilespmem:s9+$0x0] =	vst v11;
	v4 =	vand.u32 $0xFFFFFC00, v4;
	v11 =	vor.u32 $0x280, v5  }
0x3e4: {  	s14 =	sor.u32 s10, s13;
	s18 =	sor.u32 s12, s6;
	s2 =	sand.u32 $0x60, s20;
	v18 =	vshll.u32 v12, $0x3;
	v4 =	vor.u32 v10, v4  }
0x3e5: {  	s25 =	sor.u32 $0x2000, s4;
	v17 =	vor.u32 $0x100, v8;
	s6 =	sor.u32 $0x10, s2;
	s0 =	sor.u32 s24, s13;
	v16 =	vld.idx.msk [tilespmem:v16+s1+$0x0], $0xffff;
	v12 =	vand.u32 $0x7F, v12;
	[tilespmem:s14+$0x0] =	vst v14;
	v14 =	vand.u32 $0xFFFFFC00, v18  }
0x3e6: {  	s17 =	sor.u32 s15, s7;
	s29 =	sor.u32 s6, s25;
	v18 =	vld.idx.msk [tilespmem:v9+s1+$0x0], $0xffff;
	v9 =	vor.u32 v12, v14;
	[tilespmem:s0+$0x0] =	vst v13  }
0x3e7: {  	v19 =	vld [tilespmem:s29+$0x280];
	v13 =	vor.u32 $0x180, v7;
	[tilespmem:s17+$0x0] =	vst v15  }
0x3e8: {  	v10 =	vor.u32 $0x200, v6;
	v11 =	vld.idx.msk [tilespmem:v11+s1+$0x0], $0xffff  }
0x3e9: {  	s21 =	sor.u32 $0x6100, s11;
	v14 =	vld.idx.msk [tilespmem:v4+s1+$0x0], $0xffff  }
0x3ea: {  	s23 =	sor.u32 s10, s21;
	v12 =	vld.idx.msk [tilespmem:v17+s1+$0x0], $0xffff;
	v17 =	vor.u32 $0x80, v4;
	[tilespmem:s18+$0x0] =	vst v16  }
0x3eb: {  	s14 =	sor.u32 $0x6280, s19;
	v15 =	vor.u32 $0x300, v5;
	v16 =	vld.idx.msk [tilespmem:v9+s1+$0x0], $0xffff;
	[tilespmem:s23+$0x0] =	vst v18  }
0x3ec: {  	s31 =	sor.u32 $0x6000, s3;
	s30 =	sor.u32 s15, s14;
	v18 =	vor.u32 $0x80, v9;
	v13 =	vld.idx.msk [tilespmem:v13+s1+$0x0], $0xffff  }
0x3ed: {  	v20 =	vor.u32 $0x200, v7;
	s9 =	sor.u32 s16, s31;
	s0 =	sor.u32 s2, s25;
	v10 =	vld.idx.msk [tilespmem:v10+s1+$0x0], $0xffff;
	[tilespmem:s30+$0x0] =	vst v11  }
0x3ee: {  	v11 =	vor.u32 $0x180, v8;
	[tilespmem:s9+$0x0] =	vst v14;
	v14 =	vld [tilespmem:s0+$0x280]  }
0x3ef: {  	v21 =	vor.u32 $0x280, v6;
	s13 =	sor.u32 s26, s31;
	s17 =	sor.u32 $0x6180, s11;
	v17 =	vld.idx.msk [tilespmem:v17+s1+$0x0], $0xffff  }
0x3f0: {  	v22 =	vor.u32 $0x100, v4;
	s18 =	sor.u32 s10, s17;
	v15 =	vld.idx.msk [tilespmem:v15+s1+$0x0], $0xffff;
	[tilespmem:s13+$0x0] =	vst v16  }
0x3f1: {  	s5 =	sor.u32 s24, s21;
	s7 =	sor.u32 s12, s7;
	v18 =	vld.idx.msk [tilespmem:v18+s1+$0x0], $0xffff;
	[tilespmem:s18+$0x0] =	vst v13  }
0x3f2: {  	s20 =	sor.u32 $0x6080, s3;
	s29 =	simm.s32 $0x80;
	[tilespmem:s5+$0x0] =	vst v12;
	v16 =	vor.u32 $0x380, v5;
	s13 =	simm.s32 $0x400;
	v12 =	vld.idx.msk [tilespmem:v20+s1+$0x0], $0xffff  }
0x3f3: {  	s22 =	sor.u32 s16, s20;
	[tilespmem:s7+$0x0] =	vst v10;
	s7 =	sand.u32 $0x60, s29;
	v13 =	vor.u32 $0x100, v9;
	s8 =	sand.u32 $0x1C00, s13;
	v10 =	vld.idx.msk [tilespmem:v11+s1+$0x0], $0xffff  }
0x3f4: {  	s0 =	sor.u32 $0x6300, s19;
	s9 =	sor.u32 $0x10, s7;
	v5 =	vshll.u32 v19, $0x3;
	v20 =	vld.idx.msk [tilespmem:v21+s1+$0x0], $0xffff;
	s31 =	sor.u32 $0x2000, s8;
	[tilespmem:s22+$0x0] =	vst v17  }
0x3f5: {  	s21 =	sor.u32 s15, s0;
	v5 =	vand.u32 $0xFFFFFC00, v5;
	v11 =	vand.u32 $0x7F, v19;
	v19 =	vor.u32 $0x280, v7;
	s22 =	sor.u32 s9, s31;
	v17 =	vld.idx.msk [tilespmem:v22+s1+$0x0], $0xffff  }
0x3f6: {  	s5 =	sor.u32 s26, s20;
	[tilespmem:s21+$0x0] =	vst v15;
	v15 =	vshll.u32 v14, $0x3;
	v5 =	vor.u32 v11, v5;
	v22 =	vld [tilespmem:s22+$0x280]  }
0x3f7: {  	s20 =	sor.u32 $0x6200, s11;
	v11 =	vor.u32 $0x200, v8;
	v14 =	vand.u32 $0x7F, v14;
	v15 =	vand.u32 $0xFFFFFC00, v15;
	v16 =	vld.idx.msk [tilespmem:v16+s1+$0x0], $0xffff;
	[tilespmem:s5+$0x0] =	vst v18  }
0x3f8: {  	s23 =	sor.u32 s10, s20;
	v21 =	vor.u32 v14, v15;
	s5 =	sor.u32 s7, s31;
	v13 =	vld.idx.msk [tilespmem:v13+s1+$0x0], $0xffff  }
0x3f9: {  	v14 =	vor.u32 $0x180, v4;
	[tilespmem:s23+$0x0] =	vst v12;
	v27 =	vld [tilespmem:s5+$0x280]  }
0x3fa: {  	s25 =	sor.u32 s24, s17;
	v15 =	vor.u32 $0x300, v6;
	v12 =	vld.idx.msk [tilespmem:v19+s1+$0x0], $0xffff  }
0x3fb: {  	s14 =	sor.u32 s12, s14;
	v24 =	vor.u32 $0x180, v9;
	s17 =	sor.u32 $0x6100, s3;
	[tilespmem:s25+$0x0] =	vst v10;
	v10 =	vld.idx.msk [tilespmem:v5+s1+$0x0], $0xffff  }
0x3fc: {  	s30 =	sor.u32 s16, s17;
	[tilespmem:s14+$0x0] =	vst v20;
	v18 =	vld.idx.msk [tilespmem:v11+s1+$0x0], $0xffff;
	v11 =	vor.u32 $0x300, v7  }
0x3fd: {  	s17 =	sor.u32 s26, s17;
	s18 =	sor.u32 $0x6280, s11;
	[tilespmem:s30+$0x0] =	vst v17;
	v17 =	vor.u32 $0x80, v5;
	v19 =	vld.idx.msk [tilespmem:v21+s1+$0x0], $0xffff  }
0x3fe: {  	v20 =	vor.u32 $0x80, v21;
	s23 =	sor.u32 s10, s18;
	s25 =	sor.u32 $0x6000, s4;
	v14 =	vld.idx.msk [tilespmem:v14+s1+$0x0], $0xffff;
	[tilespmem:s17+$0x0] =	vst v13  }
0x3ff: {  	s14 =	sor.u32 $0x6380, s19;
	s29 =	sor.u32 s6, s25;
	v23 =	vld.idx.msk [tilespmem:v15+s1+$0x0], $0xffff;
	v15 =	vor.u32 $0x200, v4;
	[tilespmem:s23+$0x0] =	vst v12  }
0x400: {  	s15 =	sor.u32 s15, s14;
	[tilespmem:s29+$0x0] =	vst v10;
	v10 =	vor.u32 $0x280, v8;
	v62 =	vld.idx.msk [tilespmem:v24+s1+$0x0], $0xffff  }
0x401: {  	v29 =	vor.u32 $0x380, v6;
	v28 =	vor.u32 $0x100, v5;
	s5 =	sor.u32 $0x6180, s3;
	s30 =	sor.u32 s2, s25;
	[tilespmem:s15+$0x0] =	vst v16;
	v25 =	vld.idx.msk [tilespmem:v11+s1+$0x0], $0xffff  }
0x402: {  	v6 =	vor.u32 $0x380, v8;
	v30 =	vor.u32 $0x100, v21;
	s31 =	sor.u32 s16, s5;
	v17 =	vld.idx.msk [tilespmem:v17+s1+$0x0], $0xffff;
	[tilespmem:s30+$0x0] =	vst v19;
	v19 =	vor.u32 $0x380, v7  }
0x403: {  	s19 =	sor.u32 s24, s20;
	v16 =	vor.u32 $0x200, v9;
	v12 =	vor.u32 $0x300, v8;
	v8 =	vor.u32 $0x300, v9;
	[tilespmem:s31+$0x0] =	vst v14;
	v20 =	vld.idx.msk [tilespmem:v20+s1+$0x0], $0xffff  }
0x404: {  	s0 =	sor.u32 s12, s0;
	s20 =	sor.u32 $0x6300, s11;
	[tilespmem:s19+$0x0] =	vst v18;
	v11 =	vor.u32 $0x280, v9;
	v7 =	vor.u32 $0x380, v9;
	v9 =	vshll.u32 v22, $0x3;
	v13 =	vld.idx.msk [tilespmem:v15+s1+$0x0], $0xffff  }
0x405: {  	v63 =	vor.u32 $0x280, v4;
	s21 =	sor.u32 $0x6080, s4;
	s22 =	sor.u32 s10, s20;
	v14 =	vand.u32 $0x7F, v22;
	[tilespmem:s0+$0x0] =	vst v23;
	v9 =	vand.u32 $0xFFFFFC00, v9;
	v34 =	vld.idx.msk [tilespmem:v10+s1+$0x0], $0xffff  }
0x406: {  	s23 =	sor.u32 s6, s21;
	v18 =	vor.u32 $0x180, v21;
	v15 =	vor.u32 v14, v9;
	v10 =	vshll.u32 v27, $0x3;
	[tilespmem:s22+$0x0] =	vst v25;
	v25 =	vld.idx.msk [tilespmem:v29+s1+$0x0], $0xffff  }
0x407: {  	s25 =	sor.u32 s2, s21;
	s29 =	sor.u32 $0x6200, s3;
	v9 =	vand.u32 $0x7F, v27;
	v14 =	vor.u32 $0x280, v21;
	[tilespmem:s23+$0x0] =	vst v17;
	v26 =	vld.idx.msk [tilespmem:v19+s1+$0x0], $0xffff;
	v19 =	vand.u32 $0xFFFFFC00, v10  }
0x408: {  	s11 =	sor.u32 $0x6380, s11;
	s30 =	sor.u32 s16, s29;
	v17 =	vor.u32 $0x200, v21;
	v28 =	vld.idx.msk [tilespmem:v28+s1+$0x0], $0xffff;
	v10 =	vor.u32 $0x300, v21;
	v31 =	vor.u32 v9, v19;
	[tilespmem:s25+$0x0] =	vst v20  }
0x409: {  	s14 =	sor.u32 s12, s14;
	s5 =	sor.u32 s26, s5;
	s12 =	sor.u32 s24, s20;
	v9 =	vor.u32 $0x380, v21;
	[tilespmem:s30+$0x0] =	vst v13;
	v24 =	vor.u32 $0x80, v31;
	v23 =	vld.idx.msk [tilespmem:v30+s1+$0x0], $0xffff;
	v30 =	vor.u32 $0x180, v5  }
0x40a: {  	s20 =	simm.s32 $0xA0;
	s19 =	simm.s32 $0x8;
	s31 =	sor.u32 s24, s18;
	[tilespmem:s5+$0x0] =	vst v62;
	v20 =	vor.u32 $0x100, v31;
	v22 =	vor.u32 $0x180, v31;
	v29 =	vor.u32 $0x200, v31;
	v27 =	vld.idx.msk [tilespmem:v63+s1+$0x0], $0xffff  }
0x40b: {  	s15 =	sor.u32 s26, s29;
	s18 =	sor.u32 $0x6100, s4;
	s0 =	sor.u32 s10, s11;
	v19 =	vor.u32 $0x280, v31;
	v21 =	vor.u32 $0x300, v31;
	v13 =	vor.u32 $0x380, v31;
	v32 =	vld.idx.msk [tilespmem:v15+s1+$0x0], $0xffff;
	[tilespmem:s31+$0x0] =	vst v34  }
.LBB2_14:
0x40c: {  	s5 =	sand.u32 $0x60, s20;
	s13 =	sadd.s32 $0x100, s13;
	s10 =	sor.u32 s6, s18;
	v33 =	vld.idx.msk [tilespmem:v16+s1+$0x0], $0xffff;
	v34 =	vor.u32 $0x300, v4;
	[tilespmem:s0+$0x0] =	vst v26;
	v16 =	vmov v17;
	v17 =	vmov v29  }
0x40d: {  	s0 =	sor.u32 $0x6000, s8;
	v29 =	vor.u32 $0x80, v15;
	s21 =	sor.u32 $0x6280, s3;
	s17 =	sand.u32 $0x1C00, s13;
	v26 =	vld.idx.msk [tilespmem:v31+s1+$0x0], $0xffff;
	[tilespmem:s10+$0x0] =	vst v28  }
0x40e: {  	s19 =	sadd.s32 $0x2, s19;
	s10 =	sor.u32 $0x10, s5;
	s22 =	sor.u32 $0x2000, s17;
	v28 =	vld.idx.msk [tilespmem:v30+s1+$0x0], $0xffff;
	[tilespmem:s14+$0x0] =	vst v25  }
0x40f: {  	p1 =	slt.u32 s19, $0x3E;
	s23 =	sor.u32 s16, s21;
	s14 =	sor.u32 s10, s22;
	v25 =	vld.idx.msk [tilespmem:v12+s1+$0x0], $0xffff;
	v12 =	vmov v8;
	v8 =	vmov v10;
	v10 =	vmov v21  }
0x410: {  	s25 =	sor.u32 s7, s0;
	s0 =	sor.u32 s9, s0;
	v30 =	vor.u32 $0x200, v5;
	s22 =	sor.u32 s5, s22;
	v21 =	vld [tilespmem:s14+$0x280];
	[tilespmem:s23+$0x0] =	vst v27  }
0x411: {  	s18 =	sor.u32 s2, s18;
	s14 =	sor.u32 s24, s11;
	[tilespmem:s0+$0x0] =	vst v32;
	s0 =	sor.u32 s26, s21;
	v27 =	vld.idx.msk [tilespmem:v34+s1+$0x0], $0xffff  }
0x412: {  	s24 =	smov.u32 s26;
	s26 =	smov.u32 s2;
	v29 =	vld.idx.msk [tilespmem:v29+s1+$0x0], $0xffff;
	[tilespmem:s18+$0x0] =	vst v23;
	s18 =	sor.u32 $0x6180, s4  }
0x413: {  	s2 =	smov.u32 s7;
	v23 =	vld [tilespmem:s22+$0x280];
	[tilespmem:s25+$0x0] =	vst v26;
	s11 =	sor.u32 s26, s18;
	s18 =	sor.u32 s6, s18;
	v26 =	vor.u32 $0x380, v4;
	v4 =	vmov v5;
	v5 =	vmov v15  }
0x414: {  	s7 =	smov.u32 s5;
	s5 =	smov.u32 s8;
	s8 =	smov.u32 s17;
	v24 =	vld.idx.msk [tilespmem:v24+s1+$0x0], $0xffff;
	v31 =	vor.u32 $0x100, v5;
	[tilespmem:s18+$0x0] =	vst v28  }
0x415: {  	s21 =	smov.u32 s16;
	s16 =	smov.u32 s6;
	v32 =	vld.idx.msk [tilespmem:v30+s1+$0x0], $0xffff;
	[tilespmem:s15+$0x0] =	vst v33;
	s15 =	sor.u32 $0x6300, s3  }
0x416: {  	s6 =	sor.u32 $0x6080, s5;
	v15 =	vshll.u32 v21, $0x3;
	v33 =	vld.idx.msk [tilespmem:v18+s1+$0x0], $0xffff;
	s17 =	sor.u32 s21, s15;
	[tilespmem:s12+$0x0] =	vst v25;
	s12 =	sor.u32 s24, s15;
	v18 =	vmov v22  }
0x417: {  	s18 =	sor.u32 s9, s6;
	v34 =	vor.u32 $0x280, v4;
	v21 =	vand.u32 $0x7F, v21;
	v15 =	vand.u32 $0xFFFFFC00, v15;
	s15 =	sor.u32 s2, s6;
	s6 =	smov.u32 s9;
	v35 =	vld.idx.msk [tilespmem:v11+s1+$0x0], $0xffff;
	[tilespmem:s17+$0x0] =	vst v27;
	v11 =	vmovc v14;
	v14 =	vmovc v19  }
0x418: {  	s9 =	smov.u32 s10;
	v15 =	vor.u32 v21, v15;
	v19 =	vand.u32 $0x7F, v23;
	v22 =	vshll.u32 v23, $0x3;
	[tilespmem:s18+$0x0] =	vst v29;
	v26 =	vld.idx.msk [tilespmem:v26+s1+$0x0], $0xffff  }
.Ltmp8:
0x419: {  	s10 =	sor.u32 $0x6200, s4;
	v21 =	vand.u32 $0xFFFFFC00, v22;
	v28 =	vld.idx.msk [tilespmem:v31+s1+$0x0], $0xffff;
	(pc) =	sbr.rel @p1 .LBB2_14-.Ltmp8, $4  }
0x41a: {  	v31 =	vor.u32 v19, v21;
	[tilespmem:s15+$0x0] =	vst v24;
	s15 =	sor.u32 s26, s10;
	s10 =	sor.u32 s16, s10;
	v25 =	vld.idx.msk [tilespmem:v6+s1+$0x0], $0xffff;
	v6 =	vmovc v7;
	v7 =	vmov v9;
	v9 =	vmov v13  }
0x41b: {  	v30 =	vor.u32 $0x180, v5;
	v24 =	vor.u32 $0x80, v31;
	v23 =	vld.idx.msk [tilespmem:v20+s1+$0x0], $0xffff;
	v20 =	vor.u32 $0x100, v31;
	[tilespmem:s10+$0x0] =	vst v32  }
0x41c: {  	v22 =	vor.u32 $0x180, v31;
	v29 =	vor.u32 $0x200, v31;
	v19 =	vor.u32 $0x280, v31;
	[tilespmem:s11+$0x0] =	vst v33;
	v27 =	vld.idx.msk [tilespmem:v34+s1+$0x0], $0xffff;
	s11 =	sor.u32 $0x6380, s3;
	s3 =	smov.u32 s4;
	s4 =	smov.u32 s5  }
0x41d: {  	s20 =	sadd.s32 $0x20, s20;
	v21 =	vor.u32 $0x300, v31;
	v13 =	vor.u32 $0x380, v31;
	v32 =	vld.idx.msk [tilespmem:v15+s1+$0x0], $0xffff;
	s18 =	sor.u32 $0x6100, s4;
	[tilespmem:s0+$0x0] =	vst v35;
	s0 =	sor.u32 s21, s11  }
0x41e: {  	_ =	sdelay $0x3  }
0x41f: {  	v33 =	vor.u32 $0x80, v15;
	v31 =	vld.idx.msk [tilespmem:v31+s1+$0x0], $0xffff;
	_ =	sdelay $0x1  }
0x420: {  	s5 =	sor.u32 $0x6000, s8  }
0x421: {  	s10 =	sor.u32 s9, s5  }
0x422: {  	s5 =	sor.u32 s7, s5;
	[tilespmem:s10+$0x0] =	vst v32  }
0x423: {  	v32 =	vld.idx.msk [tilespmem:v33+s1+$0x0], $0xffff;
	[tilespmem:s5+$0x0] =	vst v31  }
0x424: {  	v31 =	vor.u32 $0x100, v15;
	v24 =	vld.idx.msk [tilespmem:v24+s1+$0x0], $0xffff;
	_ =	sdelay $0x1  }
0x425: {  	s31 =	sor.u32 $0x6080, s8  }
0x426: {  	s13 =	sor.u32 s9, s31  }
0x427: {  	s5 =	sor.u32 s7, s31;
	[tilespmem:s13+$0x0] =	vst v32  }
0x428: {  	v31 =	vld.idx.msk [tilespmem:v31+s1+$0x0], $0xffff;
	[tilespmem:s5+$0x0] =	vst v24  }
0x429: {  	s17 =	sor.u32 s6, s18;
	v24 =	vor.u32 $0x180, v15;
	v20 =	vld.idx.msk [tilespmem:v20+s1+$0x0], $0xffff  }
0x42a: {  	[tilespmem:s17+$0x0] =	vst v28  }
0x42b: {  	s19 =	sor.u32 $0x6100, s8;
	[tilespmem:s0+$0x0] =	vst v26;
	s21 =	sor.u32 s2, s18;
	v26 =	vld.idx.msk [tilespmem:v30+s1+$0x0], $0xffff  }
0x42c: {  	s20 =	sor.u32 s9, s19;
	[tilespmem:s21+$0x0] =	vst v23  }
0x42d: {  	v28 =	vor.u32 $0x200, v5;
	s22 =	sor.u32 s7, s19;
	v18 =	vld.idx.msk [tilespmem:v18+s1+$0x0], $0xffff;
	[tilespmem:s20+$0x0] =	vst v31  }
0x42e: {  	s23 =	sor.u32 $0x6180, s4;
	v23 =	vld.idx.msk [tilespmem:v24+s1+$0x0], $0xffff;
	[tilespmem:s22+$0x0] =	vst v20  }
0x42f: {  	s25 =	sor.u32 $0x6280, s3;
	[tilespmem:s14+$0x0] =	vst v25;
	s29 =	sor.u32 s6, s23;
	v24 =	vor.u32 $0x200, v15;
	v20 =	vld.idx.msk [tilespmem:v22+s1+$0x0], $0xffff  }
0x430: {  	v16 =	vld.idx.msk [tilespmem:v16+s1+$0x0], $0xffff;
	[tilespmem:s29+$0x0] =	vst v26;
	s13 =	sor.u32 s16, s25  }
0x431: {  	s30 =	sor.u32 $0x6180, s8;
	v12 =	vld.idx.msk [tilespmem:v12+s1+$0x0], $0xffff;
	[tilespmem:s13+$0x0] =	vst v27;
	s5 =	sor.u32 s2, s23;
	v22 =	vor.u32 $0x300, v4  }
0x432: {  	s31 =	sor.u32 s9, s30;
	v25 =	vld.idx.msk [tilespmem:v28+s1+$0x0], $0xffff;
	[tilespmem:s5+$0x0] =	vst v18  }
0x433: {  	v26 =	vor.u32 $0x280, v5;
	s13 =	sor.u32 s7, s30;
	v17 =	vld.idx.msk [tilespmem:v17+s1+$0x0], $0xffff;
	[tilespmem:s31+$0x0] =	vst v23  }
0x434: {  	v18 =	vld.idx.msk [tilespmem:v24+s1+$0x0], $0xffff;
	[tilespmem:s13+$0x0] =	vst v20  }
0x435: {  	s14 =	sor.u32 $0x6200, s4;
	[tilespmem:s15+$0x0] =	vst v16;
	v23 =	vor.u32 $0x280, v15;
	v16 =	vld.idx.msk [tilespmem:v29+s1+$0x0], $0xffff  }
0x436: {  	s17 =	sor.u32 s6, s14;
	[tilespmem:s12+$0x0] =	vst v12;
	v20 =	vld.idx.msk [tilespmem:v22+s1+$0x0], $0xffff  }
0x437: {  	s18 =	sor.u32 $0x6200, s8;
	s10 =	sor.u32 s2, s14;
	v11 =	vld.idx.msk [tilespmem:v11+s1+$0x0], $0xffff;
	[tilespmem:s17+$0x0] =	vst v25;
	v4 =	vor.u32 $0x380, v4  }
0x438: {  	s19 =	sor.u32 s9, s18;
	v12 =	vld.idx.msk [tilespmem:v26+s1+$0x0], $0xffff;
	[tilespmem:s10+$0x0] =	vst v17  }
0x439: {  	s5 =	sor.u32 s7, s18;
	s20 =	sor.u32 $0x6300, s3;
	v14 =	vld.idx.msk [tilespmem:v14+s1+$0x0], $0xffff;
	v22 =	vor.u32 $0x300, v5;
	[tilespmem:s19+$0x0] =	vst v18  }
0x43a: {  	s21 =	sor.u32 s16, s20;
	v17 =	vld.idx.msk [tilespmem:v23+s1+$0x0], $0xffff;
	[tilespmem:s5+$0x0] =	vst v16  }
0x43b: {  	s0 =	sor.u32 s26, s25;
	s22 =	sor.u32 $0x6280, s4;
	v18 =	vor.u32 $0x300, v15;
	[tilespmem:s21+$0x0] =	vst v20;
	v16 =	vld.idx.msk [tilespmem:v19+s1+$0x0], $0xffff  }
0x43c: {  	[tilespmem:s0+$0x0] =	vst v11;
	s23 =	sor.u32 s6, s22;
	v4 =	vld.idx.msk [tilespmem:v4+s1+$0x0], $0xffff  }
0x43d: {  	s25 =	sor.u32 $0x6280, s8;
	v8 =	vld.idx.msk [tilespmem:v8+s1+$0x0], $0xffff;
	s30 =	sor.u32 s2, s22;
	[tilespmem:s23+$0x0] =	vst v12  }
0x43e: {  	s29 =	sor.u32 s9, s25;
	[tilespmem:s30+$0x0] =	vst v14;
	v11 =	vld.idx.msk [tilespmem:v22+s1+$0x0], $0xffff  }
0x43f: {  	s31 =	sor.u32 $0x6380, s3;
	v5 =	vor.u32 $0x380, v5;
	v10 =	vld.idx.msk [tilespmem:v10+s1+$0x0], $0xffff;
	s5 =	sor.u32 s7, s25;
	[tilespmem:s29+$0x0] =	vst v17  }
0x440: {  	s10 =	sor.u32 s16, s31;
	v12 =	vld.idx.msk [tilespmem:v18+s1+$0x0], $0xffff;
	[tilespmem:s5+$0x0] =	vst v16  }
0x441: {  	s15 =	sor.u32 s26, s20;
	s13 =	sor.u32 $0x6300, s4;
	v14 =	vor.u32 $0x380, v15;
	[tilespmem:s10+$0x0] =	vst v4;
	v4 =	vld.idx.msk [tilespmem:v21+s1+$0x0], $0xffff  }
0x442: {  	v6 =	vld.idx.msk [tilespmem:v6+s1+$0x0], $0xffff;
	[tilespmem:s15+$0x0] =	vst v8;
	s14 =	sor.u32 s6, s13  }
0x443: {  	v7 =	vld.idx.msk [tilespmem:v7+s1+$0x0], $0xffff;
	s16 =	sor.u32 $0x6300, s8;
	[tilespmem:s14+$0x0] =	vst v11;
	s10 =	sor.u32 s2, s13  }
0x444: {  	s17 =	sor.u32 s9, s16;
	v5 =	vld.idx.msk [tilespmem:v5+s1+$0x0], $0xffff;
	[tilespmem:s10+$0x0] =	vst v10  }
0x445: {  	s3 =	sor.u32 s7, s16;
	v9 =	vld.idx.msk [tilespmem:v9+s1+$0x0], $0xffff;
	[tilespmem:s17+$0x0] =	vst v12  }
0x446: {  	s18 =	sor.u32 s24, s11;
	v8 =	vld.idx.msk [tilespmem:v14+s1+$0x0], $0xffff;
	[tilespmem:s3+$0x0] =	vst v4  }
0x447: {  	[tilespmem:s18+$0x0] =	vst v6;
	s0 =	sor.u32 s26, s31;
	s19 =	sor.u32 $0x6380, s4;
	v4 =	vld.idx.msk [tilespmem:v13+s1+$0x0], $0xffff  }
0x448: {  	[tilespmem:s0+$0x0] =	vst v7;
	s20 =	sor.u32 s6, s19  }
0x449: {  	s21 =	sor.u32 $0x6380, s8;
	s23 =	sor.u32 s2, s19;
	[tilespmem:s20+$0x0] =	vst v5  }
0x44a: {  	s22 =	sor.u32 s9, s21;
	[tilespmem:s23+$0x0] =	vst v9  }
0x44b: {  	s24 =	sor.u32 s7, s21;
	[tilespmem:s22+$0x0] =	vst v8  }
0x44c: {  	s26 =	simm.s32 $0x1;
	[tilespmem:s24+$0x0] =	vst v4  }
0x44d: {  	s25 =	simm.s32 $0x6000;
	s13 =	simm.s32 $0x0;
	s0 =	rddreg [dreg:$0x10]  }
0x44e: {  	[hbm4b:s0+s13] =	stream.linear.scatter [tilespmem:s25], [sflag:$0x2], $0x2000, $0x38;
	[tilespmem:$0xC900] =	vst v63  }
0x44f: {  	_ =	swait.ge [sflag:s26], $0x2000  }
0x450: {  	[sflag:s26] =	ssyncset.done $0x0  }
0x451: {  	s29 =	rddreg [dreg:$0xa];
	[sflag:s26] =	ssyncadd.s32 $0xFFFFE000  }
0x452: {  	v4 =	vld [tilespmem:s29+$0x300];
	_ =	sdelay $0x4  }
0x453: {  	vm0 =	vge.s32 v4, v0;
	vm1 =	vlt.s32 v4, v1  }
0x454: {  	vm0 =	vmand vm0, vm1;
	_ =	sdelay $0x5  }
0x455: {  	[tilespmem:v4+s28+$0x0] =	vst.idx.add.s32.msk vm0, v3  }
0x456: {  	v4 =	vld [tilespmem:s29+$0x310];
	_ =	sdelay $0x4  }
0x457: {  	vm10 =	vge.s32 v4, v0;
	vm11 =	vlt.s32 v4, v1  }
0x458: {  	vm0 =	vmand vm10, vm11;
	_ =	sdelay $0x5  }
0x459: {  	[tilespmem:v4+s28+$0x0] =	vst.idx.add.s32.msk vm0, v3  }
0x45a: {  	v4 =	vld [tilespmem:s29+$0x320];
	_ =	sdelay $0x4  }
0x45b: {  	vm12 =	vge.s32 v4, v0;
	vm13 =	vlt.s32 v4, v1  }
0x45c: {  	vm0 =	vmand vm12, vm13;
	_ =	sdelay $0x5  }
0x45d: {  	[tilespmem:v4+s28+$0x0] =	vst.idx.add.s32.msk vm0, v3  }
0x45e: {  	v4 =	vld [tilespmem:s29+$0x330];
	_ =	sdelay $0x4  }
0x45f: {  	vm14 =	vge.s32 v4, v0;
	vm15 =	vlt.s32 v4, v1  }
0x460: {  	vm0 =	vmand vm14, vm15;
	_ =	sdelay $0x1  }
0x461: {  	s30 =	sand.u32 $0x3, s13  }
0x462: {  	s0 =	sshll.u32 s30, $0x5  }
0x463: {  	s0 =	sadd.s32 $0x0, s0  }
0x464: {  	s31 =	sadd.s32 $0x10, s0  }
0x465: {  	s12 =	sor.u32 $0x300, s31;
	[tilespmem:v4+s28+$0x0] =	vst.idx.add.s32.msk vm0, v3  }
0x466: {  	v4 =	vld [tilespmem:s12+$0x2000];
	_ =	sdelay $0x4  }
0x467: {  	v5 =	vshll.u32 v4, $0x3  }
0x468: {  	v4 =	vand.u32 $0x7F, v4;
	v5 =	vand.u32 $0xFFFFFC00, v5  }
0x469: {  	s15 =	sor.u32 $0x300, s0;
	v5 =	vor.u32 v4, v5  }
0x46a: {  	v4 =	vld [tilespmem:s15+$0x2000]  }
0x46b: {  	s17 =	simm.s32 $0x1  }
0x46c: {  	s0 =	sand.u32 $0x3, s17  }
0x46d: {  	s0 =	sshll.u32 s0, $0x5  }
0x46e: {  	s0 =	sadd.s32 $0x100, s0;
	v7 =	vld.idx.msk [tilespmem:v5+s1+$0x0], $0xffff  }
0x46f: {  	s4 =	sadd.s32 $0x10, s0;
	v8 =	vor.u32 $0x80, v5;
	v6 =	vshll.u32 v4, $0x3  }
0x470: {  	s19 =	sor.u32 $0x300, s4;
	v4 =	vand.u32 $0x7F, v4;
	v6 =	vand.u32 $0xFFFFFC00, v6  }
0x471: {  	s18 =	sand.u32 $0x60, s13;
	s20 =	sand.u32 $0x1C00, s13;
	s2 =	sor.u32 $0x300, s0;
	v6 =	vor.u32 v4, v6;
	v4 =	vld [tilespmem:s19+$0x2000]  }
0x472: {  	s21 =	sor.u32 s18, s20;
	v9 =	vld [tilespmem:s2+$0x2000]  }
0x473: {  	[tilespmem:s21+$0x4010] =	vst v7  }
0x474: {  	v10 =	vld.idx.msk [tilespmem:v8+s1+$0x0], $0xffff  }
0x475: {  	v11 =	vor.u32 $0x100, v5  }
0x476: {  	v12 =	vor.u32 $0x80, v6;
	v13 =	vld.idx.msk [tilespmem:v6+s1+$0x0], $0xffff;
	v7 =	vshll.u32 v4, $0x3  }
0x477: {  	v8 =	vshll.u32 v9, $0x3;
	v4 =	vand.u32 $0x7F, v4;
	v7 =	vand.u32 $0xFFFFFC00, v7  }
0x478: {  	v9 =	vand.u32 $0x7F, v9;
	v14 =	vand.u32 $0xFFFFFC00, v8;
	v8 =	vor.u32 v4, v7  }
0x479: {  	v7 =	vor.u32 v9, v14;
	[tilespmem:s21+$0x4090] =	vst v10  }
0x47a: {  	s22 =	simm.s32 $0x2;
	v4 =	vld.idx.msk [tilespmem:v11+s1+$0x0], $0xffff  }
0x47b: {  	s0 =	sand.u32 $0x3, s22;
	v9 =	vor.u32 $0x180, v5;
	[tilespmem:s21+$0x4000] =	vst v13  }
0x47c: {  	s0 =	sshll.u32 s0, $0x5;
	v10 =	vld.idx.msk [tilespmem:v12+s1+$0x0], $0xffff  }
0x47d: {  	s0 =	sadd.s32 $0x200, s0;
	v11 =	vor.u32 $0x100, v6;
	v12 =	vld.idx.msk [tilespmem:v8+s1+$0x0], $0xffff  }
0x47e: {  	s3 =	sor.u32 $0x300, s0;
	v14 =	vor.u32 $0x80, v8;
	v13 =	vld.idx.msk [tilespmem:v7+s1+$0x0], $0xffff  }
0x47f: {  	s14 =	simm.s32 $0x100;
	s22 =	simm.s32 $0x20;
	s6 =	sadd.s32 $0x10, s0;
	v15 =	vor.u32 $0x80, v7;
	[tilespmem:s21+$0x4110] =	vst v4;
	v4 =	vld [tilespmem:s3+$0x2000]  }
0x480: {  	s24 =	sand.u32 $0x1C00, s14;
	s23 =	sand.u32 $0x60, s22;
	s7 =	sor.u32 $0x300, s6;
	v9 =	vld.idx.msk [tilespmem:v9+s1+$0x0], $0xffff  }
0x481: {  	s25 =	simm.s32 $0x3;
	s20 =	sor.u32 s23, s24;
	v16 =	vld [tilespmem:s7+$0x2000];
	[tilespmem:s21+$0x4080] =	vst v10;
	v10 =	vor.u32 $0x200, v5  }
0x482: {  	s0 =	sand.u32 $0x3, s25;
	v11 =	vld.idx.msk [tilespmem:v11+s1+$0x0], $0xffff;
	[tilespmem:s20+$0x4010] =	vst v12  }
0x483: {  	s0 =	sshll.u32 s0, $0x5;
	v12 =	vor.u32 $0x180, v6;
	[tilespmem:s20+$0x4000] =	vst v13;
	v13 =	vld.idx.msk [tilespmem:v14+s1+$0x0], $0xffff  }
0x484: {  	s26 =	sadd.s32 $0x300, s0;
	v17 =	vor.u32 $0x100, v8;
	v14 =	vld.idx.msk [tilespmem:v15+s1+$0x0], $0xffff;
	v15 =	vshll.u32 v4, $0x3  }
0x485: {  	s16 =	sadd.s32 $0x10, s26;
	v18 =	vor.u32 $0x100, v7;
	v4 =	vand.u32 $0x7F, v4;
	[tilespmem:s21+$0x4190] =	vst v9;
	v9 =	vand.u32 $0xFFFFFC00, v15  }
0x486: {  	s9 =	sor.u32 $0x300, s16;
	v15 =	vld.idx.msk [tilespmem:v10+s1+$0x0], $0xffff;
	v10 =	vor.u32 v4, v9;
	v4 =	vshll.u32 v16, $0x3  }
0x487: {  	v21 =	vld [tilespmem:s9+$0x2000];
	[tilespmem:s21+$0x4100] =	vst v11;
	v9 =	vand.u32 $0x7F, v16;
	v11 =	vor.u32 $0x280, v5;
	v4 =	vand.u32 $0xFFFFFC00, v4  }
0x488: {  	v12 =	vld.idx.msk [tilespmem:v12+s1+$0x0], $0xffff;
	[tilespmem:s20+$0x4090] =	vst v13;
	v4 =	vor.u32 v9, v4  }
0x489: {  	[tilespmem:s20+$0x4080] =	vst v14;
	v13 =	vld.idx.msk [tilespmem:v17+s1+$0x0], $0xffff  }
0x48a: {  	v14 =	vld.idx.msk [tilespmem:v18+s1+$0x0], $0xffff;
	v17 =	vor.u32 $0x180, v8  }
0x48b: {  	s30 =	simm.s32 $0x4;
	v9 =	vor.u32 $0x200, v6;
	v16 =	vld.idx.msk [tilespmem:v10+s1+$0x0], $0xffff;
	[tilespmem:s21+$0x4210] =	vst v15  }
0x48c: {  	s5 =	sand.u32 $0x3, s30;
	v11 =	vld.idx.msk [tilespmem:v11+s1+$0x0], $0xffff  }
0x48d: {  	s23 =	simm.s32 $0x40;
	s0 =	simm.s32 $0x200;
	s8 =	sor.u32 $0x300, s26;
	v15 =	vor.u32 $0x300, v5;
	[tilespmem:s21+$0x4180] =	vst v12;
	v12 =	vld.idx.msk [tilespmem:v4+s1+$0x0], $0xffff  }
0x48e: {  	s5 =	sshll.u32 s5, $0x5;
	s17 =	sand.u32 $0x1C00, s0;
	s29 =	sand.u32 $0x60, s23;
	v19 =	vor.u32 $0x80, v10;
	[tilespmem:s20+$0x4110] =	vst v13;
	v13 =	vld [tilespmem:s8+$0x2000]  }
0x48f: {  	s5 =	sadd.s32 $0x400, s5;
	s24 =	sor.u32 s29, s17;
	v18 =	vor.u32 $0x80, v4;
	v17 =	vld.idx.msk [tilespmem:v17+s1+$0x0], $0xffff  }
0x490: {  	s10 =	sor.u32 $0x300, s5;
	v22 =	vor.u32 $0x200, v8;
	v9 =	vld.idx.msk [tilespmem:v9+s1+$0x0], $0xffff;
	[tilespmem:s24+$0x4000] =	vst v16  }
0x491: {  	v23 =	vld [tilespmem:s10+$0x2000];
	v20 =	vor.u32 $0x180, v7;
	[tilespmem:s21+$0x4290] =	vst v11  }
0x492: {  	v11 =	vor.u32 $0x280, v6;
	[tilespmem:s24+$0x4010] =	vst v12;
	v12 =	vld.idx.msk [tilespmem:v15+s1+$0x0], $0xffff  }
0x493: {  	[tilespmem:s20+$0x4100] =	vst v14;
	v16 =	vor.u32 $0x380, v5;
	v14 =	vld.idx.msk [tilespmem:v19+s1+$0x0], $0xffff;
	v5 =	vshll.u32 v13, $0x3  }
0x494: {  	v19 =	vor.u32 $0x100, v10;
	v13 =	vand.u32 $0x7F, v13;
	v15 =	vld.idx.msk [tilespmem:v18+s1+$0x0], $0xffff;
	[tilespmem:s20+$0x4190] =	vst v17;
	v5 =	vand.u32 $0xFFFFFC00, v5  }
0x495: {  	[tilespmem:s21+$0x4200] =	vst v9;
	v18 =	vor.u32 $0x100, v4;
	v9 =	vld.idx.msk [tilespmem:v22+s1+$0x0], $0xffff;
	v22 =	vor.u32 v13, v5;
	v5 =	vshll.u32 v21, $0x3  }
0x496: {  	v20 =	vld.idx.msk [tilespmem:v20+s1+$0x0], $0xffff;
	v17 =	vor.u32 $0x280, v8;
	v13 =	vand.u32 $0x7F, v21;
	v5 =	vand.u32 $0xFFFFFC00, v5  }
0x497: {  	v11 =	vld.idx.msk [tilespmem:v11+s1+$0x0], $0xffff;
	v5 =	vor.u32 v13, v5;
	[tilespmem:s12+$0x4000] =	vst v12  }
0x498: {  	v13 =	vor.u32 $0x200, v7;
	[tilespmem:s24+$0x4080] =	vst v14;
	v12 =	vld.idx.msk [tilespmem:v16+s1+$0x0], $0xffff  }
0x499: {  	[tilespmem:s24+$0x4090] =	vst v15;
	v16 =	vld.idx.msk [tilespmem:v19+s1+$0x0], $0xffff  }
0x49a: {  	v14 =	vld.idx.msk [tilespmem:v18+s1+$0x0], $0xffff;
	[tilespmem:s20+$0x4210] =	vst v9  }
0x49b: {  	v15 =	vor.u32 $0x300, v6;
	v9 =	vld.idx.msk [tilespmem:v17+s1+$0x0], $0xffff  }
0x49c: {  	[tilespmem:s20+$0x4180] =	vst v20;
	v19 =	vor.u32 $0x180, v4;
	v17 =	vld.idx.msk [tilespmem:v5+s1+$0x0], $0xffff  }
0x49d: {  	s26 =	sadd.s32 $0x10, s5;
	[tilespmem:s21+$0x4280] =	vst v11;
	v11 =	vld.idx.msk [tilespmem:v13+s1+$0x0], $0xffff;
	v13 =	vor.u32 $0x300, v8  }
0x49e: {  	s11 =	sor.u32 $0x300, s26;
	v20 =	vor.u32 $0x80, v5;
	v18 =	vld.idx.msk [tilespmem:v22+s1+$0x0], $0xffff  }
0x49f: {  	s18 =	simm.s32 $0x300;
	v26 =	vld [tilespmem:s11+$0x2000];
	v21 =	vor.u32 $0x180, v10;
	s21 =	simm.s32 $0x60;
	[tilespmem:s24+$0x4100] =	vst v16  }
0x4a0: {  	s17 =	sand.u32 $0x1C00, s18;
	v25 =	vor.u32 $0x280, v7;
	s12 =	sand.u32 $0x60, s21;
	[tilespmem:s24+$0x4110] =	vst v14;
	v14 =	vld.idx.msk [tilespmem:v15+s1+$0x0], $0xffff  }
0x4a1: {  	v28 =	vor.u32 $0x380, v6;
	s12 =	sor.u32 s12, s17;
	v15 =	vor.u32 $0x80, v22;
	v19 =	vld.idx.msk [tilespmem:v19+s1+$0x0], $0xffff;
	[tilespmem:s20+$0x4290] =	vst v9  }
0x4a2: {  	v24 =	vor.u32 $0x200, v4;
	v34 =	vor.u32 $0x280, v4;
	v6 =	vshll.u32 v23, $0x3;
	[tilespmem:s12+$0x4010] =	vst v17;
	v27 =	vld.idx.msk [tilespmem:v13+s1+$0x0], $0xffff  }
0x4a3: {  	v29 =	vor.u32 $0x100, v5;
	v16 =	vand.u32 $0xFFFFFC00, v6;
	v6 =	vor.u32 $0x380, v10;
	[tilespmem:s12+$0x4000] =	vst v18;
	v18 =	vld.idx.msk [tilespmem:v20+s1+$0x0], $0xffff  }
0x4a4: {  	v21 =	vld.idx.msk [tilespmem:v21+s1+$0x0], $0xffff;
	v9 =	vor.u32 $0x280, v10;
	[tilespmem:s20+$0x4200] =	vst v11;
	v11 =	vand.u32 $0x7F, v23;
	v20 =	vor.u32 $0x380, v8  }
0x4a5: {  	v13 =	vor.u32 $0x200, v10;
	v17 =	vor.u32 $0x180, v22;
	v62 =	vor.u32 v11, v16;
	v63 =	vld.idx.msk [tilespmem:v25+s1+$0x0], $0xffff;
	[tilespmem:s15+$0x4000] =	vst v14  }
0x4a6: {  	v23 =	vshll.u32 v26, $0x3;
	v8 =	vor.u32 $0x300, v10;
	v16 =	vor.u32 $0x200, v22;
	v15 =	vld.idx.msk [tilespmem:v15+s1+$0x0], $0xffff;
	[tilespmem:s24+$0x4190] =	vst v19  }
0x4a7: {  	v10 =	vor.u32 $0x300, v22;
	v11 =	vor.u32 $0x380, v22;
	v19 =	vor.u32 $0x100, v22;
	v31 =	vld.idx.msk [tilespmem:v24+s1+$0x0], $0xffff;
	[tilespmem:s19+$0x4000] =	vst v27  }
0x4a8: {  	s31 =	sor.u32 $0x380, s31;
	v14 =	vor.u32 $0x280, v22;
	v25 =	vld.idx.msk [tilespmem:v28+s1+$0x0], $0xffff;
	v22 =	vand.u32 $0xFFFFFC00, v23;
	[tilespmem:s12+$0x4090] =	vst v18;
	v18 =	vand.u32 $0x7F, v26  }
0x4a9: {  	s25 =	sor.u32 s13, s13;
	[tilespmem:s31+$0x4000] =	vst v12;
	v24 =	vld.idx.msk [tilespmem:v20+s1+$0x0], $0xffff;
	v18 =	vor.u32 v18, v22  }
0x4aa: {  	s30 =	sor.u32 s0, s23;
	s0 =	sor.u32 $0x380, s25;
	v12 =	vor.u32 $0x300, v7;
	[tilespmem:s24+$0x4180] =	vst v21;
	v30 =	vld.idx.msk [tilespmem:v62+s1+$0x0], $0xffff  }
0x4ab: {  	s13 =	sor.u32 $0x380, s30;
	s23 =	simm.s32 $0x5;
	s29 =	sor.u32 s14, s22;
	v7 =	vor.u32 $0x380, v7;
	v21 =	vor.u32 $0x180, v62;
	v23 =	vor.u32 $0x80, v62;
	v27 =	vld.idx.msk [tilespmem:v29+s1+$0x0], $0xffff;
	[tilespmem:s12+$0x4080] =	vst v15  }
0x4ac: {  	s14 =	simm.s32 $0x8;
	s22 =	simm.s32 $0x400;
	s31 =	sor.u32 s18, s21;
	v20 =	vor.u32 $0x100, v62;
	v26 =	vor.u32 $0x200, v62;
	v29 =	vld.idx.msk [tilespmem:v19+s1+$0x0], $0xffff;
	[tilespmem:s24+$0x4210] =	vst v31;
	v31 =	vor.u32 $0x180, v5  }
0x4ad: {  	s15 =	sor.u32 $0x380, s29;
	s19 =	sor.u32 $0x380, s31;
	[tilespmem:s20+$0x4280] =	vst v63;
	s20 =	simm.s32 $0x400;
	v22 =	vor.u32 $0x300, v62;
	v15 =	vor.u32 $0x380, v62;
	v19 =	vor.u32 $0x280, v62;
	v28 =	vld.idx.msk [tilespmem:v34+s1+$0x0], $0xffff  }
.LBB2_16:
0x4ae: {  	s5 =	sand.u32 $0x3, s23;
	v32 =	vld.idx.msk [tilespmem:v18+s1+$0x0], $0xffff;
	s17 =	sor.u32 $0x380, s4;
	[tilespmem:s0+$0x4000] =	vst v25;
	s4 =	smov.u32 s6  }
0x4af: {  	s14 =	sadd.s32 $0x2, s14;
	s22 =	sadd.s32 $0x100, s22;
	v33 =	vor.u32 $0x300, v4;
	s0 =	sshll.u32 s5, $0x5;
	v25 =	vld.idx.msk [tilespmem:v13+s1+$0x0], $0xffff;
	[tilespmem:s17+$0x4000] =	vst v24;
	v13 =	vmov v16;
	v16 =	vmov v26  }
0x4b0: {  	s6 =	smov.u32 s16;
	p1 =	slt.u32 s14, $0x3E;
	v24 =	vor.u32 $0x80, v18;
	s0 =	sadd.s32 s0, s22;
	[tilespmem:s12+$0x4110] =	vst v27;
	v26 =	vld.idx.msk [tilespmem:v12+s1+$0x0], $0xffff;
	v12 =	vmovc v8;
	v8 =	vmov v10;
	v10 =	vmov v22  }
0x4b1: {  	s21 =	sadd.s32 $0x20, s21;
	s5 =	sor.u32 $0x300, s0;
	s0 =	sadd.s32 $0x10, s0;
	[tilespmem:s12+$0x4100] =	vst v29;
	v22 =	vld.idx.msk [tilespmem:v31+s1+$0x0], $0xffff  }
0x4b2: {  	s18 =	sand.u32 $0x1C00, s20;
	s16 =	sand.u32 $0x60, s21;
	v27 =	vld [tilespmem:s5+$0x2000];
	s17 =	sor.u32 $0x300, s0  }
0x4b3: {  	s18 =	sor.u32 s16, s18;
	s16 =	sor.u32 s20, s21;
	s20 =	smov.u32 s22;
	v31 =	vor.u32 $0x200, v5;
	v29 =	vld [tilespmem:s17+$0x2000];
	[tilespmem:s24+$0x4290] =	vst v28  }
0x4b4: {  	s25 =	sor.u32 $0x380, s16;
	s16 =	smov.u32 s26;
	s26 =	smov.u32 s0;
	[tilespmem:s18+$0x4010] =	vst v32;
	v28 =	vld.idx.msk [tilespmem:v33+s1+$0x0], $0xffff  }
0x4b5: {  	s0 =	smov.u32 s15;
	s15 =	smov.u32 s13;
	s13 =	smov.u32 s19;
	[tilespmem:s18+$0x4000] =	vst v30;
	v24 =	vld.idx.msk [tilespmem:v24+s1+$0x0], $0xffff  }
0x4b6: {  	s19 =	smov.u32 s25;
	v32 =	vor.u32 $0x380, v4;
	v4 =	vmov v5;
	v5 =	vmov v18;
	v30 =	vld.idx.msk [tilespmem:v23+s1+$0x0], $0xffff;
	[tilespmem:s24+$0x4200] =	vst v25  }
0x4b7: {  	v18 =	vand.u32 $0x7F, v27;
	v23 =	vshll.u32 v27, $0x3;
	v27 =	vor.u32 $0x100, v5;
	v33 =	vld.idx.msk [tilespmem:v17+s1+$0x0], $0xffff;
	[tilespmem:s12+$0x4190] =	vst v22;
	v17 =	vmovc v21  }
0x4b8: {  	v21 =	vand.u32 $0xFFFFFC00, v23;
	v34 =	vld.idx.msk [tilespmem:v31+s1+$0x0], $0xffff;
	[tilespmem:s2+$0x4000] =	vst v26;
	s2 =	smov.u32 s3;
	s3 =	smov.u32 s8;
	s8 =	smov.u32 s10  }
0x4b9: {  	s10 =	smov.u32 s5;
	v31 =	vor.u32 v18, v21;
	v18 =	vshll.u32 v29, $0x3;
	v35 =	vld.idx.msk [tilespmem:v9+s1+$0x0], $0xffff;
	v9 =	vmovc v14;
	v14 =	vmov v19  }
0x4ba: {  	v36 =	vor.u32 $0x280, v4;
	v19 =	vand.u32 $0x7F, v29;
	v18 =	vand.u32 $0xFFFFFC00, v18;
	[tilespmem:s7+$0x4000] =	vst v28;
	v25 =	vld.idx.msk [tilespmem:v7+s1+$0x0], $0xffff;
	v7 =	vmovc v6;
	v6 =	vmovc v11;
	s7 =	smov.u32 s9;
	s9 =	smov.u32 s11;
	s11 =	smov.u32 s17  }
.Ltmp9:
0x4bb: {  	v23 =	vor.u32 $0x80, v31;
	v28 =	vor.u32 $0x100, v31;
	v11 =	vmovc v15;
	v18 =	vor.u32 v19, v18;
	[tilespmem:s18+$0x4090] =	vst v24;
	v24 =	vld.idx.msk [tilespmem:v32+s1+$0x0], $0xffff;
	(pc) =	sbr.rel @p1 .LBB2_16-.Ltmp9, $4  }
0x4bc: {  	v21 =	vor.u32 $0x180, v31;
	v26 =	vor.u32 $0x200, v31;
	v19 =	vor.u32 $0x280, v31;
	[tilespmem:s18+$0x4080] =	vst v30;
	v27 =	vld.idx.msk [tilespmem:v27+s1+$0x0], $0xffff  }
0x4bd: {  	v22 =	vor.u32 $0x300, v31;
	v15 =	vor.u32 $0x380, v31;
	v29 =	vld.idx.msk [tilespmem:v20+s1+$0x0], $0xffff;
	[tilespmem:s12+$0x4180] =	vst v33;
	v20 =	vmov v28  }
0x4be: {  	v30 =	vld.idx.msk [tilespmem:v31+s1+$0x0], $0xffff;
	v31 =	vor.u32 $0x180, v5;
	[tilespmem:s12+$0x4210] =	vst v34  }
0x4bf: {  	s23 =	sadd.s32 $0x1, s23;
	v28 =	vld.idx.msk [tilespmem:v36+s1+$0x0], $0xffff;
	[tilespmem:s24+$0x4280] =	vst v35;
	s24 =	smov.u32 s12;
	s12 =	smov.u32 s18  }
0x4c0: {  	_ =	sdelay $0x3  }
0x4c1: {  	v32 =	vld.idx.msk [tilespmem:v18+s1+$0x0], $0xffff  }
0x4c2: {  	v33 =	vor.u32 $0x80, v18;
	s14 =	sadd.s32 $0x20, s21  }
0x4c3: {  	s17 =	sand.u32 $0x1C00, s20;
	s5 =	sand.u32 $0x60, s14  }
0x4c4: {  	s18 =	sor.u32 s5, s17  }
0x4c5: {  	[tilespmem:s18+$0x4000] =	vst v30  }
0x4c6: {  	v23 =	vld.idx.msk [tilespmem:v23+s1+$0x0], $0xffff;
	[tilespmem:s18+$0x4010] =	vst v32  }
0x4c7: {  	v56 =	vld.idx.msk [tilespmem:v33+s1+$0x0], $0xffff  }
0x4c8: {  	v57 =	vor.u32 $0x100, v18;
	_ =	sdelay $0x2  }
0x4c9: {  	[tilespmem:s18+$0x4080] =	vst v23  }
0x4ca: {  	v20 =	vld.idx.msk [tilespmem:v20+s1+$0x0], $0xffff;
	[tilespmem:s18+$0x4090] =	vst v56  }
0x4cb: {  	v23 =	vld.idx.msk [tilespmem:v57+s1+$0x0], $0xffff  }
0x4cc: {  	v58 =	vor.u32 $0x180, v18;
	[tilespmem:s12+$0x4110] =	vst v27  }
0x4cd: {  	[tilespmem:s12+$0x4100] =	vst v29;
	v59 =	vld.idx.msk [tilespmem:v31+s1+$0x0], $0xffff  }
0x4ce: {  	[tilespmem:s0+$0x4000] =	vst v25;
	v60 =	vor.u32 $0x200, v5;
	v17 =	vld.idx.msk [tilespmem:v17+s1+$0x0], $0xffff  }
0x4cf: {  	v13 =	vld.idx.msk [tilespmem:v13+s1+$0x0], $0xffff;
	[tilespmem:s18+$0x4100] =	vst v20  }
0x4d0: {  	v21 =	vld.idx.msk [tilespmem:v21+s1+$0x0], $0xffff;
	[tilespmem:s18+$0x4110] =	vst v23  }
0x4d1: {  	[tilespmem:s24+$0x4290] =	vst v28;
	v20 =	vld.idx.msk [tilespmem:v58+s1+$0x0], $0xffff  }
0x4d2: {  	v12 =	vld.idx.msk [tilespmem:v12+s1+$0x0], $0xffff;
	[tilespmem:s12+$0x4190] =	vst v59;
	v23 =	vor.u32 $0x200, v18  }
0x4d3: {  	v25 =	vld.idx.msk [tilespmem:v60+s1+$0x0], $0xffff;
	[tilespmem:s12+$0x4180] =	vst v17  }
0x4d4: {  	[tilespmem:s24+$0x4200] =	vst v13;
	v17 =	vor.u32 $0x280, v5;
	v16 =	vld.idx.msk [tilespmem:v16+s1+$0x0], $0xffff  }
0x4d5: {  	v9 =	vld.idx.msk [tilespmem:v9+s1+$0x0], $0xffff;
	[tilespmem:s18+$0x4180] =	vst v21  }
0x4d6: {  	v61 =	vor.u32 $0x300, v4;
	v21 =	vld.idx.msk [tilespmem:v26+s1+$0x0], $0xffff;
	[tilespmem:s18+$0x4190] =	vst v20  }
0x4d7: {  	[tilespmem:s2+$0x4000] =	vst v12;
	v20 =	vld.idx.msk [tilespmem:v23+s1+$0x0], $0xffff  }
0x4d8: {  	v13 =	vor.u32 $0x280, v18;
	v7 =	vld.idx.msk [tilespmem:v7+s1+$0x0], $0xffff;
	[tilespmem:s12+$0x4210] =	vst v25  }
0x4d9: {  	v12 =	vld.idx.msk [tilespmem:v17+s1+$0x0], $0xffff;
	[tilespmem:s12+$0x4200] =	vst v16  }
0x4da: {  	[tilespmem:s24+$0x4280] =	vst v9;
	v16 =	vor.u32 $0x300, v5;
	v14 =	vld.idx.msk [tilespmem:v14+s1+$0x0], $0xffff  }
0x4db: {  	v23 =	vld.idx.msk [tilespmem:v61+s1+$0x0], $0xffff;
	[tilespmem:s18+$0x4200] =	vst v21  }
0x4dc: {  	v4 =	vor.u32 $0x380, v4;
	v19 =	vld.idx.msk [tilespmem:v19+s1+$0x0], $0xffff;
	[tilespmem:s18+$0x4210] =	vst v20  }
0x4dd: {  	[tilespmem:s15+$0x4000] =	vst v7;
	v13 =	vld.idx.msk [tilespmem:v13+s1+$0x0], $0xffff  }
0x4de: {  	v8 =	vld.idx.msk [tilespmem:v8+s1+$0x0], $0xffff;
	v17 =	vor.u32 $0x300, v18;
	[tilespmem:s12+$0x4290] =	vst v12  }
0x4df: {  	v9 =	vld.idx.msk [tilespmem:v16+s1+$0x0], $0xffff;
	[tilespmem:s12+$0x4280] =	vst v14  }
0x4e0: {  	v10 =	vld.idx.msk [tilespmem:v10+s1+$0x0], $0xffff;
	[tilespmem:s7+$0x4000] =	vst v23  }
0x4e1: {  	v5 =	vor.u32 $0x380, v5;
	v4 =	vld.idx.msk [tilespmem:v4+s1+$0x0], $0xffff;
	[tilespmem:s18+$0x4280] =	vst v19  }
0x4e2: {  	[tilespmem:s18+$0x4290] =	vst v13;
	v13 =	vld.idx.msk [tilespmem:v22+s1+$0x0], $0xffff  }
0x4e3: {  	[tilespmem:s3+$0x4000] =	vst v8;
	v12 =	vld.idx.msk [tilespmem:v17+s1+$0x0], $0xffff  }
0x4e4: {  	v7 =	vor.u32 $0x380, v18;
	[tilespmem:s9+$0x4000] =	vst v9  }
0x4e5: {  	v6 =	vld.idx.msk [tilespmem:v6+s1+$0x0], $0xffff;
	[tilespmem:s8+$0x4000] =	vst v10;
	s7 =	sor.u32 $0x380, s6  }
0x4e6: {  	v5 =	vld.idx.msk [tilespmem:v5+s1+$0x0], $0xffff;
	[tilespmem:s7+$0x4000] =	vst v4  }
0x4e7: {  	v8 =	vld.idx.msk [tilespmem:v11+s1+$0x0], $0xffff;
	[tilespmem:s10+$0x4000] =	vst v13  }
0x4e8: {  	s5 =	sor.u32 $0x380, s4;
	[tilespmem:s11+$0x4000] =	vst v12;
	v4 =	vld.idx.msk [tilespmem:v15+s1+$0x0], $0xffff  }
0x4e9: {  	[tilespmem:s5+$0x4000] =	vst v24;
	v7 =	vld.idx.msk [tilespmem:v7+s1+$0x0], $0xffff  }
0x4ea: {  	[tilespmem:s13+$0x4000] =	vst v6;
	s8 =	sor.u32 $0x380, s16  }
0x4eb: {  	s9 =	sor.u32 s20, s14;
	[tilespmem:s8+$0x4000] =	vst v5  }
0x4ec: {  	s0 =	sor.u32 $0x380, s9;
	[tilespmem:s19+$0x4000] =	vst v8  }
0x4ed: {  	s10 =	sor.u32 $0x380, s26;
	[tilespmem:s0+$0x4000] =	vst v4  }
0x4ee: {  	s12 =	simm.s32 $0x4000;
	[tilespmem:s10+$0x4000] =	vst v7  }
0x4ef: {  	s13 =	simm.s32 $0x2;
	s11 =	simm.s32 $0x0;
	s2 =	rddreg [dreg:$0x11]  }
0x4f0: {  	[hbm4b:s2+s11] =	stream.linear.scatter [tilespmem:s12], [sflag:$0x1], $0x2000, $0x38;
	[tilespmem:$0xC900] =	vst v63  }
0x4f1: {  	_ =	swait.ge [sflag:s13], $0x2000  }
0x4f2: {  	[sflag:s13] =	ssyncset.done $0x0  }
0x4f3: {  	s14 =	rddreg [dreg:$0x19];
	[sflag:s13] =	ssyncadd.s32 $0xFFFFE000  }
0x4f4: {  	v4 =	vld [tilespmem:s14+$0x2000];
	_ =	sdelay $0x4  }
0x4f5: {  	vm0 =	vge.s32 v4, v0;
	vm1 =	vlt.s32 v4, v1  }
0x4f6: {  	vm0 =	vmand vm0, vm1;
	_ =	sdelay $0x5  }
0x4f7: {  	s15 =	rddreg [dreg:$0x1a];
	[tilespmem:v4+s28+$0x0] =	vst.idx.add.s32.msk vm0, v3  }
0x4f8: {  	v4 =	vld [tilespmem:s15+$0x2000];
	_ =	sdelay $0x4  }
0x4f9: {  	vm10 =	vge.s32 v4, v0;
	vm11 =	vlt.s32 v4, v1  }
0x4fa: {  	vm0 =	vmand vm10, vm11;
	_ =	sdelay $0x5  }
0x4fb: {  	s16 =	rddreg [dreg:$0x1b];
	[tilespmem:v4+s28+$0x0] =	vst.idx.add.s32.msk vm0, v3  }
0x4fc: {  	v4 =	vld [tilespmem:s16+$0x2000];
	_ =	sdelay $0x4  }
0x4fd: {  	vm12 =	vge.s32 v4, v0;
	vm13 =	vlt.s32 v4, v1  }
0x4fe: {  	vm0 =	vmand vm12, vm13;
	_ =	sdelay $0x5  }
0x4ff: {  	s17 =	rddreg [dreg:$0x1c];
	[tilespmem:v4+s28+$0x0] =	vst.idx.add.s32.msk vm0, v3  }
0x500: {  	v4 =	vld [tilespmem:s17+$0x2000];
	_ =	sdelay $0x4  }
0x501: {  	vm14 =	vge.s32 v4, v0;
	vm15 =	vlt.s32 v4, v1  }
0x502: {  	vm0 =	vmand vm14, vm15;
	_ =	sdelay $0x4  }
0x503: {  	s18 =	sor.u32 s11, s11  }
0x504: {  	s19 =	sand.u32 $0x3, s11;
	s2 =	sor.u32 $0x380, s18;
	[tilespmem:v4+s28+$0x0] =	vst.idx.add.s32.msk vm0, v3  }
0x505: {  	s3 =	sshll.u32 s19, $0x5;
	v4 =	vld [tilespmem:s2+$0x2000]  }
0x506: {  	s20 =	sadd.s32 $0x10, s3  }
0x507: {  	s2 =	sor.u32 $0x380, s20  }
0x508: {  	v5 =	vld [tilespmem:s2+$0x2000];
	_ =	sdelay $0x1  }
0x509: {  	v6 =	vshll.u32 v4, $0x3  }
0x50a: {  	v4 =	vand.u32 $0x7F, v4;
	v6 =	vand.u32 $0xFFFFFC00, v6  }
0x50b: {  	v9 =	vor.u32 v4, v6  }
0x50c: {  	v4 =	vshll.u32 v5, $0x3  }
0x50d: {  	v5 =	vand.u32 $0x7F, v5;
	v4 =	vand.u32 $0xFFFFFC00, v4  }
0x50e: {  	s21 =	simm.s32 $0x100;
	s22 =	simm.s32 $0x20;
	v10 =	vor.u32 v5, v4  }
0x50f: {  	s23 =	sor.u32 s22, s21  }
0x510: {  	s24 =	simm.s32 $0x1;
	s2 =	sor.u32 $0x380, s23;
	v4 =	vld.idx.msk [tilespmem:v9+s1+$0x0], $0xffff  }
0x511: {  	s5 =	sand.u32 $0x3, s24;
	v6 =	vor.u32 $0x80, v9;
	v5 =	vld [tilespmem:s2+$0x2000]  }
0x512: {  	s25 =	sshll.u32 s5, $0x5;
	s12 =	sand.u32 $0x1C00, s11  }
0x513: {  	s11 =	sand.u32 $0x60, s11;
	s26 =	sor.u32 $0x6000, s12;
	s2 =	sadd.s32 $0x110, s25;
	v7 =	vld.idx.msk [tilespmem:v10+s1+$0x0], $0xffff  }
0x514: {  	s6 =	sor.u32 s11, s26;
	s2 =	sor.u32 $0x380, s2;
	v8 =	vor.u32 $0x80, v10  }
0x515: {  	[tilespmem:s6+$0x0] =	vst v4;
	v4 =	vld [tilespmem:s2+$0x2000]  }
0x516: {  	s28 =	sor.u32 $0x10, s11;
	v11 =	vshll.u32 v5, $0x3;
	v6 =	vld.idx.msk [tilespmem:v6+s1+$0x0], $0xffff  }
0x517: {  	s0 =	sor.u32 s28, s26;
	v12 =	vor.u32 $0x100, v9;
	v5 =	vand.u32 $0x7F, v5;
	v11 =	vand.u32 $0xFFFFFC00, v11  }
0x518: {  	[tilespmem:s0+$0x0] =	vst v7;
	v7 =	vor.u32 v5, v11  }
0x519: {  	s7 =	sor.u32 $0x6080, s12;
	v8 =	vld.idx.msk [tilespmem:v8+s1+$0x0], $0xffff  }
0x51a: {  	s8 =	sor.u32 s11, s7;
	v11 =	vor.u32 $0x100, v10;
	v5 =	vshll.u32 v4, $0x3  }
0x51b: {  	v4 =	vand.u32 $0x7F, v4;
	[tilespmem:s8+$0x0] =	vst v6;
	v5 =	vand.u32 $0xFFFFFC00, v5  }
0x51c: {  	v6 =	vld.idx.msk [tilespmem:v12+s1+$0x0], $0xffff;
	v5 =	vor.u32 v4, v5  }
0x51d: {  	s2 =	simm.s32 $0x200;
	s0 =	sor.u32 s28, s7;
	s8 =	simm.s32 $0x40;
	v4 =	vld.idx.msk [tilespmem:v7+s1+$0x0], $0xffff;
	v12 =	vor.u32 $0x180, v9  }
0x51e: {  	s4 =	sand.u32 $0x60, s22;
	s10 =	simm.s32 $0x2;
	s13 =	sor.u32 s8, s2;
	[tilespmem:s0+$0x0] =	vst v8;
	v8 =	vor.u32 $0x80, v7  }
0x51f: {  	s9 =	sor.u32 $0x6100, s12;
	s6 =	sand.u32 $0x1C00, s21;
	s7 =	sor.u32 $0x380, s13;
	v11 =	vld.idx.msk [tilespmem:v11+s1+$0x0], $0xffff  }
0x520: {  	s14 =	sand.u32 $0x3, s10;
	s16 =	sor.u32 s11, s9;
	v14 =	vor.u32 $0x180, v10;
	s15 =	sor.u32 $0x6000, s6;
	v13 =	vld [tilespmem:s7+$0x2000]  }
0x521: {  	s17 =	sor.u32 s4, s15;
	s0 =	sshll.u32 s14, $0x5;
	[tilespmem:s16+$0x0] =	vst v6;
	v6 =	vld.idx.msk [tilespmem:v5+s1+$0x0], $0xffff  }
0x522: {  	v15 =	vor.u32 $0x80, v5;
	s0 =	sadd.s32 $0x210, s0;
	[tilespmem:s17+$0x0] =	vst v4;
	v12 =	vld.idx.msk [tilespmem:v12+s1+$0x0], $0xffff  }
0x523: {  	s5 =	sor.u32 s28, s9;
	s0 =	sor.u32 $0x380, s0;
	v8 =	vld.idx.msk [tilespmem:v8+s1+$0x0], $0xffff  }
0x524: {  	s3 =	sor.u32 $0x10, s4;
	v16 =	vor.u32 $0x200, v9;
	[tilespmem:s5+$0x0] =	vst v11;
	v11 =	vld [tilespmem:s0+$0x2000]  }
0x525: {  	s18 =	sor.u32 s3, s15;
	v17 =	vor.u32 $0x100, v7;
	v4 =	vshll.u32 v13, $0x3;
	v14 =	vld.idx.msk [tilespmem:v14+s1+$0x0], $0xffff  }
0x526: {  	s19 =	sor.u32 $0x6180, s12;
	v13 =	vand.u32 $0x7F, v13;
	v4 =	vand.u32 $0xFFFFFC00, v4;
	[tilespmem:s18+$0x0] =	vst v6;
	v6 =	vor.u32 $0x200, v10  }
0x527: {  	s21 =	sor.u32 s11, s19;
	s20 =	sor.u32 $0x6080, s6;
	v4 =	vor.u32 v13, v4;
	v13 =	vld.idx.msk [tilespmem:v15+s1+$0x0], $0xffff  }
0x528: {  	s22 =	sor.u32 s4, s20;
	[tilespmem:s21+$0x0] =	vst v12;
	v12 =	vor.u32 $0x100, v5  }
0x529: {  	s5 =	sor.u32 s28, s19;
	[tilespmem:s22+$0x0] =	vst v8;
	v15 =	vld.idx.msk [tilespmem:v16+s1+$0x0], $0xffff;
	v8 =	vshll.u32 v11, $0x3  }
0x52a: {  	v11 =	vand.u32 $0x7F, v11;
	v16 =	vld.idx.msk [tilespmem:v17+s1+$0x0], $0xffff;
	[tilespmem:s5+$0x0] =	vst v14;
	v8 =	vand.u32 $0xFFFFFC00, v8;
	v14 =	vor.u32 $0x280, v9  }
0x52b: {  	s23 =	sor.u32 s3, s20;
	s7 =	simm.s32 $0x300;
	s0 =	simm.s32 $0x60;
	v17 =	vld.idx.msk [tilespmem:v6+s1+$0x0], $0xffff;
	v6 =	vor.u32 v11, v8  }
0x52c: {  	s25 =	sor.u32 $0x6200, s12;
	s24 =	sor.u32 s0, s7;
	v8 =	vld.idx.msk [tilespmem:v4+s1+$0x0], $0xffff;
	v11 =	vor.u32 $0x180, v7;
	[tilespmem:s23+$0x0] =	vst v13  }
0x52d: {  	s13 =	sor.u32 s11, s25;
	s26 =	sor.u32 $0x380, s24;
	v13 =	vor.u32 $0x280, v10;
	v12 =	vld.idx.msk [tilespmem:v12+s1+$0x0], $0xffff  }
0x52e: {  	s14 =	sor.u32 $0x6100, s6;
	v18 =	vor.u32 $0x80, v4;
	[tilespmem:s13+$0x0] =	vst v15;
	v15 =	vld [tilespmem:s26+$0x2000]  }
0x52f: {  	s10 =	sor.u32 s28, s25;
	s2 =	sand.u32 $0x1C00, s2;
	v19 =	vor.u32 $0x180, v5;
	s17 =	sor.u32 s4, s14;
	v14 =	vld.idx.msk [tilespmem:v14+s1+$0x0], $0xffff  }
0x530: {  	s15 =	simm.s32 $0x3;
	s16 =	sand.u32 $0x60, s8;
	s18 =	sor.u32 $0x6000, s2;
	[tilespmem:s17+$0x0] =	vst v16;
	v16 =	vld.idx.msk [tilespmem:v6+s1+$0x0], $0xffff  }
0x531: {  	s19 =	sor.u32 s16, s18;
	s5 =	sand.u32 $0x3, s15;
	[tilespmem:s10+$0x0] =	vst v17;
	v11 =	vld.idx.msk [tilespmem:v11+s1+$0x0], $0xffff;
	v17 =	vor.u32 $0x300, v9  }
0x532: {  	s20 =	sor.u32 s3, s14;
	s21 =	sor.u32 $0x6280, s12;
	s5 =	sshll.u32 s5, $0x5;
	v20 =	vor.u32 $0x80, v6;
	[tilespmem:s19+$0x0] =	vst v8;
	v13 =	vld.idx.msk [tilespmem:v13+s1+$0x0], $0xffff  }
0x533: {  	v21 =	vor.u32 $0x200, v7;
	s22 =	sor.u32 s11, s21;
	s5 =	sadd.s32 $0x310, s5;
	s23 =	sor.u32 $0x10, s16;
	v18 =	vld.idx.msk [tilespmem:v18+s1+$0x0], $0xffff;
	[tilespmem:s20+$0x0] =	vst v12  }
0x534: {  	s24 =	sor.u32 $0x6180, s6;
	v22 =	vor.u32 $0x100, v4;
	s5 =	sor.u32 $0x380, s5;
	s8 =	sor.u32 s23, s18;
	v12 =	vld.idx.msk [tilespmem:v19+s1+$0x0], $0xffff;
	[tilespmem:s22+$0x0] =	vst v14  }
0x535: {  	s25 =	sor.u32 s4, s24;
	v8 =	vshll.u32 v15, $0x3;
	v19 =	vor.u32 $0x300, v10;
	v14 =	vld [tilespmem:s5+$0x2000];
	[tilespmem:s8+$0x0] =	vst v16  }
0x536: {  	s9 =	sor.u32 s28, s21;
	s26 =	sor.u32 $0x6080, s2;
	v15 =	vand.u32 $0x7F, v15;
	v8 =	vand.u32 $0xFFFFFC00, v8;
	v17 =	vld.idx.msk [tilespmem:v17+s1+$0x0], $0xffff;
	[tilespmem:s25+$0x0] =	vst v11  }
0x537: {  	s14 =	simm.s32 $0x4;
	s31 =	sand.u32 $0x60, s0;
	s10 =	sor.u32 s16, s26;
	v8 =	vor.u32 v15, v8;
	v11 =	vld.idx.msk [tilespmem:v20+s1+$0x0], $0xffff;
	[tilespmem:s9+$0x0] =	vst v13  }
0x538: {  	s0 =	sor.u32 $0x6180, s2;
	s21 =	simm.s32 $0x400;
	s20 =	simm.s32 $0x80;
	v16 =	vor.u32 $0x200, v5;
	v13 =	vld.idx.msk [tilespmem:v21+s1+$0x0], $0xffff;
	[tilespmem:s10+$0x0] =	vst v18  }
0x539: {  	s7 =	sand.u32 $0x1C00, s7;
	s30 =	sor.u32 s16, s0;
	s19 =	sor.u32 s20, s21;
	v15 =	vor.u32 $0x380, v9;
	v20 =	vld.idx.msk [tilespmem:v22+s1+$0x0], $0xffff  }
0x53a: {  	s15 =	sor.u32 s3, s24;
	s18 =	sor.u32 $0x6300, s12;
	v18 =	vor.u32 $0x100, v6;
	s10 =	sor.u32 $0x380, s19;
	v19 =	vld.idx.msk [tilespmem:v19+s1+$0x0], $0xffff  }
0x53b: {  	s24 =	sor.u32 $0x6200, s6;
	s17 =	sor.u32 $0x6100, s2;
	s22 =	sor.u32 s11, s18;
	v22 =	vld [tilespmem:s10+$0x2000];
	v9 =	vshll.u32 v14, $0x3;
	[tilespmem:s15+$0x0] =	vst v12;
	v12 =	vand.u32 $0x7F, v14;
	v14 =	vor.u32 $0x280, v7  }
0x53c: {  	s13 =	simm.s32 $0x410;
	s8 =	sor.u32 s23, s26;
	s9 =	sand.u32 $0x3, s14;
	v9 =	vand.u32 $0xFFFFFC00, v9;
	v21 =	vld.idx.msk [tilespmem:v8+s1+$0x0], $0xffff;
	[tilespmem:s22+$0x0] =	vst v17  }
0x53d: {  	s5 =	sor.u32 s28, s18;
	s14 =	sor.u32 s4, s24;
	s9 =	sshll.u32 s9, $0x5;
	v16 =	vld.idx.msk [tilespmem:v16+s1+$0x0], $0xffff;
	v9 =	vor.u32 v12, v9;
	[tilespmem:s8+$0x0] =	vst v11  }
0x53e: {  	s18 =	sor.u32 $0x6000, s7;
	s25 =	sor.u32 s16, s17;
	s9 =	sadd.s32 $0x410, s9;
	v12 =	vor.u32 $0x180, v4;
	v11 =	vld.idx.msk [tilespmem:v15+s1+$0x0], $0xffff;
	[tilespmem:s14+$0x0] =	vst v13  }
0x53f: {  	s26 =	sor.u32 s31, s18;
	s10 =	sor.u32 $0x6100, s7;
	s19 =	sor.u32 $0x380, s9;
	v15 =	vor.u32 $0x280, v5;
	v23 =	vld.idx.msk [tilespmem:v18+s1+$0x0], $0xffff;
	[tilespmem:s5+$0x0] =	vst v19  }
0x540: {  	s9 =	sor.u32 $0x10, s31;
	s22 =	sor.u32 s3, s24;
	v13 =	vor.u32 $0x380, v10;
	v63 =	vld.idx.msk [tilespmem:v14+s1+$0x0], $0xffff;
	[dreg:$0x5] =	wrdreg s7  }
0x541: {  	v62 =	vor.u32 $0x80, v8;
	s29 =	sor.u32 s9, s18;
	s18 =	sor.u32 $0x6280, s6;
	s7 =	sor.u32 $0x6080, s7;
	[tilespmem:s25+$0x0] =	vst v20  }
0x542: {  	s14 =	simm.s32 $0x8;
	s8 =	smov.u32 s23;
	v14 =	vld.idx.msk [tilespmem:v9+s1+$0x0], $0xffff;
	v20 =	vor.u32 $0x180, v6;
	s24 =	sor.u32 s31, s7;
	[tilespmem:s22+$0x0] =	vst v16  }
0x543: {  	s25 =	sor.u32 $0x6380, s12;
	s12 =	sor.u32 s23, s17;
	s17 =	smov.u32 s4;
	[tilespmem:s26+$0x0] =	vst v21;
	v16 =	vld.idx.msk [tilespmem:v12+s1+$0x0], $0xffff  }
0x544: {  	s4 =	smov.u32 s6;
	v19 =	vld.idx.msk [tilespmem:v15+s1+$0x0], $0xffff;
	s15 =	sor.u32 s11, s25;
	[dreg:$0x6] =	wrdreg s9  }
0x545: {  	v17 =	vor.u32 $0x300, v7;
	v10 =	vor.u32 $0x100, v8;
	s22 =	sor.u32 s9, s7;
	s26 =	smov.u32 s2;
	s2 =	smov.u32 s16;
	[tilespmem:s15+$0x0] =	vst v11;
	v18 =	vld.idx.msk [tilespmem:v13+s1+$0x0], $0xffff  }
0x546: {  	v21 =	vor.u32 $0x200, v4;
	s23 =	sor.u32 s17, s18;
	v12 =	vshll.u32 v22, $0x3;
	s9 =	smov.u32 s31;
	s31 =	sor.u32 s3, s18;
	v11 =	vand.u32 $0x7F, v22;
	v15 =	vld.idx.msk [tilespmem:v62+s1+$0x0], $0xffff;
	[tilespmem:s12+$0x0] =	vst v23  }
0x547: {  	s11 =	simm.s32 $0x5;
	v22 =	vor.u32 $0x80, v9;
	v12 =	vand.u32 $0xFFFFFC00, v12;
	s12 =	simm.s32 $0x500;
	v13 =	vor.u32 $0x300, v5;
	[tilespmem:s23+$0x0] =	vst v63;
	s23 =	simm.s32 $0xA0;
	v20 =	vld.idx.msk [tilespmem:v20+s1+$0x0], $0xffff  }
.LBB2_18:
0x548: {  	s5 =	sand.u32 $0x3, s11;
	s6 =	smov.u32 s17  }
0x549: {  	s7 =	sor.u32 s23, s12;
	s18 =	sor.u32 s28, s25;
	s13 =	sadd.s32 $0x100, s13  }
0x54a: {  	s0 =	sor.u32 s8, s0;
	s15 =	sor.u32 $0x6300, s4;
	s14 =	sadd.s32 $0x2, s14  }
0x54b: {  	v23 =	vld [tilespmem:s19+$0x2000];
	s28 =	smov.u32 s26;
	s11 =	sadd.s32 $0x1, s11;
	s5 =	sshll.u32 s5, $0x5;
	[tilespmem:s30+$0x0] =	vst v16  }
0x54c: {  	v11 =	vor.u32 v11, v12;
	s25 =	sor.u32 $0x380, s7;
	s16 =	sor.u32 s6, s15;
	[tilespmem:s29+$0x0] =	vst v14;
	s5 =	sadd.s32 s5, s13;
	v14 =	vld.idx.msk [tilespmem:v17+s1+$0x0], $0xffff  }
0x54d: {  	p1 =	slt.u32 s14, $0x3E;
	s29 =	sor.u32 s3, s15;
	v17 =	vld.idx.msk [tilespmem:v22+s1+$0x0], $0xffff;
	[tilespmem:s31+$0x0] =	vst v19;
	s19 =	sor.u32 $0x380, s5  }
0x54e: {  	v12 =	vor.u32 $0x200, v6;
	v19 =	vld.idx.msk [tilespmem:v21+s1+$0x0], $0xffff;
	s5 =	sor.u32 $0x6200, s26;
	[tilespmem:s18+$0x0] =	vst v18;
	s18 =	sand.u32 $0x60, s20;
	s20 =	sand.u32 $0x1C00, s21  }
0x54f: {  	v21 =	vor.u32 $0x380, v7;
	[tilespmem:s24+$0x0] =	vst v15;
	s21 =	sor.u32 s2, s5;
	s5 =	sor.u32 s8, s5;
	v13 =	vld.idx.msk [tilespmem:v13+s1+$0x0], $0xffff;
	s30 =	sor.u32 $0x6000, s20  }
0x550: {  	v15 =	vor.u32 $0x100, v9;
	s31 =	sor.u32 $0x6100, s20;
	v18 =	vand.u32 $0x7F, v23;
	v22 =	vshll.u32 v23, $0x3;
	v23 =	vld.idx.msk [tilespmem:v10+s1+$0x0], $0xffff;
	[tilespmem:s0+$0x0] =	vst v20;
	s7 =	sor.u32 $0x6080, s20;
	s0 =	sor.u32 s9, s10  }
0x551: {  	v16 =	vor.u32 $0x100, v11;
	v7 =	vmovc v4;
	v4 =	vmov v8;
	v8 =	vmov v11;
	v11 =	vld.idx.msk [tilespmem:v11+s1+$0x0], $0xffff;
	s26 =	smov.u32 s20;
	s20 =	smov.u32 s23;
	[tilespmem:s16+$0x0] =	vst v14;
	s16 =	rddreg [dreg:$0x5]  }
0x552: {  	v10 =	vmov v16;
	v20 =	vor.u32 $0x280, v7;
	s23 =	sadd.s32 $0x20, s23;
	s17 =	sor.u32 s18, s30;
	v16 =	vand.u32 $0xFFFFFC00, v22;
	[dreg:$0x5] =	wrdreg s26  }
0x553: {  	v12 =	vld.idx.msk [tilespmem:v12+s1+$0x0], $0xffff;
	s24 =	sor.u32 s18, s7;
	v16 =	vor.u32 v18, v16;
	[tilespmem:s22+$0x0] =	vst v17;
	s22 =	rddreg [dreg:$0x6];
	s26 =	sor.u32 $0x10, s18  }
0x554: {  	v18 =	vor.u32 $0x180, v4;
	v21 =	vld.idx.msk [tilespmem:v21+s1+$0x0], $0xffff;
	s15 =	smov.u32 s16;
	[tilespmem:s21+$0x0] =	vst v19;
	s21 =	smov.u32 s3;
	s3 =	simm.s32 $0x0  }
0x555: {  	v25 =	vor.u32 $0x380, v5;
	v24 =	vld.idx.msk [tilespmem:v15+s1+$0x0], $0xffff;
	s16 =	smov.u32 s8;
	s8 =	smov.u32 s22;
	[dreg:$0x6] =	wrdreg s26  }
0x556: {  	v15 =	vor.u32 $0x280, v6;
	s1 =	smov.u32 s21;
	v22 =	vld [tilespmem:s25+$0x2000];
	s25 =	smov.u32 s4;
	s4 =	sor.u32 s22, s10;
	[tilespmem:s0+$0x0] =	vst v23  }
0x557: {  	v5 =	vmov v6;
	v6 =	vmov v9;
	[tilespmem:s29+$0x0] =	vst v13;
	s10 =	smov.u32 s31;
	v13 =	vor.u32 $0x80, v8;
	s21 =	smov.u32 s12;
	s29 =	sor.u32 s26, s30;
	v23 =	vld.idx.msk [tilespmem:v20+s3+$0x0], $0xffff  }
0x558: {  	s22 =	sor.u32 s26, s7;
	s7 =	sor.u32 $0x6280, s28;
	s26 =	smov.u32 s15;
	v20 =	vor.u32 $0x180, v6;
	v14 =	vld.idx.msk [tilespmem:v16+s3+$0x0], $0xffff  }
.Ltmp10:
0x559: {  	v9 =	vmov v16;
	s0 =	sor.u32 $0x6180, s15;
	s25 =	sor.u32 $0x6380, s25;
	[tilespmem:s5+$0x0] =	vst v12;
	v16 =	vld.idx.msk [tilespmem:v18+s3+$0x0], $0xffff;
	(pc) =	sbr.rel @p1 .LBB2_18-.Ltmp10, $4  }
0x55a: {  	s12 =	sadd.s32 $0x100, s12;
	s15 =	sor.u32 s2, s7;
	[tilespmem:s17+$0x0] =	vst v11;
	s6 =	sor.u32 s6, s25;
	v18 =	vld.idx.msk [tilespmem:v25+s3+$0x0], $0xffff  }
0x55b: {  	v17 =	vor.u32 $0x300, v7;
	s30 =	sor.u32 s9, s0;
	s31 =	sor.u32 s16, s7;
	s17 =	smov.u32 s2;
	v19 =	vld.idx.msk [tilespmem:v15+s3+$0x0], $0xffff;
	[tilespmem:s6+$0x0] =	vst v21  }
0x55c: {  	v21 =	vor.u32 $0x200, v4;
	[tilespmem:s4+$0x0] =	vst v24;
	s4 =	smov.u32 s28;
	s28 =	smov.u32 s1;
	s1 =	simm.s32 $0x0;
	v11 =	vand.u32 $0x7F, v22;
	v12 =	vshll.u32 v22, $0x3;
	v15 =	vld.idx.msk [tilespmem:v13+s3+$0x0], $0xffff  }
0x55d: {  	s2 =	smov.u32 s9;
	s9 =	smov.u32 s18;
	v22 =	vor.u32 $0x80, v9;
	s3 =	smov.u32 s16;
	v13 =	vor.u32 $0x300, v5;
	v12 =	vand.u32 $0xFFFFFC00, v12;
	v20 =	vld.idx.msk [tilespmem:v20+s1+$0x0], $0xffff;
	[tilespmem:s15+$0x0] =	vst v23  }
0x55e: {  	v23 =	vld [tilespmem:s19+$0x2000];
	_ =	sdelay $0x3  }
0x55f: {  	v12 =	vor.u32 v11, v12  }
0x560: {  	v24 =	vshll.u32 v23, $0x3  }
0x561: {  	v60 =	vand.u32 $0x7F, v23;
	v61 =	vand.u32 $0xFFFFFC00, v24  }
0x562: {  	v11 =	vor.u32 v60, v61;
	_ =	sdelay $0x1  }
0x563: {  	v62 =	vld.idx.msk [tilespmem:v12+s1+$0x0], $0xffff  }
0x564: {  	v63 =	vor.u32 $0x80, v12  }
0x565: {  	s11 =	sand.u32 $0x1C00, s21  }
0x566: {  	[tilespmem:s29+$0x0] =	vst v14;
	s12 =	sand.u32 $0x60, s20;
	s23 =	sor.u32 $0x6000, s11;
	v25 =	vld.idx.msk [tilespmem:v11+s1+$0x0], $0xffff  }
0x567: {  	[tilespmem:s30+$0x0] =	vst v16;
	s5 =	sor.u32 s12, s23;
	v28 =	vor.u32 $0x80, v11  }
0x568: {  	s28 =	sor.u32 s28, s25;
	[tilespmem:s5+$0x0] =	vst v62  }
0x569: {  	s13 =	sor.u32 $0x10, s12;
	[tilespmem:s28+$0x0] =	vst v18;
	v31 =	vld.idx.msk [tilespmem:v63+s1+$0x0], $0xffff  }
0x56a: {  	s6 =	smov.u32 s4;
	v17 =	vld.idx.msk [tilespmem:v17+s1+$0x0], $0xffff;
	v32 =	vor.u32 $0x100, v12;
	[tilespmem:s31+$0x0] =	vst v19;
	s4 =	sor.u32 s13, s23  }
0x56b: {  	v29 =	vld.idx.msk [tilespmem:v22+s1+$0x0], $0xffff;
	[tilespmem:s4+$0x0] =	vst v25  }
0x56c: {  	v30 =	vor.u32 $0x100, v9;
	s0 =	sor.u32 s8, s0;
	s29 =	sor.u32 $0x6080, s11;
	[tilespmem:s24+$0x0] =	vst v15;
	v14 =	vld.idx.msk [tilespmem:v28+s1+$0x0], $0xffff  }
0x56d: {  	v21 =	vld.idx.msk [tilespmem:v21+s1+$0x0], $0xffff;
	s30 =	sor.u32 s12, s29;
	s31 =	sor.u32 $0x6300, s6;
	[tilespmem:s0+$0x0] =	vst v20;
	v33 =	vor.u32 $0x100, v11  }
0x56e: {  	s19 =	sor.u32 s17, s31;
	v10 =	vld.idx.msk [tilespmem:v10+s1+$0x0], $0xffff;
	[tilespmem:s30+$0x0] =	vst v31  }
0x56f: {  	[tilespmem:s19+$0x0] =	vst v17;
	v18 =	vld.idx.msk [tilespmem:v32+s1+$0x0], $0xffff  }
0x570: {  	v34 =	vor.u32 $0x200, v6;
	s18 =	sor.u32 $0x6200, s26;
	v13 =	vld.idx.msk [tilespmem:v13+s1+$0x0], $0xffff;
	s0 =	sor.u32 s13, s29;
	[tilespmem:s22+$0x0] =	vst v29  }
0x571: {  	v35 =	vor.u32 $0x180, v8;
	s20 =	sor.u32 s2, s18;
	v19 =	vld.idx.msk [tilespmem:v30+s1+$0x0], $0xffff;
	[tilespmem:s0+$0x0] =	vst v14  }
0x572: {  	v36 =	vor.u32 $0x180, v9;
	s21 =	sor.u32 s9, s10;
	[tilespmem:s20+$0x0] =	vst v21;
	s22 =	sor.u32 $0x6100, s11;
	v15 =	vld.idx.msk [tilespmem:v33+s1+$0x0], $0xffff  }
0x573: {  	v37 =	vor.u32 $0x180, v12;
	s23 =	sor.u32 s12, s22;
	[tilespmem:s21+$0x0] =	vst v10  }
0x574: {  	s16 =	smov.u32 s8;
	s24 =	sor.u32 s3, s31;
	v38 =	vor.u32 $0x180, v11;
	s8 =	rddreg [dreg:$0x6];
	[tilespmem:s23+$0x0] =	vst v18  }
0x575: {  	v7 =	vor.u32 $0x380, v7;
	v39 =	vld.idx.msk [tilespmem:v34+s1+$0x0], $0xffff;
	[tilespmem:s24+$0x0] =	vst v13;
	s7 =	sor.u32 s8, s10  }
0x576: {  	v40 =	vor.u32 $0x280, v4;
	v16 =	vld.idx.msk [tilespmem:v35+s1+$0x0], $0xffff;
	s0 =	sor.u32 s13, s22;
	[tilespmem:s7+$0x0] =	vst v19  }
0x577: {  	v41 =	vor.u32 $0x200, v8;
	v14 =	vld.idx.msk [tilespmem:v36+s1+$0x0], $0xffff;
	[tilespmem:s0+$0x0] =	vst v15  }
0x578: {  	s15 =	smov.u32 s26;
	v42 =	vor.u32 $0x200, v9;
	v17 =	vld.idx.msk [tilespmem:v37+s1+$0x0], $0xffff;
	s26 =	rddreg [dreg:$0x5]  }
0x579: {  	v43 =	vor.u32 $0x200, v12;
	s4 =	sor.u32 s16, s18;
	v44 =	vld.idx.msk [tilespmem:v38+s1+$0x0], $0xffff;
	s25 =	sor.u32 $0x6180, s26  }
0x57a: {  	v7 =	vld.idx.msk [tilespmem:v7+s1+$0x0], $0xffff;
	v45 =	vor.u32 $0x200, v11;
	[tilespmem:s4+$0x0] =	vst v39;
	s28 =	sor.u32 s9, s25  }
0x57b: {  	v5 =	vor.u32 $0x380, v5;
	s29 =	sor.u32 $0x6180, s11;
	v20 =	vld.idx.msk [tilespmem:v40+s1+$0x0], $0xffff;
	s0 =	sor.u32 s8, s25;
	[tilespmem:s28+$0x0] =	vst v16  }
0x57c: {  	v46 =	vor.u32 $0x280, v6;
	s30 =	sor.u32 s12, s29;
	[tilespmem:s0+$0x0] =	vst v14;
	v16 =	vld.idx.msk [tilespmem:v41+s1+$0x0], $0xffff  }
0x57d: {  	v47 =	vor.u32 $0x280, v8;
	s31 =	sor.u32 $0x6380, s6;
	[tilespmem:s30+$0x0] =	vst v17;
	s4 =	sor.u32 s13, s29;
	v15 =	vld.idx.msk [tilespmem:v42+s1+$0x0], $0xffff  }
0x57e: {  	v48 =	vor.u32 $0x280, v9;
	s6 =	sor.u32 s17, s31;
	s7 =	sor.u32 $0x6280, s15;
	v13 =	vld.idx.msk [tilespmem:v43+s1+$0x0], $0xffff;
	[tilespmem:s4+$0x0] =	vst v44  }
0x57f: {  	v49 =	vor.u32 $0x280, v12;
	s10 =	sor.u32 s2, s7;
	[tilespmem:s6+$0x0] =	vst v7;
	s17 =	sor.u32 $0x6200, s26;
	v10 =	vld.idx.msk [tilespmem:v45+s1+$0x0], $0xffff  }
0x580: {  	v51 =	vor.u32 $0x280, v11;
	v5 =	vld.idx.msk [tilespmem:v5+s1+$0x0], $0xffff;
	[tilespmem:s10+$0x0] =	vst v20;
	s18 =	sor.u32 s9, s17  }
0x581: {  	v52 =	vor.u32 $0x300, v4;
	s20 =	sor.u32 $0x6200, s11;
	v50 =	vld.idx.msk [tilespmem:v46+s1+$0x0], $0xffff;
	s19 =	sor.u32 s8, s17;
	[tilespmem:s18+$0x0] =	vst v16  }
0x582: {  	v53 =	vor.u32 $0x300, v6;
	s21 =	sor.u32 s12, s20;
	[tilespmem:s19+$0x0] =	vst v15;
	v14 =	vld.idx.msk [tilespmem:v47+s1+$0x0], $0xffff  }
0x583: {  	v54 =	vor.u32 $0x300, v8;
	s22 =	sor.u32 s13, s20;
	[tilespmem:s21+$0x0] =	vst v13;
	v15 =	vld.idx.msk [tilespmem:v48+s1+$0x0], $0xffff  }
0x584: {  	v55 =	vor.u32 $0x300, v9;
	s24 =	sor.u32 s3, s31;
	v7 =	vld.idx.msk [tilespmem:v49+s1+$0x0], $0xffff;
	[tilespmem:s22+$0x0] =	vst v10  }
0x585: {  	v56 =	vor.u32 $0x300, v12;
	s23 =	sor.u32 s16, s7;
	[tilespmem:s24+$0x0] =	vst v5;
	s25 =	sor.u32 $0x6280, s26;
	v57 =	vld.idx.msk [tilespmem:v51+s1+$0x0], $0xffff  }
0x586: {  	v5 =	vor.u32 $0x300, v11;
	v58 =	vld.idx.msk [tilespmem:v52+s1+$0x0], $0xffff;
	s28 =	sor.u32 s9, s25;
	[tilespmem:s23+$0x0] =	vst v50  }
0x587: {  	v4 =	vor.u32 $0x380, v4;
	s29 =	sor.u32 $0x6280, s11;
	s0 =	sor.u32 s8, s25;
	v16 =	vld.idx.msk [tilespmem:v53+s1+$0x0], $0xffff;
	[tilespmem:s28+$0x0] =	vst v14  }
0x588: {  	v59 =	vor.u32 $0x380, v6;
	s30 =	sor.u32 s12, s29;
	[tilespmem:s0+$0x0] =	vst v15;
	v13 =	vld.idx.msk [tilespmem:v54+s1+$0x0], $0xffff  }
0x589: {  	v60 =	vor.u32 $0x380, v8;
	s31 =	sor.u32 $0x6300, s15;
	s3 =	sor.u32 s13, s29;
	[tilespmem:s30+$0x0] =	vst v7;
	v61 =	vld.idx.msk [tilespmem:v55+s1+$0x0], $0xffff  }
0x58a: {  	v62 =	vor.u32 $0x380, v9;
	s4 =	sor.u32 s2, s31;
	v63 =	vld.idx.msk [tilespmem:v56+s1+$0x0], $0xffff;
	[tilespmem:s3+$0x0] =	vst v57  }
0x58b: {  	v12 =	vor.u32 $0x380, v12;
	s5 =	sor.u32 $0x6300, s26;
	[tilespmem:s4+$0x0] =	vst v58;
	s0 =	sor.u32 s16, s31;
	v5 =	vld.idx.msk [tilespmem:v5+s1+$0x0], $0xffff  }
0x58c: {  	v11 =	vor.u32 $0x380, v11;
	s6 =	sor.u32 s9, s5;
	v4 =	vld.idx.msk [tilespmem:v4+s1+$0x0], $0xffff;
	[tilespmem:s0+$0x0] =	vst v16  }
0x58d: {  	s7 =	sor.u32 $0x6300, s11;
	v6 =	vld.idx.msk [tilespmem:v59+s1+$0x0], $0xffff;
	s3 =	sor.u32 s8, s5;
	[tilespmem:s6+$0x0] =	vst v13  }
0x58e: {  	s10 =	sor.u32 s12, s7;
	[tilespmem:s3+$0x0] =	vst v61;
	v7 =	vld.idx.msk [tilespmem:v60+s1+$0x0], $0xffff  }
0x58f: {  	s14 =	smov.u32 s2;
	s15 =	sor.u32 $0x6380, s15;
	s0 =	sor.u32 s13, s7;
	[tilespmem:s10+$0x0] =	vst v63;
	v8 =	vld.idx.msk [tilespmem:v62+s1+$0x0], $0xffff  }
0x590: {  	s17 =	sor.u32 s14, s15;
	[tilespmem:s0+$0x0] =	vst v5;
	v5 =	vld.idx.msk [tilespmem:v12+s1+$0x0], $0xffff  }
0x591: {  	s18 =	sor.u32 s16, s15;
	s19 =	sor.u32 $0x6380, s26;
	[tilespmem:s17+$0x0] =	vst v4;
	v4 =	vld.idx.msk [tilespmem:v11+s1+$0x0], $0xffff  }
0x592: {  	s20 =	sor.u32 s9, s19;
	[tilespmem:s18+$0x0] =	vst v6  }
0x593: {  	s21 =	sor.u32 s8, s19;
	s22 =	sor.u32 $0x6380, s11;
	[tilespmem:s20+$0x0] =	vst v7  }
0x594: {  	s23 =	sor.u32 s12, s22;
	[tilespmem:s21+$0x0] =	vst v8  }
0x595: {  	s24 =	sor.u32 s13, s22;
	[tilespmem:s23+$0x0] =	vst v5  }
0x596: {  	[tilespmem:s24+$0x0] =	vst v4  }
0x597: {  	s25 =	simm.s32 $0x6000;
	s26 =	simm.s32 $0x1;
	s0 =	rddreg [dreg:$0x12]  }
0x598: {  	[hbm4b:s0+s1] =	stream.linear.scatter [tilespmem:s25], [sflag:$0x2], $0x2000, $0x38;
	[tilespmem:$0xC900] =	vst v63  }
0x599: {  	_ =	swait.ge [sflag:s26], $0x2000  }
0x59a: {  	[sflag:s26] =	ssyncset.done $0x0  }
0x59b: {  	s28 =	simm.s32 $0x2;
	[sflag:s26] =	ssyncadd.s32 $0xFFFFE000  }
0x59c: {  	s30 =	simm.s32 $0x80;
	_ =	swait.ge [sflag:s28], $0x2000  }
0x59d: {  	s31 =	simm.s32 $0x400;
	s7 =	simm.s32 $0x3;
	[sflag:s28] =	ssyncset.done $0x0  }
0x59e: {  	s8 =	simm.s32 $0x8000;
	s29 =	rddreg [dreg:$0x14];
	[sflag:s28] =	ssyncadd.s32 $0xFFFFE000  }
0x59f: {  	[spmem:s29] =	stream.strided.scatter [tilespmem:s8], [sflag:$0x3], $0x400, s31, s30, $0x38;
	[tilespmem:$0xC900] =	vst v63  }
0x5a0: {  	_ =	swait.ge [sflag:s7], $0x400  }
.Ltmp11:
0x5a1: {  	[sflag:s7] =	ssyncset.done $0x0;
	(pc) =	sbr.rel @p0 .LBB2_23-.Ltmp11, $4  }
0x5a2: {  	[sflag:s7] =	ssyncadd.s32 $0xFFFFFC00  }
0x5a3: {  	[bflag:$0x0] =	sbarrier.arrive $0xFFFF  }
0x5a4: {  	s17 =	rddreg [dreg:$0xa]  }
0x5a5: {  	s9 =	simm.s32 $0x8400;
	s2 =	sld [smem:$0x7C3]  }
0x5a6: {  	s0 =	simm.s32 $0x0;
	s2 =	rddreg [dreg:$0x8]  }
0x5a7: {  	[tilespmem:s9], [sflag:$0x3] =	stream.linear.gather [hbm4b:s2+s0], $0x2080, $0x38;
	[tilespmem:$0xC900] =	vst v63  }
0x5a8: {  	_ =	swait.ge [sflag:s7], $0x2080  }
0x5a9: {  	[sflag:s7] =	ssyncset.done $0x0;
	s20 =	rddreg [dreg:$0x13]  }
0x5aa: {  	s3 =	simm.s32 $0xA480;
	s21 =	sld [smem:$0x7CE];
	[sflag:s7] =	ssyncadd.s32 $0xFFFFDF80  }
0x5ab: {  	[tilespmem:s3], [sflag:$0x3] =	stream.linear.gather [spmem:s20], $0x80, $0x38;
	[tilespmem:$0xC900] =	vst v63  }
0x5ac: {  	s22 =	simm.s32 $0xA880;
	s23 =	sld [smem:$0x7CF]  }
0x5ad: {  	[tilespmem:s22], [sflag:$0x3] =	stream.linear.gather [spmem:s21], $0x80, $0x38;
	[tilespmem:$0xC900] =	vst v63  }
0x5ae: {  	s24 =	simm.s32 $0xAC80;
	s25 =	sld [smem:$0x7D0]  }
0x5af: {  	[tilespmem:s24], [sflag:$0x3] =	stream.linear.gather [spmem:s23], $0x80, $0x38;
	[tilespmem:$0xC900] =	vst v63  }
0x5b0: {  	s26 =	simm.s32 $0xB080  }
0x5b1: {  	[tilespmem:s26], [sflag:$0x3] =	stream.linear.gather [spmem:s25], $0x80, $0x38;
	[tilespmem:$0xC900] =	vst v63  }
0x5b2: {  	_ =	swait.ge [sflag:s7], $0x200  }
0x5b3: {  	[sflag:s7] =	ssyncset.done $0x0;
	s28 =	rddreg [dreg:$0x15]  }
0x5b4: {  	s29 =	simm.s32 $0xA500;
	s30 =	sld [smem:$0x7D1];
	[sflag:s7] =	ssyncadd.s32 $0xFFFFFE00  }
0x5b5: {  	[tilespmem:s29], [sflag:$0x3] =	stream.linear.gather [spmem:s28], $0x80, $0x38;
	[tilespmem:$0xC900] =	vst v63  }
0x5b6: {  	s31 =	simm.s32 $0xA900;
	s3 =	sld [smem:$0x7D2]  }
0x5b7: {  	[tilespmem:s31], [sflag:$0x3] =	stream.linear.gather [spmem:s30], $0x80, $0x38;
	[tilespmem:$0xC900] =	vst v63  }
0x5b8: {  	s4 =	simm.s32 $0xAD00;
	s5 =	sld [smem:$0x7D3]  }
0x5b9: {  	[tilespmem:s4], [sflag:$0x3] =	stream.linear.gather [spmem:s3], $0x80, $0x38;
	[tilespmem:$0xC900] =	vst v63  }
0x5ba: {  	s6 =	simm.s32 $0xB100  }
0x5bb: {  	[tilespmem:s6], [sflag:$0x3] =	stream.linear.gather [spmem:s5], $0x80, $0x38;
	[tilespmem:$0xC900] =	vst v63  }
0x5bc: {  	_ =	swait.ge [sflag:s7], $0x200  }
0x5bd: {  	[sflag:s7] =	ssyncset.done $0x0;
	s10 =	rddreg [dreg:$0x16]  }
0x5be: {  	s11 =	simm.s32 $0xA580;
	s12 =	sld [smem:$0x7D4];
	[sflag:s7] =	ssyncadd.s32 $0xFFFFFE00  }
0x5bf: {  	[tilespmem:s11], [sflag:$0x3] =	stream.linear.gather [spmem:s10], $0x80, $0x38;
	[tilespmem:$0xC900] =	vst v63  }
0x5c0: {  	s13 =	simm.s32 $0xA980;
	s14 =	sld [smem:$0x7D5]  }
0x5c1: {  	[tilespmem:s13], [sflag:$0x3] =	stream.linear.gather [spmem:s12], $0x80, $0x38;
	[tilespmem:$0xC900] =	vst v63  }
0x5c2: {  	s15 =	simm.s32 $0xAD80;
	s16 =	sld [smem:$0x7D6]  }
0x5c3: {  	[tilespmem:s15], [sflag:$0x3] =	stream.linear.gather [spmem:s14], $0x80, $0x38;
	[tilespmem:$0xC900] =	vst v63  }
0x5c4: {  	s18 =	simm.s32 $0xB180  }
0x5c5: {  	[tilespmem:s18], [sflag:$0x3] =	stream.linear.gather [spmem:s16], $0x80, $0x38;
	[tilespmem:$0xC900] =	vst v63  }
0x5c6: {  	_ =	swait.ge [sflag:s7], $0x200  }
0x5c7: {  	[sflag:s7] =	ssyncset.done $0x0;
	s19 =	rddreg [dreg:$0x1d]  }
0x5c8: {  	s20 =	simm.s32 $0xA600;
	s21 =	sld [smem:$0x7D7];
	[sflag:s7] =	ssyncadd.s32 $0xFFFFFE00  }
0x5c9: {  	[tilespmem:s20], [sflag:$0x3] =	stream.linear.gather [spmem:s19], $0x80, $0x38;
	[tilespmem:$0xC900] =	vst v63  }
0x5ca: {  	s22 =	simm.s32 $0xAA00;
	s23 =	sld [smem:$0x7D8]  }
0x5cb: {  	[tilespmem:s22], [sflag:$0x3] =	stream.linear.gather [spmem:s21], $0x80, $0x38;
	[tilespmem:$0xC900] =	vst v63  }
0x5cc: {  	s24 =	simm.s32 $0xAE00;
	s25 =	sld [smem:$0x7D9]  }
0x5cd: {  	[tilespmem:s24], [sflag:$0x3] =	stream.linear.gather [spmem:s23], $0x80, $0x38;
	[tilespmem:$0xC900] =	vst v63  }
0x5ce: {  	s26 =	simm.s32 $0xB200  }
0x5cf: {  	[tilespmem:s26], [sflag:$0x3] =	stream.linear.gather [spmem:s25], $0x80, $0x38;
	[tilespmem:$0xC900] =	vst v63  }
0x5d0: {  	_ =	swait.ge [sflag:s7], $0x200  }
0x5d1: {  	[sflag:s7] =	ssyncset.done $0x0;
	s28 =	rddreg [dreg:$0x1e]  }
0x5d2: {  	s29 =	simm.s32 $0xA680;
	s30 =	sld [smem:$0x7DA];
	[sflag:s7] =	ssyncadd.s32 $0xFFFFFE00  }
0x5d3: {  	[tilespmem:s29], [sflag:$0x3] =	stream.linear.gather [spmem:s28], $0x80, $0x38;
	[tilespmem:$0xC900] =	vst v63  }
0x5d4: {  	s31 =	simm.s32 $0xAA80;
	s3 =	sld [smem:$0x7DB]  }
0x5d5: {  	[tilespmem:s31], [sflag:$0x3] =	stream.linear.gather [spmem:s30], $0x80, $0x38;
	[tilespmem:$0xC900] =	vst v63  }
0x5d6: {  	s4 =	simm.s32 $0xAE80;
	s5 =	sld [smem:$0x7DC]  }
0x5d7: {  	[tilespmem:s4], [sflag:$0x3] =	stream.linear.gather [spmem:s3], $0x80, $0x38;
	[tilespmem:$0xC900] =	vst v63  }
0x5d8: {  	s6 =	simm.s32 $0xB280  }
0x5d9: {  	[tilespmem:s6], [sflag:$0x3] =	stream.linear.gather [spmem:s5], $0x80, $0x38;
	[tilespmem:$0xC900] =	vst v63  }
0x5da: {  	_ =	swait.ge [sflag:s7], $0x200  }
0x5db: {  	[sflag:s7] =	ssyncset.done $0x0;
	s10 =	rddreg [dreg:$0x1f]  }
0x5dc: {  	s11 =	simm.s32 $0xA700;
	s12 =	sld [smem:$0x7DD];
	[sflag:s7] =	ssyncadd.s32 $0xFFFFFE00  }
0x5dd: {  	[tilespmem:s11], [sflag:$0x3] =	stream.linear.gather [spmem:s10], $0x80, $0x38;
	[tilespmem:$0xC900] =	vst v63  }
0x5de: {  	s13 =	simm.s32 $0xAB00;
	s14 =	sld [smem:$0x7DE]  }
0x5df: {  	[tilespmem:s13], [sflag:$0x3] =	stream.linear.gather [spmem:s12], $0x80, $0x38;
	[tilespmem:$0xC900] =	vst v63  }
0x5e0: {  	s15 =	simm.s32 $0xAF00;
	s16 =	sld [smem:$0x7DF]  }
0x5e1: {  	[tilespmem:s15], [sflag:$0x3] =	stream.linear.gather [spmem:s14], $0x80, $0x38;
	[tilespmem:$0xC900] =	vst v63  }
0x5e2: {  	s18 =	simm.s32 $0xB300  }
0x5e3: {  	[tilespmem:s18], [sflag:$0x3] =	stream.linear.gather [spmem:s16], $0x80, $0x38;
	[tilespmem:$0xC900] =	vst v63  }
0x5e4: {  	_ =	swait.ge [sflag:s7], $0x200  }
0x5e5: {  	s19 =	sld [smem:$0x7C4]  }
0x5e6: {  	[sflag:s7] =	ssyncset.done $0x0  }
0x5e7: {  	s20 =	simm.s32 $0xA780;
	s21 =	sld [smem:$0x7E0];
	[sflag:s7] =	ssyncadd.s32 $0xFFFFFE00  }
0x5e8: {  	[tilespmem:s20], [sflag:$0x3] =	stream.linear.gather [spmem:s19], $0x80, $0x38;
	[tilespmem:$0xC900] =	vst v63  }
0x5e9: {  	s22 =	simm.s32 $0xAB80;
	s23 =	sld [smem:$0x7E1]  }
0x5ea: {  	[tilespmem:s22], [sflag:$0x3] =	stream.linear.gather [spmem:s21], $0x80, $0x38;
	[tilespmem:$0xC900] =	vst v63  }
0x5eb: {  	s24 =	simm.s32 $0xAF80;
	s25 =	sld [smem:$0x7E2]  }
0x5ec: {  	[tilespmem:s24], [sflag:$0x3] =	stream.linear.gather [spmem:s23], $0x80, $0x38;
	[tilespmem:$0xC900] =	vst v63  }
0x5ed: {  	s26 =	simm.s32 $0xB380  }
0x5ee: {  	[tilespmem:s26], [sflag:$0x3] =	stream.linear.gather [spmem:s25], $0x80, $0x38;
	[tilespmem:$0xC900] =	vst v63  }
0x5ef: {  	_ =	swait.ge [sflag:s7], $0x200  }
0x5f0: {  	s28 =	sld [smem:$0x7C5]  }
0x5f1: {  	[sflag:s7] =	ssyncset.done $0x0  }
0x5f2: {  	s29 =	simm.s32 $0xA800;
	s30 =	sld [smem:$0x7E3];
	[sflag:s7] =	ssyncadd.s32 $0xFFFFFE00  }
0x5f3: {  	[tilespmem:s29], [sflag:$0x3] =	stream.linear.gather [spmem:s28], $0x80, $0x38;
	[tilespmem:$0xC900] =	vst v63  }
0x5f4: {  	s31 =	simm.s32 $0xAC00;
	s3 =	sld [smem:$0x7E4]  }
0x5f5: {  	[tilespmem:s31], [sflag:$0x3] =	stream.linear.gather [spmem:s30], $0x80, $0x38;
	[tilespmem:$0xC900] =	vst v63  }
0x5f6: {  	s4 =	simm.s32 $0xB000;
	s5 =	sld [smem:$0x7E5]  }
0x5f7: {  	[tilespmem:s4], [sflag:$0x3] =	stream.linear.gather [spmem:s3], $0x80, $0x38;
	[tilespmem:$0xC900] =	vst v63  }
0x5f8: {  	s6 =	simm.s32 $0xB400  }
0x5f9: {  	[tilespmem:s6], [sflag:$0x3] =	stream.linear.gather [spmem:s5], $0x80, $0x38;
	[tilespmem:$0xC900] =	vst v63  }
0x5fa: {  	_ =	swait.ge [sflag:s7], $0x200  }
0x5fb: {  	s10 =	sld [smem:$0x7C6]  }
0x5fc: {  	[sflag:s7] =	ssyncset.done $0x0  }
0x5fd: {  	s11 =	simm.s32 $0xB480;
	s12 =	sld [smem:$0x7E6];
	[sflag:s7] =	ssyncadd.s32 $0xFFFFFE00  }
0x5fe: {  	[tilespmem:s11], [sflag:$0x3] =	stream.linear.gather [spmem:s10], $0x80, $0x38;
	[tilespmem:$0xC900] =	vst v63  }
0x5ff: {  	s13 =	simm.s32 $0xB880;
	s14 =	sld [smem:$0x7E7]  }
0x600: {  	[tilespmem:s13], [sflag:$0x3] =	stream.linear.gather [spmem:s12], $0x80, $0x38;
	[tilespmem:$0xC900] =	vst v63  }
0x601: {  	s15 =	simm.s32 $0xBC80;
	s16 =	sld [smem:$0x7E8]  }
0x602: {  	[tilespmem:s15], [sflag:$0x3] =	stream.linear.gather [spmem:s14], $0x80, $0x38;
	[tilespmem:$0xC900] =	vst v63  }
0x603: {  	s18 =	simm.s32 $0xC080  }
0x604: {  	[tilespmem:s18], [sflag:$0x3] =	stream.linear.gather [spmem:s16], $0x80, $0x38;
	[tilespmem:$0xC900] =	vst v63  }
0x605: {  	_ =	swait.ge [sflag:s7], $0x200  }
0x606: {  	s19 =	sld [smem:$0x7C7]  }
0x607: {  	[sflag:s7] =	ssyncset.done $0x0  }
0x608: {  	s20 =	simm.s32 $0xB500;
	s21 =	sld [smem:$0x7E9];
	[sflag:s7] =	ssyncadd.s32 $0xFFFFFE00  }
0x609: {  	[tilespmem:s20], [sflag:$0x3] =	stream.linear.gather [spmem:s19], $0x80, $0x38;
	[tilespmem:$0xC900] =	vst v63  }
0x60a: {  	s22 =	simm.s32 $0xB900;
	s23 =	sld [smem:$0x7EA]  }
0x60b: {  	[tilespmem:s22], [sflag:$0x3] =	stream.linear.gather [spmem:s21], $0x80, $0x38;
	[tilespmem:$0xC900] =	vst v63  }
0x60c: {  	s24 =	simm.s32 $0xBD00;
	s25 =	sld [smem:$0x7EB]  }
0x60d: {  	[tilespmem:s24], [sflag:$0x3] =	stream.linear.gather [spmem:s23], $0x80, $0x38;
	[tilespmem:$0xC900] =	vst v63  }
0x60e: {  	s26 =	simm.s32 $0xC100  }
0x60f: {  	[tilespmem:s26], [sflag:$0x3] =	stream.linear.gather [spmem:s25], $0x80, $0x38;
	[tilespmem:$0xC900] =	vst v63  }
0x610: {  	_ =	swait.ge [sflag:s7], $0x200  }
0x611: {  	s28 =	sld [smem:$0x7C8]  }
0x612: {  	[sflag:s7] =	ssyncset.done $0x0  }
0x613: {  	s29 =	simm.s32 $0xB580;
	s30 =	sld [smem:$0x7EC];
	[sflag:s7] =	ssyncadd.s32 $0xFFFFFE00  }
0x614: {  	[tilespmem:s29], [sflag:$0x3] =	stream.linear.gather [spmem:s28], $0x80, $0x38;
	[tilespmem:$0xC900] =	vst v63  }
0x615: {  	s31 =	simm.s32 $0xB980;
	s3 =	sld [smem:$0x7ED]  }
0x616: {  	[tilespmem:s31], [sflag:$0x3] =	stream.linear.gather [spmem:s30], $0x80, $0x38;
	[tilespmem:$0xC900] =	vst v63  }
0x617: {  	s4 =	simm.s32 $0xBD80;
	s5 =	sld [smem:$0x7EE]  }
0x618: {  	[tilespmem:s4], [sflag:$0x3] =	stream.linear.gather [spmem:s3], $0x80, $0x38;
	[tilespmem:$0xC900] =	vst v63  }
0x619: {  	s6 =	simm.s32 $0xC180  }
0x61a: {  	[tilespmem:s6], [sflag:$0x3] =	stream.linear.gather [spmem:s5], $0x80, $0x38;
	[tilespmem:$0xC900] =	vst v63  }
0x61b: {  	_ =	swait.ge [sflag:s7], $0x200  }
0x61c: {  	s10 =	sld [smem:$0x7C9]  }
0x61d: {  	[sflag:s7] =	ssyncset.done $0x0  }
0x61e: {  	s11 =	simm.s32 $0xB600;
	s12 =	sld [smem:$0x7EF];
	[sflag:s7] =	ssyncadd.s32 $0xFFFFFE00  }
0x61f: {  	[tilespmem:s11], [sflag:$0x3] =	stream.linear.gather [spmem:s10], $0x80, $0x38;
	[tilespmem:$0xC900] =	vst v63  }
0x620: {  	s13 =	simm.s32 $0xBA00;
	s14 =	sld [smem:$0x7F0]  }
0x621: {  	[tilespmem:s13], [sflag:$0x3] =	stream.linear.gather [spmem:s12], $0x80, $0x38;
	[tilespmem:$0xC900] =	vst v63  }
0x622: {  	s15 =	simm.s32 $0xBE00;
	s16 =	sld [smem:$0x7F1]  }
0x623: {  	[tilespmem:s15], [sflag:$0x3] =	stream.linear.gather [spmem:s14], $0x80, $0x38;
	[tilespmem:$0xC900] =	vst v63  }
0x624: {  	s18 =	simm.s32 $0xC200  }
0x625: {  	[tilespmem:s18], [sflag:$0x3] =	stream.linear.gather [spmem:s16], $0x80, $0x38;
	[tilespmem:$0xC900] =	vst v63  }
0x626: {  	_ =	swait.ge [sflag:s7], $0x200  }
0x627: {  	s19 =	sld [smem:$0x7CA]  }
0x628: {  	[sflag:s7] =	ssyncset.done $0x0  }
0x629: {  	s20 =	simm.s32 $0xB680;
	s21 =	sld [smem:$0x7F2];
	[sflag:s7] =	ssyncadd.s32 $0xFFFFFE00  }
0x62a: {  	[tilespmem:s20], [sflag:$0x3] =	stream.linear.gather [spmem:s19], $0x80, $0x38;
	[tilespmem:$0xC900] =	vst v63  }
0x62b: {  	s22 =	simm.s32 $0xBA80;
	s23 =	sld [smem:$0x7F3]  }
0x62c: {  	[tilespmem:s22], [sflag:$0x3] =	stream.linear.gather [spmem:s21], $0x80, $0x38;
	[tilespmem:$0xC900] =	vst v63  }
0x62d: {  	s24 =	simm.s32 $0xBE80;
	s25 =	sld [smem:$0x7F4]  }
0x62e: {  	[tilespmem:s24], [sflag:$0x3] =	stream.linear.gather [spmem:s23], $0x80, $0x38;
	[tilespmem:$0xC900] =	vst v63  }
0x62f: {  	s26 =	simm.s32 $0xC280  }
0x630: {  	[tilespmem:s26], [sflag:$0x3] =	stream.linear.gather [spmem:s25], $0x80, $0x38;
	[tilespmem:$0xC900] =	vst v63  }
0x631: {  	_ =	swait.ge [sflag:s7], $0x200  }
0x632: {  	s28 =	sld [smem:$0x7CB]  }
0x633: {  	[sflag:s7] =	ssyncset.done $0x0  }
0x634: {  	s29 =	simm.s32 $0xB700;
	s30 =	sld [smem:$0x7F5];
	[sflag:s7] =	ssyncadd.s32 $0xFFFFFE00  }
0x635: {  	[tilespmem:s29], [sflag:$0x3] =	stream.linear.gather [spmem:s28], $0x80, $0x38;
	[tilespmem:$0xC900] =	vst v63  }
0x636: {  	s31 =	simm.s32 $0xBB00;
	s4 =	sld [smem:$0x7F6]  }
0x637: {  	[tilespmem:s31], [sflag:$0x3] =	stream.linear.gather [spmem:s30], $0x80, $0x38;
	[tilespmem:$0xC900] =	vst v63  }
0x638: {  	s5 =	simm.s32 $0xBF00;
	s6 =	sld [smem:$0x7F7]  }
0x639: {  	[tilespmem:s5], [sflag:$0x3] =	stream.linear.gather [spmem:s4], $0x80, $0x38;
	[tilespmem:$0xC900] =	vst v63  }
0x63a: {  	s10 =	simm.s32 $0xC300  }
0x63b: {  	[tilespmem:s10], [sflag:$0x3] =	stream.linear.gather [spmem:s6], $0x80, $0x38;
	[tilespmem:$0xC900] =	vst v63  }
0x63c: {  	_ =	swait.ge [sflag:s7], $0x200  }
0x63d: {  	s11 =	sld [smem:$0x7CC]  }
0x63e: {  	[sflag:s7] =	ssyncset.done $0x0  }
0x63f: {  	s12 =	simm.s32 $0xB780;
	s13 =	sld [smem:$0x7F8];
	[sflag:s7] =	ssyncadd.s32 $0xFFFFFE00  }
0x640: {  	[tilespmem:s12], [sflag:$0x3] =	stream.linear.gather [spmem:s11], $0x80, $0x38;
	[tilespmem:$0xC900] =	vst v63  }
0x641: {  	s14 =	simm.s32 $0xBB80;
	s15 =	sld [smem:$0x7F9]  }
0x642: {  	[tilespmem:s14], [sflag:$0x3] =	stream.linear.gather [spmem:s13], $0x80, $0x38;
	[tilespmem:$0xC900] =	vst v63  }
0x643: {  	s16 =	simm.s32 $0xBF80;
	s18 =	sld [smem:$0x7FA]  }
0x644: {  	[tilespmem:s16], [sflag:$0x3] =	stream.linear.gather [spmem:s15], $0x80, $0x38;
	[tilespmem:$0xC900] =	vst v63  }
0x645: {  	s19 =	simm.s32 $0xC380  }
0x646: {  	[tilespmem:s19], [sflag:$0x3] =	stream.linear.gather [spmem:s18], $0x80, $0x38;
	[tilespmem:$0xC900] =	vst v63  }
0x647: {  	_ =	swait.ge [sflag:s7], $0x200  }
0x648: {  	s20 =	sld [smem:$0x7CD]  }
0x649: {  	[sflag:s7] =	ssyncset.done $0x0  }
0x64a: {  	s21 =	simm.s32 $0xB800;
	s22 =	sld [smem:$0x7FB];
	[sflag:s7] =	ssyncadd.s32 $0xFFFFFE00  }
0x64b: {  	[tilespmem:s21], [sflag:$0x3] =	stream.linear.gather [spmem:s20], $0x80, $0x38;
	[tilespmem:$0xC900] =	vst v63  }
0x64c: {  	s23 =	simm.s32 $0xBC00;
	s24 =	sld [smem:$0x7FC]  }
0x64d: {  	[tilespmem:s23], [sflag:$0x3] =	stream.linear.gather [spmem:s22], $0x80, $0x38;
	[tilespmem:$0xC900] =	vst v63  }
0x64e: {  	s25 =	simm.s32 $0xC000;
	s26 =	sld [smem:$0x7FD]  }
0x64f: {  	[tilespmem:s25], [sflag:$0x3] =	stream.linear.gather [spmem:s24], $0x80, $0x38;
	[tilespmem:$0xC900] =	vst v63  }
0x650: {  	s28 =	simm.s32 $0xC400  }
0x651: {  	[tilespmem:s28], [sflag:$0x3] =	stream.linear.gather [spmem:s26], $0x80, $0x38;
	[tilespmem:$0xC900] =	vst v63  }
0x652: {  	_ =	swait.ge [sflag:s7], $0x200  }
0x653: {  	s29 =	sand.u32 $0x70, s0;
	s30 =	sand.u32 $0xC00, s0;
	[sflag:s7] =	ssyncset.done $0x0  }
0x654: {  	s4 =	sor.u32 s29, s30;
	[sflag:s7] =	ssyncadd.s32 $0xFFFFFE00  }
0x655: {  	v4 =	vld [tilespmem:s4+$0xA480]  }
0x656: {  	v5 =	vld [tilespmem:s4+$0xA500]  }
0x657: {  	v6 =	vld [tilespmem:s4+$0xA580]  }
0x658: {  	v7 =	vld [tilespmem:s4+$0xA600]  }
0x659: {  	v8 =	vld [tilespmem:s4+$0xA680]  }
0x65a: {  	s0 =	sor.u32 s0, s0;
	v9 =	vld [tilespmem:s4+$0xA700]  }
0x65b: {  	s0 =	sor.u32 $0x380, s0;
	v4 =	vadd.s32 v4, v5;
	v5 =	vld [tilespmem:s4+$0xA780]  }
0x65c: {  	v4 =	vadd.s32 v6, v4;
	v6 =	vld [tilespmem:s0+$0xA480]  }
0x65d: {  	v10 =	vld [tilespmem:s4+$0xB480];
	v4 =	vadd.s32 v7, v4  }
0x65e: {  	v4 =	vadd.s32 v8, v4;
	v8 =	vld [tilespmem:s4+$0xB500]  }
0x65f: {  	v4 =	vadd.s32 v9, v4;
	v9 =	vld [tilespmem:s4+$0xB580]  }
0x660: {  	v11 =	vld [tilespmem:s4+$0xB600];
	v4 =	vadd.s32 v5, v4  }
0x661: {  	v4 =	vadd.s32 v6, v4;
	v6 =	vld [tilespmem:s4+$0xB680]  }
0x662: {  	s2 =	simm.s32 $0x10;
	s3 =	simm.s32 $0x80;
	v7 =	vld [tilespmem:s4+$0xB700];
	v4 =	vadd.s32 v10, v4  }
0x663: {  	s31 =	sand.u32 $0x70, s2;
	s5 =	sand.u32 $0xC00, s3;
	v4 =	vadd.s32 v8, v4;
	v8 =	vld [tilespmem:s4+$0xB780]  }
0x664: {  	s0 =	sor.u32 s31, s5;
	v10 =	vadd.s32 v9, v4;
	v9 =	vld [tilespmem:s4+$0xB800]  }
0x665: {  	v5 =	vld [tilespmem:s0+$0xB480];
	v4 =	vimm.f32 $0.0e+00;
	s4 =	simm.s32 $0x20;
	v10 =	vadd.s32 v11, v10  }
.LBB2_21:
0x666: {  	p1 =	sne.s32 s4, $0x1F0;
	v11 =	vld [tilespmem:s0+$0xA480];
	v6 =	vadd.s32 v6, v10  }
0x667: {  	v10 =	vld [tilespmem:s0+$0xA500];
	v6 =	vadd.s32 v7, v6  }
0x668: {  	v7 =	vld [tilespmem:s0+$0xA580];
	v6 =	vadd.s32 v8, v6  }
0x669: {  	v8 =	vld [tilespmem:s0+$0xA600];
	v6 =	vadd.s32 v9, v6  }
0x66a: {  	v9 =	vld [tilespmem:s0+$0xA680]  }
0x66b: {  	s5 =	sor.u32 s3, s2;
	s2 =	smov.u32 s4;
	v12 =	vld [tilespmem:s0+$0xA700]  }
0x66c: {  	s5 =	sor.u32 $0x380, s5;
	v10 =	vadd.s32 v11, v10;
	v11 =	vld [tilespmem:s0+$0xA780]  }
0x66d: {  	v7 =	vadd.s32 v7, v10;
	v10 =	vld [tilespmem:s5+$0xA480]  }
0x66e: {  	v7 =	vadd.s32 v8, v7;
	v13 =	vld.idx.msk [tilespmem:v6+s9+$0x0], $0xffff  }
0x66f: {  	v6 =	vadd.s32 v9, v7;
	v8 =	vld [tilespmem:s0+$0xB500]  }
0x670: {  	v6 =	vadd.s32 v12, v6;
	v9 =	vld [tilespmem:s0+$0xB580]  }
0x671: {  	v6 =	vadd.s32 v11, v6;
	v11 =	vld [tilespmem:s0+$0xB600]  }
.Ltmp12:
0x672: {  	v7 =	vadd.s32 v10, v6;
	v6 =	vld [tilespmem:s0+$0xB680];
	(pc) =	sbr.rel @p1 .LBB2_21-.Ltmp12, $4  }
0x673: {  	s3 =	sadd.s32 $0x80, s3;
	v5 =	vadd.s32 v5, v7;
	v7 =	vld [tilespmem:s0+$0xB700]  }
0x674: {  	s6 =	sand.u32 $0xC00, s3;
	s5 =	sand.u32 $0x70, s4;
	v4 =	vadd.f32 v13, v4;
	v5 =	vadd.s32 v8, v5;
	v8 =	vld [tilespmem:s0+$0xB780]  }
0x675: {  	v10 =	vadd.s32 v9, v5;
	v9 =	vld [tilespmem:s0+$0xB800];
	s0 =	sor.u32 s5, s6  }
0x676: {  	s4 =	sadd.s32 $0x10, s4;
	v5 =	vld [tilespmem:s0+$0xB480];
	v10 =	vadd.s32 v11, v10  }
.Ltmp13:
0x677: {  	_ = 	snop;
	(pc) =	sbr.rel .LBB2_22-.Ltmp13, $1  }
0x678: {  	_ =	sdelay $0x3  }
.LBB2_24:
0x679: {  	_ =	sfence.sel $0x180000  }
0x67a: {  	[bflag:$0x0] =	sbarrier.arrive $0xFFFF  }
0x67b: {  	_ =	strace $0x90000047  }
0x67c: {  	[bflag:$0x2] =	sbarrier.arrive $0xFFFF  }
0x67d: {  	s0 =	rddreg [dreg:$0x3]  }
0x67e: {  	s0 =	sadd.s32 @!p0 $0x100000, s0  }
0x67f: {  	[sflag:s0] =	ssyncadd.tile.s32 @!p0 $0x1;
	_ =	shalt  }
.Lfunc_end2:
_tile_overlayer_lowered:
.L_overlay_start_2:
0x680: {  	(tag) =	ssettag $0x2  }
0x681: {  	s0 =	rddreg [dreg:$0x0];
	s2 =	stileid.u32  }
0x682: {  	s1 =	rddreg [dreg:$0x1];
	p0 =	sne.s32 s2, $0x0  }
0x683: {  	s3 =	rddreg [dreg:$0x2];
	[bflag:$0x3] =	sbarrier.arrive $0xFFFF;
	s2 =	simm.s32 @!p0 $0x1C03  }
0x684: {  	[timem:s3], [sflag:s2] =	dma.local @!p0 [hbm:s0], s1  }
0x685: {  	s0 =	simm.s32 @!p0 $0x3  }
0x686: {  	_ =	swait.ge @!p0 [sflag:s0], s1  }
0x687: {  	s1 =	ssub.s32 @!p0 $0x0, s1;
	[sflag:s0] =	ssyncset.done @!p0 $0x0  }
0x688: {  	[sflag:s0] =	ssyncadd.s32 @!p0 s1  }
0x689: {  	[bflag:$0x3] =	sbarrier.arrive $0xFFFF  }
0x68a: {  	_ =	shalt  }

</sc_bundles>
